<compile_context>
chip_gen: v7x
topology: tpu7x:2x2x1
jax: 0.10.2.dev20260603
libtpu: 0.0.44.dev20260713+nightly
codegen_flags: <defaults>
</compile_context>

<pallas_src>
import functools

import jax
import jax.numpy as jnp
from jax import lax
from jax.experimental import pallas as pl
from jax.experimental.pallas import tpu as pltpu
from jax.experimental.pallas import tpu_sc as plsc

_N = 10000
_E = 320000
_G = 512
_D = 128

_NC, _NS = 2, 16
_NW = _NC * _NS

_mesh = plsc.VectorSubcoreMesh(core_axis_name="c", subcore_axis_name="s")

_CA = 400
_E2 = _E // 4
_CAH = 400
_NCHH = _E2 // _CAH
_ITA = 7


@functools.partial(
    pl.kernel,
    mesh=_mesh,
    out_type=jax.ShapeDtypeStruct((_N, _D), jnp.float32),
    scratch_types=[
        pltpu.VMEM((_CA,), jnp.int32),
        pltpu.VMEM((_CA, _D), jnp.float32),
        pltpu.SemaphoreType.DMA,
    ],
)
def _sc_gather_ub(u_hbm, batch_hbm, ub_out, bidx, buf, sem):
    wid = lax.axis_index("c") * _NS + lax.axis_index("s")

    @pl.when(wid < _N // _CA)
    def _():
        nb = pl.multiple_of(wid * _CA, 8)
        pltpu.sync_copy(batch_hbm.at[pl.ds(nb, _CA)], bidx)
        pltpu.async_copy(u_hbm.at[bidx], buf, sem).wait()
        pltpu.sync_copy(buf, ub_out.at[pl.ds(nb, _CA)])


@functools.partial(
    pl.kernel,
    mesh=_mesh,
    out_type=[
        jax.ShapeDtypeStruct((_E2, _D), jnp.float32),
        jax.ShapeDtypeStruct((_E2, _D), jnp.float32),
        jax.ShapeDtypeStruct((_E2, _D), jnp.float32),
    ],
    scratch_types=[
        pltpu.VMEM((_CAH,), jnp.int32),
        pltpu.VMEM((_CAH,), jnp.int32),
        pltpu.VMEM((_CAH, _D), jnp.float32),
        pltpu.VMEM((_CAH, _D), jnp.float32),
        pltpu.SemaphoreType.DMA,
        pltpu.SemaphoreType.DMA,
    ],
)
def _sc_gather_edges(x_hbm, ub_hbm, row_hbm, col_hbm,
                     xr_out, xc_out, ue_out,
                     ridx, cidx, buf_a, buf_b, sem1, sem2):
    wid = lax.axis_index("c") * _NS + lax.axis_index("s")

    def chunk(i, carry):
        cid = wid + _NW * i

        @pl.when(cid < _NCHH)
        def _():
            b = pl.multiple_of(cid * _CAH, 8)
            pltpu.sync_copy(row_hbm.at[pl.ds(b, _CAH)], ridx)
            pltpu.sync_copy(col_hbm.at[pl.ds(b, _CAH)], cidx)
            cp_a = pltpu.async_copy(x_hbm.at[ridx], buf_a, sem1)
            cp_b = pltpu.async_copy(x_hbm.at[cidx], buf_b, sem2)
            cp_a.wait()
            cp_b.wait()
            pltpu.sync_copy(buf_a, xr_out.at[pl.ds(b, _CAH)])
            pltpu.sync_copy(buf_b, xc_out.at[pl.ds(b, _CAH)])
            pltpu.async_copy(ub_hbm.at[ridx], buf_a, sem1).wait()
            pltpu.sync_copy(buf_a, ue_out.at[pl.ds(b, _CAH)])
        return carry

    lax.fori_loop(0, _ITA, chunk, 0)


_TB = 3200


def _leaky(h):
    return jnp.where(h >= 0, h, 0.01 * h)


def _edge_body(xr, xc, ea, ue, w1a, w1b, w1c, b1, w2, b2,
               we1, be1, we2, be2, en_out, eo_out):
    bf = jnp.bfloat16
    s = (xr[...] + xc[...]).astype(bf)
    h = jnp.dot(s, w1a[...], preferred_element_type=jnp.float32)
    h = h + jnp.dot(ea[...].astype(bf), w1b[...], preferred_element_type=jnp.float32)
    h = h + jnp.dot(ue[...].astype(bf), w1c[...], preferred_element_type=jnp.float32)
    h = _leaky(h + b1[...]).astype(bf)
    en = _leaky(jnp.dot(h, w2[...], preferred_element_type=jnp.float32) + b2[...])
    en_out[...] = en
    h2 = _leaky(jnp.dot(en.astype(bf), we1[...], preferred_element_type=jnp.float32) + be1[...]).astype(bf)
    eo_out[...] = ea[...] + jnp.dot(h2, we2[...], preferred_element_type=jnp.float32) + be2[...]


def _tc_edge(xr, xc, ea, ue, wp, ep):
    w1, b1, w2, b2 = wp
    we1, be1, we2, be2 = ep
    full = lambda shape: pl.BlockSpec(shape, lambda i: (0, 0))
    return pl.pallas_call(
        _edge_body,
        grid=(_E2 // _TB,),
        in_specs=[
            pl.BlockSpec((_TB, _D), lambda i: (i, 0)),
            pl.BlockSpec((_TB, _D), lambda i: (i, 0)),
            pl.BlockSpec((_TB, _D), lambda i: (i, 0)),
            pl.BlockSpec((_TB, _D), lambda i: (i, 0)),
            full((_D, 768)), full((_D, 768)), full((_D, 768)), full((1, 768)),
            full((768, _D)), full((1, _D)),
            full((_D, 256)), full((1, 256)), full((256, _D)), full((1, _D)),
        ],
        out_specs=[
            pl.BlockSpec((_TB, _D), lambda i: (i, 0)),
            pl.BlockSpec((_TB, _D), lambda i: (i, 0)),
        ],
        out_shape=[
            jax.ShapeDtypeStruct((_E2, _D), jnp.float32),
            jax.ShapeDtypeStruct((_E2, _D), jnp.float32),
        ],
        compiler_params=pltpu.CompilerParams(
            dimension_semantics=("arbitrary",)),
    )(xr, xc, ea, ue,
      w1[0:_D].astype(jnp.bfloat16), w1[_D:2 * _D].astype(jnp.bfloat16),
      w1[2 * _D:3 * _D].astype(jnp.bfloat16), b1.reshape(1, 768),
      w2.astype(jnp.bfloat16), b2.reshape(1, _D),
      we1.astype(jnp.bfloat16), be1.reshape(1, 256),
      we2.astype(jnp.bfloat16), be2.reshape(1, _D))


_CC = 128
_NR = _N // _NC
_SHN = 5120
_ZR = _SHN // _NS
_FP = 40
_NP = _ZR // _FP
_NCHC = _E2 // _CC
_ITC = 40


@functools.partial(
    pl.kernel,
    mesh=_mesh,
    out_type=[
        jax.ShapeDtypeStruct((_N, _D), jnp.float32),
        jax.ShapeDtypeStruct((_N, _D), jnp.float32),
    ],
    scratch_types=[
        pltpu.VMEM((_CC,), jnp.int32),
        pltpu.VMEM((_CC,), jnp.int32),
        pltpu.VMEM((_CC, _D), jnp.float32),
        pltpu.VMEM((_CC, _D), jnp.float32),
        pltpu.VMEM((_FP, _D), jnp.float32),
        pltpu.VMEM_SHARED((_SHN, _D), jnp.float32),
        pltpu.VMEM_SHARED((_SHN, _D), jnp.float32),
    ],
)
def _sc_scatter_e(enew_hbm, row_hbm, zrow_hbm, ones_hbm,
                  nsum_out, ncnt_out,
                  ridx, lidx, vals, ones_v, fbuf, ssum, scnt):
    c = lax.axis_index("c")
    t = lax.axis_index("s")
    nbase = c * _NR
    sb = pl.multiple_of(t * _ZR, 8)
    pltpu.sync_copy(zrow_hbm, ssum.at[pl.ds(sb, _ZR)])
    pltpu.sync_copy(zrow_hbm, scnt.at[pl.ds(sb, _ZR)])
    pltpu.sync_copy(ones_hbm, ones_v)
    plsc.subcore_barrier()

    def chunk(i, carry):
        cid = t + _NS * i

        @pl.when(cid < _NCHC)
        def _():
            b = pl.multiple_of(cid * _CC, 8)
            pltpu.sync_copy(row_hbm.at[pl.ds(b, _CC)], ridx)

            def ixl(j, c2):
                v = ridx[pl.ds(j * 16, 16)] - nbase
                ok = (v >= 0) & (v < _NR)
                lidx[pl.ds(j * 16, 16)] = jnp.where(ok, v, _NR)
                return c2
            lax.fori_loop(0, _CC // 16, ixl, 0)
            pltpu.sync_copy(enew_hbm.at[pl.ds(b, _CC)], vals)
            pltpu.sync_copy(vals, ssum.at[lidx], add=True)
            pltpu.sync_copy(ones_v, scnt.at[lidx], add=True)
        return carry

    lax.fori_loop(0, _ITC, chunk, 0)
    plsc.subcore_barrier()

    def piece(p, carry):
        @pl.when((t < _NS - 1) | (p < (_NR - (_NS - 1) * _ZR) // _FP))
        def _():
            lb = pl.multiple_of(sb + p * _FP, 8)
            gb = pl.multiple_of(nbase + sb + p * _FP, 8)
            pltpu.sync_copy(ssum.at[pl.ds(lb, _FP)], fbuf)
            pltpu.sync_copy(fbuf, nsum_out.at[pl.ds(gb, _FP)])
            pltpu.sync_copy(scnt.at[pl.ds(lb, _FP)], fbuf)
            pltpu.sync_copy(fbuf, ncnt_out.at[pl.ds(gb, _FP)])
        return carry
    lax.fori_loop(0, _NP, piece, 0)


_NB = 400


def _node_body(x, s0, s1, s2, s3, c0, c1, c2, c3, ub,
               w1a, w1b, w1c, b1, w2, b2,
               wv1, bv1, wv2, bv2, xn_out, xo_out, ns_out, nc_out):
    nsum = s0[...] + s1[...] + s2[...] + s3[...]
    ncnt = c0[...] + c1[...] + c2[...] + c3[...]
    ns_out[...] = nsum
    nc_out[...] = ncnt
    agg = nsum / jnp.maximum(ncnt, 1.0)
    h = jnp.dot(x[...], w1a[...], preferred_element_type=jnp.float32)
    h = h + jnp.dot(agg, w1b[...], preferred_element_type=jnp.float32)
    h = h + jnp.dot(ub[...], w1c[...], preferred_element_type=jnp.float32)
    h = _leaky(h + b1[...])
    xn = _leaky(jnp.dot(h, w2[...], preferred_element_type=jnp.float32) + b2[...])
    xn_out[...] = xn
    h2 = _leaky(jnp.dot(xn, wv1[...], preferred_element_type=jnp.float32) + bv1[...])
    xo_out[...] = x[...] + jnp.dot(h2, wv2[...], preferred_element_type=jnp.float32) + bv2[...]


def _tc_node(x, ss, cc, ub, wp, vp):
    w1, b1, w2, b2 = wp
    wv1, bv1, wv2, bv2 = vp
    full = lambda shape: pl.BlockSpec(shape, lambda i: (0, 0))
    return pl.pallas_call(
        _node_body,
        grid=(_N // _NB,),
        in_specs=[
            pl.BlockSpec((_NB, _D), lambda i: (i, 0)),
            pl.BlockSpec((_NB, _D), lambda i: (i, 0)),
            pl.BlockSpec((_NB, _D), lambda i: (i, 0)),
            pl.BlockSpec((_NB, _D), lambda i: (i, 0)),
            pl.BlockSpec((_NB, _D), lambda i: (i, 0)),
            pl.BlockSpec((_NB, _D), lambda i: (i, 0)),
            pl.BlockSpec((_NB, _D), lambda i: (i, 0)),
            pl.BlockSpec((_NB, _D), lambda i: (i, 0)),
            pl.BlockSpec((_NB, _D), lambda i: (i, 0)),
            pl.BlockSpec((_NB, _D), lambda i: (i, 0)),
            full((_D, 768)), full((_D, 768)), full((_D, 768)), full((1, 768)),
            full((768, _D)), full((1, _D)),
            full((_D, 256)), full((1, 256)), full((256, _D)), full((1, _D)),
        ],
        out_specs=[
            pl.BlockSpec((_NB, _D), lambda i: (i, 0)),
            pl.BlockSpec((_NB, _D), lambda i: (i, 0)),
            pl.BlockSpec((_NB, _D), lambda i: (i, 0)),
            pl.BlockSpec((_NB, _D), lambda i: (i, 0)),
        ],
        out_shape=[
            jax.ShapeDtypeStruct((_N, _D), jnp.float32),
            jax.ShapeDtypeStruct((_N, _D), jnp.float32),
            jax.ShapeDtypeStruct((_N, _D), jnp.float32),
            jax.ShapeDtypeStruct((_N, _D), jnp.float32),
        ],
        compiler_params=pltpu.CompilerParams(
            dimension_semantics=("arbitrary",)),
    )(x, ss[0], ss[1], ss[2], ss[3], cc[0], cc[1], cc[2], cc[3], ub,
      w1[0:_D], w1[_D:2 * _D], w1[2 * _D:3 * _D], b1.reshape(1, 768),
      w2, b2.reshape(1, _D),
      wv1, bv1.reshape(1, 256), wv2, bv2.reshape(1, _D))


_CE = 80
_GR = _G // _NC
_SHG = 512
_NCHE = _N // _CE
_ITE = 8
_GZ = _SHG // _NS


@functools.partial(
    pl.kernel,
    mesh=_mesh,
    out_type=[
        jax.ShapeDtypeStruct((_G, _D), jnp.float32),
        jax.ShapeDtypeStruct((_G, _D), jnp.float32),
    ],
    scratch_types=[
        pltpu.VMEM((_CE,), jnp.int32),
        pltpu.VMEM((_CE,), jnp.int32),
        pltpu.VMEM((_CE, _D), jnp.float32),
        pltpu.VMEM((_CE, _D), jnp.float32),
        pltpu.VMEM((_CE, _D), jnp.float32),
        pltpu.VMEM((_CE, _D), jnp.float32),
        pltpu.VMEM((_GZ, _D), jnp.float32),
        pltpu.VMEM((_GZ, _D), jnp.float32),
        pltpu.VMEM_SHARED((_SHG, _D), jnp.float32),
        pltpu.VMEM_SHARED((_SHG, _D), jnp.float32),
        pltpu.VMEM_SHARED((_SHG, _D), jnp.float32),
        pltpu.VMEM_SHARED((_SHG, _D), jnp.float32),
    ],
)
def _sc_scatter_g(xnew_hbm, nsum_hbm, ncnt_hbm, batch_hbm,
                  zrow_hbm, ones_hbm,
                  gx_out, ge_out,
                  bidx, lidx, xv, sv, cv, ones_v, gbuf, cbuf,
                  sgx, sge, sgxc, sgec):
    c = lax.axis_index("c")
    t = lax.axis_index("s")
    gbase = c * _GR
    zb = pl.multiple_of(t * _GZ, 8)
    pltpu.sync_copy(zrow_hbm, sgx.at[pl.ds(zb, _GZ)])
    pltpu.sync_copy(zrow_hbm, sge.at[pl.ds(zb, _GZ)])
    pltpu.sync_copy(zrow_hbm, sgxc.at[pl.ds(zb, _GZ)])
    pltpu.sync_copy(zrow_hbm, sgec.at[pl.ds(zb, _GZ)])
    pltpu.sync_copy(ones_hbm, ones_v)
    plsc.subcore_barrier()

    def chunk(i, carry):
        cid = t + _NS * i

        @pl.when(cid < _NCHE)
        def _():
            b = pl.multiple_of(cid * _CE, 8)
            pltpu.sync_copy(batch_hbm.at[pl.ds(b, _CE)], bidx)

            def ixl(j, c2):
                v = bidx[pl.ds(j * 16, 16)] - gbase
                ok = (v >= 0) & (v < _GR)
                lidx[pl.ds(j * 16, 16)] = jnp.where(ok, v, _GR)
                return c2
            lax.fori_loop(0, _CE // 16, ixl, 0)
            pltpu.sync_copy(xnew_hbm.at[pl.ds(b, _CE)], xv)
            pltpu.sync_copy(nsum_hbm.at[pl.ds(b, _CE)], sv)
            pltpu.sync_copy(ncnt_hbm.at[pl.ds(b, _CE)], cv)
            pltpu.sync_copy(xv, sgx.at[lidx], add=True)
            pltpu.sync_copy(sv, sge.at[lidx], add=True)
            pltpu.sync_copy(ones_v, sgxc.at[lidx], add=True)
            pltpu.sync_copy(cv, sgec.at[lidx], add=True)
        return carry

    lax.fori_loop(0, _ITE, chunk, 0)
    plsc.subcore_barrier()

    @pl.when(t < _GR // _GZ)
    def _():
        gb = pl.multiple_of(gbase + t * _GZ, 8)

        def final(src, cnts, out):
            pltpu.sync_copy(src.at[pl.ds(zb, _GZ)], gbuf)
            pltpu.sync_copy(cnts.at[pl.ds(zb, _GZ)], cbuf)

            def divloop(r, carry):
                inv = 1.0 / jnp.maximum(cbuf[r, pl.ds(0, 16)], 1.0)

                def dj(j, c2):
                    gbuf[r, pl.ds(j * 16, 16)] = gbuf[r, pl.ds(j * 16, 16)] * inv
                    return c2
                lax.fori_loop(0, _D // 16, dj, 0)
                return carry
            lax.fori_loop(0, _GZ, divloop, 0)
            pltpu.sync_copy(gbuf, out.at[pl.ds(gb, _GZ)])

        final(sgx, sgxc, gx_out)
        final(sge, sgec, ge_out)


def _glob_body(u, gx, ge, w1a, w1b, w1c, b1, w2, b2,
               wu1, bu1, wu2, bu2, uo_out):
    h = jnp.dot(u[...], w1a[...], preferred_element_type=jnp.float32)
    h = h + jnp.dot(gx[...], w1b[...], preferred_element_type=jnp.float32)
    h = h + jnp.dot(ge[...], w1c[...], preferred_element_type=jnp.float32)
    h = _leaky(h + b1[...])
    un = _leaky(jnp.dot(h, w2[...], preferred_element_type=jnp.float32) + b2[...])
    h2 = _leaky(jnp.dot(un, wu1[...], preferred_element_type=jnp.float32) + bu1[...])
    uo_out[...] = u[...] + jnp.dot(h2, wu2[...], preferred_element_type=jnp.float32) + bu2[...]


def _tc_glob(u, gx, ge, wp, up):
    w1, b1, w2, b2 = wp
    wu1, bu1, wu2, bu2 = up
    return pl.pallas_call(
        _glob_body,
        out_shape=jax.ShapeDtypeStruct((_G, _D), jnp.float32),
    )(u, gx, ge,
      w1[0:_D], w1[_D:2 * _D], w1[2 * _D:3 * _D], b1.reshape(1, 768),
      w2, b2.reshape(1, _D),
      wu1, bu1.reshape(1, 256), wu2, bu2.reshape(1, _D))


def kernel(x, edge_index, edge_attr, u, batch, params):
    row = edge_index[0].astype(jnp.int32)
    col = edge_index[1].astype(jnp.int32)
    batch32 = batch.astype(jnp.int32)

    ub = _sc_gather_ub(u, batch32)
    zrow = jnp.zeros((_ZR, _D), jnp.float32)
    ones_c = jnp.ones((_CC, _D), jnp.float32)
    e_out = []
    ss = []
    cc = []
    for seg in range(4):
        r_h = lax.slice(row, (seg * _E2,), ((seg + 1) * _E2,))
        c_h = lax.slice(col, (seg * _E2,), ((seg + 1) * _E2,))
        ea_h = lax.slice(edge_attr, (seg * _E2, 0), ((seg + 1) * _E2, _D))
        xr, xc, ue = _sc_gather_edges(x, ub, r_h, c_h)
        e_new, eo = _tc_edge(xr, xc, ea_h, ue, params['edge'], params['e'])
        e_out.append(eo)
        s_p, c_p = _sc_scatter_e(e_new, r_h, zrow, ones_c)
        ss.append(s_p)
        cc.append(c_p)

    x_new, x_out, nsum, ncnt = _tc_node(x, ss, cc, ub,
                                        params['node'], params['v'])

    zrow_g = jnp.zeros((_GZ, _D), jnp.float32)
    ones_e = jnp.ones((_CE, _D), jnp.float32)
    gx, ge = _sc_scatter_g(x_new, nsum, ncnt, batch32, zrow_g, ones_e)

    u_out = _tc_glob(u, gx, ge, params['glob'], params['u'])
    return (x_out, jnp.concatenate(e_out, axis=0), u_out)

# --- scband reference (transcript-rebuilt; emitter-appended) ---
"""Pipeline reference for scband-gnn-mata-layer-49478023250701 (READ-ONLY COPY).

The authoritative reference and input builder live on the scoring server;
editing this copy changes nothing except your own understanding.
"""

import jax, jax.numpy as jnp
import numpy as np

N = 10000   # nodes
E = 320000  # edges
G = 512     # graphs in batch
D = 128     # dim
F = 2       # factor


def _mlp2(x, W1, b1, W2, b2, final_act):
    h = jax.nn.leaky_relu(x @ W1 + b1, negative_slope=0.01)
    h = h @ W2 + b2
    if final_act:
        h = jax.nn.leaky_relu(h, negative_slope=0.01)
    return h


def _scatter_mean(vals, idx, num):
    s = jax.ops.segment_sum(vals, idx, num_segments=num)
    c = jax.ops.segment_sum(jnp.ones((vals.shape[0], 1), vals.dtype), idx, num_segments=num)
    return s / jnp.maximum(c, 1.0)


def setup_inputs(seed: int = 0) -> dict:
    key = jax.random.key(seed)
    ks = jax.random.split(key, 24)
    x = jax.random.normal(ks[0], (N, D), dtype=jnp.float32)
    edge_index = jax.random.randint(ks[1], (2, E), 0, N, dtype=jnp.int64)
    edge_attr = jax.random.normal(ks[2], (E, D), dtype=jnp.float32)
    u = jax.random.normal(ks[3], (G, D), dtype=jnp.float32)
    batch = jnp.sort(jax.random.randint(ks[4], (N,), 0, G, dtype=jnp.int64))

    def lin(k, fan_in, fan_out):
        bound = 1.0 / np.sqrt(fan_in)
        k1, k2 = jax.random.split(k)
        W = jax.random.uniform(k1, (fan_in, fan_out), minval=-bound, maxval=bound, dtype=jnp.float32)
        b = jax.random.uniform(k2, (fan_out,), minval=-bound, maxval=bound, dtype=jnp.float32)
        return W, b

    params = {}
    # EdgeModel / NodeModel / GlobalModel MLPs: Linear(3D, 3D*F), LeakyReLU, Linear(3D*F, D), LeakyReLU  (BatchNorm=False)
    for i, name in enumerate(['edge', 'node', 'glob']):
        W1, b1 = lin(ks[5 + 2 * i], 3 * D, 3 * D * F)
        W2, b2 = lin(ks[6 + 2 * i], 3 * D * F, D)
        params[name] = (W1, b1, W2, b2)
    # v/e/u update MLPs: Linear(D, D*F), LeakyReLU, Linear(D*F, D)
    for i, name in enumerate(['v', 'e', 'u']):
        W1, b1 = lin(ks[11 + 2 * i], D, D * F)
        W2, b2 = lin(ks[12 + 2 * i], D * F, D)
        params[name] = (W1, b1, W2, b2)
    return {"x": x, "edge_index": edge_index, "edge_attr": edge_attr, "u": u, "batch": batch, "params": params}


def reference(x, edge_index, edge_attr, u, batch, params):
    # Faithful translation of MetaLayer_block.forward (useMax=False, BatchNorm=False):
    # MetaLayer applies EdgeModel, then NodeModel (with updated edge_attr), then GlobalModel.
    row = edge_index[0]
    col = edge_index[1]
    eb = batch[row]  # graph id per edge

    # EdgeModel: cat([src + dest, edge_attr, u[batch_edges]]) -> mlp
    e_in = jnp.concatenate([x[row] + x[col], edge_attr, u[eb]], axis=1)
    e_new = _mlp2(e_in, *params['edge'], True)

    # NodeModel: scatter_mean(edge_attr_new, edge_index[0], dim_size=N); cat([x, agg, u[batch]]) -> mlp
    agg = _scatter_mean(e_new, row, x.shape[0])
    n_in = jnp.concatenate([x, agg, u[batch]], axis=1)
    x_new = _mlp2(n_in, *params['node'], True)

    # GlobalModel: cat([u, scatter_mean(x_new, batch), scatter_mean(e_new, batch[row])]) -> mlp
    g_in = jnp.concatenate([u, _scatter_mean(x_new, batch, u.shape[0]), _scatter_mean(e_new, eb, u.shape[0])], axis=1)
    u_new = _mlp2(g_in, *params['glob'], True)

    # v/e/u update MLPs + residual
    x_new = _mlp2(x_new, *params['v'], False)
    e_new = _mlp2(e_new, *params['e'], False)
    u_new = _mlp2(u_new, *params['u'], False)
    return (x + x_new, edge_attr + e_new, u + u_new)

if __name__ == "__main__":
    import jax
    _d = setup_inputs()
    print(jax.jit(kernel)(*tuple(_d.values())))

</pallas_src>

<mosaic_0001>
#map = affine_map<(d0, d1) -> (0, 0)>
#map1 = affine_map<(d0, d1) -> (0)>
module attributes {stable_mosaic.version = 14 : i64} {
  func.func @_sc_gather_edges(%arg0: i32, %arg1: i32, %arg2: memref<10000x128xf32, #tpu.memory_space<hbm>>, %arg3: memref<10000x128xf32, #tpu.memory_space<hbm>>, %arg4: memref<80000xi32, #tpu.memory_space<hbm>>, %arg5: memref<80000xi32, #tpu.memory_space<hbm>>, %arg6: memref<80000x128xf32, #tpu.memory_space<hbm>>, %arg7: memref<80000x128xf32, #tpu.memory_space<hbm>>, %arg8: memref<80000x128xf32, #tpu.memory_space<hbm>>, %arg9: memref<400xi32, #tpu.memory_space<vmem>>, %arg10: memref<400xi32, #tpu.memory_space<vmem>>, %arg11: memref<400x128xf32, #tpu.memory_space<vmem>>, %arg12: memref<400x128xf32, #tpu.memory_space<vmem>>, %arg13: memref<!tpu.dma_semaphore, #tpu.memory_space<semaphore_mem>>, %arg14: memref<!tpu.dma_semaphore, #tpu.memory_space<semaphore_mem>>) attributes {dimension_semantics = [#tpu.dimension_semantics<core_parallel>, #tpu.dimension_semantics<subcore_parallel>], iteration_bounds = array<i64: 2, 16>, scalar_prefetch = 0 : i64, scratch_operands = 6 : i64, tpu.core_type = #tpu.core_type<sc_vector_subcore>, window_params = [{transform_indices = #map}, {transform_indices = #map}, {transform_indices = #map1}, {transform_indices = #map1}, {transform_indices = #map}, {transform_indices = #map}, {transform_indices = #map}]} {
    %mul3A = arith.constant 16 : i32
    %mul3A_0 = arith.muli %arg0, %mul3A : i32
    %add3A = arith.addi %mul3A_0, %arg1 : i32
    %scan3A = arith.constant 0 : i32
    %scan3A_1 = arith.constant 0 : i32
    %scan3A_2 = arith.constant 7 : i32
    %scan3A_3 = arith.addi %scan3A_1, %scan3A_2 : i32
    %scan3A_4 = arith.constant 1 : i32
    scf.for %scan3A_6 = %scan3A_1 to %scan3A_3 step %scan3A_4  : i32 {
      %mul3A_7 = arith.constant 32 : i32
      %mul3A_8 = arith.muli %mul3A_7, %scan3A_6 : i32
      %add3A_9 = arith.addi %add3A, %mul3A_8 : i32
      %lt3A = arith.constant 200 : i32
      %lt3A_10 = arith.cmpi slt, %add3A_9, %lt3A : i32
      %convert_element_type3A = arith.extui %lt3A_10 : i1 to i32
      %cond3A = arith.constant 0 : i32
      %cond3A_11 = arith.cmpi ne, %convert_element_type3A, %cond3A : i32
      scf.if %cond3A_11 {
        %mul3A_12 = arith.constant 400 : i32
        %mul3A_13 = arith.muli %add3A_9, %mul3A_12 : i32
        %multiple_of3A = tpu.assume_multiple %mul3A_13, 8 : i32
        "tpu.region"() ({
          %run_scoped3A = tpu.sem_alloc : memref<!tpu.dma_semaphore, #tpu.memory_space<semaphore_mem>>
          %dma_start3A_30 = tpu.memref_slice %arg4[%multiple_of3A] : memref<80000xi32, #tpu.memory_space<hbm>> -> memref<400xi32, #tpu.memory_space<hbm>>
          %dma_start3A_31 = tpu.memref_slice %arg4[%multiple_of3A] : memref<80000xi32, #tpu.memory_space<hbm>> -> memref<400xi32, #tpu.memory_space<hbm>>
          tpu.enqueue_dma source(%dma_start3A_31 : memref<400xi32, #tpu.memory_space<hbm>>) target(%arg9 : memref<400xi32, #tpu.memory_space<vmem>>) target_semaphore(%run_scoped3A : memref<!tpu.dma_semaphore, #tpu.memory_space<semaphore_mem>>)
          %dma_wait3A_32 = tpu.memref_slice %arg4[%multiple_of3A] : memref<80000xi32, #tpu.memory_space<hbm>> -> memref<400xi32, #tpu.memory_space<hbm>>
          %dma_wait3A_33 = tpu.memref_slice %arg4[%multiple_of3A] : memref<80000xi32, #tpu.memory_space<hbm>> -> memref<400xi32, #tpu.memory_space<hbm>>
          tpu.wait_dma2 semaphore(%run_scoped3A : memref<!tpu.dma_semaphore, #tpu.memory_space<semaphore_mem>>) src(%dma_wait3A_33 : memref<400xi32, #tpu.memory_space<hbm>>) dst(%arg9 : memref<400xi32, #tpu.memory_space<vmem>>)
          tpu.yield
        }) : () -> ()
        "tpu.region"() ({
          %run_scoped3A = tpu.sem_alloc : memref<!tpu.dma_semaphore, #tpu.memory_space<semaphore_mem>>
          %dma_start3A_30 = tpu.memref_slice %arg5[%multiple_of3A] : memref<80000xi32, #tpu.memory_space<hbm>> -> memref<400xi32, #tpu.memory_space<hbm>>
          %dma_start3A_31 = tpu.memref_slice %arg5[%multiple_of3A] : memref<80000xi32, #tpu.memory_space<hbm>> -> memref<400xi32, #tpu.memory_space<hbm>>
          tpu.enqueue_dma source(%dma_start3A_31 : memref<400xi32, #tpu.memory_space<hbm>>) target(%arg10 : memref<400xi32, #tpu.memory_space<vmem>>) target_semaphore(%run_scoped3A : memref<!tpu.dma_semaphore, #tpu.memory_space<semaphore_mem>>)
          %dma_wait3A_32 = tpu.memref_slice %arg5[%multiple_of3A] : memref<80000xi32, #tpu.memory_space<hbm>> -> memref<400xi32, #tpu.memory_space<hbm>>
          %dma_wait3A_33 = tpu.memref_slice %arg5[%multiple_of3A] : memref<80000xi32, #tpu.memory_space<hbm>> -> memref<400xi32, #tpu.memory_space<hbm>>
          tpu.wait_dma2 semaphore(%run_scoped3A : memref<!tpu.dma_semaphore, #tpu.memory_space<semaphore_mem>>) src(%dma_wait3A_33 : memref<400xi32, #tpu.memory_space<hbm>>) dst(%arg10 : memref<400xi32, #tpu.memory_space<vmem>>)
          tpu.yield
        }) : () -> ()
        %dma_start3A = arith.constant 0 : i32
        %dma_start3A_14 = arith.constant 0 : i32
        %dma_start3A_15 = tpu.memref_slice %arg2[%dma_start3A, %dma_start3A_14] : memref<10000x128xf32, #tpu.memory_space<hbm>> -> memref<10000x128xf32, #tpu.memory_space<hbm>>
        tpu.enqueue_indirect_dma source(%dma_start3A_15 : memref<10000x128xf32, #tpu.memory_space<hbm>>) target(%arg11 : memref<400x128xf32, #tpu.memory_space<vmem>>) offsets(%arg9 : memref<400xi32, #tpu.memory_space<vmem>>) semaphore(%arg13 : memref<!tpu.dma_semaphore, #tpu.memory_space<semaphore_mem>>)
        %dma_start3A_16 = arith.constant 0 : i32
        %dma_start3A_17 = arith.constant 0 : i32
        %dma_start3A_18 = tpu.memref_slice %arg2[%dma_start3A_16, %dma_start3A_17] : memref<10000x128xf32, #tpu.memory_space<hbm>> -> memref<10000x128xf32, #tpu.memory_space<hbm>>
        tpu.enqueue_indirect_dma source(%dma_start3A_18 : memref<10000x128xf32, #tpu.memory_space<hbm>>) target(%arg12 : memref<400x128xf32, #tpu.memory_space<vmem>>) offsets(%arg10 : memref<400xi32, #tpu.memory_space<vmem>>) semaphore(%arg14 : memref<!tpu.dma_semaphore, #tpu.memory_space<semaphore_mem>>)
        %dma_wait3A = arith.constant 0 : i32
        %dma_wait3A_19 = arith.constant 0 : i32
        %dma_wait3A_20 = tpu.memref_slice %arg2[%dma_wait3A, %dma_wait3A_19] : memref<10000x128xf32, #tpu.memory_space<hbm>> -> memref<10000x128xf32, #tpu.memory_space<hbm>>
        tpu.wait_indirect_dma semaphore(%arg13 : memref<!tpu.dma_semaphore, #tpu.memory_space<semaphore_mem>>) src(%dma_wait3A_20 : memref<10000x128xf32, #tpu.memory_space<hbm>>) dst(%arg11 : memref<400x128xf32, #tpu.memory_space<vmem>>)
        %dma_wait3A_21 = arith.constant 0 : i32
        %dma_wait3A_22 = arith.constant 0 : i32
        %dma_wait3A_23 = tpu.memref_slice %arg2[%dma_wait3A_21, %dma_wait3A_22] : memref<10000x128xf32, #tpu.memory_space<hbm>> -> memref<10000x128xf32, #tpu.memory_space<hbm>>
        tpu.wait_indirect_dma semaphore(%arg14 : memref<!tpu.dma_semaphore, #tpu.memory_space<semaphore_mem>>) src(%dma_wait3A_23 : memref<10000x128xf32, #tpu.memory_space<hbm>>) dst(%arg12 : memref<400x128xf32, #tpu.memory_space<vmem>>)
        "tpu.region"() ({
          %run_scoped3A = tpu.sem_alloc : memref<!tpu.dma_semaphore, #tpu.memory_space<semaphore_mem>>
          %dma_start3A_30 = arith.constant 0 : i32
          %dma_start3A_31 = tpu.memref_slice %arg6[%multiple_of3A, %dma_start3A_30] : memref<80000x128xf32, #tpu.memory_space<hbm>> -> memref<400x128xf32, #tpu.memory_space<hbm>>
          %dma_start3A_32 = arith.constant 0 : i32
          %dma_start3A_33 = tpu.memref_slice %arg6[%multiple_of3A, %dma_start3A_32] : memref<80000x128xf32, #tpu.memory_space<hbm>> -> memref<400x128xf32, #tpu.memory_space<hbm>>
          tpu.enqueue_dma source(%arg11 : memref<400x128xf32, #tpu.memory_space<vmem>>) target(%dma_start3A_33 : memref<400x128xf32, #tpu.memory_space<hbm>>) target_semaphore(%run_scoped3A : memref<!tpu.dma_semaphore, #tpu.memory_space<semaphore_mem>>)
          %dma_wait3A_34 = arith.constant 0 : i32
          %dma_wait3A_35 = tpu.memref_slice %arg6[%multiple_of3A, %dma_wait3A_34] : memref<80000x128xf32, #tpu.memory_space<hbm>> -> memref<400x128xf32, #tpu.memory_space<hbm>>
          %dma_wait3A_36 = arith.constant 0 : i32
          %dma_wait3A_37 = tpu.memref_slice %arg6[%multiple_of3A, %dma_wait3A_36] : memref<80000x128xf32, #tpu.memory_space<hbm>> -> memref<400x128xf32, #tpu.memory_space<hbm>>
          tpu.wait_dma2 semaphore(%run_scoped3A : memref<!tpu.dma_semaphore, #tpu.memory_space<semaphore_mem>>) src(%arg11 : memref<400x128xf32, #tpu.memory_space<vmem>>) dst(%dma_wait3A_37 : memref<400x128xf32, #tpu.memory_space<hbm>>)
          tpu.yield
        }) : () -> ()
        "tpu.region"() ({
          %run_scoped3A = tpu.sem_alloc : memref<!tpu.dma_semaphore, #tpu.memory_space<semaphore_mem>>
          %dma_start3A_30 = arith.constant 0 : i32
          %dma_start3A_31 = tpu.memref_slice %arg7[%multiple_of3A, %dma_start3A_30] : memref<80000x128xf32, #tpu.memory_space<hbm>> -> memref<400x128xf32, #tpu.memory_space<hbm>>
          %dma_start3A_32 = arith.constant 0 : i32
          %dma_start3A_33 = tpu.memref_slice %arg7[%multiple_of3A, %dma_start3A_32] : memref<80000x128xf32, #tpu.memory_space<hbm>> -> memref<400x128xf32, #tpu.memory_space<hbm>>
          tpu.enqueue_dma source(%arg12 : memref<400x128xf32, #tpu.memory_space<vmem>>) target(%dma_start3A_33 : memref<400x128xf32, #tpu.memory_space<hbm>>) target_semaphore(%run_scoped3A : memref<!tpu.dma_semaphore, #tpu.memory_space<semaphore_mem>>)
          %dma_wait3A_34 = arith.constant 0 : i32
          %dma_wait3A_35 = tpu.memref_slice %arg7[%multiple_of3A, %dma_wait3A_34] : memref<80000x128xf32, #tpu.memory_space<hbm>> -> memref<400x128xf32, #tpu.memory_space<hbm>>
          %dma_wait3A_36 = arith.constant 0 : i32
          %dma_wait3A_37 = tpu.memref_slice %arg7[%multiple_of3A, %dma_wait3A_36] : memref<80000x128xf32, #tpu.memory_space<hbm>> -> memref<400x128xf32, #tpu.memory_space<hbm>>
          tpu.wait_dma2 semaphore(%run_scoped3A : memref<!tpu.dma_semaphore, #tpu.memory_space<semaphore_mem>>) src(%arg12 : memref<400x128xf32, #tpu.memory_space<vmem>>) dst(%dma_wait3A_37 : memref<400x128xf32, #tpu.memory_space<hbm>>)
          tpu.yield
        }) : () -> ()
        %dma_start3A_24 = arith.constant 0 : i32
        %dma_start3A_25 = arith.constant 0 : i32
        %dma_start3A_26 = tpu.memref_slice %arg3[%dma_start3A_24, %dma_start3A_25] : memref<10000x128xf32, #tpu.memory_space<hbm>> -> memref<10000x128xf32, #tpu.memory_space<hbm>>
        tpu.enqueue_indirect_dma source(%dma_start3A_26 : memref<10000x128xf32, #tpu.memory_space<hbm>>) target(%arg11 : memref<400x128xf32, #tpu.memory_space<vmem>>) offsets(%arg9 : memref<400xi32, #tpu.memory_space<vmem>>) semaphore(%arg13 : memref<!tpu.dma_semaphore, #tpu.memory_space<semaphore_mem>>)
        %dma_wait3A_27 = arith.constant 0 : i32
        %dma_wait3A_28 = arith.constant 0 : i32
        %dma_wait3A_29 = tpu.memref_slice %arg3[%dma_wait3A_27, %dma_wait3A_28] : memref<10000x128xf32, #tpu.memory_space<hbm>> -> memref<10000x128xf32, #tpu.memory_space<hbm>>
        tpu.wait_indirect_dma semaphore(%arg13 : memref<!tpu.dma_semaphore, #tpu.memory_space<semaphore_mem>>) src(%dma_wait3A_29 : memref<10000x128xf32, #tpu.memory_space<hbm>>) dst(%arg11 : memref<400x128xf32, #tpu.memory_space<vmem>>)
        "tpu.region"() ({
          %run_scoped3A = tpu.sem_alloc : memref<!tpu.dma_semaphore, #tpu.memory_space<semaphore_mem>>
          %dma_start3A_30 = arith.constant 0 : i32
          %dma_start3A_31 = tpu.memref_slice %arg8[%multiple_of3A, %dma_start3A_30] : memref<80000x128xf32, #tpu.memory_space<hbm>> -> memref<400x128xf32, #tpu.memory_space<hbm>>
          %dma_start3A_32 = arith.constant 0 : i32
          %dma_start3A_33 = tpu.memref_slice %arg8[%multiple_of3A, %dma_start3A_32] : memref<80000x128xf32, #tpu.memory_space<hbm>> -> memref<400x128xf32, #tpu.memory_space<hbm>>
          tpu.enqueue_dma source(%arg11 : memref<400x128xf32, #tpu.memory_space<vmem>>) target(%dma_start3A_33 : memref<400x128xf32, #tpu.memory_space<hbm>>) target_semaphore(%run_scoped3A : memref<!tpu.dma_semaphore, #tpu.memory_space<semaphore_mem>>)
          %dma_wait3A_34 = arith.constant 0 : i32
          %dma_wait3A_35 = tpu.memref_slice %arg8[%multiple_of3A, %dma_wait3A_34] : memref<80000x128xf32, #tpu.memory_space<hbm>> -> memref<400x128xf32, #tpu.memory_space<hbm>>
          %dma_wait3A_36 = arith.constant 0 : i32
          %dma_wait3A_37 = tpu.memref_slice %arg8[%multiple_of3A, %dma_wait3A_36] : memref<80000x128xf32, #tpu.memory_space<hbm>> -> memref<400x128xf32, #tpu.memory_space<hbm>>
          tpu.wait_dma2 semaphore(%run_scoped3A : memref<!tpu.dma_semaphore, #tpu.memory_space<semaphore_mem>>) src(%arg11 : memref<400x128xf32, #tpu.memory_space<vmem>>) dst(%dma_wait3A_37 : memref<400x128xf32, #tpu.memory_space<hbm>>)
          tpu.yield
        }) : () -> ()
      } else {
      }
    }
    %scan3A_5 = arith.constant 7 : i32
    return
  }
}

#map = affine_map<(d0, d1) -> (0, 0)>
#map1 = affine_map<(d0, d1) -> (0)>
module attributes {stable_mosaic.version = 14 : i64} {
  func.func @_sc_gather_edges(%arg0: i32, %arg1: i32, %arg2: memref<10000x128xf32, #tpu.memory_space<hbm>>, %arg3: memref<10000x128xf32, #tpu.memory_space<hbm>>, %arg4: memref<80000xi32, #tpu.memory_space<hbm>>, %arg5: memref<80000xi32, #tpu.memory_space<hbm>>, %arg6: memref<80000x128xf32, #tpu.memory_space<hbm>>, %arg7: memref<80000x128xf32, #tpu.memory_space<hbm>>, %arg8: memref<80000x128xf32, #tpu.memory_space<hbm>>, %arg9: memref<400xi32, #tpu.memory_space<vmem>>, %arg10: memref<400xi32, #tpu.memory_space<vmem>>, %arg11: memref<400x128xf32, #tpu.memory_space<vmem>>, %arg12: memref<400x128xf32, #tpu.memory_space<vmem>>, %arg13: memref<!tpu.dma_semaphore, #tpu.memory_space<semaphore_mem>>, %arg14: memref<!tpu.dma_semaphore, #tpu.memory_space<semaphore_mem>>) attributes {dimension_semantics = [#tpu.dimension_semantics<core_parallel>, #tpu.dimension_semantics<subcore_parallel>], iteration_bounds = array<i64: 2, 16>, scalar_prefetch = 0 : i64, scratch_operands = 6 : i64, tpu.core_type = #tpu.core_type<sc_vector_subcore>, window_params = [{transform_indices = #map}, {transform_indices = #map}, {transform_indices = #map1}, {transform_indices = #map1}, {transform_indices = #map}, {transform_indices = #map}, {transform_indices = #map}]} {
    %mul3A = arith.constant 16 : i32
    %mul3A_0 = arith.muli %arg0, %mul3A : i32
    %add3A = arith.addi %mul3A_0, %arg1 : i32
    %scan3A = arith.constant 0 : i32
    %scan3A_1 = arith.constant 0 : i32
    %scan3A_2 = arith.constant 7 : i32
    %scan3A_3 = arith.addi %scan3A_1, %scan3A_2 : i32
    %scan3A_4 = arith.constant 1 : i32
    scf.for %scan3A_6 = %scan3A_1 to %scan3A_3 step %scan3A_4  : i32 {
      %mul3A_7 = arith.constant 32 : i32
      %mul3A_8 = arith.muli %mul3A_7, %scan3A_6 : i32
      %add3A_9 = arith.addi %add3A, %mul3A_8 : i32
      %lt3A = arith.constant 200 : i32
      %lt3A_10 = arith.cmpi slt, %add3A_9, %lt3A : i32
      %convert_element_type3A = arith.extui %lt3A_10 : i1 to i32
      %cond3A = arith.constant 0 : i32
      %cond3A_11 = arith.cmpi ne, %convert_element_type3A, %cond3A : i32
      scf.if %cond3A_11 {
        %mul3A_12 = arith.constant 400 : i32
        %mul3A_13 = arith.muli %add3A_9, %mul3A_12 : i32
        %multiple_of3A = tpu.assume_multiple %mul3A_13, 8 : i32
        "tpu.region"() ({
          %run_scoped3A = tpu.sem_alloc : memref<!tpu.dma_semaphore, #tpu.memory_space<semaphore_mem>>
          %dma_start3A_30 = tpu.memref_slice %arg4[%multiple_of3A] : memref<80000xi32, #tpu.memory_space<hbm>> -> memref<400xi32, #tpu.memory_space<hbm>>
          %dma_start3A_31 = tpu.memref_slice %arg4[%multiple_of3A] : memref<80000xi32, #tpu.memory_space<hbm>> -> memref<400xi32, #tpu.memory_space<hbm>>
          tpu.enqueue_dma source(%dma_start3A_31 : memref<400xi32, #tpu.memory_space<hbm>>) target(%arg9 : memref<400xi32, #tpu.memory_space<vmem>>) target_semaphore(%run_scoped3A : memref<!tpu.dma_semaphore, #tpu.memory_space<semaphore_mem>>)
          %dma_wait3A_32 = tpu.memref_slice %arg4[%multiple_of3A] : memref<80000xi32, #tpu.memory_space<hbm>> -> memref<400xi32, #tpu.memory_space<hbm>>
          %dma_wait3A_33 = tpu.memref_slice %arg4[%multiple_of3A] : memref<80000xi32, #tpu.memory_space<hbm>> -> memref<400xi32, #tpu.memory_space<hbm>>
          tpu.wait_dma2 semaphore(%run_scoped3A : memref<!tpu.dma_semaphore, #tpu.memory_space<semaphore_mem>>) src(%dma_wait3A_33 : memref<400xi32, #tpu.memory_space<hbm>>) dst(%arg9 : memref<400xi32, #tpu.memory_space<vmem>>)
          tpu.yield
        }) : () -> ()
        "tpu.region"() ({
          %run_scoped3A = tpu.sem_alloc : memref<!tpu.dma_semaphore, #tpu.memory_space<semaphore_mem>>
          %dma_start3A_30 = tpu.memref_slice %arg5[%multiple_of3A] : memref<80000xi32, #tpu.memory_space<hbm>> -> memref<400xi32, #tpu.memory_space<hbm>>
          %dma_start3A_31 = tpu.memref_slice %arg5[%multiple_of3A] : memref<80000xi32, #tpu.memory_space<hbm>> -> memref<400xi32, #tpu.memory_space<hbm>>
          tpu.enqueue_dma source(%dma_start3A_31 : memref<400xi32, #tpu.memory_space<hbm>>) target(%arg10 : memref<400xi32, #tpu.memory_space<vmem>>) target_semaphore(%run_scoped3A : memref<!tpu.dma_semaphore, #tpu.memory_space<semaphore_mem>>)
          %dma_wait3A_32 = tpu.memref_slice %arg5[%multiple_of3A] : memref<80000xi32, #tpu.memory_space<hbm>> -> memref<400xi32, #tpu.memory_space<hbm>>
          %dma_wait3A_33 = tpu.memref_slice %arg5[%multiple_of3A] : memref<80000xi32, #tpu.memory_space<hbm>> -> memref<400xi32, #tpu.memory_space<hbm>>
          tpu.wait_dma2 semaphore(%run_scoped3A : memref<!tpu.dma_semaphore, #tpu.memory_space<semaphore_mem>>) src(%dma_wait3A_33 : memref<400xi32, #tpu.memory_space<hbm>>) dst(%arg10 : memref<400xi32, #tpu.memory_space<vmem>>)
          tpu.yield
        }) : () -> ()
        %dma_start3A = arith.constant 0 : i32
        %dma_start3A_14 = arith.constant 0 : i32
        %dma_start3A_15 = tpu.memref_slice %arg2[%dma_start3A, %dma_start3A_14] : memref<10000x128xf32, #tpu.memory_space<hbm>> -> memref<10000x128xf32, #tpu.memory_space<hbm>>
        tpu.enqueue_indirect_dma source(%dma_start3A_15 : memref<10000x128xf32, #tpu.memory_space<hbm>>) target(%arg11 : memref<400x128xf32, #tpu.memory_space<vmem>>) offsets(%arg9 : memref<400xi32, #tpu.memory_space<vmem>>) semaphore(%arg13 : memref<!tpu.dma_semaphore, #tpu.memory_space<semaphore_mem>>)
        %dma_start3A_16 = arith.constant 0 : i32
        %dma_start3A_17 = arith.constant 0 : i32
        %dma_start3A_18 = tpu.memref_slice %arg2[%dma_start3A_16, %dma_start3A_17] : memref<10000x128xf32, #tpu.memory_space<hbm>> -> memref<10000x128xf32, #tpu.memory_space<hbm>>
        tpu.enqueue_indirect_dma source(%dma_start3A_18 : memref<10000x128xf32, #tpu.memory_space<hbm>>) target(%arg12 : memref<400x128xf32, #tpu.memory_space<vmem>>) offsets(%arg10 : memref<400xi32, #tpu.memory_space<vmem>>) semaphore(%arg14 : memref<!tpu.dma_semaphore, #tpu.memory_space<semaphore_mem>>)
        %dma_wait3A = arith.constant 0 : i32
        %dma_wait3A_19 = arith.constant 0 : i32
        %dma_wait3A_20 = tpu.memref_slice %arg2[%dma_wait3A, %dma_wait3A_19] : memref<10000x128xf32, #tpu.memory_space<hbm>> -> memref<10000x128xf32, #tpu.memory_space<hbm>>
        tpu.wait_indirect_dma semaphore(%arg13 : memref<!tpu.dma_semaphore, #tpu.memory_space<semaphore_mem>>) src(%dma_wait3A_20 : memref<10000x128xf32, #tpu.memory_space<hbm>>) dst(%arg11 : memref<400x128xf32, #tpu.memory_space<vmem>>)
        %dma_wait3A_21 = arith.constant 0 : i32
        %dma_wait3A_22 = arith.constant 0 : i32
        %dma_wait3A_23 = tpu.memref_slice %arg2[%dma_wait3A_21, %dma_wait3A_22] : memref<10000x128xf32, #tpu.memory_space<hbm>> -> memref<10000x128xf32, #tpu.memory_space<hbm>>
        tpu.wait_indirect_dma semaphore(%arg14 : memref<!tpu.dma_semaphore, #tpu.memory_space<semaphore_mem>>) src(%dma_wait3A_23 : memref<10000x128xf32, #tpu.memory_space<hbm>>) dst(%arg12 : memref<400x128xf32, #tpu.memory_space<vmem>>)
        "tpu.region"() ({
          %run_scoped3A = tpu.sem_alloc : memref<!tpu.dma_semaphore, #tpu.memory_space<semaphore_mem>>
          %dma_start3A_30 = arith.constant 0 : i32
          %dma_start3A_31 = tpu.memref_slice %arg6[%multiple_of3A, %dma_start3A_30] : memref<80000x128xf32, #tpu.memory_space<hbm>> -> memref<400x128xf32, #tpu.memory_space<hbm>>
          %dma_start3A_32 = arith.constant 0 : i32
          %dma_start3A_33 = tpu.memref_slice %arg6[%multiple_of3A, %dma_start3A_32] : memref<80000x128xf32, #tpu.memory_space<hbm>> -> memref<400x128xf32, #tpu.memory_space<hbm>>
          tpu.enqueue_dma source(%arg11 : memref<400x128xf32, #tpu.memory_space<vmem>>) target(%dma_start3A_33 : memref<400x128xf32, #tpu.memory_space<hbm>>) target_semaphore(%run_scoped3A : memref<!tpu.dma_semaphore, #tpu.memory_space<semaphore_mem>>)
          %dma_wait3A_34 = arith.constant 0 : i32
          %dma_wait3A_35 = tpu.memref_slice %arg6[%multiple_of3A, %dma_wait3A_34] : memref<80000x128xf32, #tpu.memory_space<hbm>> -> memref<400x128xf32, #tpu.memory_space<hbm>>
          %dma_wait3A_36 = arith.constant 0 : i32
          %dma_wait3A_37 = tpu.memref_slice %arg6[%multiple_of3A, %dma_wait3A_36] : memref<80000x128xf32, #tpu.memory_space<hbm>> -> memref<400x128xf32, #tpu.memory_space<hbm>>
          tpu.wait_dma2 semaphore(%run_scoped3A : memref<!tpu.dma_semaphore, #tpu.memory_space<semaphore_mem>>) src(%arg11 : memref<400x128xf32, #tpu.memory_space<vmem>>) dst(%dma_wait3A_37 : memref<400x128xf32, #tpu.memory_space<hbm>>)
          tpu.yield
        }) : () -> ()
        "tpu.region"() ({
          %run_scoped3A = tpu.sem_alloc : memref<!tpu.dma_semaphore, #tpu.memory_space<semaphore_mem>>
          %dma_start3A_30 = arith.constant 0 : i32
          %dma_start3A_31 = tpu.memref_slice %arg7[%multiple_of3A, %dma_start3A_30] : memref<80000x128xf32, #tpu.memory_space<hbm>> -> memref<400x128xf32, #tpu.memory_space<hbm>>
          %dma_start3A_32 = arith.constant 0 : i32
          %dma_start3A_33 = tpu.memref_slice %arg7[%multiple_of3A, %dma_start3A_32] : memref<80000x128xf32, #tpu.memory_space<hbm>> -> memref<400x128xf32, #tpu.memory_space<hbm>>
          tpu.enqueue_dma source(%arg12 : memref<400x128xf32, #tpu.memory_space<vmem>>) target(%dma_start3A_33 : memref<400x128xf32, #tpu.memory_space<hbm>>) target_semaphore(%run_scoped3A : memref<!tpu.dma_semaphore, #tpu.memory_space<semaphore_mem>>)
          %dma_wait3A_34 = arith.constant 0 : i32
          %dma_wait3A_35 = tpu.memref_slice %arg7[%multiple_of3A, %dma_wait3A_34] : memref<80000x128xf32, #tpu.memory_space<hbm>> -> memref<400x128xf32, #tpu.memory_space<hbm>>
          %dma_wait3A_36 = arith.constant 0 : i32
          %dma_wait3A_37 = tpu.memref_slice %arg7[%multiple_of3A, %dma_wait3A_36] : memref<80000x128xf32, #tpu.memory_space<hbm>> -> memref<400x128xf32, #tpu.memory_space<hbm>>
          tpu.wait_dma2 semaphore(%run_scoped3A : memref<!tpu.dma_semaphore, #tpu.memory_space<semaphore_mem>>) src(%arg12 : memref<400x128xf32, #tpu.memory_space<vmem>>) dst(%dma_wait3A_37 : memref<400x128xf32, #tpu.memory_space<hbm>>)
          tpu.yield
        }) : () -> ()
        %dma_start3A_24 = arith.constant 0 : i32
        %dma_start3A_25 = arith.constant 0 : i32
        %dma_start3A_26 = tpu.memref_slice %arg3[%dma_start3A_24, %dma_start3A_25] : memref<10000x128xf32, #tpu.memory_space<hbm>> -> memref<10000x128xf32, #tpu.memory_space<hbm>>
        tpu.enqueue_indirect_dma source(%dma_start3A_26 : memref<10000x128xf32, #tpu.memory_space<hbm>>) target(%arg11 : memref<400x128xf32, #tpu.memory_space<vmem>>) offsets(%arg9 : memref<400xi32, #tpu.memory_space<vmem>>) semaphore(%arg13 : memref<!tpu.dma_semaphore, #tpu.memory_space<semaphore_mem>>)
        %dma_wait3A_27 = arith.constant 0 : i32
        %dma_wait3A_28 = arith.constant 0 : i32
        %dma_wait3A_29 = tpu.memref_slice %arg3[%dma_wait3A_27, %dma_wait3A_28] : memref<10000x128xf32, #tpu.memory_space<hbm>> -> memref<10000x128xf32, #tpu.memory_space<hbm>>
        tpu.wait_indirect_dma semaphore(%arg13 : memref<!tpu.dma_semaphore, #tpu.memory_space<semaphore_mem>>) src(%dma_wait3A_29 : memref<10000x128xf32, #tpu.memory_space<hbm>>) dst(%arg11 : memref<400x128xf32, #tpu.memory_space<vmem>>)
        "tpu.region"() ({
          %run_scoped3A = tpu.sem_alloc : memref<!tpu.dma_semaphore, #tpu.memory_space<semaphore_mem>>
          %dma_start3A_30 = arith.constant 0 : i32
          %dma_start3A_31 = tpu.memref_slice %arg8[%multiple_of3A, %dma_start3A_30] : memref<80000x128xf32, #tpu.memory_space<hbm>> -> memref<400x128xf32, #tpu.memory_space<hbm>>
          %dma_start3A_32 = arith.constant 0 : i32
          %dma_start3A_33 = tpu.memref_slice %arg8[%multiple_of3A, %dma_start3A_32] : memref<80000x128xf32, #tpu.memory_space<hbm>> -> memref<400x128xf32, #tpu.memory_space<hbm>>
          tpu.enqueue_dma source(%arg11 : memref<400x128xf32, #tpu.memory_space<vmem>>) target(%dma_start3A_33 : memref<400x128xf32, #tpu.memory_space<hbm>>) target_semaphore(%run_scoped3A : memref<!tpu.dma_semaphore, #tpu.memory_space<semaphore_mem>>)
          %dma_wait3A_34 = arith.constant 0 : i32
          %dma_wait3A_35 = tpu.memref_slice %arg8[%multiple_of3A, %dma_wait3A_34] : memref<80000x128xf32, #tpu.memory_space<hbm>> -> memref<400x128xf32, #tpu.memory_space<hbm>>
          %dma_wait3A_36 = arith.constant 0 : i32
          %dma_wait3A_37 = tpu.memref_slice %arg8[%multiple_of3A, %dma_wait3A_36] : memref<80000x128xf32, #tpu.memory_space<hbm>> -> memref<400x128xf32, #tpu.memory_space<hbm>>
          tpu.wait_dma2 semaphore(%run_scoped3A : memref<!tpu.dma_semaphore, #tpu.memory_space<semaphore_mem>>) src(%arg11 : memref<400x128xf32, #tpu.memory_space<vmem>>) dst(%dma_wait3A_37 : memref<400x128xf32, #tpu.memory_space<hbm>>)
          tpu.yield
        }) : () -> ()
      } else {
      }
    }
    %scan3A_5 = arith.constant 7 : i32
    return
  }
}

#map = affine_map<(d0, d1) -> (0, 0)>
#map1 = affine_map<(d0, d1) -> (0)>
module attributes {stable_mosaic.version = 14 : i64} {
  func.func @_sc_gather_ub(%arg0: i32, %arg1: i32, %arg2: memref<512x128xf32, #tpu.memory_space<hbm>>, %arg3: memref<10000xi32, #tpu.memory_space<hbm>>, %arg4: memref<10000x128xf32, #tpu.memory_space<hbm>>, %arg5: memref<400xi32, #tpu.memory_space<vmem>>, %arg6: memref<400x128xf32, #tpu.memory_space<vmem>>, %arg7: memref<!tpu.dma_semaphore, #tpu.memory_space<semaphore_mem>>) attributes {dimension_semantics = [#tpu.dimension_semantics<core_parallel>, #tpu.dimension_semantics<subcore_parallel>], iteration_bounds = array<i64: 2, 16>, scalar_prefetch = 0 : i64, scratch_operands = 3 : i64, tpu.core_type = #tpu.core_type<sc_vector_subcore>, window_params = [{transform_indices = #map}, {transform_indices = #map1}, {transform_indices = #map}]} {
    %mul3A = arith.constant 16 : i32
    %mul3A_0 = arith.muli %arg0, %mul3A : i32
    %add3A = arith.addi %mul3A_0, %arg1 : i32
    %lt3A = arith.constant 25 : i32
    %lt3A_1 = arith.cmpi slt, %add3A, %lt3A : i32
    %convert_element_type3A = arith.extui %lt3A_1 : i1 to i32
    %cond3A = arith.constant 0 : i32
    %cond3A_2 = arith.cmpi ne, %convert_element_type3A, %cond3A : i32
    scf.if %cond3A_2 {
      %mul3A_3 = arith.constant 400 : i32
      %mul3A_4 = arith.muli %add3A, %mul3A_3 : i32
      %multiple_of3A = tpu.assume_multiple %mul3A_4, 8 : i32
      "tpu.region"() ({
        %run_scoped3A = tpu.sem_alloc : memref<!tpu.dma_semaphore, #tpu.memory_space<semaphore_mem>>
        %dma_start3A_9 = tpu.memref_slice %arg3[%multiple_of3A] : memref<10000xi32, #tpu.memory_space<hbm>> -> memref<400xi32, #tpu.memory_space<hbm>>
        %dma_start3A_10 = tpu.memref_slice %arg3[%multiple_of3A] : memref<10000xi32, #tpu.memory_space<hbm>> -> memref<400xi32, #tpu.memory_space<hbm>>
        tpu.enqueue_dma source(%dma_start3A_10 : memref<400xi32, #tpu.memory_space<hbm>>) target(%arg5 : memref<400xi32, #tpu.memory_space<vmem>>) target_semaphore(%run_scoped3A : memref<!tpu.dma_semaphore, #tpu.memory_space<semaphore_mem>>)
        %dma_wait3A_11 = tpu.memref_slice %arg3[%multiple_of3A] : memref<10000xi32, #tpu.memory_space<hbm>> -> memref<400xi32, #tpu.memory_space<hbm>>
        %dma_wait3A_12 = tpu.memref_slice %arg3[%multiple_of3A] : memref<10000xi32, #tpu.memory_space<hbm>> -> memref<400xi32, #tpu.memory_space<hbm>>
        tpu.wait_dma2 semaphore(%run_scoped3A : memref<!tpu.dma_semaphore, #tpu.memory_space<semaphore_mem>>) src(%dma_wait3A_12 : memref<400xi32, #tpu.memory_space<hbm>>) dst(%arg5 : memref<400xi32, #tpu.memory_space<vmem>>)
        tpu.yield
      }) : () -> ()
      %dma_start3A = arith.constant 0 : i32
      %dma_start3A_5 = arith.constant 0 : i32
      %dma_start3A_6 = tpu.memref_slice %arg2[%dma_start3A, %dma_start3A_5] : memref<512x128xf32, #tpu.memory_space<hbm>> -> memref<512x128xf32, #tpu.memory_space<hbm>>
      tpu.enqueue_indirect_dma source(%dma_start3A_6 : memref<512x128xf32, #tpu.memory_space<hbm>>) target(%arg6 : memref<400x128xf32, #tpu.memory_space<vmem>>) offsets(%arg5 : memref<400xi32, #tpu.memory_space<vmem>>) semaphore(%arg7 : memref<!tpu.dma_semaphore, #tpu.memory_space<semaphore_mem>>)
      %dma_wait3A = arith.constant 0 : i32
      %dma_wait3A_7 = arith.constant 0 : i32
      %dma_wait3A_8 = tpu.memref_slice %arg2[%dma_wait3A, %dma_wait3A_7] : memref<512x128xf32, #tpu.memory_space<hbm>> -> memref<512x128xf32, #tpu.memory_space<hbm>>
      tpu.wait_indirect_dma semaphore(%arg7 : memref<!tpu.dma_semaphore, #tpu.memory_space<semaphore_mem>>) src(%dma_wait3A_8 : memref<512x128xf32, #tpu.memory_space<hbm>>) dst(%arg6 : memref<400x128xf32, #tpu.memory_space<vmem>>)
      "tpu.region"() ({
        %run_scoped3A = tpu.sem_alloc : memref<!tpu.dma_semaphore, #tpu.memory_space<semaphore_mem>>
        %dma_start3A_9 = arith.constant 0 : i32
        %dma_start3A_10 = tpu.memref_slice %arg4[%multiple_of3A, %dma_start3A_9] : memref<10000x128xf32, #tpu.memory_space<hbm>> -> memref<400x128xf32, #tpu.memory_space<hbm>>
        %dma_start3A_11 = arith.constant 0 : i32
        %dma_start3A_12 = tpu.memref_slice %arg4[%multiple_of3A, %dma_start3A_11] : memref<10000x128xf32, #tpu.memory_space<hbm>> -> memref<400x128xf32, #tpu.memory_space<hbm>>
        tpu.enqueue_dma source(%arg6 : memref<400x128xf32, #tpu.memory_space<vmem>>) target(%dma_start3A_12 : memref<400x128xf32, #tpu.memory_space<hbm>>) target_semaphore(%run_scoped3A : memref<!tpu.dma_semaphore, #tpu.memory_space<semaphore_mem>>)
        %dma_wait3A_13 = arith.constant 0 : i32
        %dma_wait3A_14 = tpu.memref_slice %arg4[%multiple_of3A, %dma_wait3A_13] : memref<10000x128xf32, #tpu.memory_space<hbm>> -> memref<400x128xf32, #tpu.memory_space<hbm>>
        %dma_wait3A_15 = arith.constant 0 : i32
        %dma_wait3A_16 = tpu.memref_slice %arg4[%multiple_of3A, %dma_wait3A_15] : memref<10000x128xf32, #tpu.memory_space<hbm>> -> memref<400x128xf32, #tpu.memory_space<hbm>>
        tpu.wait_dma2 semaphore(%run_scoped3A : memref<!tpu.dma_semaphore, #tpu.memory_space<semaphore_mem>>) src(%arg6 : memref<400x128xf32, #tpu.memory_space<vmem>>) dst(%dma_wait3A_16 : memref<400x128xf32, #tpu.memory_space<hbm>>)
        tpu.yield
      }) : () -> ()
    } else {
    }
    return
  }
}

#map = affine_map<(d0, d1) -> (0, 0)>
#map1 = affine_map<(d0, d1) -> (0)>
module attributes {stable_mosaic.version = 14 : i64} {
  func.func @_sc_gather_edges(%arg0: i32, %arg1: i32, %arg2: memref<10000x128xf32, #tpu.memory_space<hbm>>, %arg3: memref<10000x128xf32, #tpu.memory_space<hbm>>, %arg4: memref<80000xi32, #tpu.memory_space<hbm>>, %arg5: memref<80000xi32, #tpu.memory_space<hbm>>, %arg6: memref<80000x128xf32, #tpu.memory_space<hbm>>, %arg7: memref<80000x128xf32, #tpu.memory_space<hbm>>, %arg8: memref<80000x128xf32, #tpu.memory_space<hbm>>, %arg9: memref<400xi32, #tpu.memory_space<vmem>>, %arg10: memref<400xi32, #tpu.memory_space<vmem>>, %arg11: memref<400x128xf32, #tpu.memory_space<vmem>>, %arg12: memref<400x128xf32, #tpu.memory_space<vmem>>, %arg13: memref<!tpu.dma_semaphore, #tpu.memory_space<semaphore_mem>>, %arg14: memref<!tpu.dma_semaphore, #tpu.memory_space<semaphore_mem>>) attributes {dimension_semantics = [#tpu.dimension_semantics<core_parallel>, #tpu.dimension_semantics<subcore_parallel>], iteration_bounds = array<i64: 2, 16>, scalar_prefetch = 0 : i64, scratch_operands = 6 : i64, tpu.core_type = #tpu.core_type<sc_vector_subcore>, window_params = [{transform_indices = #map}, {transform_indices = #map}, {transform_indices = #map1}, {transform_indices = #map1}, {transform_indices = #map}, {transform_indices = #map}, {transform_indices = #map}]} {
    %mul3A = arith.constant 16 : i32
    %mul3A_0 = arith.muli %arg0, %mul3A : i32
    %add3A = arith.addi %mul3A_0, %arg1 : i32
    %scan3A = arith.constant 0 : i32
    %scan3A_1 = arith.constant 0 : i32
    %scan3A_2 = arith.constant 7 : i32
    %scan3A_3 = arith.addi %scan3A_1, %scan3A_2 : i32
    %scan3A_4 = arith.constant 1 : i32
    scf.for %scan3A_6 = %scan3A_1 to %scan3A_3 step %scan3A_4  : i32 {
      %mul3A_7 = arith.constant 32 : i32
      %mul3A_8 = arith.muli %mul3A_7, %scan3A_6 : i32
      %add3A_9 = arith.addi %add3A, %mul3A_8 : i32
      %lt3A = arith.constant 200 : i32
      %lt3A_10 = arith.cmpi slt, %add3A_9, %lt3A : i32
      %convert_element_type3A = arith.extui %lt3A_10 : i1 to i32
      %cond3A = arith.constant 0 : i32
      %cond3A_11 = arith.cmpi ne, %convert_element_type3A, %cond3A : i32
      scf.if %cond3A_11 {
        %mul3A_12 = arith.constant 400 : i32
        %mul3A_13 = arith.muli %add3A_9, %mul3A_12 : i32
        %multiple_of3A = tpu.assume_multiple %mul3A_13, 8 : i32
        "tpu.region"() ({
          %run_scoped3A = tpu.sem_alloc : memref<!tpu.dma_semaphore, #tpu.memory_space<semaphore_mem>>
          %dma_start3A_30 = tpu.memref_slice %arg4[%multiple_of3A] : memref<80000xi32, #tpu.memory_space<hbm>> -> memref<400xi32, #tpu.memory_space<hbm>>
          %dma_start3A_31 = tpu.memref_slice %arg4[%multiple_of3A] : memref<80000xi32, #tpu.memory_space<hbm>> -> memref<400xi32, #tpu.memory_space<hbm>>
          tpu.enqueue_dma source(%dma_start3A_31 : memref<400xi32, #tpu.memory_space<hbm>>) target(%arg9 : memref<400xi32, #tpu.memory_space<vmem>>) target_semaphore(%run_scoped3A : memref<!tpu.dma_semaphore, #tpu.memory_space<semaphore_mem>>)
          %dma_wait3A_32 = tpu.memref_slice %arg4[%multiple_of3A] : memref<80000xi32, #tpu.memory_space<hbm>> -> memref<400xi32, #tpu.memory_space<hbm>>
          %dma_wait3A_33 = tpu.memref_slice %arg4[%multiple_of3A] : memref<80000xi32, #tpu.memory_space<hbm>> -> memref<400xi32, #tpu.memory_space<hbm>>
          tpu.wait_dma2 semaphore(%run_scoped3A : memref<!tpu.dma_semaphore, #tpu.memory_space<semaphore_mem>>) src(%dma_wait3A_33 : memref<400xi32, #tpu.memory_space<hbm>>) dst(%arg9 : memref<400xi32, #tpu.memory_space<vmem>>)
          tpu.yield
        }) : () -> ()
        "tpu.region"() ({
          %run_scoped3A = tpu.sem_alloc : memref<!tpu.dma_semaphore, #tpu.memory_space<semaphore_mem>>
          %dma_start3A_30 = tpu.memref_slice %arg5[%multiple_of3A] : memref<80000xi32, #tpu.memory_space<hbm>> -> memref<400xi32, #tpu.memory_space<hbm>>
          %dma_start3A_31 = tpu.memref_slice %arg5[%multiple_of3A] : memref<80000xi32, #tpu.memory_space<hbm>> -> memref<400xi32, #tpu.memory_space<hbm>>
          tpu.enqueue_dma source(%dma_start3A_31 : memref<400xi32, #tpu.memory_space<hbm>>) target(%arg10 : memref<400xi32, #tpu.memory_space<vmem>>) target_semaphore(%run_scoped3A : memref<!tpu.dma_semaphore, #tpu.memory_space<semaphore_mem>>)
          %dma_wait3A_32 = tpu.memref_slice %arg5[%multiple_of3A] : memref<80000xi32, #tpu.memory_space<hbm>> -> memref<400xi32, #tpu.memory_space<hbm>>
          %dma_wait3A_33 = tpu.memref_slice %arg5[%multiple_of3A] : memref<80000xi32, #tpu.memory_space<hbm>> -> memref<400xi32, #tpu.memory_space<hbm>>
          tpu.wait_dma2 semaphore(%run_scoped3A : memref<!tpu.dma_semaphore, #tpu.memory_space<semaphore_mem>>) src(%dma_wait3A_33 : memref<400xi32, #tpu.memory_space<hbm>>) dst(%arg10 : memref<400xi32, #tpu.memory_space<vmem>>)
          tpu.yield
        }) : () -> ()
        %dma_start3A = arith.constant 0 : i32
        %dma_start3A_14 = arith.constant 0 : i32
        %dma_start3A_15 = tpu.memref_slice %arg2[%dma_start3A, %dma_start3A_14] : memref<10000x128xf32, #tpu.memory_space<hbm>> -> memref<10000x128xf32, #tpu.memory_space<hbm>>
        tpu.enqueue_indirect_dma source(%dma_start3A_15 : memref<10000x128xf32, #tpu.memory_space<hbm>>) target(%arg11 : memref<400x128xf32, #tpu.memory_space<vmem>>) offsets(%arg9 : memref<400xi32, #tpu.memory_space<vmem>>) semaphore(%arg13 : memref<!tpu.dma_semaphore, #tpu.memory_space<semaphore_mem>>)
        %dma_start3A_16 = arith.constant 0 : i32
        %dma_start3A_17 = arith.constant 0 : i32
        %dma_start3A_18 = tpu.memref_slice %arg2[%dma_start3A_16, %dma_start3A_17] : memref<10000x128xf32, #tpu.memory_space<hbm>> -> memref<10000x128xf32, #tpu.memory_space<hbm>>
        tpu.enqueue_indirect_dma source(%dma_start3A_18 : memref<10000x128xf32, #tpu.memory_space<hbm>>) target(%arg12 : memref<400x128xf32, #tpu.memory_space<vmem>>) offsets(%arg10 : memref<400xi32, #tpu.memory_space<vmem>>) semaphore(%arg14 : memref<!tpu.dma_semaphore, #tpu.memory_space<semaphore_mem>>)
        %dma_wait3A = arith.constant 0 : i32
        %dma_wait3A_19 = arith.constant 0 : i32
        %dma_wait3A_20 = tpu.memref_slice %arg2[%dma_wait3A, %dma_wait3A_19] : memref<10000x128xf32, #tpu.memory_space<hbm>> -> memref<10000x128xf32, #tpu.memory_space<hbm>>
        tpu.wait_indirect_dma semaphore(%arg13 : memref<!tpu.dma_semaphore, #tpu.memory_space<semaphore_mem>>) src(%dma_wait3A_20 : memref<10000x128xf32, #tpu.memory_space<hbm>>) dst(%arg11 : memref<400x128xf32, #tpu.memory_space<vmem>>)
        %dma_wait3A_21 = arith.constant 0 : i32
        %dma_wait3A_22 = arith.constant 0 : i32
        %dma_wait3A_23 = tpu.memref_slice %arg2[%dma_wait3A_21, %dma_wait3A_22] : memref<10000x128xf32, #tpu.memory_space<hbm>> -> memref<10000x128xf32, #tpu.memory_space<hbm>>
        tpu.wait_indirect_dma semaphore(%arg14 : memref<!tpu.dma_semaphore, #tpu.memory_space<semaphore_mem>>) src(%dma_wait3A_23 : memref<10000x128xf32, #tpu.memory_space<hbm>>) dst(%arg12 : memref<400x128xf32, #tpu.memory_space<vmem>>)
        "tpu.region"() ({
          %run_scoped3A = tpu.sem_alloc : memref<!tpu.dma_semaphore, #tpu.memory_space<semaphore_mem>>
          %dma_start3A_30 = arith.constant 0 : i32
          %dma_start3A_31 = tpu.memref_slice %arg6[%multiple_of3A, %dma_start3A_30] : memref<80000x128xf32, #tpu.memory_space<hbm>> -> memref<400x128xf32, #tpu.memory_space<hbm>>
          %dma_start3A_32 = arith.constant 0 : i32
          %dma_start3A_33 = tpu.memref_slice %arg6[%multiple_of3A, %dma_start3A_32] : memref<80000x128xf32, #tpu.memory_space<hbm>> -> memref<400x128xf32, #tpu.memory_space<hbm>>
          tpu.enqueue_dma source(%arg11 : memref<400x128xf32, #tpu.memory_space<vmem>>) target(%dma_start3A_33 : memref<400x128xf32, #tpu.memory_space<hbm>>) target_semaphore(%run_scoped3A : memref<!tpu.dma_semaphore, #tpu.memory_space<semaphore_mem>>)
          %dma_wait3A_34 = arith.constant 0 : i32
          %dma_wait3A_35 = tpu.memref_slice %arg6[%multiple_of3A, %dma_wait3A_34] : memref<80000x128xf32, #tpu.memory_space<hbm>> -> memref<400x128xf32, #tpu.memory_space<hbm>>
          %dma_wait3A_36 = arith.constant 0 : i32
          %dma_wait3A_37 = tpu.memref_slice %arg6[%multiple_of3A, %dma_wait3A_36] : memref<80000x128xf32, #tpu.memory_space<hbm>> -> memref<400x128xf32, #tpu.memory_space<hbm>>
          tpu.wait_dma2 semaphore(%run_scoped3A : memref<!tpu.dma_semaphore, #tpu.memory_space<semaphore_mem>>) src(%arg11 : memref<400x128xf32, #tpu.memory_space<vmem>>) dst(%dma_wait3A_37 : memref<400x128xf32, #tpu.memory_space<hbm>>)
          tpu.yield
        }) : () -> ()
        "tpu.region"() ({
          %run_scoped3A = tpu.sem_alloc : memref<!tpu.dma_semaphore, #tpu.memory_space<semaphore_mem>>
          %dma_start3A_30 = arith.constant 0 : i32
          %dma_start3A_31 = tpu.memref_slice %arg7[%multiple_of3A, %dma_start3A_30] : memref<80000x128xf32, #tpu.memory_space<hbm>> -> memref<400x128xf32, #tpu.memory_space<hbm>>
          %dma_start3A_32 = arith.constant 0 : i32
          %dma_start3A_33 = tpu.memref_slice %arg7[%multiple_of3A, %dma_start3A_32] : memref<80000x128xf32, #tpu.memory_space<hbm>> -> memref<400x128xf32, #tpu.memory_space<hbm>>
          tpu.enqueue_dma source(%arg12 : memref<400x128xf32, #tpu.memory_space<vmem>>) target(%dma_start3A_33 : memref<400x128xf32, #tpu.memory_space<hbm>>) target_semaphore(%run_scoped3A : memref<!tpu.dma_semaphore, #tpu.memory_space<semaphore_mem>>)
          %dma_wait3A_34 = arith.constant 0 : i32
          %dma_wait3A_35 = tpu.memref_slice %arg7[%multiple_of3A, %dma_wait3A_34] : memref<80000x128xf32, #tpu.memory_space<hbm>> -> memref<400x128xf32, #tpu.memory_space<hbm>>
          %dma_wait3A_36 = arith.constant 0 : i32
          %dma_wait3A_37 = tpu.memref_slice %arg7[%multiple_of3A, %dma_wait3A_36] : memref<80000x128xf32, #tpu.memory_space<hbm>> -> memref<400x128xf32, #tpu.memory_space<hbm>>
          tpu.wait_dma2 semaphore(%run_scoped3A : memref<!tpu.dma_semaphore, #tpu.memory_space<semaphore_mem>>) src(%arg12 : memref<400x128xf32, #tpu.memory_space<vmem>>) dst(%dma_wait3A_37 : memref<400x128xf32, #tpu.memory_space<hbm>>)
          tpu.yield
        }) : () -> ()
        %dma_start3A_24 = arith.constant 0 : i32
        %dma_start3A_25 = arith.constant 0 : i32
        %dma_start3A_26 = tpu.memref_slice %arg3[%dma_start3A_24, %dma_start3A_25] : memref<10000x128xf32, #tpu.memory_space<hbm>> -> memref<10000x128xf32, #tpu.memory_space<hbm>>
        tpu.enqueue_indirect_dma source(%dma_start3A_26 : memref<10000x128xf32, #tpu.memory_space<hbm>>) target(%arg11 : memref<400x128xf32, #tpu.memory_space<vmem>>) offsets(%arg9 : memref<400xi32, #tpu.memory_space<vmem>>) semaphore(%arg13 : memref<!tpu.dma_semaphore, #tpu.memory_space<semaphore_mem>>)
        %dma_wait3A_27 = arith.constant 0 : i32
        %dma_wait3A_28 = arith.constant 0 : i32
        %dma_wait3A_29 = tpu.memref_slice %arg3[%dma_wait3A_27, %dma_wait3A_28] : memref<10000x128xf32, #tpu.memory_space<hbm>> -> memref<10000x128xf32, #tpu.memory_space<hbm>>
        tpu.wait_indirect_dma semaphore(%arg13 : memref<!tpu.dma_semaphore, #tpu.memory_space<semaphore_mem>>) src(%dma_wait3A_29 : memref<10000x128xf32, #tpu.memory_space<hbm>>) dst(%arg11 : memref<400x128xf32, #tpu.memory_space<vmem>>)
        "tpu.region"() ({
          %run_scoped3A = tpu.sem_alloc : memref<!tpu.dma_semaphore, #tpu.memory_space<semaphore_mem>>
          %dma_start3A_30 = arith.constant 0 : i32
          %dma_start3A_31 = tpu.memref_slice %arg8[%multiple_of3A, %dma_start3A_30] : memref<80000x128xf32, #tpu.memory_space<hbm>> -> memref<400x128xf32, #tpu.memory_space<hbm>>
          %dma_start3A_32 = arith.constant 0 : i32
          %dma_start3A_33 = tpu.memref_slice %arg8[%multiple_of3A, %dma_start3A_32] : memref<80000x128xf32, #tpu.memory_space<hbm>> -> memref<400x128xf32, #tpu.memory_space<hbm>>
          tpu.enqueue_dma source(%arg11 : memref<400x128xf32, #tpu.memory_space<vmem>>) target(%dma_start3A_33 : memref<400x128xf32, #tpu.memory_space<hbm>>) target_semaphore(%run_scoped3A : memref<!tpu.dma_semaphore, #tpu.memory_space<semaphore_mem>>)
          %dma_wait3A_34 = arith.constant 0 : i32
          %dma_wait3A_35 = tpu.memref_slice %arg8[%multiple_of3A, %dma_wait3A_34] : memref<80000x128xf32, #tpu.memory_space<hbm>> -> memref<400x128xf32, #tpu.memory_space<hbm>>
          %dma_wait3A_36 = arith.constant 0 : i32
          %dma_wait3A_37 = tpu.memref_slice %arg8[%multiple_of3A, %dma_wait3A_36] : memref<80000x128xf32, #tpu.memory_space<hbm>> -> memref<400x128xf32, #tpu.memory_space<hbm>>
          tpu.wait_dma2 semaphore(%run_scoped3A : memref<!tpu.dma_semaphore, #tpu.memory_space<semaphore_mem>>) src(%arg11 : memref<400x128xf32, #tpu.memory_space<vmem>>) dst(%dma_wait3A_37 : memref<400x128xf32, #tpu.memory_space<hbm>>)
          tpu.yield
        }) : () -> ()
      } else {
      }
    }
    %scan3A_5 = arith.constant 7 : i32
    return
  }
}

#map = affine_map<(d0, d1) -> (0, 0)>
#map1 = affine_map<(d0, d1) -> (0)>
module attributes {stable_mosaic.version = 14 : i64} {
  func.func @_sc_gather_edges(%arg0: i32, %arg1: i32, %arg2: memref<10000x128xf32, #tpu.memory_space<hbm>>, %arg3: memref<10000x128xf32, #tpu.memory_space<hbm>>, %arg4: memref<80000xi32, #tpu.memory_space<hbm>>, %arg5: memref<80000xi32, #tpu.memory_space<hbm>>, %arg6: memref<80000x128xf32, #tpu.memory_space<hbm>>, %arg7: memref<80000x128xf32, #tpu.memory_space<hbm>>, %arg8: memref<80000x128xf32, #tpu.memory_space<hbm>>, %arg9: memref<400xi32, #tpu.memory_space<vmem>>, %arg10: memref<400xi32, #tpu.memory_space<vmem>>, %arg11: memref<400x128xf32, #tpu.memory_space<vmem>>, %arg12: memref<400x128xf32, #tpu.memory_space<vmem>>, %arg13: memref<!tpu.dma_semaphore, #tpu.memory_space<semaphore_mem>>, %arg14: memref<!tpu.dma_semaphore, #tpu.memory_space<semaphore_mem>>) attributes {dimension_semantics = [#tpu.dimension_semantics<core_parallel>, #tpu.dimension_semantics<subcore_parallel>], iteration_bounds = array<i64: 2, 16>, scalar_prefetch = 0 : i64, scratch_operands = 6 : i64, tpu.core_type = #tpu.core_type<sc_vector_subcore>, window_params = [{transform_indices = #map}, {transform_indices = #map}, {transform_indices = #map1}, {transform_indices = #map1}, {transform_indices = #map}, {transform_indices = #map}, {transform_indices = #map}]} {
    %mul3A = arith.constant 16 : i32
    %mul3A_0 = arith.muli %arg0, %mul3A : i32
    %add3A = arith.addi %mul3A_0, %arg1 : i32
    %scan3A = arith.constant 0 : i32
    %scan3A_1 = arith.constant 0 : i32
    %scan3A_2 = arith.constant 7 : i32
    %scan3A_3 = arith.addi %scan3A_1, %scan3A_2 : i32
    %scan3A_4 = arith.constant 1 : i32
    scf.for %scan3A_6 = %scan3A_1 to %scan3A_3 step %scan3A_4  : i32 {
      %mul3A_7 = arith.constant 32 : i32
      %mul3A_8 = arith.muli %mul3A_7, %scan3A_6 : i32
      %add3A_9 = arith.addi %add3A, %mul3A_8 : i32
      %lt3A = arith.constant 200 : i32
      %lt3A_10 = arith.cmpi slt, %add3A_9, %lt3A : i32
      %convert_element_type3A = arith.extui %lt3A_10 : i1 to i32
      %cond3A = arith.constant 0 : i32
      %cond3A_11 = arith.cmpi ne, %convert_element_type3A, %cond3A : i32
      scf.if %cond3A_11 {
        %mul3A_12 = arith.constant 400 : i32
        %mul3A_13 = arith.muli %add3A_9, %mul3A_12 : i32
        %multiple_of3A = tpu.assume_multiple %mul3A_13, 8 : i32
        "tpu.region"() ({
          %run_scoped3A = tpu.sem_alloc : memref<!tpu.dma_semaphore, #tpu.memory_space<semaphore_mem>>
          %dma_start3A_30 = tpu.memref_slice %arg4[%multiple_of3A] : memref<80000xi32, #tpu.memory_space<hbm>> -> memref<400xi32, #tpu.memory_space<hbm>>
          %dma_start3A_31 = tpu.memref_slice %arg4[%multiple_of3A] : memref<80000xi32, #tpu.memory_space<hbm>> -> memref<400xi32, #tpu.memory_space<hbm>>
          tpu.enqueue_dma source(%dma_start3A_31 : memref<400xi32, #tpu.memory_space<hbm>>) target(%arg9 : memref<400xi32, #tpu.memory_space<vmem>>) target_semaphore(%run_scoped3A : memref<!tpu.dma_semaphore, #tpu.memory_space<semaphore_mem>>)
          %dma_wait3A_32 = tpu.memref_slice %arg4[%multiple_of3A] : memref<80000xi32, #tpu.memory_space<hbm>> -> memref<400xi32, #tpu.memory_space<hbm>>
          %dma_wait3A_33 = tpu.memref_slice %arg4[%multiple_of3A] : memref<80000xi32, #tpu.memory_space<hbm>> -> memref<400xi32, #tpu.memory_space<hbm>>
          tpu.wait_dma2 semaphore(%run_scoped3A : memref<!tpu.dma_semaphore, #tpu.memory_space<semaphore_mem>>) src(%dma_wait3A_33 : memref<400xi32, #tpu.memory_space<hbm>>) dst(%arg9 : memref<400xi32, #tpu.memory_space<vmem>>)
          tpu.yield
        }) : () -> ()
        "tpu.region"() ({
          %run_scoped3A = tpu.sem_alloc : memref<!tpu.dma_semaphore, #tpu.memory_space<semaphore_mem>>
          %dma_start3A_30 = tpu.memref_slice %arg5[%multiple_of3A] : memref<80000xi32, #tpu.memory_space<hbm>> -> memref<400xi32, #tpu.memory_space<hbm>>
          %dma_start3A_31 = tpu.memref_slice %arg5[%multiple_of3A] : memref<80000xi32, #tpu.memory_space<hbm>> -> memref<400xi32, #tpu.memory_space<hbm>>
          tpu.enqueue_dma source(%dma_start3A_31 : memref<400xi32, #tpu.memory_space<hbm>>) target(%arg10 : memref<400xi32, #tpu.memory_space<vmem>>) target_semaphore(%run_scoped3A : memref<!tpu.dma_semaphore, #tpu.memory_space<semaphore_mem>>)
          %dma_wait3A_32 = tpu.memref_slice %arg5[%multiple_of3A] : memref<80000xi32, #tpu.memory_space<hbm>> -> memref<400xi32, #tpu.memory_space<hbm>>
          %dma_wait3A_33 = tpu.memref_slice %arg5[%multiple_of3A] : memref<80000xi32, #tpu.memory_space<hbm>> -> memref<400xi32, #tpu.memory_space<hbm>>
          tpu.wait_dma2 semaphore(%run_scoped3A : memref<!tpu.dma_semaphore, #tpu.memory_space<semaphore_mem>>) src(%dma_wait3A_33 : memref<400xi32, #tpu.memory_space<hbm>>) dst(%arg10 : memref<400xi32, #tpu.memory_space<vmem>>)
          tpu.yield
        }) : () -> ()
        %dma_start3A = arith.constant 0 : i32
        %dma_start3A_14 = arith.constant 0 : i32
        %dma_start3A_15 = tpu.memref_slice %arg2[%dma_start3A, %dma_start3A_14] : memref<10000x128xf32, #tpu.memory_space<hbm>> -> memref<10000x128xf32, #tpu.memory_space<hbm>>
        tpu.enqueue_indirect_dma source(%dma_start3A_15 : memref<10000x128xf32, #tpu.memory_space<hbm>>) target(%arg11 : memref<400x128xf32, #tpu.memory_space<vmem>>) offsets(%arg9 : memref<400xi32, #tpu.memory_space<vmem>>) semaphore(%arg13 : memref<!tpu.dma_semaphore, #tpu.memory_space<semaphore_mem>>)
        %dma_start3A_16 = arith.constant 0 : i32
        %dma_start3A_17 = arith.constant 0 : i32
        %dma_start3A_18 = tpu.memref_slice %arg2[%dma_start3A_16, %dma_start3A_17] : memref<10000x128xf32, #tpu.memory_space<hbm>> -> memref<10000x128xf32, #tpu.memory_space<hbm>>
        tpu.enqueue_indirect_dma source(%dma_start3A_18 : memref<10000x128xf32, #tpu.memory_space<hbm>>) target(%arg12 : memref<400x128xf32, #tpu.memory_space<vmem>>) offsets(%arg10 : memref<400xi32, #tpu.memory_space<vmem>>) semaphore(%arg14 : memref<!tpu.dma_semaphore, #tpu.memory_space<semaphore_mem>>)
        %dma_wait3A = arith.constant 0 : i32
        %dma_wait3A_19 = arith.constant 0 : i32
        %dma_wait3A_20 = tpu.memref_slice %arg2[%dma_wait3A, %dma_wait3A_19] : memref<10000x128xf32, #tpu.memory_space<hbm>> -> memref<10000x128xf32, #tpu.memory_space<hbm>>
        tpu.wait_indirect_dma semaphore(%arg13 : memref<!tpu.dma_semaphore, #tpu.memory_space<semaphore_mem>>) src(%dma_wait3A_20 : memref<10000x128xf32, #tpu.memory_space<hbm>>) dst(%arg11 : memref<400x128xf32, #tpu.memory_space<vmem>>)
        %dma_wait3A_21 = arith.constant 0 : i32
        %dma_wait3A_22 = arith.constant 0 : i32
        %dma_wait3A_23 = tpu.memref_slice %arg2[%dma_wait3A_21, %dma_wait3A_22] : memref<10000x128xf32, #tpu.memory_space<hbm>> -> memref<10000x128xf32, #tpu.memory_space<hbm>>
        tpu.wait_indirect_dma semaphore(%arg14 : memref<!tpu.dma_semaphore, #tpu.memory_space<semaphore_mem>>) src(%dma_wait3A_23 : memref<10000x128xf32, #tpu.memory_space<hbm>>) dst(%arg12 : memref<400x128xf32, #tpu.memory_space<vmem>>)
        "tpu.region"() ({
          %run_scoped3A = tpu.sem_alloc : memref<!tpu.dma_semaphore, #tpu.memory_space<semaphore_mem>>
          %dma_start3A_30 = arith.constant 0 : i32
          %dma_start3A_31 = tpu.memref_slice %arg6[%multiple_of3A, %dma_start3A_30] : memref<80000x128xf32, #tpu.memory_space<hbm>> -> memref<400x128xf32, #tpu.memory_space<hbm>>
          %dma_start3A_32 = arith.constant 0 : i32
          %dma_start3A_33 = tpu.memref_slice %arg6[%multiple_of3A, %dma_start3A_32] : memref<80000x128xf32, #tpu.memory_space<hbm>> -> memref<400x128xf32, #tpu.memory_space<hbm>>
          tpu.enqueue_dma source(%arg11 : memref<400x128xf32, #tpu.memory_space<vmem>>) target(%dma_start3A_33 : memref<400x128xf32, #tpu.memory_space<hbm>>) target_semaphore(%run_scoped3A : memref<!tpu.dma_semaphore, #tpu.memory_space<semaphore_mem>>)
          %dma_wait3A_34 = arith.constant 0 : i32
          %dma_wait3A_35 = tpu.memref_slice %arg6[%multiple_of3A, %dma_wait3A_34] : memref<80000x128xf32, #tpu.memory_space<hbm>> -> memref<400x128xf32, #tpu.memory_space<hbm>>
          %dma_wait3A_36 = arith.constant 0 : i32
          %dma_wait3A_37 = tpu.memref_slice %arg6[%multiple_of3A, %dma_wait3A_36] : memref<80000x128xf32, #tpu.memory_space<hbm>> -> memref<400x128xf32, #tpu.memory_space<hbm>>
          tpu.wait_dma2 semaphore(%run_scoped3A : memref<!tpu.dma_semaphore, #tpu.memory_space<semaphore_mem>>) src(%arg11 : memref<400x128xf32, #tpu.memory_space<vmem>>) dst(%dma_wait3A_37 : memref<400x128xf32, #tpu.memory_space<hbm>>)
          tpu.yield
        }) : () -> ()
        "tpu.region"() ({
          %run_scoped3A = tpu.sem_alloc : memref<!tpu.dma_semaphore, #tpu.memory_space<semaphore_mem>>
          %dma_start3A_30 = arith.constant 0 : i32
          %dma_start3A_31 = tpu.memref_slice %arg7[%multiple_of3A, %dma_start3A_30] : memref<80000x128xf32, #tpu.memory_space<hbm>> -> memref<400x128xf32, #tpu.memory_space<hbm>>
          %dma_start3A_32 = arith.constant 0 : i32
          %dma_start3A_33 = tpu.memref_slice %arg7[%multiple_of3A, %dma_start3A_32] : memref<80000x128xf32, #tpu.memory_space<hbm>> -> memref<400x128xf32, #tpu.memory_space<hbm>>
          tpu.enqueue_dma source(%arg12 : memref<400x128xf32, #tpu.memory_space<vmem>>) target(%dma_start3A_33 : memref<400x128xf32, #tpu.memory_space<hbm>>) target_semaphore(%run_scoped3A : memref<!tpu.dma_semaphore, #tpu.memory_space<semaphore_mem>>)
          %dma_wait3A_34 = arith.constant 0 : i32
          %dma_wait3A_35 = tpu.memref_slice %arg7[%multiple_of3A, %dma_wait3A_34] : memref<80000x128xf32, #tpu.memory_space<hbm>> -> memref<400x128xf32, #tpu.memory_space<hbm>>
          %dma_wait3A_36 = arith.constant 0 : i32
          %dma_wait3A_37 = tpu.memref_slice %arg7[%multiple_of3A, %dma_wait3A_36] : memref<80000x128xf32, #tpu.memory_space<hbm>> -> memref<400x128xf32, #tpu.memory_space<hbm>>
          tpu.wait_dma2 semaphore(%run_scoped3A : memref<!tpu.dma_semaphore, #tpu.memory_space<semaphore_mem>>) src(%arg12 : memref<400x128xf32, #tpu.memory_space<vmem>>) dst(%dma_wait3A_37 : memref<400x128xf32, #tpu.memory_space<hbm>>)
          tpu.yield
        }) : () -> ()
        %dma_start3A_24 = arith.constant 0 : i32
        %dma_start3A_25 = arith.constant 0 : i32
        %dma_start3A_26 = tpu.memref_slice %arg3[%dma_start3A_24, %dma_start3A_25] : memref<10000x128xf32, #tpu.memory_space<hbm>> -> memref<10000x128xf32, #tpu.memory_space<hbm>>
        tpu.enqueue_indirect_dma source(%dma_start3A_26 : memref<10000x128xf32, #tpu.memory_space<hbm>>) target(%arg11 : memref<400x128xf32, #tpu.memory_space<vmem>>) offsets(%arg9 : memref<400xi32, #tpu.memory_space<vmem>>) semaphore(%arg13 : memref<!tpu.dma_semaphore, #tpu.memory_space<semaphore_mem>>)
        %dma_wait3A_27 = arith.constant 0 : i32
        %dma_wait3A_28 = arith.constant 0 : i32
        %dma_wait3A_29 = tpu.memref_slice %arg3[%dma_wait3A_27, %dma_wait3A_28] : memref<10000x128xf32, #tpu.memory_space<hbm>> -> memref<10000x128xf32, #tpu.memory_space<hbm>>
        tpu.wait_indirect_dma semaphore(%arg13 : memref<!tpu.dma_semaphore, #tpu.memory_space<semaphore_mem>>) src(%dma_wait3A_29 : memref<10000x128xf32, #tpu.memory_space<hbm>>) dst(%arg11 : memref<400x128xf32, #tpu.memory_space<vmem>>)
        "tpu.region"() ({
          %run_scoped3A = tpu.sem_alloc : memref<!tpu.dma_semaphore, #tpu.memory_space<semaphore_mem>>
          %dma_start3A_30 = arith.constant 0 : i32
          %dma_start3A_31 = tpu.memref_slice %arg8[%multiple_of3A, %dma_start3A_30] : memref<80000x128xf32, #tpu.memory_space<hbm>> -> memref<400x128xf32, #tpu.memory_space<hbm>>
          %dma_start3A_32 = arith.constant 0 : i32
          %dma_start3A_33 = tpu.memref_slice %arg8[%multiple_of3A, %dma_start3A_32] : memref<80000x128xf32, #tpu.memory_space<hbm>> -> memref<400x128xf32, #tpu.memory_space<hbm>>
          tpu.enqueue_dma source(%arg11 : memref<400x128xf32, #tpu.memory_space<vmem>>) target(%dma_start3A_33 : memref<400x128xf32, #tpu.memory_space<hbm>>) target_semaphore(%run_scoped3A : memref<!tpu.dma_semaphore, #tpu.memory_space<semaphore_mem>>)
          %dma_wait3A_34 = arith.constant 0 : i32
          %dma_wait3A_35 = tpu.memref_slice %arg8[%multiple_of3A, %dma_wait3A_34] : memref<80000x128xf32, #tpu.memory_space<hbm>> -> memref<400x128xf32, #tpu.memory_space<hbm>>
          %dma_wait3A_36 = arith.constant 0 : i32
          %dma_wait3A_37 = tpu.memref_slice %arg8[%multiple_of3A, %dma_wait3A_36] : memref<80000x128xf32, #tpu.memory_space<hbm>> -> memref<400x128xf32, #tpu.memory_space<hbm>>
          tpu.wait_dma2 semaphore(%run_scoped3A : memref<!tpu.dma_semaphore, #tpu.memory_space<semaphore_mem>>) src(%arg11 : memref<400x128xf32, #tpu.memory_space<vmem>>) dst(%dma_wait3A_37 : memref<400x128xf32, #tpu.memory_space<hbm>>)
          tpu.yield
        }) : () -> ()
      } else {
      }
    }
    %scan3A_5 = arith.constant 7 : i32
    return
  }
}

#map = affine_map<(d0, d1) -> (0, 0)>
#map1 = affine_map<(d0, d1) -> (0)>
module attributes {stable_mosaic.version = 14 : i64} {
  func.func @_sc_scatter_e(%arg0: i32, %arg1: i32, %arg2: memref<80000x128xf32, #tpu.memory_space<hbm>>, %arg3: memref<80000xi32, #tpu.memory_space<hbm>>, %arg4: memref<320x128xf32, #tpu.memory_space<hbm>>, %arg5: memref<128x128xf32, #tpu.memory_space<hbm>>, %arg6: memref<10000x128xf32, #tpu.memory_space<hbm>>, %arg7: memref<10000x128xf32, #tpu.memory_space<hbm>>, %arg8: memref<128xi32, #tpu.memory_space<vmem>>, %arg9: memref<128xi32, #tpu.memory_space<vmem>>, %arg10: memref<128x128xf32, #tpu.memory_space<vmem>>, %arg11: memref<128x128xf32, #tpu.memory_space<vmem>>, %arg12: memref<40x128xf32, #tpu.memory_space<vmem>>, %arg13: memref<5120x128xf32, #tpu.memory_space<vmem_shared>>, %arg14: memref<5120x128xf32, #tpu.memory_space<vmem_shared>>) attributes {dimension_semantics = [#tpu.dimension_semantics<core_parallel>, #tpu.dimension_semantics<subcore_parallel>], iteration_bounds = array<i64: 2, 16>, scalar_prefetch = 0 : i64, scratch_operands = 7 : i64, tpu.core_type = #tpu.core_type<sc_vector_subcore>, window_params = [{transform_indices = #map}, {transform_indices = #map1}, {transform_indices = #map}, {transform_indices = #map}, {transform_indices = #map}, {transform_indices = #map}]} {
    %mul3A = arith.constant 5000 : i32
    %mul3A_0 = arith.muli %arg0, %mul3A : i32
    %mul3A_1 = arith.constant 320 : i32
    %mul3A_2 = arith.muli %arg1, %mul3A_1 : i32
    %multiple_of3A = tpu.assume_multiple %mul3A_2, 8 : i32
    "tpu.region"() ({
      %run_scoped3A = tpu.sem_alloc : memref<!tpu.dma_semaphore, #tpu.memory_space<semaphore_mem>>
      %dma_start3A = arith.constant 0 : i32
      %dma_start3A_15 = tpu.memref_slice %arg13[%multiple_of3A, %dma_start3A] : memref<5120x128xf32, #tpu.memory_space<vmem_shared>> -> memref<320x128xf32, #tpu.memory_space<vmem_shared>>
      tpu.enqueue_dma source(%arg4 : memref<320x128xf32, #tpu.memory_space<hbm>>) target(%dma_start3A_15 : memref<320x128xf32, #tpu.memory_space<vmem_shared>>) target_semaphore(%run_scoped3A : memref<!tpu.dma_semaphore, #tpu.memory_space<semaphore_mem>>)
      %dma_wait3A = arith.constant 0 : i32
      %dma_wait3A_16 = tpu.memref_slice %arg13[%multiple_of3A, %dma_wait3A] : memref<5120x128xf32, #tpu.memory_space<vmem_shared>> -> memref<320x128xf32, #tpu.memory_space<vmem_shared>>
      tpu.wait_dma2 semaphore(%run_scoped3A : memref<!tpu.dma_semaphore, #tpu.memory_space<semaphore_mem>>) src(%arg4 : memref<320x128xf32, #tpu.memory_space<hbm>>) dst(%dma_wait3A_16 : memref<320x128xf32, #tpu.memory_space<vmem_shared>>)
      tpu.yield
    }) : () -> ()
    "tpu.region"() ({
      %run_scoped3A = tpu.sem_alloc : memref<!tpu.dma_semaphore, #tpu.memory_space<semaphore_mem>>
      %dma_start3A = arith.constant 0 : i32
      %dma_start3A_15 = tpu.memref_slice %arg14[%multiple_of3A, %dma_start3A] : memref<5120x128xf32, #tpu.memory_space<vmem_shared>> -> memref<320x128xf32, #tpu.memory_space<vmem_shared>>
      tpu.enqueue_dma source(%arg4 : memref<320x128xf32, #tpu.memory_space<hbm>>) target(%dma_start3A_15 : memref<320x128xf32, #tpu.memory_space<vmem_shared>>) target_semaphore(%run_scoped3A : memref<!tpu.dma_semaphore, #tpu.memory_space<semaphore_mem>>)
      %dma_wait3A = arith.constant 0 : i32
      %dma_wait3A_16 = tpu.memref_slice %arg14[%multiple_of3A, %dma_wait3A] : memref<5120x128xf32, #tpu.memory_space<vmem_shared>> -> memref<320x128xf32, #tpu.memory_space<vmem_shared>>
      tpu.wait_dma2 semaphore(%run_scoped3A : memref<!tpu.dma_semaphore, #tpu.memory_space<semaphore_mem>>) src(%arg4 : memref<320x128xf32, #tpu.memory_space<hbm>>) dst(%dma_wait3A_16 : memref<320x128xf32, #tpu.memory_space<vmem_shared>>)
      tpu.yield
    }) : () -> ()
    "tpu.region"() ({
      %run_scoped3A = tpu.sem_alloc : memref<!tpu.dma_semaphore, #tpu.memory_space<semaphore_mem>>
      tpu.enqueue_dma source(%arg5 : memref<128x128xf32, #tpu.memory_space<hbm>>) target(%arg11 : memref<128x128xf32, #tpu.memory_space<vmem>>) target_semaphore(%run_scoped3A : memref<!tpu.dma_semaphore, #tpu.memory_space<semaphore_mem>>)
      tpu.wait_dma2 semaphore(%run_scoped3A : memref<!tpu.dma_semaphore, #tpu.memory_space<semaphore_mem>>) src(%arg5 : memref<128x128xf32, #tpu.memory_space<hbm>>) dst(%arg11 : memref<128x128xf32, #tpu.memory_space<vmem>>)
      tpu.yield
    }) : () -> ()
    %barrier3A = arith.constant 0 : index
    tpu.barrier barrier_id(%barrier3A)
    %scan3A = arith.constant 0 : i32
    %scan3A_3 = arith.constant 0 : i32
    %scan3A_4 = arith.constant 40 : i32
    %scan3A_5 = arith.addi %scan3A_3, %scan3A_4 : i32
    %scan3A_6 = arith.constant 1 : i32
    scf.for %scan3A_15 = %scan3A_3 to %scan3A_5 step %scan3A_6  : i32 {
      %mul3A_16 = arith.constant 16 : i32
      %mul3A_17 = arith.muli %mul3A_16, %scan3A_15 : i32
      %add3A = arith.addi %arg1, %mul3A_17 : i32
      %lt3A = arith.constant 625 : i32
      %lt3A_18 = arith.cmpi slt, %add3A, %lt3A : i32
      %convert_element_type3A = arith.extui %lt3A_18 : i1 to i32
      %cond3A = arith.constant 0 : i32
      %cond3A_19 = arith.cmpi ne, %convert_element_type3A, %cond3A : i32
      scf.if %cond3A_19 {
        %mul3A_20 = arith.constant 128 : i32
        %mul3A_21 = arith.muli %add3A, %mul3A_20 : i32
        %multiple_of3A_22 = tpu.assume_multiple %mul3A_21, 8 : i32
        "tpu.region"() ({
          %run_scoped3A = tpu.sem_alloc : memref<!tpu.dma_semaphore, #tpu.memory_space<semaphore_mem>>
          %dma_start3A = tpu.memref_slice %arg3[%multiple_of3A_22] : memref<80000xi32, #tpu.memory_space<hbm>> -> memref<128xi32, #tpu.memory_space<hbm>>
          %dma_start3A_29 = tpu.memref_slice %arg3[%multiple_of3A_22] : memref<80000xi32, #tpu.memory_space<hbm>> -> memref<128xi32, #tpu.memory_space<hbm>>
          tpu.enqueue_dma source(%dma_start3A_29 : memref<128xi32, #tpu.memory_space<hbm>>) target(%arg8 : memref<128xi32, #tpu.memory_space<vmem>>) target_semaphore(%run_scoped3A : memref<!tpu.dma_semaphore, #tpu.memory_space<semaphore_mem>>)
          %dma_wait3A = tpu.memref_slice %arg3[%multiple_of3A_22] : memref<80000xi32, #tpu.memory_space<hbm>> -> memref<128xi32, #tpu.memory_space<hbm>>
          %dma_wait3A_30 = tpu.memref_slice %arg3[%multiple_of3A_22] : memref<80000xi32, #tpu.memory_space<hbm>> -> memref<128xi32, #tpu.memory_space<hbm>>
          tpu.wait_dma2 semaphore(%run_scoped3A : memref<!tpu.dma_semaphore, #tpu.memory_space<semaphore_mem>>) src(%dma_wait3A_30 : memref<128xi32, #tpu.memory_space<hbm>>) dst(%arg8 : memref<128xi32, #tpu.memory_space<vmem>>)
          tpu.yield
        }) : () -> ()
        %scan3A_23 = arith.constant 0 : i32
        %scan3A_24 = arith.constant 0 : i32
        %scan3A_25 = arith.constant 8 : i32
        %scan3A_26 = arith.addi %scan3A_24, %scan3A_25 : i32
        %scan3A_27 = arith.constant 1 : i32
        scf.for %scan3A_29 = %scan3A_24 to %scan3A_26 step %scan3A_27  : i32 {
          %mul3A_30 = arith.constant 16 : i32
          %mul3A_31 = arith.muli %scan3A_29, %mul3A_30 : i32
          %get3A = arith.index_cast %mul3A_31 : i32 to index
          %get3A_32 = tpu.vector_load %arg8[%get3A] {strides = array<i32>} : memref<128xi32, #tpu.memory_space<vmem>>, vector<16xi32>,
          %get3A_33 = vector.shape_cast %get3A_32 : vector<16xi32> to vector<16xi32>
          %sub3A = vector.broadcast %mul3A_0 : i32 to vector<16xi32>
          %sub3A_34 = arith.subi %get3A_33, %sub3A : vector<16xi32>
          %ge3A = arith.constant 0 : i32
          %ge3A_35 = vector.broadcast %ge3A : i32 to vector<16xi32>
          %ge3A_36 = arith.cmpi sge, %sub3A_34, %ge3A_35 : vector<16xi32>
          %lt3A_37 = arith.constant 5000 : i32
          %lt3A_38 = vector.broadcast %lt3A_37 : i32 to vector<16xi32>
          %lt3A_39 = arith.cmpi slt, %sub3A_34, %lt3A_38 : vector<16xi32>
          %and3A = arith.andi %ge3A_36, %lt3A_39 : vector<16xi1>
          %jit3A = arith.constant 5000 : i32
          %broadcast_in_dim3A = vector.broadcast %jit3A : i32 to vector<16xi32>
          %select_n3A = arith.select %and3A, %sub3A_34, %broadcast_in_dim3A : vector<16xi1>, vector<16xi32>
          %mul3A_40 = arith.constant 16 : i32
          %mul3A_41 = arith.muli %scan3A_29, %mul3A_40 : i32
          %swap3A = arith.index_cast %mul3A_41 : i32 to index
          %swap3A_42 = tpu.vector_load %arg9[%swap3A] {strides = array<i32>} : memref<128xi32, #tpu.memory_space<vmem>>, vector<16xi32>,
          %swap3A_43 = vector.shape_cast %swap3A_42 : vector<16xi32> to vector<16xi32>
          %swap3A_44 = vector.shape_cast %select_n3A : vector<16xi32> to vector<16xi32>
          tpu.vector_store %arg9[%swap3A], %swap3A_44 {strides = array<i32>} : memref<128xi32, #tpu.memory_space<vmem>>, vector<16xi32>,
        }
        %scan3A_28 = arith.constant 8 : i32
        "tpu.region"() ({
          %run_scoped3A = tpu.sem_alloc : memref<!tpu.dma_semaphore, #tpu.memory_space<semaphore_mem>>
          %dma_start3A = arith.constant 0 : i32
          %dma_start3A_29 = tpu.memref_slice %arg2[%multiple_of3A_22, %dma_start3A] : memref<80000x128xf32, #tpu.memory_space<hbm>> -> memref<128x128xf32, #tpu.memory_space<hbm>>
          %dma_start3A_30 = arith.constant 0 : i32
          %dma_start3A_31 = tpu.memref_slice %arg2[%multiple_of3A_22, %dma_start3A_30] : memref<80000x128xf32, #tpu.memory_space<hbm>> -> memref<128x128xf32, #tpu.memory_space<hbm>>
          tpu.enqueue_dma source(%dma_start3A_31 : memref<128x128xf32, #tpu.memory_space<hbm>>) target(%arg10 : memref<128x128xf32, #tpu.memory_space<vmem>>) target_semaphore(%run_scoped3A : memref<!tpu.dma_semaphore, #tpu.memory_space<semaphore_mem>>)
          %dma_wait3A = arith.constant 0 : i32
          %dma_wait3A_32 = tpu.memref_slice %arg2[%multiple_of3A_22, %dma_wait3A] : memref<80000x128xf32, #tpu.memory_space<hbm>> -> memref<128x128xf32, #tpu.memory_space<hbm>>
          %dma_wait3A_33 = arith.constant 0 : i32
          %dma_wait3A_34 = tpu.memref_slice %arg2[%multiple_of3A_22, %dma_wait3A_33] : memref<80000x128xf32, #tpu.memory_space<hbm>> -> memref<128x128xf32, #tpu.memory_space<hbm>>
          tpu.wait_dma2 semaphore(%run_scoped3A : memref<!tpu.dma_semaphore, #tpu.memory_space<semaphore_mem>>) src(%dma_wait3A_34 : memref<128x128xf32, #tpu.memory_space<hbm>>) dst(%arg10 : memref<128x128xf32, #tpu.memory_space<vmem>>)
          tpu.yield
        }) : () -> ()
        "tpu.region"() ({
          %run_scoped3A = tpu.sem_alloc : memref<!tpu.dma_semaphore, #tpu.memory_space<semaphore_mem>>
          %dma_start3A = arith.constant 0 : i32
          %dma_start3A_29 = arith.constant 0 : i32
          %dma_start3A_30 = tpu.memref_slice %arg13[%dma_start3A, %dma_start3A_29] : memref<5120x128xf32, #tpu.memory_space<vmem_shared>> -> memref<5120x128xf32, #tpu.memory_space<vmem_shared>>
          tpu.enqueue_indirect_dma source(%arg10 : memref<128x128xf32, #tpu.memory_space<vmem>>) target(%dma_start3A_30 : memref<5120x128xf32, #tpu.memory_space<vmem_shared>>) offsets(%arg9 : memref<128xi32, #tpu.memory_space<vmem>>) semaphore(%run_scoped3A : memref<!tpu.dma_semaphore, #tpu.memory_space<semaphore_mem>>) {add = true}
          %dma_wait3A = arith.constant 0 : i32
          %dma_wait3A_31 = arith.constant 0 : i32
          %dma_wait3A_32 = tpu.memref_slice %arg13[%dma_wait3A, %dma_wait3A_31] : memref<5120x128xf32, #tpu.memory_space<vmem_shared>> -> memref<5120x128xf32, #tpu.memory_space<vmem_shared>>
          tpu.wait_indirect_dma semaphore(%run_scoped3A : memref<!tpu.dma_semaphore, #tpu.memory_space<semaphore_mem>>) src(%arg10 : memref<128x128xf32, #tpu.memory_space<vmem>>) dst(%dma_wait3A_32 : memref<5120x128xf32, #tpu.memory_space<vmem_shared>>)
          tpu.yield
        }) : () -> ()
        "tpu.region"() ({
          %run_scoped3A = tpu.sem_alloc : memref<!tpu.dma_semaphore, #tpu.memory_space<semaphore_mem>>
          %dma_start3A = arith.constant 0 : i32
          %dma_start3A_29 = arith.constant 0 : i32
          %dma_start3A_30 = tpu.memref_slice %arg14[%dma_start3A, %dma_start3A_29] : memref<5120x128xf32, #tpu.memory_space<vmem_shared>> -> memref<5120x128xf32, #tpu.memory_space<vmem_shared>>
          tpu.enqueue_indirect_dma source(%arg11 : memref<128x128xf32, #tpu.memory_space<vmem>>) target(%dma_start3A_30 : memref<5120x128xf32, #tpu.memory_space<vmem_shared>>) offsets(%arg9 : memref<128xi32, #tpu.memory_space<vmem>>) semaphore(%run_scoped3A : memref<!tpu.dma_semaphore, #tpu.memory_space<semaphore_mem>>) {add = true}
          %dma_wait3A = arith.constant 0 : i32
          %dma_wait3A_31 = arith.constant 0 : i32
          %dma_wait3A_32 = tpu.memref_slice %arg14[%dma_wait3A, %dma_wait3A_31] : memref<5120x128xf32, #tpu.memory_space<vmem_shared>> -> memref<5120x128xf32, #tpu.memory_space<vmem_shared>>
          tpu.wait_indirect_dma semaphore(%run_scoped3A : memref<!tpu.dma_semaphore, #tpu.memory_space<semaphore_mem>>) src(%arg11 : memref<128x128xf32, #tpu.memory_space<vmem>>) dst(%dma_wait3A_32 : memref<5120x128xf32, #tpu.memory_space<vmem_shared>>)
          tpu.yield
        }) : () -> ()
      } else {
      }
    }
    %scan3A_7 = arith.constant 40 : i32
    %barrier3A_8 = arith.constant 0 : index
    tpu.barrier barrier_id(%barrier3A_8)
    %scan3A_9 = arith.constant 0 : i32
    %scan3A_10 = arith.constant 0 : i32
    %scan3A_11 = arith.constant 8 : i32
    %scan3A_12 = arith.addi %scan3A_10, %scan3A_11 : i32
    %scan3A_13 = arith.constant 1 : i32
    scf.for %scan3A_15 = %scan3A_10 to %scan3A_12 step %scan3A_13  : i32 {
      %lt3A = arith.constant 15 : i32
      %lt3A_16 = arith.cmpi slt, %arg1, %lt3A : i32
      %lt3A_17 = arith.constant 5 : i32
      %lt3A_18 = arith.cmpi slt, %scan3A_15, %lt3A_17 : i32
      %or3A = arith.ori %lt3A_16, %lt3A_18 : i1
      %convert_element_type3A = arith.extui %or3A : i1 to i32
      %cond3A = arith.constant 0 : i32
      %cond3A_19 = arith.cmpi ne, %convert_element_type3A, %cond3A : i32
      scf.if %cond3A_19 {
        %mul3A_20 = arith.constant 40 : i32
        %mul3A_21 = arith.muli %scan3A_15, %mul3A_20 : i32
        %add3A = arith.addi %multiple_of3A, %mul3A_21 : i32
        %multiple_of3A_22 = tpu.assume_multiple %add3A, 8 : i32
        %add3A_23 = arith.addi %mul3A_0, %multiple_of3A : i32
        %mul3A_24 = arith.constant 40 : i32
        %mul3A_25 = arith.muli %scan3A_15, %mul3A_24 : i32
        %add3A_26 = arith.addi %add3A_23, %mul3A_25 : i32
        %multiple_of3A_27 = tpu.assume_multiple %add3A_26, 8 : i32
        "tpu.region"() ({
          %run_scoped3A = tpu.sem_alloc : memref<!tpu.dma_semaphore, #tpu.memory_space<semaphore_mem>>
          %dma_start3A = arith.constant 0 : i32
          %dma_start3A_28 = tpu.memref_slice %arg13[%multiple_of3A_22, %dma_start3A] : memref<5120x128xf32, #tpu.memory_space<vmem_shared>> -> memref<40x128xf32, #tpu.memory_space<vmem_shared>>
          %dma_start3A_29 = arith.constant 0 : i32
          %dma_start3A_30 = tpu.memref_slice %arg13[%multiple_of3A_22, %dma_start3A_29] : memref<5120x128xf32, #tpu.memory_space<vmem_shared>> -> memref<40x128xf32, #tpu.memory_space<vmem_shared>>
          tpu.enqueue_dma source(%dma_start3A_30 : memref<40x128xf32, #tpu.memory_space<vmem_shared>>) target(%arg12 : memref<40x128xf32, #tpu.memory_space<vmem>>) target_semaphore(%run_scoped3A : memref<!tpu.dma_semaphore, #tpu.memory_space<semaphore_mem>>)
          %dma_wait3A = arith.constant 0 : i32
          %dma_wait3A_31 = tpu.memref_slice %arg13[%multiple_of3A_22, %dma_wait3A] : memref<5120x128xf32, #tpu.memory_space<vmem_shared>> -> memref<40x128xf32, #tpu.memory_space<vmem_shared>>
          %dma_wait3A_32 = arith.constant 0 : i32
          %dma_wait3A_33 = tpu.memref_slice %arg13[%multiple_of3A_22, %dma_wait3A_32] : memref<5120x128xf32, #tpu.memory_space<vmem_shared>> -> memref<40x128xf32, #tpu.memory_space<vmem_shared>>
          tpu.wait_dma2 semaphore(%run_scoped3A : memref<!tpu.dma_semaphore, #tpu.memory_space<semaphore_mem>>) src(%dma_wait3A_33 : memref<40x128xf32, #tpu.memory_space<vmem_shared>>) dst(%arg12 : memref<40x128xf32, #tpu.memory_space<vmem>>)
          tpu.yield
        }) : () -> ()
        "tpu.region"() ({
          %run_scoped3A = tpu.sem_alloc : memref<!tpu.dma_semaphore, #tpu.memory_space<semaphore_mem>>
          %dma_start3A = arith.constant 0 : i32
          %dma_start3A_28 = tpu.memref_slice %arg6[%multiple_of3A_27, %dma_start3A] : memref<10000x128xf32, #tpu.memory_space<hbm>> -> memref<40x128xf32, #tpu.memory_space<hbm>>
          %dma_start3A_29 = arith.constant 0 : i32
          %dma_start3A_30 = tpu.memref_slice %arg6[%multiple_of3A_27, %dma_start3A_29] : memref<10000x128xf32, #tpu.memory_space<hbm>> -> memref<40x128xf32, #tpu.memory_space<hbm>>
          tpu.enqueue_dma source(%arg12 : memref<40x128xf32, #tpu.memory_space<vmem>>) target(%dma_start3A_30 : memref<40x128xf32, #tpu.memory_space<hbm>>) target_semaphore(%run_scoped3A : memref<!tpu.dma_semaphore, #tpu.memory_space<semaphore_mem>>)
          %dma_wait3A = arith.constant 0 : i32
          %dma_wait3A_31 = tpu.memref_slice %arg6[%multiple_of3A_27, %dma_wait3A] : memref<10000x128xf32, #tpu.memory_space<hbm>> -> memref<40x128xf32, #tpu.memory_space<hbm>>
          %dma_wait3A_32 = arith.constant 0 : i32
          %dma_wait3A_33 = tpu.memref_slice %arg6[%multiple_of3A_27, %dma_wait3A_32] : memref<10000x128xf32, #tpu.memory_space<hbm>> -> memref<40x128xf32, #tpu.memory_space<hbm>>
          tpu.wait_dma2 semaphore(%run_scoped3A : memref<!tpu.dma_semaphore, #tpu.memory_space<semaphore_mem>>) src(%arg12 : memref<40x128xf32, #tpu.memory_space<vmem>>) dst(%dma_wait3A_33 : memref<40x128xf32, #tpu.memory_space<hbm>>)
          tpu.yield
        }) : () -> ()
        "tpu.region"() ({
          %run_scoped3A = tpu.sem_alloc : memref<!tpu.dma_semaphore, #tpu.memory_space<semaphore_mem>>
          %dma_start3A = arith.constant 0 : i32
          %dma_start3A_28 = tpu.memref_slice %arg14[%multiple_of3A_22, %dma_start3A] : memref<5120x128xf32, #tpu.memory_space<vmem_shared>> -> memref<40x128xf32, #tpu.memory_space<vmem_shared>>
          %dma_start3A_29 = arith.constant 0 : i32
          %dma_start3A_30 = tpu.memref_slice %arg14[%multiple_of3A_22, %dma_start3A_29] : memref<5120x128xf32, #tpu.memory_space<vmem_shared>> -> memref<40x128xf32, #tpu.memory_space<vmem_shared>>
          tpu.enqueue_dma source(%dma_start3A_30 : memref<40x128xf32, #tpu.memory_space<vmem_shared>>) target(%arg12 : memref<40x128xf32, #tpu.memory_space<vmem>>) target_semaphore(%run_scoped3A : memref<!tpu.dma_semaphore, #tpu.memory_space<semaphore_mem>>)
          %dma_wait3A = arith.constant 0 : i32
          %dma_wait3A_31 = tpu.memref_slice %arg14[%multiple_of3A_22, %dma_wait3A] : memref<5120x128xf32, #tpu.memory_space<vmem_shared>> -> memref<40x128xf32, #tpu.memory_space<vmem_shared>>
          %dma_wait3A_32 = arith.constant 0 : i32
          %dma_wait3A_33 = tpu.memref_slice %arg14[%multiple_of3A_22, %dma_wait3A_32] : memref<5120x128xf32, #tpu.memory_space<vmem_shared>> -> memref<40x128xf32, #tpu.memory_space<vmem_shared>>
          tpu.wait_dma2 semaphore(%run_scoped3A : memref<!tpu.dma_semaphore, #tpu.memory_space<semaphore_mem>>) src(%dma_wait3A_33 : memref<40x128xf32, #tpu.memory_space<vmem_shared>>) dst(%arg12 : memref<40x128xf32, #tpu.memory_space<vmem>>)
          tpu.yield
        }) : () -> ()
        "tpu.region"() ({
          %run_scoped3A = tpu.sem_alloc : memref<!tpu.dma_semaphore, #tpu.memory_space<semaphore_mem>>
          %dma_start3A = arith.constant 0 : i32
          %dma_start3A_28 = tpu.memref_slice %arg7[%multiple_of3A_27, %dma_start3A] : memref<10000x128xf32, #tpu.memory_space<hbm>> -> memref<40x128xf32, #tpu.memory_space<hbm>>
          %dma_start3A_29 = arith.constant 0 : i32
          %dma_start3A_30 = tpu.memref_slice %arg7[%multiple_of3A_27, %dma_start3A_29] : memref<10000x128xf32, #tpu.memory_space<hbm>> -> memref<40x128xf32, #tpu.memory_space<hbm>>
          tpu.enqueue_dma source(%arg12 : memref<40x128xf32, #tpu.memory_space<vmem>>) target(%dma_start3A_30 : memref<40x128xf32, #tpu.memory_space<hbm>>) target_semaphore(%run_scoped3A : memref<!tpu.dma_semaphore, #tpu.memory_space<semaphore_mem>>)
          %dma_wait3A = arith.constant 0 : i32
          %dma_wait3A_31 = tpu.memref_slice %arg7[%multiple_of3A_27, %dma_wait3A] : memref<10000x128xf32, #tpu.memory_space<hbm>> -> memref<40x128xf32, #tpu.memory_space<hbm>>
          %dma_wait3A_32 = arith.constant 0 : i32
          %dma_wait3A_33 = tpu.memref_slice %arg7[%multiple_of3A_27, %dma_wait3A_32] : memref<10000x128xf32, #tpu.memory_space<hbm>> -> memref<40x128xf32, #tpu.memory_space<hbm>>
          tpu.wait_dma2 semaphore(%run_scoped3A : memref<!tpu.dma_semaphore, #tpu.memory_space<semaphore_mem>>) src(%arg12 : memref<40x128xf32, #tpu.memory_space<vmem>>) dst(%dma_wait3A_33 : memref<40x128xf32, #tpu.memory_space<hbm>>)
          tpu.yield
        }) : () -> ()
      } else {
      }
    }
    %scan3A_14 = arith.constant 8 : i32
    return
  }
}

#map = affine_map<(d0, d1) -> (0, 0)>
#map1 = affine_map<(d0, d1) -> (0)>
module attributes {stable_mosaic.version = 14 : i64} {
  func.func @_sc_scatter_e(%arg0: i32, %arg1: i32, %arg2: memref<80000x128xf32, #tpu.memory_space<hbm>>, %arg3: memref<80000xi32, #tpu.memory_space<hbm>>, %arg4: memref<320x128xf32, #tpu.memory_space<hbm>>, %arg5: memref<128x128xf32, #tpu.memory_space<hbm>>, %arg6: memref<10000x128xf32, #tpu.memory_space<hbm>>, %arg7: memref<10000x128xf32, #tpu.memory_space<hbm>>, %arg8: memref<128xi32, #tpu.memory_space<vmem>>, %arg9: memref<128xi32, #tpu.memory_space<vmem>>, %arg10: memref<128x128xf32, #tpu.memory_space<vmem>>, %arg11: memref<128x128xf32, #tpu.memory_space<vmem>>, %arg12: memref<40x128xf32, #tpu.memory_space<vmem>>, %arg13: memref<5120x128xf32, #tpu.memory_space<vmem_shared>>, %arg14: memref<5120x128xf32, #tpu.memory_space<vmem_shared>>) attributes {dimension_semantics = [#tpu.dimension_semantics<core_parallel>, #tpu.dimension_semantics<subcore_parallel>], iteration_bounds = array<i64: 2, 16>, scalar_prefetch = 0 : i64, scratch_operands = 7 : i64, tpu.core_type = #tpu.core_type<sc_vector_subcore>, window_params = [{transform_indices = #map}, {transform_indices = #map1}, {transform_indices = #map}, {transform_indices = #map}, {transform_indices = #map}, {transform_indices = #map}]} {
    %mul3A = arith.constant 5000 : i32
    %mul3A_0 = arith.muli %arg0, %mul3A : i32
    %mul3A_1 = arith.constant 320 : i32
    %mul3A_2 = arith.muli %arg1, %mul3A_1 : i32
    %multiple_of3A = tpu.assume_multiple %mul3A_2, 8 : i32
    "tpu.region"() ({
      %run_scoped3A = tpu.sem_alloc : memref<!tpu.dma_semaphore, #tpu.memory_space<semaphore_mem>>
      %dma_start3A = arith.constant 0 : i32
      %dma_start3A_15 = tpu.memref_slice %arg13[%multiple_of3A, %dma_start3A] : memref<5120x128xf32, #tpu.memory_space<vmem_shared>> -> memref<320x128xf32, #tpu.memory_space<vmem_shared>>
      tpu.enqueue_dma source(%arg4 : memref<320x128xf32, #tpu.memory_space<hbm>>) target(%dma_start3A_15 : memref<320x128xf32, #tpu.memory_space<vmem_shared>>) target_semaphore(%run_scoped3A : memref<!tpu.dma_semaphore, #tpu.memory_space<semaphore_mem>>)
      %dma_wait3A = arith.constant 0 : i32
      %dma_wait3A_16 = tpu.memref_slice %arg13[%multiple_of3A, %dma_wait3A] : memref<5120x128xf32, #tpu.memory_space<vmem_shared>> -> memref<320x128xf32, #tpu.memory_space<vmem_shared>>
      tpu.wait_dma2 semaphore(%run_scoped3A : memref<!tpu.dma_semaphore, #tpu.memory_space<semaphore_mem>>) src(%arg4 : memref<320x128xf32, #tpu.memory_space<hbm>>) dst(%dma_wait3A_16 : memref<320x128xf32, #tpu.memory_space<vmem_shared>>)
      tpu.yield
    }) : () -> ()
    "tpu.region"() ({
      %run_scoped3A = tpu.sem_alloc : memref<!tpu.dma_semaphore, #tpu.memory_space<semaphore_mem>>
      %dma_start3A = arith.constant 0 : i32
      %dma_start3A_15 = tpu.memref_slice %arg14[%multiple_of3A, %dma_start3A] : memref<5120x128xf32, #tpu.memory_space<vmem_shared>> -> memref<320x128xf32, #tpu.memory_space<vmem_shared>>
      tpu.enqueue_dma source(%arg4 : memref<320x128xf32, #tpu.memory_space<hbm>>) target(%dma_start3A_15 : memref<320x128xf32, #tpu.memory_space<vmem_shared>>) target_semaphore(%run_scoped3A : memref<!tpu.dma_semaphore, #tpu.memory_space<semaphore_mem>>)
      %dma_wait3A = arith.constant 0 : i32
      %dma_wait3A_16 = tpu.memref_slice %arg14[%multiple_of3A, %dma_wait3A] : memref<5120x128xf32, #tpu.memory_space<vmem_shared>> -> memref<320x128xf32, #tpu.memory_space<vmem_shared>>
      tpu.wait_dma2 semaphore(%run_scoped3A : memref<!tpu.dma_semaphore, #tpu.memory_space<semaphore_mem>>) src(%arg4 : memref<320x128xf32, #tpu.memory_space<hbm>>) dst(%dma_wait3A_16 : memref<320x128xf32, #tpu.memory_space<vmem_shared>>)
      tpu.yield
    }) : () -> ()
    "tpu.region"() ({
      %run_scoped3A = tpu.sem_alloc : memref<!tpu.dma_semaphore, #tpu.memory_space<semaphore_mem>>
      tpu.enqueue_dma source(%arg5 : memref<128x128xf32, #tpu.memory_space<hbm>>) target(%arg11 : memref<128x128xf32, #tpu.memory_space<vmem>>) target_semaphore(%run_scoped3A : memref<!tpu.dma_semaphore, #tpu.memory_space<semaphore_mem>>)
      tpu.wait_dma2 semaphore(%run_scoped3A : memref<!tpu.dma_semaphore, #tpu.memory_space<semaphore_mem>>) src(%arg5 : memref<128x128xf32, #tpu.memory_space<hbm>>) dst(%arg11 : memref<128x128xf32, #tpu.memory_space<vmem>>)
      tpu.yield
    }) : () -> ()
    %barrier3A = arith.constant 0 : index
    tpu.barrier barrier_id(%barrier3A)
    %scan3A = arith.constant 0 : i32
    %scan3A_3 = arith.constant 0 : i32
    %scan3A_4 = arith.constant 40 : i32
    %scan3A_5 = arith.addi %scan3A_3, %scan3A_4 : i32
    %scan3A_6 = arith.constant 1 : i32
    scf.for %scan3A_15 = %scan3A_3 to %scan3A_5 step %scan3A_6  : i32 {
      %mul3A_16 = arith.constant 16 : i32
      %mul3A_17 = arith.muli %mul3A_16, %scan3A_15 : i32
      %add3A = arith.addi %arg1, %mul3A_17 : i32
      %lt3A = arith.constant 625 : i32
      %lt3A_18 = arith.cmpi slt, %add3A, %lt3A : i32
      %convert_element_type3A = arith.extui %lt3A_18 : i1 to i32
      %cond3A = arith.constant 0 : i32
      %cond3A_19 = arith.cmpi ne, %convert_element_type3A, %cond3A : i32
      scf.if %cond3A_19 {
        %mul3A_20 = arith.constant 128 : i32
        %mul3A_21 = arith.muli %add3A, %mul3A_20 : i32
        %multiple_of3A_22 = tpu.assume_multiple %mul3A_21, 8 : i32
        "tpu.region"() ({
          %run_scoped3A = tpu.sem_alloc : memref<!tpu.dma_semaphore, #tpu.memory_space<semaphore_mem>>
          %dma_start3A = tpu.memref_slice %arg3[%multiple_of3A_22] : memref<80000xi32, #tpu.memory_space<hbm>> -> memref<128xi32, #tpu.memory_space<hbm>>
          %dma_start3A_29 = tpu.memref_slice %arg3[%multiple_of3A_22] : memref<80000xi32, #tpu.memory_space<hbm>> -> memref<128xi32, #tpu.memory_space<hbm>>
          tpu.enqueue_dma source(%dma_start3A_29 : memref<128xi32, #tpu.memory_space<hbm>>) target(%arg8 : memref<128xi32, #tpu.memory_space<vmem>>) target_semaphore(%run_scoped3A : memref<!tpu.dma_semaphore, #tpu.memory_space<semaphore_mem>>)
          %dma_wait3A = tpu.memref_slice %arg3[%multiple_of3A_22] : memref<80000xi32, #tpu.memory_space<hbm>> -> memref<128xi32, #tpu.memory_space<hbm>>
          %dma_wait3A_30 = tpu.memref_slice %arg3[%multiple_of3A_22] : memref<80000xi32, #tpu.memory_space<hbm>> -> memref<128xi32, #tpu.memory_space<hbm>>
          tpu.wait_dma2 semaphore(%run_scoped3A : memref<!tpu.dma_semaphore, #tpu.memory_space<semaphore_mem>>) src(%dma_wait3A_30 : memref<128xi32, #tpu.memory_space<hbm>>) dst(%arg8 : memref<128xi32, #tpu.memory_space<vmem>>)
          tpu.yield
        }) : () -> ()
        %scan3A_23 = arith.constant 0 : i32
        %scan3A_24 = arith.constant 0 : i32
        %scan3A_25 = arith.constant 8 : i32
        %scan3A_26 = arith.addi %scan3A_24, %scan3A_25 : i32
        %scan3A_27 = arith.constant 1 : i32
        scf.for %scan3A_29 = %scan3A_24 to %scan3A_26 step %scan3A_27  : i32 {
          %mul3A_30 = arith.constant 16 : i32
          %mul3A_31 = arith.muli %scan3A_29, %mul3A_30 : i32
          %get3A = arith.index_cast %mul3A_31 : i32 to index
          %get3A_32 = tpu.vector_load %arg8[%get3A] {strides = array<i32>} : memref<128xi32, #tpu.memory_space<vmem>>, vector<16xi32>,
          %get3A_33 = vector.shape_cast %get3A_32 : vector<16xi32> to vector<16xi32>
          %sub3A = vector.broadcast %mul3A_0 : i32 to vector<16xi32>
          %sub3A_34 = arith.subi %get3A_33, %sub3A : vector<16xi32>
          %ge3A = arith.constant 0 : i32
          %ge3A_35 = vector.broadcast %ge3A : i32 to vector<16xi32>
          %ge3A_36 = arith.cmpi sge, %sub3A_34, %ge3A_35 : vector<16xi32>
          %lt3A_37 = arith.constant 5000 : i32
          %lt3A_38 = vector.broadcast %lt3A_37 : i32 to vector<16xi32>
          %lt3A_39 = arith.cmpi slt, %sub3A_34, %lt3A_38 : vector<16xi32>
          %and3A = arith.andi %ge3A_36, %lt3A_39 : vector<16xi1>
          %jit3A = arith.constant 5000 : i32
          %broadcast_in_dim3A = vector.broadcast %jit3A : i32 to vector<16xi32>
          %select_n3A = arith.select %and3A, %sub3A_34, %broadcast_in_dim3A : vector<16xi1>, vector<16xi32>
          %mul3A_40 = arith.constant 16 : i32
          %mul3A_41 = arith.muli %scan3A_29, %mul3A_40 : i32
          %swap3A = arith.index_cast %mul3A_41 : i32 to index
          %swap3A_42 = tpu.vector_load %arg9[%swap3A] {strides = array<i32>} : memref<128xi32, #tpu.memory_space<vmem>>, vector<16xi32>,
          %swap3A_43 = vector.shape_cast %swap3A_42 : vector<16xi32> to vector<16xi32>
          %swap3A_44 = vector.shape_cast %select_n3A : vector<16xi32> to vector<16xi32>
          tpu.vector_store %arg9[%swap3A], %swap3A_44 {strides = array<i32>} : memref<128xi32, #tpu.memory_space<vmem>>, vector<16xi32>,
        }
        %scan3A_28 = arith.constant 8 : i32
        "tpu.region"() ({
          %run_scoped3A = tpu.sem_alloc : memref<!tpu.dma_semaphore, #tpu.memory_space<semaphore_mem>>
          %dma_start3A = arith.constant 0 : i32
          %dma_start3A_29 = tpu.memref_slice %arg2[%multiple_of3A_22, %dma_start3A] : memref<80000x128xf32, #tpu.memory_space<hbm>> -> memref<128x128xf32, #tpu.memory_space<hbm>>
          %dma_start3A_30 = arith.constant 0 : i32
          %dma_start3A_31 = tpu.memref_slice %arg2[%multiple_of3A_22, %dma_start3A_30] : memref<80000x128xf32, #tpu.memory_space<hbm>> -> memref<128x128xf32, #tpu.memory_space<hbm>>
          tpu.enqueue_dma source(%dma_start3A_31 : memref<128x128xf32, #tpu.memory_space<hbm>>) target(%arg10 : memref<128x128xf32, #tpu.memory_space<vmem>>) target_semaphore(%run_scoped3A : memref<!tpu.dma_semaphore, #tpu.memory_space<semaphore_mem>>)
          %dma_wait3A = arith.constant 0 : i32
          %dma_wait3A_32 = tpu.memref_slice %arg2[%multiple_of3A_22, %dma_wait3A] : memref<80000x128xf32, #tpu.memory_space<hbm>> -> memref<128x128xf32, #tpu.memory_space<hbm>>
          %dma_wait3A_33 = arith.constant 0 : i32
          %dma_wait3A_34 = tpu.memref_slice %arg2[%multiple_of3A_22, %dma_wait3A_33] : memref<80000x128xf32, #tpu.memory_space<hbm>> -> memref<128x128xf32, #tpu.memory_space<hbm>>
          tpu.wait_dma2 semaphore(%run_scoped3A : memref<!tpu.dma_semaphore, #tpu.memory_space<semaphore_mem>>) src(%dma_wait3A_34 : memref<128x128xf32, #tpu.memory_space<hbm>>) dst(%arg10 : memref<128x128xf32, #tpu.memory_space<vmem>>)
          tpu.yield
        }) : () -> ()
        "tpu.region"() ({
          %run_scoped3A = tpu.sem_alloc : memref<!tpu.dma_semaphore, #tpu.memory_space<semaphore_mem>>
          %dma_start3A = arith.constant 0 : i32
          %dma_start3A_29 = arith.constant 0 : i32
          %dma_start3A_30 = tpu.memref_slice %arg13[%dma_start3A, %dma_start3A_29] : memref<5120x128xf32, #tpu.memory_space<vmem_shared>> -> memref<5120x128xf32, #tpu.memory_space<vmem_shared>>
          tpu.enqueue_indirect_dma source(%arg10 : memref<128x128xf32, #tpu.memory_space<vmem>>) target(%dma_start3A_30 : memref<5120x128xf32, #tpu.memory_space<vmem_shared>>) offsets(%arg9 : memref<128xi32, #tpu.memory_space<vmem>>) semaphore(%run_scoped3A : memref<!tpu.dma_semaphore, #tpu.memory_space<semaphore_mem>>) {add = true}
          %dma_wait3A = arith.constant 0 : i32
          %dma_wait3A_31 = arith.constant 0 : i32
          %dma_wait3A_32 = tpu.memref_slice %arg13[%dma_wait3A, %dma_wait3A_31] : memref<5120x128xf32, #tpu.memory_space<vmem_shared>> -> memref<5120x128xf32, #tpu.memory_space<vmem_shared>>
          tpu.wait_indirect_dma semaphore(%run_scoped3A : memref<!tpu.dma_semaphore, #tpu.memory_space<semaphore_mem>>) src(%arg10 : memref<128x128xf32, #tpu.memory_space<vmem>>) dst(%dma_wait3A_32 : memref<5120x128xf32, #tpu.memory_space<vmem_shared>>)
          tpu.yield
        }) : () -> ()
        "tpu.region"() ({
          %run_scoped3A = tpu.sem_alloc : memref<!tpu.dma_semaphore, #tpu.memory_space<semaphore_mem>>
          %dma_start3A = arith.constant 0 : i32
          %dma_start3A_29 = arith.constant 0 : i32
          %dma_start3A_30 = tpu.memref_slice %arg14[%dma_start3A, %dma_start3A_29] : memref<5120x128xf32, #tpu.memory_space<vmem_shared>> -> memref<5120x128xf32, #tpu.memory_space<vmem_shared>>
          tpu.enqueue_indirect_dma source(%arg11 : memref<128x128xf32, #tpu.memory_space<vmem>>) target(%dma_start3A_30 : memref<5120x128xf32, #tpu.memory_space<vmem_shared>>) offsets(%arg9 : memref<128xi32, #tpu.memory_space<vmem>>) semaphore(%run_scoped3A : memref<!tpu.dma_semaphore, #tpu.memory_space<semaphore_mem>>) {add = true}
          %dma_wait3A = arith.constant 0 : i32
          %dma_wait3A_31 = arith.constant 0 : i32
          %dma_wait3A_32 = tpu.memref_slice %arg14[%dma_wait3A, %dma_wait3A_31] : memref<5120x128xf32, #tpu.memory_space<vmem_shared>> -> memref<5120x128xf32, #tpu.memory_space<vmem_shared>>
          tpu.wait_indirect_dma semaphore(%run_scoped3A : memref<!tpu.dma_semaphore, #tpu.memory_space<semaphore_mem>>) src(%arg11 : memref<128x128xf32, #tpu.memory_space<vmem>>) dst(%dma_wait3A_32 : memref<5120x128xf32, #tpu.memory_space<vmem_shared>>)
          tpu.yield
        }) : () -> ()
      } else {
      }
    }
    %scan3A_7 = arith.constant 40 : i32
    %barrier3A_8 = arith.constant 0 : index
    tpu.barrier barrier_id(%barrier3A_8)
    %scan3A_9 = arith.constant 0 : i32
    %scan3A_10 = arith.constant 0 : i32
    %scan3A_11 = arith.constant 8 : i32
    %scan3A_12 = arith.addi %scan3A_10, %scan3A_11 : i32
    %scan3A_13 = arith.constant 1 : i32
    scf.for %scan3A_15 = %scan3A_10 to %scan3A_12 step %scan3A_13  : i32 {
      %lt3A = arith.constant 15 : i32
      %lt3A_16 = arith.cmpi slt, %arg1, %lt3A : i32
      %lt3A_17 = arith.constant 5 : i32
      %lt3A_18 = arith.cmpi slt, %scan3A_15, %lt3A_17 : i32
      %or3A = arith.ori %lt3A_16, %lt3A_18 : i1
      %convert_element_type3A = arith.extui %or3A : i1 to i32
      %cond3A = arith.constant 0 : i32
      %cond3A_19 = arith.cmpi ne, %convert_element_type3A, %cond3A : i32
      scf.if %cond3A_19 {
        %mul3A_20 = arith.constant 40 : i32
        %mul3A_21 = arith.muli %scan3A_15, %mul3A_20 : i32
        %add3A = arith.addi %multiple_of3A, %mul3A_21 : i32
        %multiple_of3A_22 = tpu.assume_multiple %add3A, 8 : i32
        %add3A_23 = arith.addi %mul3A_0, %multiple_of3A : i32
        %mul3A_24 = arith.constant 40 : i32
        %mul3A_25 = arith.muli %scan3A_15, %mul3A_24 : i32
        %add3A_26 = arith.addi %add3A_23, %mul3A_25 : i32
        %multiple_of3A_27 = tpu.assume_multiple %add3A_26, 8 : i32
        "tpu.region"() ({
          %run_scoped3A = tpu.sem_alloc : memref<!tpu.dma_semaphore, #tpu.memory_space<semaphore_mem>>
          %dma_start3A = arith.constant 0 : i32
          %dma_start3A_28 = tpu.memref_slice %arg13[%multiple_of3A_22, %dma_start3A] : memref<5120x128xf32, #tpu.memory_space<vmem_shared>> -> memref<40x128xf32, #tpu.memory_space<vmem_shared>>
          %dma_start3A_29 = arith.constant 0 : i32
          %dma_start3A_30 = tpu.memref_slice %arg13[%multiple_of3A_22, %dma_start3A_29] : memref<5120x128xf32, #tpu.memory_space<vmem_shared>> -> memref<40x128xf32, #tpu.memory_space<vmem_shared>>
          tpu.enqueue_dma source(%dma_start3A_30 : memref<40x128xf32, #tpu.memory_space<vmem_shared>>) target(%arg12 : memref<40x128xf32, #tpu.memory_space<vmem>>) target_semaphore(%run_scoped3A : memref<!tpu.dma_semaphore, #tpu.memory_space<semaphore_mem>>)
          %dma_wait3A = arith.constant 0 : i32
          %dma_wait3A_31 = tpu.memref_slice %arg13[%multiple_of3A_22, %dma_wait3A] : memref<5120x128xf32, #tpu.memory_space<vmem_shared>> -> memref<40x128xf32, #tpu.memory_space<vmem_shared>>
          %dma_wait3A_32 = arith.constant 0 : i32
          %dma_wait3A_33 = tpu.memref_slice %arg13[%multiple_of3A_22, %dma_wait3A_32] : memref<5120x128xf32, #tpu.memory_space<vmem_shared>> -> memref<40x128xf32, #tpu.memory_space<vmem_shared>>
          tpu.wait_dma2 semaphore(%run_scoped3A : memref<!tpu.dma_semaphore, #tpu.memory_space<semaphore_mem>>) src(%dma_wait3A_33 : memref<40x128xf32, #tpu.memory_space<vmem_shared>>) dst(%arg12 : memref<40x128xf32, #tpu.memory_space<vmem>>)
          tpu.yield
        }) : () -> ()
        "tpu.region"() ({
          %run_scoped3A = tpu.sem_alloc : memref<!tpu.dma_semaphore, #tpu.memory_space<semaphore_mem>>
          %dma_start3A = arith.constant 0 : i32
          %dma_start3A_28 = tpu.memref_slice %arg6[%multiple_of3A_27, %dma_start3A] : memref<10000x128xf32, #tpu.memory_space<hbm>> -> memref<40x128xf32, #tpu.memory_space<hbm>>
          %dma_start3A_29 = arith.constant 0 : i32
          %dma_start3A_30 = tpu.memref_slice %arg6[%multiple_of3A_27, %dma_start3A_29] : memref<10000x128xf32, #tpu.memory_space<hbm>> -> memref<40x128xf32, #tpu.memory_space<hbm>>
          tpu.enqueue_dma source(%arg12 : memref<40x128xf32, #tpu.memory_space<vmem>>) target(%dma_start3A_30 : memref<40x128xf32, #tpu.memory_space<hbm>>) target_semaphore(%run_scoped3A : memref<!tpu.dma_semaphore, #tpu.memory_space<semaphore_mem>>)
          %dma_wait3A = arith.constant 0 : i32
          %dma_wait3A_31 = tpu.memref_slice %arg6[%multiple_of3A_27, %dma_wait3A] : memref<10000x128xf32, #tpu.memory_space<hbm>> -> memref<40x128xf32, #tpu.memory_space<hbm>>
          %dma_wait3A_32 = arith.constant 0 : i32
          %dma_wait3A_33 = tpu.memref_slice %arg6[%multiple_of3A_27, %dma_wait3A_32] : memref<10000x128xf32, #tpu.memory_space<hbm>> -> memref<40x128xf32, #tpu.memory_space<hbm>>
          tpu.wait_dma2 semaphore(%run_scoped3A : memref<!tpu.dma_semaphore, #tpu.memory_space<semaphore_mem>>) src(%arg12 : memref<40x128xf32, #tpu.memory_space<vmem>>) dst(%dma_wait3A_33 : memref<40x128xf32, #tpu.memory_space<hbm>>)
          tpu.yield
        }) : () -> ()
        "tpu.region"() ({
          %run_scoped3A = tpu.sem_alloc : memref<!tpu.dma_semaphore, #tpu.memory_space<semaphore_mem>>
          %dma_start3A = arith.constant 0 : i32
          %dma_start3A_28 = tpu.memref_slice %arg14[%multiple_of3A_22, %dma_start3A] : memref<5120x128xf32, #tpu.memory_space<vmem_shared>> -> memref<40x128xf32, #tpu.memory_space<vmem_shared>>
          %dma_start3A_29 = arith.constant 0 : i32
          %dma_start3A_30 = tpu.memref_slice %arg14[%multiple_of3A_22, %dma_start3A_29] : memref<5120x128xf32, #tpu.memory_space<vmem_shared>> -> memref<40x128xf32, #tpu.memory_space<vmem_shared>>
          tpu.enqueue_dma source(%dma_start3A_30 : memref<40x128xf32, #tpu.memory_space<vmem_shared>>) target(%arg12 : memref<40x128xf32, #tpu.memory_space<vmem>>) target_semaphore(%run_scoped3A : memref<!tpu.dma_semaphore, #tpu.memory_space<semaphore_mem>>)
          %dma_wait3A = arith.constant 0 : i32
          %dma_wait3A_31 = tpu.memref_slice %arg14[%multiple_of3A_22, %dma_wait3A] : memref<5120x128xf32, #tpu.memory_space<vmem_shared>> -> memref<40x128xf32, #tpu.memory_space<vmem_shared>>
          %dma_wait3A_32 = arith.constant 0 : i32
          %dma_wait3A_33 = tpu.memref_slice %arg14[%multiple_of3A_22, %dma_wait3A_32] : memref<5120x128xf32, #tpu.memory_space<vmem_shared>> -> memref<40x128xf32, #tpu.memory_space<vmem_shared>>
          tpu.wait_dma2 semaphore(%run_scoped3A : memref<!tpu.dma_semaphore, #tpu.memory_space<semaphore_mem>>) src(%dma_wait3A_33 : memref<40x128xf32, #tpu.memory_space<vmem_shared>>) dst(%arg12 : memref<40x128xf32, #tpu.memory_space<vmem>>)
          tpu.yield
        }) : () -> ()
        "tpu.region"() ({
          %run_scoped3A = tpu.sem_alloc : memref<!tpu.dma_semaphore, #tpu.memory_space<semaphore_mem>>
          %dma_start3A = arith.constant 0 : i32
          %dma_start3A_28 = tpu.memref_slice %arg7[%multiple_of3A_27, %dma_start3A] : memref<10000x128xf32, #tpu.memory_space<hbm>> -> memref<40x128xf32, #tpu.memory_space<hbm>>
          %dma_start3A_29 = arith.constant 0 : i32
          %dma_start3A_30 = tpu.memref_slice %arg7[%multiple_of3A_27, %dma_start3A_29] : memref<10000x128xf32, #tpu.memory_space<hbm>> -> memref<40x128xf32, #tpu.memory_space<hbm>>
          tpu.enqueue_dma source(%arg12 : memref<40x128xf32, #tpu.memory_space<vmem>>) target(%dma_start3A_30 : memref<40x128xf32, #tpu.memory_space<hbm>>) target_semaphore(%run_scoped3A : memref<!tpu.dma_semaphore, #tpu.memory_space<semaphore_mem>>)
          %dma_wait3A = arith.constant 0 : i32
          %dma_wait3A_31 = tpu.memref_slice %arg7[%multiple_of3A_27, %dma_wait3A] : memref<10000x128xf32, #tpu.memory_space<hbm>> -> memref<40x128xf32, #tpu.memory_space<hbm>>
          %dma_wait3A_32 = arith.constant 0 : i32
          %dma_wait3A_33 = tpu.memref_slice %arg7[%multiple_of3A_27, %dma_wait3A_32] : memref<10000x128xf32, #tpu.memory_space<hbm>> -> memref<40x128xf32, #tpu.memory_space<hbm>>
          tpu.wait_dma2 semaphore(%run_scoped3A : memref<!tpu.dma_semaphore, #tpu.memory_space<semaphore_mem>>) src(%arg12 : memref<40x128xf32, #tpu.memory_space<vmem>>) dst(%dma_wait3A_33 : memref<40x128xf32, #tpu.memory_space<hbm>>)
          tpu.yield
        }) : () -> ()
      } else {
      }
    }
    %scan3A_14 = arith.constant 8 : i32
    return
  }
}

#map = affine_map<(d0, d1) -> (0, 0)>
#map1 = affine_map<(d0, d1) -> (0)>
module attributes {stable_mosaic.version = 14 : i64} {
  func.func @_sc_scatter_e(%arg0: i32, %arg1: i32, %arg2: memref<80000x128xf32, #tpu.memory_space<hbm>>, %arg3: memref<80000xi32, #tpu.memory_space<hbm>>, %arg4: memref<320x128xf32, #tpu.memory_space<hbm>>, %arg5: memref<128x128xf32, #tpu.memory_space<hbm>>, %arg6: memref<10000x128xf32, #tpu.memory_space<hbm>>, %arg7: memref<10000x128xf32, #tpu.memory_space<hbm>>, %arg8: memref<128xi32, #tpu.memory_space<vmem>>, %arg9: memref<128xi32, #tpu.memory_space<vmem>>, %arg10: memref<128x128xf32, #tpu.memory_space<vmem>>, %arg11: memref<128x128xf32, #tpu.memory_space<vmem>>, %arg12: memref<40x128xf32, #tpu.memory_space<vmem>>, %arg13: memref<5120x128xf32, #tpu.memory_space<vmem_shared>>, %arg14: memref<5120x128xf32, #tpu.memory_space<vmem_shared>>) attributes {dimension_semantics = [#tpu.dimension_semantics<core_parallel>, #tpu.dimension_semantics<subcore_parallel>], iteration_bounds = array<i64: 2, 16>, scalar_prefetch = 0 : i64, scratch_operands = 7 : i64, tpu.core_type = #tpu.core_type<sc_vector_subcore>, window_params = [{transform_indices = #map}, {transform_indices = #map1}, {transform_indices = #map}, {transform_indices = #map}, {transform_indices = #map}, {transform_indices = #map}]} {
    %mul3A = arith.constant 5000 : i32
    %mul3A_0 = arith.muli %arg0, %mul3A : i32
    %mul3A_1 = arith.constant 320 : i32
    %mul3A_2 = arith.muli %arg1, %mul3A_1 : i32
    %multiple_of3A = tpu.assume_multiple %mul3A_2, 8 : i32
    "tpu.region"() ({
      %run_scoped3A = tpu.sem_alloc : memref<!tpu.dma_semaphore, #tpu.memory_space<semaphore_mem>>
      %dma_start3A = arith.constant 0 : i32
      %dma_start3A_15 = tpu.memref_slice %arg13[%multiple_of3A, %dma_start3A] : memref<5120x128xf32, #tpu.memory_space<vmem_shared>> -> memref<320x128xf32, #tpu.memory_space<vmem_shared>>
      tpu.enqueue_dma source(%arg4 : memref<320x128xf32, #tpu.memory_space<hbm>>) target(%dma_start3A_15 : memref<320x128xf32, #tpu.memory_space<vmem_shared>>) target_semaphore(%run_scoped3A : memref<!tpu.dma_semaphore, #tpu.memory_space<semaphore_mem>>)
      %dma_wait3A = arith.constant 0 : i32
      %dma_wait3A_16 = tpu.memref_slice %arg13[%multiple_of3A, %dma_wait3A] : memref<5120x128xf32, #tpu.memory_space<vmem_shared>> -> memref<320x128xf32, #tpu.memory_space<vmem_shared>>
      tpu.wait_dma2 semaphore(%run_scoped3A : memref<!tpu.dma_semaphore, #tpu.memory_space<semaphore_mem>>) src(%arg4 : memref<320x128xf32, #tpu.memory_space<hbm>>) dst(%dma_wait3A_16 : memref<320x128xf32, #tpu.memory_space<vmem_shared>>)
      tpu.yield
    }) : () -> ()
    "tpu.region"() ({
      %run_scoped3A = tpu.sem_alloc : memref<!tpu.dma_semaphore, #tpu.memory_space<semaphore_mem>>
      %dma_start3A = arith.constant 0 : i32
      %dma_start3A_15 = tpu.memref_slice %arg14[%multiple_of3A, %dma_start3A] : memref<5120x128xf32, #tpu.memory_space<vmem_shared>> -> memref<320x128xf32, #tpu.memory_space<vmem_shared>>
      tpu.enqueue_dma source(%arg4 : memref<320x128xf32, #tpu.memory_space<hbm>>) target(%dma_start3A_15 : memref<320x128xf32, #tpu.memory_space<vmem_shared>>) target_semaphore(%run_scoped3A : memref<!tpu.dma_semaphore, #tpu.memory_space<semaphore_mem>>)
      %dma_wait3A = arith.constant 0 : i32
      %dma_wait3A_16 = tpu.memref_slice %arg14[%multiple_of3A, %dma_wait3A] : memref<5120x128xf32, #tpu.memory_space<vmem_shared>> -> memref<320x128xf32, #tpu.memory_space<vmem_shared>>
      tpu.wait_dma2 semaphore(%run_scoped3A : memref<!tpu.dma_semaphore, #tpu.memory_space<semaphore_mem>>) src(%arg4 : memref<320x128xf32, #tpu.memory_space<hbm>>) dst(%dma_wait3A_16 : memref<320x128xf32, #tpu.memory_space<vmem_shared>>)
      tpu.yield
    }) : () -> ()
    "tpu.region"() ({
      %run_scoped3A = tpu.sem_alloc : memref<!tpu.dma_semaphore, #tpu.memory_space<semaphore_mem>>
      tpu.enqueue_dma source(%arg5 : memref<128x128xf32, #tpu.memory_space<hbm>>) target(%arg11 : memref<128x128xf32, #tpu.memory_space<vmem>>) target_semaphore(%run_scoped3A : memref<!tpu.dma_semaphore, #tpu.memory_space<semaphore_mem>>)
      tpu.wait_dma2 semaphore(%run_scoped3A : memref<!tpu.dma_semaphore, #tpu.memory_space<semaphore_mem>>) src(%arg5 : memref<128x128xf32, #tpu.memory_space<hbm>>) dst(%arg11 : memref<128x128xf32, #tpu.memory_space<vmem>>)
      tpu.yield
    }) : () -> ()
    %barrier3A = arith.constant 0 : index
    tpu.barrier barrier_id(%barrier3A)
    %scan3A = arith.constant 0 : i32
    %scan3A_3 = arith.constant 0 : i32
    %scan3A_4 = arith.constant 40 : i32
    %scan3A_5 = arith.addi %scan3A_3, %scan3A_4 : i32
    %scan3A_6 = arith.constant 1 : i32
    scf.for %scan3A_15 = %scan3A_3 to %scan3A_5 step %scan3A_6  : i32 {
      %mul3A_16 = arith.constant 16 : i32
      %mul3A_17 = arith.muli %mul3A_16, %scan3A_15 : i32
      %add3A = arith.addi %arg1, %mul3A_17 : i32
      %lt3A = arith.constant 625 : i32
      %lt3A_18 = arith.cmpi slt, %add3A, %lt3A : i32
      %convert_element_type3A = arith.extui %lt3A_18 : i1 to i32
      %cond3A = arith.constant 0 : i32
      %cond3A_19 = arith.cmpi ne, %convert_element_type3A, %cond3A : i32
      scf.if %cond3A_19 {
        %mul3A_20 = arith.constant 128 : i32
        %mul3A_21 = arith.muli %add3A, %mul3A_20 : i32
        %multiple_of3A_22 = tpu.assume_multiple %mul3A_21, 8 : i32
        "tpu.region"() ({
          %run_scoped3A = tpu.sem_alloc : memref<!tpu.dma_semaphore, #tpu.memory_space<semaphore_mem>>
          %dma_start3A = tpu.memref_slice %arg3[%multiple_of3A_22] : memref<80000xi32, #tpu.memory_space<hbm>> -> memref<128xi32, #tpu.memory_space<hbm>>
          %dma_start3A_29 = tpu.memref_slice %arg3[%multiple_of3A_22] : memref<80000xi32, #tpu.memory_space<hbm>> -> memref<128xi32, #tpu.memory_space<hbm>>
          tpu.enqueue_dma source(%dma_start3A_29 : memref<128xi32, #tpu.memory_space<hbm>>) target(%arg8 : memref<128xi32, #tpu.memory_space<vmem>>) target_semaphore(%run_scoped3A : memref<!tpu.dma_semaphore, #tpu.memory_space<semaphore_mem>>)
          %dma_wait3A = tpu.memref_slice %arg3[%multiple_of3A_22] : memref<80000xi32, #tpu.memory_space<hbm>> -> memref<128xi32, #tpu.memory_space<hbm>>
          %dma_wait3A_30 = tpu.memref_slice %arg3[%multiple_of3A_22] : memref<80000xi32, #tpu.memory_space<hbm>> -> memref<128xi32, #tpu.memory_space<hbm>>
          tpu.wait_dma2 semaphore(%run_scoped3A : memref<!tpu.dma_semaphore, #tpu.memory_space<semaphore_mem>>) src(%dma_wait3A_30 : memref<128xi32, #tpu.memory_space<hbm>>) dst(%arg8 : memref<128xi32, #tpu.memory_space<vmem>>)
          tpu.yield
        }) : () -> ()
        %scan3A_23 = arith.constant 0 : i32
        %scan3A_24 = arith.constant 0 : i32
        %scan3A_25 = arith.constant 8 : i32
        %scan3A_26 = arith.addi %scan3A_24, %scan3A_25 : i32
        %scan3A_27 = arith.constant 1 : i32
        scf.for %scan3A_29 = %scan3A_24 to %scan3A_26 step %scan3A_27  : i32 {
          %mul3A_30 = arith.constant 16 : i32
          %mul3A_31 = arith.muli %scan3A_29, %mul3A_30 : i32
          %get3A = arith.index_cast %mul3A_31 : i32 to index
          %get3A_32 = tpu.vector_load %arg8[%get3A] {strides = array<i32>} : memref<128xi32, #tpu.memory_space<vmem>>, vector<16xi32>,
          %get3A_33 = vector.shape_cast %get3A_32 : vector<16xi32> to vector<16xi32>
          %sub3A = vector.broadcast %mul3A_0 : i32 to vector<16xi32>
          %sub3A_34 = arith.subi %get3A_33, %sub3A : vector<16xi32>
          %ge3A = arith.constant 0 : i32
          %ge3A_35 = vector.broadcast %ge3A : i32 to vector<16xi32>
          %ge3A_36 = arith.cmpi sge, %sub3A_34, %ge3A_35 : vector<16xi32>
          %lt3A_37 = arith.constant 5000 : i32
          %lt3A_38 = vector.broadcast %lt3A_37 : i32 to vector<16xi32>
          %lt3A_39 = arith.cmpi slt, %sub3A_34, %lt3A_38 : vector<16xi32>
          %and3A = arith.andi %ge3A_36, %lt3A_39 : vector<16xi1>
          %jit3A = arith.constant 5000 : i32
          %broadcast_in_dim3A = vector.broadcast %jit3A : i32 to vector<16xi32>
          %select_n3A = arith.select %and3A, %sub3A_34, %broadcast_in_dim3A : vector<16xi1>, vector<16xi32>
          %mul3A_40 = arith.constant 16 : i32
          %mul3A_41 = arith.muli %scan3A_29, %mul3A_40 : i32
          %swap3A = arith.index_cast %mul3A_41 : i32 to index
          %swap3A_42 = tpu.vector_load %arg9[%swap3A] {strides = array<i32>} : memref<128xi32, #tpu.memory_space<vmem>>, vector<16xi32>,
          %swap3A_43 = vector.shape_cast %swap3A_42 : vector<16xi32> to vector<16xi32>
          %swap3A_44 = vector.shape_cast %select_n3A : vector<16xi32> to vector<16xi32>
          tpu.vector_store %arg9[%swap3A], %swap3A_44 {strides = array<i32>} : memref<128xi32, #tpu.memory_space<vmem>>, vector<16xi32>,
        }
        %scan3A_28 = arith.constant 8 : i32
        "tpu.region"() ({
          %run_scoped3A = tpu.sem_alloc : memref<!tpu.dma_semaphore, #tpu.memory_space<semaphore_mem>>
          %dma_start3A = arith.constant 0 : i32
          %dma_start3A_29 = tpu.memref_slice %arg2[%multiple_of3A_22, %dma_start3A] : memref<80000x128xf32, #tpu.memory_space<hbm>> -> memref<128x128xf32, #tpu.memory_space<hbm>>
          %dma_start3A_30 = arith.constant 0 : i32
          %dma_start3A_31 = tpu.memref_slice %arg2[%multiple_of3A_22, %dma_start3A_30] : memref<80000x128xf32, #tpu.memory_space<hbm>> -> memref<128x128xf32, #tpu.memory_space<hbm>>
          tpu.enqueue_dma source(%dma_start3A_31 : memref<128x128xf32, #tpu.memory_space<hbm>>) target(%arg10 : memref<128x128xf32, #tpu.memory_space<vmem>>) target_semaphore(%run_scoped3A : memref<!tpu.dma_semaphore, #tpu.memory_space<semaphore_mem>>)
          %dma_wait3A = arith.constant 0 : i32
          %dma_wait3A_32 = tpu.memref_slice %arg2[%multiple_of3A_22, %dma_wait3A] : memref<80000x128xf32, #tpu.memory_space<hbm>> -> memref<128x128xf32, #tpu.memory_space<hbm>>
          %dma_wait3A_33 = arith.constant 0 : i32
          %dma_wait3A_34 = tpu.memref_slice %arg2[%multiple_of3A_22, %dma_wait3A_33] : memref<80000x128xf32, #tpu.memory_space<hbm>> -> memref<128x128xf32, #tpu.memory_space<hbm>>
          tpu.wait_dma2 semaphore(%run_scoped3A : memref<!tpu.dma_semaphore, #tpu.memory_space<semaphore_mem>>) src(%dma_wait3A_34 : memref<128x128xf32, #tpu.memory_space<hbm>>) dst(%arg10 : memref<128x128xf32, #tpu.memory_space<vmem>>)
          tpu.yield
        }) : () -> ()
        "tpu.region"() ({
          %run_scoped3A = tpu.sem_alloc : memref<!tpu.dma_semaphore, #tpu.memory_space<semaphore_mem>>
          %dma_start3A = arith.constant 0 : i32
          %dma_start3A_29 = arith.constant 0 : i32
          %dma_start3A_30 = tpu.memref_slice %arg13[%dma_start3A, %dma_start3A_29] : memref<5120x128xf32, #tpu.memory_space<vmem_shared>> -> memref<5120x128xf32, #tpu.memory_space<vmem_shared>>
          tpu.enqueue_indirect_dma source(%arg10 : memref<128x128xf32, #tpu.memory_space<vmem>>) target(%dma_start3A_30 : memref<5120x128xf32, #tpu.memory_space<vmem_shared>>) offsets(%arg9 : memref<128xi32, #tpu.memory_space<vmem>>) semaphore(%run_scoped3A : memref<!tpu.dma_semaphore, #tpu.memory_space<semaphore_mem>>) {add = true}
          %dma_wait3A = arith.constant 0 : i32
          %dma_wait3A_31 = arith.constant 0 : i32
          %dma_wait3A_32 = tpu.memref_slice %arg13[%dma_wait3A, %dma_wait3A_31] : memref<5120x128xf32, #tpu.memory_space<vmem_shared>> -> memref<5120x128xf32, #tpu.memory_space<vmem_shared>>
          tpu.wait_indirect_dma semaphore(%run_scoped3A : memref<!tpu.dma_semaphore, #tpu.memory_space<semaphore_mem>>) src(%arg10 : memref<128x128xf32, #tpu.memory_space<vmem>>) dst(%dma_wait3A_32 : memref<5120x128xf32, #tpu.memory_space<vmem_shared>>)
          tpu.yield
        }) : () -> ()
        "tpu.region"() ({
          %run_scoped3A = tpu.sem_alloc : memref<!tpu.dma_semaphore, #tpu.memory_space<semaphore_mem>>
          %dma_start3A = arith.constant 0 : i32
          %dma_start3A_29 = arith.constant 0 : i32
          %dma_start3A_30 = tpu.memref_slice %arg14[%dma_start3A, %dma_start3A_29] : memref<5120x128xf32, #tpu.memory_space<vmem_shared>> -> memref<5120x128xf32, #tpu.memory_space<vmem_shared>>
          tpu.enqueue_indirect_dma source(%arg11 : memref<128x128xf32, #tpu.memory_space<vmem>>) target(%dma_start3A_30 : memref<5120x128xf32, #tpu.memory_space<vmem_shared>>) offsets(%arg9 : memref<128xi32, #tpu.memory_space<vmem>>) semaphore(%run_scoped3A : memref<!tpu.dma_semaphore, #tpu.memory_space<semaphore_mem>>) {add = true}
          %dma_wait3A = arith.constant 0 : i32
          %dma_wait3A_31 = arith.constant 0 : i32
          %dma_wait3A_32 = tpu.memref_slice %arg14[%dma_wait3A, %dma_wait3A_31] : memref<5120x128xf32, #tpu.memory_space<vmem_shared>> -> memref<5120x128xf32, #tpu.memory_space<vmem_shared>>
          tpu.wait_indirect_dma semaphore(%run_scoped3A : memref<!tpu.dma_semaphore, #tpu.memory_space<semaphore_mem>>) src(%arg11 : memref<128x128xf32, #tpu.memory_space<vmem>>) dst(%dma_wait3A_32 : memref<5120x128xf32, #tpu.memory_space<vmem_shared>>)
          tpu.yield
        }) : () -> ()
      } else {
      }
    }
    %scan3A_7 = arith.constant 40 : i32
    %barrier3A_8 = arith.constant 0 : index
    tpu.barrier barrier_id(%barrier3A_8)
    %scan3A_9 = arith.constant 0 : i32
    %scan3A_10 = arith.constant 0 : i32
    %scan3A_11 = arith.constant 8 : i32
    %scan3A_12 = arith.addi %scan3A_10, %scan3A_11 : i32
    %scan3A_13 = arith.constant 1 : i32
    scf.for %scan3A_15 = %scan3A_10 to %scan3A_12 step %scan3A_13  : i32 {
      %lt3A = arith.constant 15 : i32
      %lt3A_16 = arith.cmpi slt, %arg1, %lt3A : i32
      %lt3A_17 = arith.constant 5 : i32
      %lt3A_18 = arith.cmpi slt, %scan3A_15, %lt3A_17 : i32
      %or3A = arith.ori %lt3A_16, %lt3A_18 : i1
      %convert_element_type3A = arith.extui %or3A : i1 to i32
      %cond3A = arith.constant 0 : i32
      %cond3A_19 = arith.cmpi ne, %convert_element_type3A, %cond3A : i32
      scf.if %cond3A_19 {
        %mul3A_20 = arith.constant 40 : i32
        %mul3A_21 = arith.muli %scan3A_15, %mul3A_20 : i32
        %add3A = arith.addi %multiple_of3A, %mul3A_21 : i32
        %multiple_of3A_22 = tpu.assume_multiple %add3A, 8 : i32
        %add3A_23 = arith.addi %mul3A_0, %multiple_of3A : i32
        %mul3A_24 = arith.constant 40 : i32
        %mul3A_25 = arith.muli %scan3A_15, %mul3A_24 : i32
        %add3A_26 = arith.addi %add3A_23, %mul3A_25 : i32
        %multiple_of3A_27 = tpu.assume_multiple %add3A_26, 8 : i32
        "tpu.region"() ({
          %run_scoped3A = tpu.sem_alloc : memref<!tpu.dma_semaphore, #tpu.memory_space<semaphore_mem>>
          %dma_start3A = arith.constant 0 : i32
          %dma_start3A_28 = tpu.memref_slice %arg13[%multiple_of3A_22, %dma_start3A] : memref<5120x128xf32, #tpu.memory_space<vmem_shared>> -> memref<40x128xf32, #tpu.memory_space<vmem_shared>>
          %dma_start3A_29 = arith.constant 0 : i32
          %dma_start3A_30 = tpu.memref_slice %arg13[%multiple_of3A_22, %dma_start3A_29] : memref<5120x128xf32, #tpu.memory_space<vmem_shared>> -> memref<40x128xf32, #tpu.memory_space<vmem_shared>>
          tpu.enqueue_dma source(%dma_start3A_30 : memref<40x128xf32, #tpu.memory_space<vmem_shared>>) target(%arg12 : memref<40x128xf32, #tpu.memory_space<vmem>>) target_semaphore(%run_scoped3A : memref<!tpu.dma_semaphore, #tpu.memory_space<semaphore_mem>>)
          %dma_wait3A = arith.constant 0 : i32
          %dma_wait3A_31 = tpu.memref_slice %arg13[%multiple_of3A_22, %dma_wait3A] : memref<5120x128xf32, #tpu.memory_space<vmem_shared>> -> memref<40x128xf32, #tpu.memory_space<vmem_shared>>
          %dma_wait3A_32 = arith.constant 0 : i32
          %dma_wait3A_33 = tpu.memref_slice %arg13[%multiple_of3A_22, %dma_wait3A_32] : memref<5120x128xf32, #tpu.memory_space<vmem_shared>> -> memref<40x128xf32, #tpu.memory_space<vmem_shared>>
          tpu.wait_dma2 semaphore(%run_scoped3A : memref<!tpu.dma_semaphore, #tpu.memory_space<semaphore_mem>>) src(%dma_wait3A_33 : memref<40x128xf32, #tpu.memory_space<vmem_shared>>) dst(%arg12 : memref<40x128xf32, #tpu.memory_space<vmem>>)
          tpu.yield
        }) : () -> ()
        "tpu.region"() ({
          %run_scoped3A = tpu.sem_alloc : memref<!tpu.dma_semaphore, #tpu.memory_space<semaphore_mem>>
          %dma_start3A = arith.constant 0 : i32
          %dma_start3A_28 = tpu.memref_slice %arg6[%multiple_of3A_27, %dma_start3A] : memref<10000x128xf32, #tpu.memory_space<hbm>> -> memref<40x128xf32, #tpu.memory_space<hbm>>
          %dma_start3A_29 = arith.constant 0 : i32
          %dma_start3A_30 = tpu.memref_slice %arg6[%multiple_of3A_27, %dma_start3A_29] : memref<10000x128xf32, #tpu.memory_space<hbm>> -> memref<40x128xf32, #tpu.memory_space<hbm>>
          tpu.enqueue_dma source(%arg12 : memref<40x128xf32, #tpu.memory_space<vmem>>) target(%dma_start3A_30 : memref<40x128xf32, #tpu.memory_space<hbm>>) target_semaphore(%run_scoped3A : memref<!tpu.dma_semaphore, #tpu.memory_space<semaphore_mem>>)
          %dma_wait3A = arith.constant 0 : i32
          %dma_wait3A_31 = tpu.memref_slice %arg6[%multiple_of3A_27, %dma_wait3A] : memref<10000x128xf32, #tpu.memory_space<hbm>> -> memref<40x128xf32, #tpu.memory_space<hbm>>
          %dma_wait3A_32 = arith.constant 0 : i32
          %dma_wait3A_33 = tpu.memref_slice %arg6[%multiple_of3A_27, %dma_wait3A_32] : memref<10000x128xf32, #tpu.memory_space<hbm>> -> memref<40x128xf32, #tpu.memory_space<hbm>>
          tpu.wait_dma2 semaphore(%run_scoped3A : memref<!tpu.dma_semaphore, #tpu.memory_space<semaphore_mem>>) src(%arg12 : memref<40x128xf32, #tpu.memory_space<vmem>>) dst(%dma_wait3A_33 : memref<40x128xf32, #tpu.memory_space<hbm>>)
          tpu.yield
        }) : () -> ()
        "tpu.region"() ({
          %run_scoped3A = tpu.sem_alloc : memref<!tpu.dma_semaphore, #tpu.memory_space<semaphore_mem>>
          %dma_start3A = arith.constant 0 : i32
          %dma_start3A_28 = tpu.memref_slice %arg14[%multiple_of3A_22, %dma_start3A] : memref<5120x128xf32, #tpu.memory_space<vmem_shared>> -> memref<40x128xf32, #tpu.memory_space<vmem_shared>>
          %dma_start3A_29 = arith.constant 0 : i32
          %dma_start3A_30 = tpu.memref_slice %arg14[%multiple_of3A_22, %dma_start3A_29] : memref<5120x128xf32, #tpu.memory_space<vmem_shared>> -> memref<40x128xf32, #tpu.memory_space<vmem_shared>>
          tpu.enqueue_dma source(%dma_start3A_30 : memref<40x128xf32, #tpu.memory_space<vmem_shared>>) target(%arg12 : memref<40x128xf32, #tpu.memory_space<vmem>>) target_semaphore(%run_scoped3A : memref<!tpu.dma_semaphore, #tpu.memory_space<semaphore_mem>>)
          %dma_wait3A = arith.constant 0 : i32
          %dma_wait3A_31 = tpu.memref_slice %arg14[%multiple_of3A_22, %dma_wait3A] : memref<5120x128xf32, #tpu.memory_space<vmem_shared>> -> memref<40x128xf32, #tpu.memory_space<vmem_shared>>
          %dma_wait3A_32 = arith.constant 0 : i32
          %dma_wait3A_33 = tpu.memref_slice %arg14[%multiple_of3A_22, %dma_wait3A_32] : memref<5120x128xf32, #tpu.memory_space<vmem_shared>> -> memref<40x128xf32, #tpu.memory_space<vmem_shared>>
          tpu.wait_dma2 semaphore(%run_scoped3A : memref<!tpu.dma_semaphore, #tpu.memory_space<semaphore_mem>>) src(%dma_wait3A_33 : memref<40x128xf32, #tpu.memory_space<vmem_shared>>) dst(%arg12 : memref<40x128xf32, #tpu.memory_space<vmem>>)
          tpu.yield
        }) : () -> ()
        "tpu.region"() ({
          %run_scoped3A = tpu.sem_alloc : memref<!tpu.dma_semaphore, #tpu.memory_space<semaphore_mem>>
          %dma_start3A = arith.constant 0 : i32
          %dma_start3A_28 = tpu.memref_slice %arg7[%multiple_of3A_27, %dma_start3A] : memref<10000x128xf32, #tpu.memory_space<hbm>> -> memref<40x128xf32, #tpu.memory_space<hbm>>
          %dma_start3A_29 = arith.constant 0 : i32
          %dma_start3A_30 = tpu.memref_slice %arg7[%multiple_of3A_27, %dma_start3A_29] : memref<10000x128xf32, #tpu.memory_space<hbm>> -> memref<40x128xf32, #tpu.memory_space<hbm>>
          tpu.enqueue_dma source(%arg12 : memref<40x128xf32, #tpu.memory_space<vmem>>) target(%dma_start3A_30 : memref<40x128xf32, #tpu.memory_space<hbm>>) target_semaphore(%run_scoped3A : memref<!tpu.dma_semaphore, #tpu.memory_space<semaphore_mem>>)
          %dma_wait3A = arith.constant 0 : i32
          %dma_wait3A_31 = tpu.memref_slice %arg7[%multiple_of3A_27, %dma_wait3A] : memref<10000x128xf32, #tpu.memory_space<hbm>> -> memref<40x128xf32, #tpu.memory_space<hbm>>
          %dma_wait3A_32 = arith.constant 0 : i32
          %dma_wait3A_33 = tpu.memref_slice %arg7[%multiple_of3A_27, %dma_wait3A_32] : memref<10000x128xf32, #tpu.memory_space<hbm>> -> memref<40x128xf32, #tpu.memory_space<hbm>>
          tpu.wait_dma2 semaphore(%run_scoped3A : memref<!tpu.dma_semaphore, #tpu.memory_space<semaphore_mem>>) src(%arg12 : memref<40x128xf32, #tpu.memory_space<vmem>>) dst(%dma_wait3A_33 : memref<40x128xf32, #tpu.memory_space<hbm>>)
          tpu.yield
        }) : () -> ()
      } else {
      }
    }
    %scan3A_14 = arith.constant 8 : i32
    return
  }
}

#map = affine_map<(d0, d1) -> (0, 0)>
#map1 = affine_map<(d0, d1) -> (0)>
module attributes {stable_mosaic.version = 14 : i64} {
  func.func @_sc_scatter_e(%arg0: i32, %arg1: i32, %arg2: memref<80000x128xf32, #tpu.memory_space<hbm>>, %arg3: memref<80000xi32, #tpu.memory_space<hbm>>, %arg4: memref<320x128xf32, #tpu.memory_space<hbm>>, %arg5: memref<128x128xf32, #tpu.memory_space<hbm>>, %arg6: memref<10000x128xf32, #tpu.memory_space<hbm>>, %arg7: memref<10000x128xf32, #tpu.memory_space<hbm>>, %arg8: memref<128xi32, #tpu.memory_space<vmem>>, %arg9: memref<128xi32, #tpu.memory_space<vmem>>, %arg10: memref<128x128xf32, #tpu.memory_space<vmem>>, %arg11: memref<128x128xf32, #tpu.memory_space<vmem>>, %arg12: memref<40x128xf32, #tpu.memory_space<vmem>>, %arg13: memref<5120x128xf32, #tpu.memory_space<vmem_shared>>, %arg14: memref<5120x128xf32, #tpu.memory_space<vmem_shared>>) attributes {dimension_semantics = [#tpu.dimension_semantics<core_parallel>, #tpu.dimension_semantics<subcore_parallel>], iteration_bounds = array<i64: 2, 16>, scalar_prefetch = 0 : i64, scratch_operands = 7 : i64, tpu.core_type = #tpu.core_type<sc_vector_subcore>, window_params = [{transform_indices = #map}, {transform_indices = #map1}, {transform_indices = #map}, {transform_indices = #map}, {transform_indices = #map}, {transform_indices = #map}]} {
    %mul3A = arith.constant 5000 : i32
    %mul3A_0 = arith.muli %arg0, %mul3A : i32
    %mul3A_1 = arith.constant 320 : i32
    %mul3A_2 = arith.muli %arg1, %mul3A_1 : i32
    %multiple_of3A = tpu.assume_multiple %mul3A_2, 8 : i32
    "tpu.region"() ({
      %run_scoped3A = tpu.sem_alloc : memref<!tpu.dma_semaphore, #tpu.memory_space<semaphore_mem>>
      %dma_start3A = arith.constant 0 : i32
      %dma_start3A_15 = tpu.memref_slice %arg13[%multiple_of3A, %dma_start3A] : memref<5120x128xf32, #tpu.memory_space<vmem_shared>> -> memref<320x128xf32, #tpu.memory_space<vmem_shared>>
      tpu.enqueue_dma source(%arg4 : memref<320x128xf32, #tpu.memory_space<hbm>>) target(%dma_start3A_15 : memref<320x128xf32, #tpu.memory_space<vmem_shared>>) target_semaphore(%run_scoped3A : memref<!tpu.dma_semaphore, #tpu.memory_space<semaphore_mem>>)
      %dma_wait3A = arith.constant 0 : i32
      %dma_wait3A_16 = tpu.memref_slice %arg13[%multiple_of3A, %dma_wait3A] : memref<5120x128xf32, #tpu.memory_space<vmem_shared>> -> memref<320x128xf32, #tpu.memory_space<vmem_shared>>
      tpu.wait_dma2 semaphore(%run_scoped3A : memref<!tpu.dma_semaphore, #tpu.memory_space<semaphore_mem>>) src(%arg4 : memref<320x128xf32, #tpu.memory_space<hbm>>) dst(%dma_wait3A_16 : memref<320x128xf32, #tpu.memory_space<vmem_shared>>)
      tpu.yield
    }) : () -> ()
    "tpu.region"() ({
      %run_scoped3A = tpu.sem_alloc : memref<!tpu.dma_semaphore, #tpu.memory_space<semaphore_mem>>
      %dma_start3A = arith.constant 0 : i32
      %dma_start3A_15 = tpu.memref_slice %arg14[%multiple_of3A, %dma_start3A] : memref<5120x128xf32, #tpu.memory_space<vmem_shared>> -> memref<320x128xf32, #tpu.memory_space<vmem_shared>>
      tpu.enqueue_dma source(%arg4 : memref<320x128xf32, #tpu.memory_space<hbm>>) target(%dma_start3A_15 : memref<320x128xf32, #tpu.memory_space<vmem_shared>>) target_semaphore(%run_scoped3A : memref<!tpu.dma_semaphore, #tpu.memory_space<semaphore_mem>>)
      %dma_wait3A = arith.constant 0 : i32
      %dma_wait3A_16 = tpu.memref_slice %arg14[%multiple_of3A, %dma_wait3A] : memref<5120x128xf32, #tpu.memory_space<vmem_shared>> -> memref<320x128xf32, #tpu.memory_space<vmem_shared>>
      tpu.wait_dma2 semaphore(%run_scoped3A : memref<!tpu.dma_semaphore, #tpu.memory_space<semaphore_mem>>) src(%arg4 : memref<320x128xf32, #tpu.memory_space<hbm>>) dst(%dma_wait3A_16 : memref<320x128xf32, #tpu.memory_space<vmem_shared>>)
      tpu.yield
    }) : () -> ()
    "tpu.region"() ({
      %run_scoped3A = tpu.sem_alloc : memref<!tpu.dma_semaphore, #tpu.memory_space<semaphore_mem>>
      tpu.enqueue_dma source(%arg5 : memref<128x128xf32, #tpu.memory_space<hbm>>) target(%arg11 : memref<128x128xf32, #tpu.memory_space<vmem>>) target_semaphore(%run_scoped3A : memref<!tpu.dma_semaphore, #tpu.memory_space<semaphore_mem>>)
      tpu.wait_dma2 semaphore(%run_scoped3A : memref<!tpu.dma_semaphore, #tpu.memory_space<semaphore_mem>>) src(%arg5 : memref<128x128xf32, #tpu.memory_space<hbm>>) dst(%arg11 : memref<128x128xf32, #tpu.memory_space<vmem>>)
      tpu.yield
    }) : () -> ()
    %barrier3A = arith.constant 0 : index
    tpu.barrier barrier_id(%barrier3A)
    %scan3A = arith.constant 0 : i32
    %scan3A_3 = arith.constant 0 : i32
    %scan3A_4 = arith.constant 40 : i32
    %scan3A_5 = arith.addi %scan3A_3, %scan3A_4 : i32
    %scan3A_6 = arith.constant 1 : i32
    scf.for %scan3A_15 = %scan3A_3 to %scan3A_5 step %scan3A_6  : i32 {
      %mul3A_16 = arith.constant 16 : i32
      %mul3A_17 = arith.muli %mul3A_16, %scan3A_15 : i32
      %add3A = arith.addi %arg1, %mul3A_17 : i32
      %lt3A = arith.constant 625 : i32
      %lt3A_18 = arith.cmpi slt, %add3A, %lt3A : i32
      %convert_element_type3A = arith.extui %lt3A_18 : i1 to i32
      %cond3A = arith.constant 0 : i32
      %cond3A_19 = arith.cmpi ne, %convert_element_type3A, %cond3A : i32
      scf.if %cond3A_19 {
        %mul3A_20 = arith.constant 128 : i32
        %mul3A_21 = arith.muli %add3A, %mul3A_20 : i32
        %multiple_of3A_22 = tpu.assume_multiple %mul3A_21, 8 : i32
        "tpu.region"() ({
          %run_scoped3A = tpu.sem_alloc : memref<!tpu.dma_semaphore, #tpu.memory_space<semaphore_mem>>
          %dma_start3A = tpu.memref_slice %arg3[%multiple_of3A_22] : memref<80000xi32, #tpu.memory_space<hbm>> -> memref<128xi32, #tpu.memory_space<hbm>>
          %dma_start3A_29 = tpu.memref_slice %arg3[%multiple_of3A_22] : memref<80000xi32, #tpu.memory_space<hbm>> -> memref<128xi32, #tpu.memory_space<hbm>>
          tpu.enqueue_dma source(%dma_start3A_29 : memref<128xi32, #tpu.memory_space<hbm>>) target(%arg8 : memref<128xi32, #tpu.memory_space<vmem>>) target_semaphore(%run_scoped3A : memref<!tpu.dma_semaphore, #tpu.memory_space<semaphore_mem>>)
          %dma_wait3A = tpu.memref_slice %arg3[%multiple_of3A_22] : memref<80000xi32, #tpu.memory_space<hbm>> -> memref<128xi32, #tpu.memory_space<hbm>>
          %dma_wait3A_30 = tpu.memref_slice %arg3[%multiple_of3A_22] : memref<80000xi32, #tpu.memory_space<hbm>> -> memref<128xi32, #tpu.memory_space<hbm>>
          tpu.wait_dma2 semaphore(%run_scoped3A : memref<!tpu.dma_semaphore, #tpu.memory_space<semaphore_mem>>) src(%dma_wait3A_30 : memref<128xi32, #tpu.memory_space<hbm>>) dst(%arg8 : memref<128xi32, #tpu.memory_space<vmem>>)
          tpu.yield
        }) : () -> ()
        %scan3A_23 = arith.constant 0 : i32
        %scan3A_24 = arith.constant 0 : i32
        %scan3A_25 = arith.constant 8 : i32
        %scan3A_26 = arith.addi %scan3A_24, %scan3A_25 : i32
        %scan3A_27 = arith.constant 1 : i32
        scf.for %scan3A_29 = %scan3A_24 to %scan3A_26 step %scan3A_27  : i32 {
          %mul3A_30 = arith.constant 16 : i32
          %mul3A_31 = arith.muli %scan3A_29, %mul3A_30 : i32
          %get3A = arith.index_cast %mul3A_31 : i32 to index
          %get3A_32 = tpu.vector_load %arg8[%get3A] {strides = array<i32>} : memref<128xi32, #tpu.memory_space<vmem>>, vector<16xi32>,
          %get3A_33 = vector.shape_cast %get3A_32 : vector<16xi32> to vector<16xi32>
          %sub3A = vector.broadcast %mul3A_0 : i32 to vector<16xi32>
          %sub3A_34 = arith.subi %get3A_33, %sub3A : vector<16xi32>
          %ge3A = arith.constant 0 : i32
          %ge3A_35 = vector.broadcast %ge3A : i32 to vector<16xi32>
          %ge3A_36 = arith.cmpi sge, %sub3A_34, %ge3A_35 : vector<16xi32>
          %lt3A_37 = arith.constant 5000 : i32
          %lt3A_38 = vector.broadcast %lt3A_37 : i32 to vector<16xi32>
          %lt3A_39 = arith.cmpi slt, %sub3A_34, %lt3A_38 : vector<16xi32>
          %and3A = arith.andi %ge3A_36, %lt3A_39 : vector<16xi1>
          %jit3A = arith.constant 5000 : i32
          %broadcast_in_dim3A = vector.broadcast %jit3A : i32 to vector<16xi32>
          %select_n3A = arith.select %and3A, %sub3A_34, %broadcast_in_dim3A : vector<16xi1>, vector<16xi32>
          %mul3A_40 = arith.constant 16 : i32
          %mul3A_41 = arith.muli %scan3A_29, %mul3A_40 : i32
          %swap3A = arith.index_cast %mul3A_41 : i32 to index
          %swap3A_42 = tpu.vector_load %arg9[%swap3A] {strides = array<i32>} : memref<128xi32, #tpu.memory_space<vmem>>, vector<16xi32>,
          %swap3A_43 = vector.shape_cast %swap3A_42 : vector<16xi32> to vector<16xi32>
          %swap3A_44 = vector.shape_cast %select_n3A : vector<16xi32> to vector<16xi32>
          tpu.vector_store %arg9[%swap3A], %swap3A_44 {strides = array<i32>} : memref<128xi32, #tpu.memory_space<vmem>>, vector<16xi32>,
        }
        %scan3A_28 = arith.constant 8 : i32
        "tpu.region"() ({
          %run_scoped3A = tpu.sem_alloc : memref<!tpu.dma_semaphore, #tpu.memory_space<semaphore_mem>>
          %dma_start3A = arith.constant 0 : i32
          %dma_start3A_29 = tpu.memref_slice %arg2[%multiple_of3A_22, %dma_start3A] : memref<80000x128xf32, #tpu.memory_space<hbm>> -> memref<128x128xf32, #tpu.memory_space<hbm>>
          %dma_start3A_30 = arith.constant 0 : i32
          %dma_start3A_31 = tpu.memref_slice %arg2[%multiple_of3A_22, %dma_start3A_30] : memref<80000x128xf32, #tpu.memory_space<hbm>> -> memref<128x128xf32, #tpu.memory_space<hbm>>
          tpu.enqueue_dma source(%dma_start3A_31 : memref<128x128xf32, #tpu.memory_space<hbm>>) target(%arg10 : memref<128x128xf32, #tpu.memory_space<vmem>>) target_semaphore(%run_scoped3A : memref<!tpu.dma_semaphore, #tpu.memory_space<semaphore_mem>>)
          %dma_wait3A = arith.constant 0 : i32
          %dma_wait3A_32 = tpu.memref_slice %arg2[%multiple_of3A_22, %dma_wait3A] : memref<80000x128xf32, #tpu.memory_space<hbm>> -> memref<128x128xf32, #tpu.memory_space<hbm>>
          %dma_wait3A_33 = arith.constant 0 : i32
          %dma_wait3A_34 = tpu.memref_slice %arg2[%multiple_of3A_22, %dma_wait3A_33] : memref<80000x128xf32, #tpu.memory_space<hbm>> -> memref<128x128xf32, #tpu.memory_space<hbm>>
          tpu.wait_dma2 semaphore(%run_scoped3A : memref<!tpu.dma_semaphore, #tpu.memory_space<semaphore_mem>>) src(%dma_wait3A_34 : memref<128x128xf32, #tpu.memory_space<hbm>>) dst(%arg10 : memref<128x128xf32, #tpu.memory_space<vmem>>)
          tpu.yield
        }) : () -> ()
        "tpu.region"() ({
          %run_scoped3A = tpu.sem_alloc : memref<!tpu.dma_semaphore, #tpu.memory_space<semaphore_mem>>
          %dma_start3A = arith.constant 0 : i32
          %dma_start3A_29 = arith.constant 0 : i32
          %dma_start3A_30 = tpu.memref_slice %arg13[%dma_start3A, %dma_start3A_29] : memref<5120x128xf32, #tpu.memory_space<vmem_shared>> -> memref<5120x128xf32, #tpu.memory_space<vmem_shared>>
          tpu.enqueue_indirect_dma source(%arg10 : memref<128x128xf32, #tpu.memory_space<vmem>>) target(%dma_start3A_30 : memref<5120x128xf32, #tpu.memory_space<vmem_shared>>) offsets(%arg9 : memref<128xi32, #tpu.memory_space<vmem>>) semaphore(%run_scoped3A : memref<!tpu.dma_semaphore, #tpu.memory_space<semaphore_mem>>) {add = true}
          %dma_wait3A = arith.constant 0 : i32
          %dma_wait3A_31 = arith.constant 0 : i32
          %dma_wait3A_32 = tpu.memref_slice %arg13[%dma_wait3A, %dma_wait3A_31] : memref<5120x128xf32, #tpu.memory_space<vmem_shared>> -> memref<5120x128xf32, #tpu.memory_space<vmem_shared>>
          tpu.wait_indirect_dma semaphore(%run_scoped3A : memref<!tpu.dma_semaphore, #tpu.memory_space<semaphore_mem>>) src(%arg10 : memref<128x128xf32, #tpu.memory_space<vmem>>) dst(%dma_wait3A_32 : memref<5120x128xf32, #tpu.memory_space<vmem_shared>>)
          tpu.yield
        }) : () -> ()
        "tpu.region"() ({
          %run_scoped3A = tpu.sem_alloc : memref<!tpu.dma_semaphore, #tpu.memory_space<semaphore_mem>>
          %dma_start3A = arith.constant 0 : i32
          %dma_start3A_29 = arith.constant 0 : i32
          %dma_start3A_30 = tpu.memref_slice %arg14[%dma_start3A, %dma_start3A_29] : memref<5120x128xf32, #tpu.memory_space<vmem_shared>> -> memref<5120x128xf32, #tpu.memory_space<vmem_shared>>
          tpu.enqueue_indirect_dma source(%arg11 : memref<128x128xf32, #tpu.memory_space<vmem>>) target(%dma_start3A_30 : memref<5120x128xf32, #tpu.memory_space<vmem_shared>>) offsets(%arg9 : memref<128xi32, #tpu.memory_space<vmem>>) semaphore(%run_scoped3A : memref<!tpu.dma_semaphore, #tpu.memory_space<semaphore_mem>>) {add = true}
          %dma_wait3A = arith.constant 0 : i32
          %dma_wait3A_31 = arith.constant 0 : i32
          %dma_wait3A_32 = tpu.memref_slice %arg14[%dma_wait3A, %dma_wait3A_31] : memref<5120x128xf32, #tpu.memory_space<vmem_shared>> -> memref<5120x128xf32, #tpu.memory_space<vmem_shared>>
          tpu.wait_indirect_dma semaphore(%run_scoped3A : memref<!tpu.dma_semaphore, #tpu.memory_space<semaphore_mem>>) src(%arg11 : memref<128x128xf32, #tpu.memory_space<vmem>>) dst(%dma_wait3A_32 : memref<5120x128xf32, #tpu.memory_space<vmem_shared>>)
          tpu.yield
        }) : () -> ()
      } else {
      }
    }
    %scan3A_7 = arith.constant 40 : i32
    %barrier3A_8 = arith.constant 0 : index
    tpu.barrier barrier_id(%barrier3A_8)
    %scan3A_9 = arith.constant 0 : i32
    %scan3A_10 = arith.constant 0 : i32
    %scan3A_11 = arith.constant 8 : i32
    %scan3A_12 = arith.addi %scan3A_10, %scan3A_11 : i32
    %scan3A_13 = arith.constant 1 : i32
    scf.for %scan3A_15 = %scan3A_10 to %scan3A_12 step %scan3A_13  : i32 {
      %lt3A = arith.constant 15 : i32
      %lt3A_16 = arith.cmpi slt, %arg1, %lt3A : i32
      %lt3A_17 = arith.constant 5 : i32
      %lt3A_18 = arith.cmpi slt, %scan3A_15, %lt3A_17 : i32
      %or3A = arith.ori %lt3A_16, %lt3A_18 : i1
      %convert_element_type3A = arith.extui %or3A : i1 to i32
      %cond3A = arith.constant 0 : i32
      %cond3A_19 = arith.cmpi ne, %convert_element_type3A, %cond3A : i32
      scf.if %cond3A_19 {
        %mul3A_20 = arith.constant 40 : i32
        %mul3A_21 = arith.muli %scan3A_15, %mul3A_20 : i32
        %add3A = arith.addi %multiple_of3A, %mul3A_21 : i32
        %multiple_of3A_22 = tpu.assume_multiple %add3A, 8 : i32
        %add3A_23 = arith.addi %mul3A_0, %multiple_of3A : i32
        %mul3A_24 = arith.constant 40 : i32
        %mul3A_25 = arith.muli %scan3A_15, %mul3A_24 : i32
        %add3A_26 = arith.addi %add3A_23, %mul3A_25 : i32
        %multiple_of3A_27 = tpu.assume_multiple %add3A_26, 8 : i32
        "tpu.region"() ({
          %run_scoped3A = tpu.sem_alloc : memref<!tpu.dma_semaphore, #tpu.memory_space<semaphore_mem>>
          %dma_start3A = arith.constant 0 : i32
          %dma_start3A_28 = tpu.memref_slice %arg13[%multiple_of3A_22, %dma_start3A] : memref<5120x128xf32, #tpu.memory_space<vmem_shared>> -> memref<40x128xf32, #tpu.memory_space<vmem_shared>>
          %dma_start3A_29 = arith.constant 0 : i32
          %dma_start3A_30 = tpu.memref_slice %arg13[%multiple_of3A_22, %dma_start3A_29] : memref<5120x128xf32, #tpu.memory_space<vmem_shared>> -> memref<40x128xf32, #tpu.memory_space<vmem_shared>>
          tpu.enqueue_dma source(%dma_start3A_30 : memref<40x128xf32, #tpu.memory_space<vmem_shared>>) target(%arg12 : memref<40x128xf32, #tpu.memory_space<vmem>>) target_semaphore(%run_scoped3A : memref<!tpu.dma_semaphore, #tpu.memory_space<semaphore_mem>>)
          %dma_wait3A = arith.constant 0 : i32
          %dma_wait3A_31 = tpu.memref_slice %arg13[%multiple_of3A_22, %dma_wait3A] : memref<5120x128xf32, #tpu.memory_space<vmem_shared>> -> memref<40x128xf32, #tpu.memory_space<vmem_shared>>
          %dma_wait3A_32 = arith.constant 0 : i32
          %dma_wait3A_33 = tpu.memref_slice %arg13[%multiple_of3A_22, %dma_wait3A_32] : memref<5120x128xf32, #tpu.memory_space<vmem_shared>> -> memref<40x128xf32, #tpu.memory_space<vmem_shared>>
          tpu.wait_dma2 semaphore(%run_scoped3A : memref<!tpu.dma_semaphore, #tpu.memory_space<semaphore_mem>>) src(%dma_wait3A_33 : memref<40x128xf32, #tpu.memory_space<vmem_shared>>) dst(%arg12 : memref<40x128xf32, #tpu.memory_space<vmem>>)
          tpu.yield
        }) : () -> ()
        "tpu.region"() ({
          %run_scoped3A = tpu.sem_alloc : memref<!tpu.dma_semaphore, #tpu.memory_space<semaphore_mem>>
          %dma_start3A = arith.constant 0 : i32
          %dma_start3A_28 = tpu.memref_slice %arg6[%multiple_of3A_27, %dma_start3A] : memref<10000x128xf32, #tpu.memory_space<hbm>> -> memref<40x128xf32, #tpu.memory_space<hbm>>
          %dma_start3A_29 = arith.constant 0 : i32
          %dma_start3A_30 = tpu.memref_slice %arg6[%multiple_of3A_27, %dma_start3A_29] : memref<10000x128xf32, #tpu.memory_space<hbm>> -> memref<40x128xf32, #tpu.memory_space<hbm>>
          tpu.enqueue_dma source(%arg12 : memref<40x128xf32, #tpu.memory_space<vmem>>) target(%dma_start3A_30 : memref<40x128xf32, #tpu.memory_space<hbm>>) target_semaphore(%run_scoped3A : memref<!tpu.dma_semaphore, #tpu.memory_space<semaphore_mem>>)
          %dma_wait3A = arith.constant 0 : i32
          %dma_wait3A_31 = tpu.memref_slice %arg6[%multiple_of3A_27, %dma_wait3A] : memref<10000x128xf32, #tpu.memory_space<hbm>> -> memref<40x128xf32, #tpu.memory_space<hbm>>
          %dma_wait3A_32 = arith.constant 0 : i32
          %dma_wait3A_33 = tpu.memref_slice %arg6[%multiple_of3A_27, %dma_wait3A_32] : memref<10000x128xf32, #tpu.memory_space<hbm>> -> memref<40x128xf32, #tpu.memory_space<hbm>>
          tpu.wait_dma2 semaphore(%run_scoped3A : memref<!tpu.dma_semaphore, #tpu.memory_space<semaphore_mem>>) src(%arg12 : memref<40x128xf32, #tpu.memory_space<vmem>>) dst(%dma_wait3A_33 : memref<40x128xf32, #tpu.memory_space<hbm>>)
          tpu.yield
        }) : () -> ()
        "tpu.region"() ({
          %run_scoped3A = tpu.sem_alloc : memref<!tpu.dma_semaphore, #tpu.memory_space<semaphore_mem>>
          %dma_start3A = arith.constant 0 : i32
          %dma_start3A_28 = tpu.memref_slice %arg14[%multiple_of3A_22, %dma_start3A] : memref<5120x128xf32, #tpu.memory_space<vmem_shared>> -> memref<40x128xf32, #tpu.memory_space<vmem_shared>>
          %dma_start3A_29 = arith.constant 0 : i32
          %dma_start3A_30 = tpu.memref_slice %arg14[%multiple_of3A_22, %dma_start3A_29] : memref<5120x128xf32, #tpu.memory_space<vmem_shared>> -> memref<40x128xf32, #tpu.memory_space<vmem_shared>>
          tpu.enqueue_dma source(%dma_start3A_30 : memref<40x128xf32, #tpu.memory_space<vmem_shared>>) target(%arg12 : memref<40x128xf32, #tpu.memory_space<vmem>>) target_semaphore(%run_scoped3A : memref<!tpu.dma_semaphore, #tpu.memory_space<semaphore_mem>>)
          %dma_wait3A = arith.constant 0 : i32
          %dma_wait3A_31 = tpu.memref_slice %arg14[%multiple_of3A_22, %dma_wait3A] : memref<5120x128xf32, #tpu.memory_space<vmem_shared>> -> memref<40x128xf32, #tpu.memory_space<vmem_shared>>
          %dma_wait3A_32 = arith.constant 0 : i32
          %dma_wait3A_33 = tpu.memref_slice %arg14[%multiple_of3A_22, %dma_wait3A_32] : memref<5120x128xf32, #tpu.memory_space<vmem_shared>> -> memref<40x128xf32, #tpu.memory_space<vmem_shared>>
          tpu.wait_dma2 semaphore(%run_scoped3A : memref<!tpu.dma_semaphore, #tpu.memory_space<semaphore_mem>>) src(%dma_wait3A_33 : memref<40x128xf32, #tpu.memory_space<vmem_shared>>) dst(%arg12 : memref<40x128xf32, #tpu.memory_space<vmem>>)
          tpu.yield
        }) : () -> ()
        "tpu.region"() ({
          %run_scoped3A = tpu.sem_alloc : memref<!tpu.dma_semaphore, #tpu.memory_space<semaphore_mem>>
          %dma_start3A = arith.constant 0 : i32
          %dma_start3A_28 = tpu.memref_slice %arg7[%multiple_of3A_27, %dma_start3A] : memref<10000x128xf32, #tpu.memory_space<hbm>> -> memref<40x128xf32, #tpu.memory_space<hbm>>
          %dma_start3A_29 = arith.constant 0 : i32
          %dma_start3A_30 = tpu.memref_slice %arg7[%multiple_of3A_27, %dma_start3A_29] : memref<10000x128xf32, #tpu.memory_space<hbm>> -> memref<40x128xf32, #tpu.memory_space<hbm>>
          tpu.enqueue_dma source(%arg12 : memref<40x128xf32, #tpu.memory_space<vmem>>) target(%dma_start3A_30 : memref<40x128xf32, #tpu.memory_space<hbm>>) target_semaphore(%run_scoped3A : memref<!tpu.dma_semaphore, #tpu.memory_space<semaphore_mem>>)
          %dma_wait3A = arith.constant 0 : i32
          %dma_wait3A_31 = tpu.memref_slice %arg7[%multiple_of3A_27, %dma_wait3A] : memref<10000x128xf32, #tpu.memory_space<hbm>> -> memref<40x128xf32, #tpu.memory_space<hbm>>
          %dma_wait3A_32 = arith.constant 0 : i32
          %dma_wait3A_33 = tpu.memref_slice %arg7[%multiple_of3A_27, %dma_wait3A_32] : memref<10000x128xf32, #tpu.memory_space<hbm>> -> memref<40x128xf32, #tpu.memory_space<hbm>>
          tpu.wait_dma2 semaphore(%run_scoped3A : memref<!tpu.dma_semaphore, #tpu.memory_space<semaphore_mem>>) src(%arg12 : memref<40x128xf32, #tpu.memory_space<vmem>>) dst(%dma_wait3A_33 : memref<40x128xf32, #tpu.memory_space<hbm>>)
          tpu.yield
        }) : () -> ()
      } else {
      }
    }
    %scan3A_14 = arith.constant 8 : i32
    return
  }
}

#map = affine_map<(d0, d1) -> (0, 0)>
#map1 = affine_map<(d0, d1) -> (0)>
module attributes {stable_mosaic.version = 14 : i64} {
  func.func @_sc_scatter_g(%arg0: i32, %arg1: i32, %arg2: memref<10000x128xf32, #tpu.memory_space<hbm>>, %arg3: memref<10000x128xf32, #tpu.memory_space<hbm>>, %arg4: memref<10000x128xf32, #tpu.memory_space<hbm>>, %arg5: memref<10000xi32, #tpu.memory_space<hbm>>, %arg6: memref<32x128xf32, #tpu.memory_space<hbm>>, %arg7: memref<80x128xf32, #tpu.memory_space<hbm>>, %arg8: memref<512x128xf32, #tpu.memory_space<hbm>>, %arg9: memref<512x128xf32, #tpu.memory_space<hbm>>, %arg10: memref<80xi32, #tpu.memory_space<vmem>>, %arg11: memref<80xi32, #tpu.memory_space<vmem>>, %arg12: memref<80x128xf32, #tpu.memory_space<vmem>>, %arg13: memref<80x128xf32, #tpu.memory_space<vmem>>, %arg14: memref<80x128xf32, #tpu.memory_space<vmem>>, %arg15: memref<80x128xf32, #tpu.memory_space<vmem>>, %arg16: memref<32x128xf32, #tpu.memory_space<vmem>>, %arg17: memref<32x128xf32, #tpu.memory_space<vmem>>, %arg18: memref<512x128xf32, #tpu.memory_space<vmem_shared>>, %arg19: memref<512x128xf32, #tpu.memory_space<vmem_shared>>, %arg20: memref<512x128xf32, #tpu.memory_space<vmem_shared>>, %arg21: memref<512x128xf32, #tpu.memory_space<vmem_shared>>) attributes {dimension_semantics = [#tpu.dimension_semantics<core_parallel>, #tpu.dimension_semantics<subcore_parallel>], iteration_bounds = array<i64: 2, 16>, scalar_prefetch = 0 : i64, scratch_operands = 12 : i64, tpu.core_type = #tpu.core_type<sc_vector_subcore>, window_params = [{transform_indices = #map}, {transform_indices = #map}, {transform_indices = #map}, {transform_indices = #map1}, {transform_indices = #map}, {transform_indices = #map}, {transform_indices = #map}, {transform_indices = #map}]} {
    %mul3A = arith.constant 256 : i32
    %mul3A_0 = arith.muli %arg0, %mul3A : i32
    %mul3A_1 = arith.constant 32 : i32
    %mul3A_2 = arith.muli %arg1, %mul3A_1 : i32
    %multiple_of3A = tpu.assume_multiple %mul3A_2, 8 : i32
    "tpu.region"() ({
      %run_scoped3A = tpu.sem_alloc : memref<!tpu.dma_semaphore, #tpu.memory_space<semaphore_mem>>
      %dma_start3A = arith.constant 0 : i32
      %dma_start3A_11 = tpu.memref_slice %arg18[%multiple_of3A, %dma_start3A] : memref<512x128xf32, #tpu.memory_space<vmem_shared>> -> memref<32x128xf32, #tpu.memory_space<vmem_shared>>
      tpu.enqueue_dma source(%arg6 : memref<32x128xf32, #tpu.memory_space<hbm>>) target(%dma_start3A_11 : memref<32x128xf32, #tpu.memory_space<vmem_shared>>) target_semaphore(%run_scoped3A : memref<!tpu.dma_semaphore, #tpu.memory_space<semaphore_mem>>)
      %dma_wait3A = arith.constant 0 : i32
      %dma_wait3A_12 = tpu.memref_slice %arg18[%multiple_of3A, %dma_wait3A] : memref<512x128xf32, #tpu.memory_space<vmem_shared>> -> memref<32x128xf32, #tpu.memory_space<vmem_shared>>
      tpu.wait_dma2 semaphore(%run_scoped3A : memref<!tpu.dma_semaphore, #tpu.memory_space<semaphore_mem>>) src(%arg6 : memref<32x128xf32, #tpu.memory_space<hbm>>) dst(%dma_wait3A_12 : memref<32x128xf32, #tpu.memory_space<vmem_shared>>)
      tpu.yield
    }) : () -> ()
    "tpu.region"() ({
      %run_scoped3A = tpu.sem_alloc : memref<!tpu.dma_semaphore, #tpu.memory_space<semaphore_mem>>
      %dma_start3A = arith.constant 0 : i32
      %dma_start3A_11 = tpu.memref_slice %arg19[%multiple_of3A, %dma_start3A] : memref<512x128xf32, #tpu.memory_space<vmem_shared>> -> memref<32x128xf32, #tpu.memory_space<vmem_shared>>
      tpu.enqueue_dma source(%arg6 : memref<32x128xf32, #tpu.memory_space<hbm>>) target(%dma_start3A_11 : memref<32x128xf32, #tpu.memory_space<vmem_shared>>) target_semaphore(%run_scoped3A : memref<!tpu.dma_semaphore, #tpu.memory_space<semaphore_mem>>)
      %dma_wait3A = arith.constant 0 : i32
      %dma_wait3A_12 = tpu.memref_slice %arg19[%multiple_of3A, %dma_wait3A] : memref<512x128xf32, #tpu.memory_space<vmem_shared>> -> memref<32x128xf32, #tpu.memory_space<vmem_shared>>
      tpu.wait_dma2 semaphore(%run_scoped3A : memref<!tpu.dma_semaphore, #tpu.memory_space<semaphore_mem>>) src(%arg6 : memref<32x128xf32, #tpu.memory_space<hbm>>) dst(%dma_wait3A_12 : memref<32x128xf32, #tpu.memory_space<vmem_shared>>)
      tpu.yield
    }) : () -> ()
    "tpu.region"() ({
      %run_scoped3A = tpu.sem_alloc : memref<!tpu.dma_semaphore, #tpu.memory_space<semaphore_mem>>
      %dma_start3A = arith.constant 0 : i32
      %dma_start3A_11 = tpu.memref_slice %arg20[%multiple_of3A, %dma_start3A] : memref<512x128xf32, #tpu.memory_space<vmem_shared>> -> memref<32x128xf32, #tpu.memory_space<vmem_shared>>
      tpu.enqueue_dma source(%arg6 : memref<32x128xf32, #tpu.memory_space<hbm>>) target(%dma_start3A_11 : memref<32x128xf32, #tpu.memory_space<vmem_shared>>) target_semaphore(%run_scoped3A : memref<!tpu.dma_semaphore, #tpu.memory_space<semaphore_mem>>)
      %dma_wait3A = arith.constant 0 : i32
      %dma_wait3A_12 = tpu.memref_slice %arg20[%multiple_of3A, %dma_wait3A] : memref<512x128xf32, #tpu.memory_space<vmem_shared>> -> memref<32x128xf32, #tpu.memory_space<vmem_shared>>
      tpu.wait_dma2 semaphore(%run_scoped3A : memref<!tpu.dma_semaphore, #tpu.memory_space<semaphore_mem>>) src(%arg6 : memref<32x128xf32, #tpu.memory_space<hbm>>) dst(%dma_wait3A_12 : memref<32x128xf32, #tpu.memory_space<vmem_shared>>)
      tpu.yield
    }) : () -> ()
    "tpu.region"() ({
      %run_scoped3A = tpu.sem_alloc : memref<!tpu.dma_semaphore, #tpu.memory_space<semaphore_mem>>
      %dma_start3A = arith.constant 0 : i32
      %dma_start3A_11 = tpu.memref_slice %arg21[%multiple_of3A, %dma_start3A] : memref<512x128xf32, #tpu.memory_space<vmem_shared>> -> memref<32x128xf32, #tpu.memory_space<vmem_shared>>
      tpu.enqueue_dma source(%arg6 : memref<32x128xf32, #tpu.memory_space<hbm>>) target(%dma_start3A_11 : memref<32x128xf32, #tpu.memory_space<vmem_shared>>) target_semaphore(%run_scoped3A : memref<!tpu.dma_semaphore, #tpu.memory_space<semaphore_mem>>)
      %dma_wait3A = arith.constant 0 : i32
      %dma_wait3A_12 = tpu.memref_slice %arg21[%multiple_of3A, %dma_wait3A] : memref<512x128xf32, #tpu.memory_space<vmem_shared>> -> memref<32x128xf32, #tpu.memory_space<vmem_shared>>
      tpu.wait_dma2 semaphore(%run_scoped3A : memref<!tpu.dma_semaphore, #tpu.memory_space<semaphore_mem>>) src(%arg6 : memref<32x128xf32, #tpu.memory_space<hbm>>) dst(%dma_wait3A_12 : memref<32x128xf32, #tpu.memory_space<vmem_shared>>)
      tpu.yield
    }) : () -> ()
    "tpu.region"() ({
      %run_scoped3A = tpu.sem_alloc : memref<!tpu.dma_semaphore, #tpu.memory_space<semaphore_mem>>
      tpu.enqueue_dma source(%arg7 : memref<80x128xf32, #tpu.memory_space<hbm>>) target(%arg15 : memref<80x128xf32, #tpu.memory_space<vmem>>) target_semaphore(%run_scoped3A : memref<!tpu.dma_semaphore, #tpu.memory_space<semaphore_mem>>)
      tpu.wait_dma2 semaphore(%run_scoped3A : memref<!tpu.dma_semaphore, #tpu.memory_space<semaphore_mem>>) src(%arg7 : memref<80x128xf32, #tpu.memory_space<hbm>>) dst(%arg15 : memref<80x128xf32, #tpu.memory_space<vmem>>)
      tpu.yield
    }) : () -> ()
    %barrier3A = arith.constant 0 : index
    tpu.barrier barrier_id(%barrier3A)
    %scan3A = arith.constant 0 : i32
    %scan3A_3 = arith.constant 0 : i32
    %scan3A_4 = arith.constant 8 : i32
    %scan3A_5 = arith.addi %scan3A_3, %scan3A_4 : i32
    %scan3A_6 = arith.constant 1 : i32
    scf.for %scan3A_11 = %scan3A_3 to %scan3A_5 step %scan3A_6  : i32 {
      %mul3A_12 = arith.constant 16 : i32
      %mul3A_13 = arith.muli %mul3A_12, %scan3A_11 : i32
      %add3A = arith.addi %arg1, %mul3A_13 : i32
      %lt3A_14 = arith.constant 125 : i32
      %lt3A_15 = arith.cmpi slt, %add3A, %lt3A_14 : i32
      %convert_element_type3A_16 = arith.extui %lt3A_15 : i1 to i32
      %cond3A_17 = arith.constant 0 : i32
      %cond3A_18 = arith.cmpi ne, %convert_element_type3A_16, %cond3A_17 : i32
      scf.if %cond3A_18 {
        %mul3A_19 = arith.constant 80 : i32
        %mul3A_20 = arith.muli %add3A, %mul3A_19 : i32
        %multiple_of3A_21 = tpu.assume_multiple %mul3A_20, 8 : i32
        "tpu.region"() ({
          %run_scoped3A = tpu.sem_alloc : memref<!tpu.dma_semaphore, #tpu.memory_space<semaphore_mem>>
          %dma_start3A = tpu.memref_slice %arg5[%multiple_of3A_21] : memref<10000xi32, #tpu.memory_space<hbm>> -> memref<80xi32, #tpu.memory_space<hbm>>
          %dma_start3A_28 = tpu.memref_slice %arg5[%multiple_of3A_21] : memref<10000xi32, #tpu.memory_space<hbm>> -> memref<80xi32, #tpu.memory_space<hbm>>
          tpu.enqueue_dma source(%dma_start3A_28 : memref<80xi32, #tpu.memory_space<hbm>>) target(%arg10 : memref<80xi32, #tpu.memory_space<vmem>>) target_semaphore(%run_scoped3A : memref<!tpu.dma_semaphore, #tpu.memory_space<semaphore_mem>>)
          %dma_wait3A = tpu.memref_slice %arg5[%multiple_of3A_21] : memref<10000xi32, #tpu.memory_space<hbm>> -> memref<80xi32, #tpu.memory_space<hbm>>
          %dma_wait3A_29 = tpu.memref_slice %arg5[%multiple_of3A_21] : memref<10000xi32, #tpu.memory_space<hbm>> -> memref<80xi32, #tpu.memory_space<hbm>>
          tpu.wait_dma2 semaphore(%run_scoped3A : memref<!tpu.dma_semaphore, #tpu.memory_space<semaphore_mem>>) src(%dma_wait3A_29 : memref<80xi32, #tpu.memory_space<hbm>>) dst(%arg10 : memref<80xi32, #tpu.memory_space<vmem>>)
          tpu.yield
        }) : () -> ()
        %scan3A_22 = arith.constant 0 : i32
        %scan3A_23 = arith.constant 0 : i32
        %scan3A_24 = arith.constant 5 : i32
        %scan3A_25 = arith.addi %scan3A_23, %scan3A_24 : i32
        %scan3A_26 = arith.constant 1 : i32
        scf.for %scan3A_28 = %scan3A_23 to %scan3A_25 step %scan3A_26  : i32 {
          %mul3A_29 = arith.constant 16 : i32
          %mul3A_30 = arith.muli %scan3A_28, %mul3A_29 : i32
          %get3A = arith.index_cast %mul3A_30 : i32 to index
          %get3A_31 = tpu.vector_load %arg10[%get3A] {strides = array<i32>} : memref<80xi32, #tpu.memory_space<vmem>>, vector<16xi32>,
          %get3A_32 = vector.shape_cast %get3A_31 : vector<16xi32> to vector<16xi32>
          %sub3A = vector.broadcast %mul3A_0 : i32 to vector<16xi32>
          %sub3A_33 = arith.subi %get3A_32, %sub3A : vector<16xi32>
          %ge3A = arith.constant 0 : i32
          %ge3A_34 = vector.broadcast %ge3A : i32 to vector<16xi32>
          %ge3A_35 = arith.cmpi sge, %sub3A_33, %ge3A_34 : vector<16xi32>
          %lt3A_36 = arith.constant 256 : i32
          %lt3A_37 = vector.broadcast %lt3A_36 : i32 to vector<16xi32>
          %lt3A_38 = arith.cmpi slt, %sub3A_33, %lt3A_37 : vector<16xi32>
          %and3A = arith.andi %ge3A_35, %lt3A_38 : vector<16xi1>
          %jit3A = arith.constant 256 : i32
          %broadcast_in_dim3A = vector.broadcast %jit3A : i32 to vector<16xi32>
          %select_n3A = arith.select %and3A, %sub3A_33, %broadcast_in_dim3A : vector<16xi1>, vector<16xi32>
          %mul3A_39 = arith.constant 16 : i32
          %mul3A_40 = arith.muli %scan3A_28, %mul3A_39 : i32
          %swap3A = arith.index_cast %mul3A_40 : i32 to index
          %swap3A_41 = tpu.vector_load %arg11[%swap3A] {strides = array<i32>} : memref<80xi32, #tpu.memory_space<vmem>>, vector<16xi32>,
          %swap3A_42 = vector.shape_cast %swap3A_41 : vector<16xi32> to vector<16xi32>
          %swap3A_43 = vector.shape_cast %select_n3A : vector<16xi32> to vector<16xi32>
          tpu.vector_store %arg11[%swap3A], %swap3A_43 {strides = array<i32>} : memref<80xi32, #tpu.memory_space<vmem>>, vector<16xi32>,
        }
        %scan3A_27 = arith.constant 5 : i32
        "tpu.region"() ({
          %run_scoped3A = tpu.sem_alloc : memref<!tpu.dma_semaphore, #tpu.memory_space<semaphore_mem>>
          %dma_start3A = arith.constant 0 : i32
          %dma_start3A_28 = tpu.memref_slice %arg2[%multiple_of3A_21, %dma_start3A] : memref<10000x128xf32, #tpu.memory_space<hbm>> -> memref<80x128xf32, #tpu.memory_space<hbm>>
          %dma_start3A_29 = arith.constant 0 : i32
          %dma_start3A_30 = tpu.memref_slice %arg2[%multiple_of3A_21, %dma_start3A_29] : memref<10000x128xf32, #tpu.memory_space<hbm>> -> memref<80x128xf32, #tpu.memory_space<hbm>>
          tpu.enqueue_dma source(%dma_start3A_30 : memref<80x128xf32, #tpu.memory_space<hbm>>) target(%arg12 : memref<80x128xf32, #tpu.memory_space<vmem>>) target_semaphore(%run_scoped3A : memref<!tpu.dma_semaphore, #tpu.memory_space<semaphore_mem>>)
          %dma_wait3A = arith.constant 0 : i32
          %dma_wait3A_31 = tpu.memref_slice %arg2[%multiple_of3A_21, %dma_wait3A] : memref<10000x128xf32, #tpu.memory_space<hbm>> -> memref<80x128xf32, #tpu.memory_space<hbm>>
          %dma_wait3A_32 = arith.constant 0 : i32
          %dma_wait3A_33 = tpu.memref_slice %arg2[%multiple_of3A_21, %dma_wait3A_32] : memref<10000x128xf32, #tpu.memory_space<hbm>> -> memref<80x128xf32, #tpu.memory_space<hbm>>
          tpu.wait_dma2 semaphore(%run_scoped3A : memref<!tpu.dma_semaphore, #tpu.memory_space<semaphore_mem>>) src(%dma_wait3A_33 : memref<80x128xf32, #tpu.memory_space<hbm>>) dst(%arg12 : memref<80x128xf32, #tpu.memory_space<vmem>>)
          tpu.yield
        }) : () -> ()
        "tpu.region"() ({
          %run_scoped3A = tpu.sem_alloc : memref<!tpu.dma_semaphore, #tpu.memory_space<semaphore_mem>>
          %dma_start3A = arith.constant 0 : i32
          %dma_start3A_28 = tpu.memref_slice %arg3[%multiple_of3A_21, %dma_start3A] : memref<10000x128xf32, #tpu.memory_space<hbm>> -> memref<80x128xf32, #tpu.memory_space<hbm>>
          %dma_start3A_29 = arith.constant 0 : i32
          %dma_start3A_30 = tpu.memref_slice %arg3[%multiple_of3A_21, %dma_start3A_29] : memref<10000x128xf32, #tpu.memory_space<hbm>> -> memref<80x128xf32, #tpu.memory_space<hbm>>
          tpu.enqueue_dma source(%dma_start3A_30 : memref<80x128xf32, #tpu.memory_space<hbm>>) target(%arg13 : memref<80x128xf32, #tpu.memory_space<vmem>>) target_semaphore(%run_scoped3A : memref<!tpu.dma_semaphore, #tpu.memory_space<semaphore_mem>>)
          %dma_wait3A = arith.constant 0 : i32
          %dma_wait3A_31 = tpu.memref_slice %arg3[%multiple_of3A_21, %dma_wait3A] : memref<10000x128xf32, #tpu.memory_space<hbm>> -> memref<80x128xf32, #tpu.memory_space<hbm>>
          %dma_wait3A_32 = arith.constant 0 : i32
          %dma_wait3A_33 = tpu.memref_slice %arg3[%multiple_of3A_21, %dma_wait3A_32] : memref<10000x128xf32, #tpu.memory_space<hbm>> -> memref<80x128xf32, #tpu.memory_space<hbm>>
          tpu.wait_dma2 semaphore(%run_scoped3A : memref<!tpu.dma_semaphore, #tpu.memory_space<semaphore_mem>>) src(%dma_wait3A_33 : memref<80x128xf32, #tpu.memory_space<hbm>>) dst(%arg13 : memref<80x128xf32, #tpu.memory_space<vmem>>)
          tpu.yield
        }) : () -> ()
        "tpu.region"() ({
          %run_scoped3A = tpu.sem_alloc : memref<!tpu.dma_semaphore, #tpu.memory_space<semaphore_mem>>
          %dma_start3A = arith.constant 0 : i32
          %dma_start3A_28 = tpu.memref_slice %arg4[%multiple_of3A_21, %dma_start3A] : memref<10000x128xf32, #tpu.memory_space<hbm>> -> memref<80x128xf32, #tpu.memory_space<hbm>>
          %dma_start3A_29 = arith.constant 0 : i32
          %dma_start3A_30 = tpu.memref_slice %arg4[%multiple_of3A_21, %dma_start3A_29] : memref<10000x128xf32, #tpu.memory_space<hbm>> -> memref<80x128xf32, #tpu.memory_space<hbm>>
          tpu.enqueue_dma source(%dma_start3A_30 : memref<80x128xf32, #tpu.memory_space<hbm>>) target(%arg14 : memref<80x128xf32, #tpu.memory_space<vmem>>) target_semaphore(%run_scoped3A : memref<!tpu.dma_semaphore, #tpu.memory_space<semaphore_mem>>)
          %dma_wait3A = arith.constant 0 : i32
          %dma_wait3A_31 = tpu.memref_slice %arg4[%multiple_of3A_21, %dma_wait3A] : memref<10000x128xf32, #tpu.memory_space<hbm>> -> memref<80x128xf32, #tpu.memory_space<hbm>>
          %dma_wait3A_32 = arith.constant 0 : i32
          %dma_wait3A_33 = tpu.memref_slice %arg4[%multiple_of3A_21, %dma_wait3A_32] : memref<10000x128xf32, #tpu.memory_space<hbm>> -> memref<80x128xf32, #tpu.memory_space<hbm>>
          tpu.wait_dma2 semaphore(%run_scoped3A : memref<!tpu.dma_semaphore, #tpu.memory_space<semaphore_mem>>) src(%dma_wait3A_33 : memref<80x128xf32, #tpu.memory_space<hbm>>) dst(%arg14 : memref<80x128xf32, #tpu.memory_space<vmem>>)
          tpu.yield
        }) : () -> ()
        "tpu.region"() ({
          %run_scoped3A = tpu.sem_alloc : memref<!tpu.dma_semaphore, #tpu.memory_space<semaphore_mem>>
          %dma_start3A = arith.constant 0 : i32
          %dma_start3A_28 = arith.constant 0 : i32
          %dma_start3A_29 = tpu.memref_slice %arg18[%dma_start3A, %dma_start3A_28] : memref<512x128xf32, #tpu.memory_space<vmem_shared>> -> memref<512x128xf32, #tpu.memory_space<vmem_shared>>
          tpu.enqueue_indirect_dma source(%arg12 : memref<80x128xf32, #tpu.memory_space<vmem>>) target(%dma_start3A_29 : memref<512x128xf32, #tpu.memory_space<vmem_shared>>) offsets(%arg11 : memref<80xi32, #tpu.memory_space<vmem>>) semaphore(%run_scoped3A : memref<!tpu.dma_semaphore, #tpu.memory_space<semaphore_mem>>) {add = true}
          %dma_wait3A = arith.constant 0 : i32
          %dma_wait3A_30 = arith.constant 0 : i32
          %dma_wait3A_31 = tpu.memref_slice %arg18[%dma_wait3A, %dma_wait3A_30] : memref<512x128xf32, #tpu.memory_space<vmem_shared>> -> memref<512x128xf32, #tpu.memory_space<vmem_shared>>
          tpu.wait_indirect_dma semaphore(%run_scoped3A : memref<!tpu.dma_semaphore, #tpu.memory_space<semaphore_mem>>) src(%arg12 : memref<80x128xf32, #tpu.memory_space<vmem>>) dst(%dma_wait3A_31 : memref<512x128xf32, #tpu.memory_space<vmem_shared>>)
          tpu.yield
        }) : () -> ()
        "tpu.region"() ({
          %run_scoped3A = tpu.sem_alloc : memref<!tpu.dma_semaphore, #tpu.memory_space<semaphore_mem>>
          %dma_start3A = arith.constant 0 : i32
          %dma_start3A_28 = arith.constant 0 : i32
          %dma_start3A_29 = tpu.memref_slice %arg19[%dma_start3A, %dma_start3A_28] : memref<512x128xf32, #tpu.memory_space<vmem_shared>> -> memref<512x128xf32, #tpu.memory_space<vmem_shared>>
          tpu.enqueue_indirect_dma source(%arg13 : memref<80x128xf32, #tpu.memory_space<vmem>>) target(%dma_start3A_29 : memref<512x128xf32, #tpu.memory_space<vmem_shared>>) offsets(%arg11 : memref<80xi32, #tpu.memory_space<vmem>>) semaphore(%run_scoped3A : memref<!tpu.dma_semaphore, #tpu.memory_space<semaphore_mem>>) {add = true}
          %dma_wait3A = arith.constant 0 : i32
          %dma_wait3A_30 = arith.constant 0 : i32
          %dma_wait3A_31 = tpu.memref_slice %arg19[%dma_wait3A, %dma_wait3A_30] : memref<512x128xf32, #tpu.memory_space<vmem_shared>> -> memref<512x128xf32, #tpu.memory_space<vmem_shared>>
          tpu.wait_indirect_dma semaphore(%run_scoped3A : memref<!tpu.dma_semaphore, #tpu.memory_space<semaphore_mem>>) src(%arg13 : memref<80x128xf32, #tpu.memory_space<vmem>>) dst(%dma_wait3A_31 : memref<512x128xf32, #tpu.memory_space<vmem_shared>>)
          tpu.yield
        }) : () -> ()
        "tpu.region"() ({
          %run_scoped3A = tpu.sem_alloc : memref<!tpu.dma_semaphore, #tpu.memory_space<semaphore_mem>>
          %dma_start3A = arith.constant 0 : i32
          %dma_start3A_28 = arith.constant 0 : i32
          %dma_start3A_29 = tpu.memref_slice %arg20[%dma_start3A, %dma_start3A_28] : memref<512x128xf32, #tpu.memory_space<vmem_shared>> -> memref<512x128xf32, #tpu.memory_space<vmem_shared>>
          tpu.enqueue_indirect_dma source(%arg15 : memref<80x128xf32, #tpu.memory_space<vmem>>) target(%dma_start3A_29 : memref<512x128xf32, #tpu.memory_space<vmem_shared>>) offsets(%arg11 : memref<80xi32, #tpu.memory_space<vmem>>) semaphore(%run_scoped3A : memref<!tpu.dma_semaphore, #tpu.memory_space<semaphore_mem>>) {add = true}
          %dma_wait3A = arith.constant 0 : i32
          %dma_wait3A_30 = arith.constant 0 : i32
          %dma_wait3A_31 = tpu.memref_slice %arg20[%dma_wait3A, %dma_wait3A_30] : memref<512x128xf32, #tpu.memory_space<vmem_shared>> -> memref<512x128xf32, #tpu.memory_space<vmem_shared>>
          tpu.wait_indirect_dma semaphore(%run_scoped3A : memref<!tpu.dma_semaphore, #tpu.memory_space<semaphore_mem>>) src(%arg15 : memref<80x128xf32, #tpu.memory_space<vmem>>) dst(%dma_wait3A_31 : memref<512x128xf32, #tpu.memory_space<vmem_shared>>)
          tpu.yield
        }) : () -> ()
        "tpu.region"() ({
          %run_scoped3A = tpu.sem_alloc : memref<!tpu.dma_semaphore, #tpu.memory_space<semaphore_mem>>
          %dma_start3A = arith.constant 0 : i32
          %dma_start3A_28 = arith.constant 0 : i32
          %dma_start3A_29 = tpu.memref_slice %arg21[%dma_start3A, %dma_start3A_28] : memref<512x128xf32, #tpu.memory_space<vmem_shared>> -> memref<512x128xf32, #tpu.memory_space<vmem_shared>>
          tpu.enqueue_indirect_dma source(%arg14 : memref<80x128xf32, #tpu.memory_space<vmem>>) target(%dma_start3A_29 : memref<512x128xf32, #tpu.memory_space<vmem_shared>>) offsets(%arg11 : memref<80xi32, #tpu.memory_space<vmem>>) semaphore(%run_scoped3A : memref<!tpu.dma_semaphore, #tpu.memory_space<semaphore_mem>>) {add = true}
          %dma_wait3A = arith.constant 0 : i32
          %dma_wait3A_30 = arith.constant 0 : i32
          %dma_wait3A_31 = tpu.memref_slice %arg21[%dma_wait3A, %dma_wait3A_30] : memref<512x128xf32, #tpu.memory_space<vmem_shared>> -> memref<512x128xf32, #tpu.memory_space<vmem_shared>>
          tpu.wait_indirect_dma semaphore(%run_scoped3A : memref<!tpu.dma_semaphore, #tpu.memory_space<semaphore_mem>>) src(%arg14 : memref<80x128xf32, #tpu.memory_space<vmem>>) dst(%dma_wait3A_31 : memref<512x128xf32, #tpu.memory_space<vmem_shared>>)
          tpu.yield
        }) : () -> ()
      } else {
      }
    }
    %scan3A_7 = arith.constant 8 : i32
    %barrier3A_8 = arith.constant 0 : index
    tpu.barrier barrier_id(%barrier3A_8)
    %lt3A = arith.constant 8 : i32
    %lt3A_9 = arith.cmpi slt, %arg1, %lt3A : i32
    %convert_element_type3A = arith.extui %lt3A_9 : i1 to i32
    %cond3A = arith.constant 0 : i32
    %cond3A_10 = arith.cmpi ne, %convert_element_type3A, %cond3A : i32
    scf.if %cond3A_10 {
      %mul3A_11 = arith.constant 32 : i32
      %mul3A_12 = arith.muli %arg1, %mul3A_11 : i32
      %add3A = arith.addi %mul3A_0, %mul3A_12 : i32
      %multiple_of3A_13 = tpu.assume_multiple %add3A, 8 : i32
      "tpu.region"() ({
        %run_scoped3A = tpu.sem_alloc : memref<!tpu.dma_semaphore, #tpu.memory_space<semaphore_mem>>
        %dma_start3A = arith.constant 0 : i32
        %dma_start3A_26 = tpu.memref_slice %arg18[%multiple_of3A, %dma_start3A] : memref<512x128xf32, #tpu.memory_space<vmem_shared>> -> memref<32x128xf32, #tpu.memory_space<vmem_shared>>
        %dma_start3A_27 = arith.constant 0 : i32
        %dma_start3A_28 = tpu.memref_slice %arg18[%multiple_of3A, %dma_start3A_27] : memref<512x128xf32, #tpu.memory_space<vmem_shared>> -> memref<32x128xf32, #tpu.memory_space<vmem_shared>>
        tpu.enqueue_dma source(%dma_start3A_28 : memref<32x128xf32, #tpu.memory_space<vmem_shared>>) target(%arg16 : memref<32x128xf32, #tpu.memory_space<vmem>>) target_semaphore(%run_scoped3A : memref<!tpu.dma_semaphore, #tpu.memory_space<semaphore_mem>>)
        %dma_wait3A = arith.constant 0 : i32
        %dma_wait3A_29 = tpu.memref_slice %arg18[%multiple_of3A, %dma_wait3A] : memref<512x128xf32, #tpu.memory_space<vmem_shared>> -> memref<32x128xf32, #tpu.memory_space<vmem_shared>>
        %dma_wait3A_30 = arith.constant 0 : i32
        %dma_wait3A_31 = tpu.memref_slice %arg18[%multiple_of3A, %dma_wait3A_30] : memref<512x128xf32, #tpu.memory_space<vmem_shared>> -> memref<32x128xf32, #tpu.memory_space<vmem_shared>>
        tpu.wait_dma2 semaphore(%run_scoped3A : memref<!tpu.dma_semaphore, #tpu.memory_space<semaphore_mem>>) src(%dma_wait3A_31 : memref<32x128xf32, #tpu.memory_space<vmem_shared>>) dst(%arg16 : memref<32x128xf32, #tpu.memory_space<vmem>>)
        tpu.yield
      }) : () -> ()
      "tpu.region"() ({
        %run_scoped3A = tpu.sem_alloc : memref<!tpu.dma_semaphore, #tpu.memory_space<semaphore_mem>>
        %dma_start3A = arith.constant 0 : i32
        %dma_start3A_26 = tpu.memref_slice %arg20[%multiple_of3A, %dma_start3A] : memref<512x128xf32, #tpu.memory_space<vmem_shared>> -> memref<32x128xf32, #tpu.memory_space<vmem_shared>>
        %dma_start3A_27 = arith.constant 0 : i32
        %dma_start3A_28 = tpu.memref_slice %arg20[%multiple_of3A, %dma_start3A_27] : memref<512x128xf32, #tpu.memory_space<vmem_shared>> -> memref<32x128xf32, #tpu.memory_space<vmem_shared>>
        tpu.enqueue_dma source(%dma_start3A_28 : memref<32x128xf32, #tpu.memory_space<vmem_shared>>) target(%arg17 : memref<32x128xf32, #tpu.memory_space<vmem>>) target_semaphore(%run_scoped3A : memref<!tpu.dma_semaphore, #tpu.memory_space<semaphore_mem>>)
        %dma_wait3A = arith.constant 0 : i32
        %dma_wait3A_29 = tpu.memref_slice %arg20[%multiple_of3A, %dma_wait3A] : memref<512x128xf32, #tpu.memory_space<vmem_shared>> -> memref<32x128xf32, #tpu.memory_space<vmem_shared>>
        %dma_wait3A_30 = arith.constant 0 : i32
        %dma_wait3A_31 = tpu.memref_slice %arg20[%multiple_of3A, %dma_wait3A_30] : memref<512x128xf32, #tpu.memory_space<vmem_shared>> -> memref<32x128xf32, #tpu.memory_space<vmem_shared>>
        tpu.wait_dma2 semaphore(%run_scoped3A : memref<!tpu.dma_semaphore, #tpu.memory_space<semaphore_mem>>) src(%dma_wait3A_31 : memref<32x128xf32, #tpu.memory_space<vmem_shared>>) dst(%arg17 : memref<32x128xf32, #tpu.memory_space<vmem>>)
        tpu.yield
      }) : () -> ()
      %scan3A_14 = arith.constant 0 : i32
      %scan3A_15 = arith.constant 0 : i32
      %scan3A_16 = arith.constant 32 : i32
      %scan3A_17 = arith.addi %scan3A_15, %scan3A_16 : i32
      %scan3A_18 = arith.constant 1 : i32
      scf.for %scan3A_26 = %scan3A_15 to %scan3A_17 step %scan3A_18  : i32 {
        %get3A = arith.index_cast %scan3A_26 : i32 to index
        %get3A_27 = arith.constant 0 : index
        %get3A_28 = tpu.vector_load %arg17[%get3A, %get3A_27] {strides = array<i32>} : memref<32x128xf32, #tpu.memory_space<vmem>>, vector<1x16xf32>,
        %get3A_29 = vector.shape_cast %get3A_28 : vector<1x16xf32> to vector<16xf32>
        %max3A = arith.constant 1.000000e+00 : f32
        %max3A_30 = vector.broadcast %max3A : f32 to vector<16xf32>
        %max3A_31 = arith.maximumf %get3A_29, %max3A_30 : vector<16xf32>
        %div3A = arith.constant 1.000000e+00 : f32
        %div3A_32 = vector.broadcast %div3A : f32 to vector<16xf32>
        %div3A_33 = arith.divf %div3A_32, %max3A_31 : vector<16xf32>
        %scan3A_34 = arith.constant 0 : i32
        %scan3A_35 = arith.constant 0 : i32
        %scan3A_36 = arith.constant 8 : i32
        %scan3A_37 = arith.addi %scan3A_35, %scan3A_36 : i32
        %scan3A_38 = arith.constant 1 : i32
        scf.for %scan3A_40 = %scan3A_35 to %scan3A_37 step %scan3A_38  : i32 {
          %mul3A_41 = arith.constant 16 : i32
          %mul3A_42 = arith.muli %scan3A_40, %mul3A_41 : i32
          %get3A_43 = arith.index_cast %scan3A_26 : i32 to index
          %get3A_44 = arith.index_cast %mul3A_42 : i32 to index
          %get3A_45 = tpu.vector_load %arg16[%get3A_43, %get3A_44] {strides = array<i32>} : memref<32x128xf32, #tpu.memory_space<vmem>>, vector<1x16xf32>,
          %get3A_46 = vector.shape_cast %get3A_45 : vector<1x16xf32> to vector<16xf32>
          %mul3A_47 = arith.mulf %get3A_46, %div3A_33 : vector<16xf32>
          %mul3A_48 = arith.constant 16 : i32
          %mul3A_49 = arith.muli %scan3A_40, %mul3A_48 : i32
          %swap3A = arith.index_cast %scan3A_26 : i32 to index
          %swap3A_50 = arith.index_cast %mul3A_49 : i32 to index
          %swap3A_51 = tpu.vector_load %arg16[%swap3A, %swap3A_50] {strides = array<i32>} : memref<32x128xf32, #tpu.memory_space<vmem>>, vector<1x16xf32>,
          %swap3A_52 = vector.shape_cast %swap3A_51 : vector<1x16xf32> to vector<16xf32>
          %swap3A_53 = vector.shape_cast %mul3A_47 : vector<16xf32> to vector<1x16xf32>
          tpu.vector_store %arg16[%swap3A, %swap3A_50], %swap3A_53 {strides = array<i32>} : memref<32x128xf32, #tpu.memory_space<vmem>>, vector<1x16xf32>,
        }
        %scan3A_39 = arith.constant 8 : i32
      }
      %scan3A_19 = arith.constant 32 : i32
      "tpu.region"() ({
        %run_scoped3A = tpu.sem_alloc : memref<!tpu.dma_semaphore, #tpu.memory_space<semaphore_mem>>
        %dma_start3A = arith.constant 0 : i32
        %dma_start3A_26 = tpu.memref_slice %arg8[%multiple_of3A_13, %dma_start3A] : memref<512x128xf32, #tpu.memory_space<hbm>> -> memref<32x128xf32, #tpu.memory_space<hbm>>
        %dma_start3A_27 = arith.constant 0 : i32
        %dma_start3A_28 = tpu.memref_slice %arg8[%multiple_of3A_13, %dma_start3A_27] : memref<512x128xf32, #tpu.memory_space<hbm>> -> memref<32x128xf32, #tpu.memory_space<hbm>>
        tpu.enqueue_dma source(%arg16 : memref<32x128xf32, #tpu.memory_space<vmem>>) target(%dma_start3A_28 : memref<32x128xf32, #tpu.memory_space<hbm>>) target_semaphore(%run_scoped3A : memref<!tpu.dma_semaphore, #tpu.memory_space<semaphore_mem>>)
        %dma_wait3A = arith.constant 0 : i32
        %dma_wait3A_29 = tpu.memref_slice %arg8[%multiple_of3A_13, %dma_wait3A] : memref<512x128xf32, #tpu.memory_space<hbm>> -> memref<32x128xf32, #tpu.memory_space<hbm>>
        %dma_wait3A_30 = arith.constant 0 : i32
        %dma_wait3A_31 = tpu.memref_slice %arg8[%multiple_of3A_13, %dma_wait3A_30] : memref<512x128xf32, #tpu.memory_space<hbm>> -> memref<32x128xf32, #tpu.memory_space<hbm>>
        tpu.wait_dma2 semaphore(%run_scoped3A : memref<!tpu.dma_semaphore, #tpu.memory_space<semaphore_mem>>) src(%arg16 : memref<32x128xf32, #tpu.memory_space<vmem>>) dst(%dma_wait3A_31 : memref<32x128xf32, #tpu.memory_space<hbm>>)
        tpu.yield
      }) : () -> ()
      "tpu.region"() ({
        %run_scoped3A = tpu.sem_alloc : memref<!tpu.dma_semaphore, #tpu.memory_space<semaphore_mem>>
        %dma_start3A = arith.constant 0 : i32
        %dma_start3A_26 = tpu.memref_slice %arg19[%multiple_of3A, %dma_start3A] : memref<512x128xf32, #tpu.memory_space<vmem_shared>> -> memref<32x128xf32, #tpu.memory_space<vmem_shared>>
        %dma_start3A_27 = arith.constant 0 : i32
        %dma_start3A_28 = tpu.memref_slice %arg19[%multiple_of3A, %dma_start3A_27] : memref<512x128xf32, #tpu.memory_space<vmem_shared>> -> memref<32x128xf32, #tpu.memory_space<vmem_shared>>
        tpu.enqueue_dma source(%dma_start3A_28 : memref<32x128xf32, #tpu.memory_space<vmem_shared>>) target(%arg16 : memref<32x128xf32, #tpu.memory_space<vmem>>) target_semaphore(%run_scoped3A : memref<!tpu.dma_semaphore, #tpu.memory_space<semaphore_mem>>)
        %dma_wait3A = arith.constant 0 : i32
        %dma_wait3A_29 = tpu.memref_slice %arg19[%multiple_of3A, %dma_wait3A] : memref<512x128xf32, #tpu.memory_space<vmem_shared>> -> memref<32x128xf32, #tpu.memory_space<vmem_shared>>
        %dma_wait3A_30 = arith.constant 0 : i32
        %dma_wait3A_31 = tpu.memref_slice %arg19[%multiple_of3A, %dma_wait3A_30] : memref<512x128xf32, #tpu.memory_space<vmem_shared>> -> memref<32x128xf32, #tpu.memory_space<vmem_shared>>
        tpu.wait_dma2 semaphore(%run_scoped3A : memref<!tpu.dma_semaphore, #tpu.memory_space<semaphore_mem>>) src(%dma_wait3A_31 : memref<32x128xf32, #tpu.memory_space<vmem_shared>>) dst(%arg16 : memref<32x128xf32, #tpu.memory_space<vmem>>)
        tpu.yield
      }) : () -> ()
      "tpu.region"() ({
        %run_scoped3A = tpu.sem_alloc : memref<!tpu.dma_semaphore, #tpu.memory_space<semaphore_mem>>
        %dma_start3A = arith.constant 0 : i32
        %dma_start3A_26 = tpu.memref_slice %arg21[%multiple_of3A, %dma_start3A] : memref<512x128xf32, #tpu.memory_space<vmem_shared>> -> memref<32x128xf32, #tpu.memory_space<vmem_shared>>
        %dma_start3A_27 = arith.constant 0 : i32
        %dma_start3A_28 = tpu.memref_slice %arg21[%multiple_of3A, %dma_start3A_27] : memref<512x128xf32, #tpu.memory_space<vmem_shared>> -> memref<32x128xf32, #tpu.memory_space<vmem_shared>>
        tpu.enqueue_dma source(%dma_start3A_28 : memref<32x128xf32, #tpu.memory_space<vmem_shared>>) target(%arg17 : memref<32x128xf32, #tpu.memory_space<vmem>>) target_semaphore(%run_scoped3A : memref<!tpu.dma_semaphore, #tpu.memory_space<semaphore_mem>>)
        %dma_wait3A = arith.constant 0 : i32
        %dma_wait3A_29 = tpu.memref_slice %arg21[%multiple_of3A, %dma_wait3A] : memref<512x128xf32, #tpu.memory_space<vmem_shared>> -> memref<32x128xf32, #tpu.memory_space<vmem_shared>>
        %dma_wait3A_30 = arith.constant 0 : i32
        %dma_wait3A_31 = tpu.memref_slice %arg21[%multiple_of3A, %dma_wait3A_30] : memref<512x128xf32, #tpu.memory_space<vmem_shared>> -> memref<32x128xf32, #tpu.memory_space<vmem_shared>>
        tpu.wait_dma2 semaphore(%run_scoped3A : memref<!tpu.dma_semaphore, #tpu.memory_space<semaphore_mem>>) src(%dma_wait3A_31 : memref<32x128xf32, #tpu.memory_space<vmem_shared>>) dst(%arg17 : memref<32x128xf32, #tpu.memory_space<vmem>>)
        tpu.yield
      }) : () -> ()
      %scan3A_20 = arith.constant 0 : i32
      %scan3A_21 = arith.constant 0 : i32
      %scan3A_22 = arith.constant 32 : i32
      %scan3A_23 = arith.addi %scan3A_21, %scan3A_22 : i32
      %scan3A_24 = arith.constant 1 : i32
      scf.for %scan3A_26 = %scan3A_21 to %scan3A_23 step %scan3A_24  : i32 {
        %get3A = arith.index_cast %scan3A_26 : i32 to index
        %get3A_27 = arith.constant 0 : index
        %get3A_28 = tpu.vector_load %arg17[%get3A, %get3A_27] {strides = array<i32>} : memref<32x128xf32, #tpu.memory_space<vmem>>, vector<1x16xf32>,
        %get3A_29 = vector.shape_cast %get3A_28 : vector<1x16xf32> to vector<16xf32>
        %max3A = arith.constant 1.000000e+00 : f32
        %max3A_30 = vector.broadcast %max3A : f32 to vector<16xf32>
        %max3A_31 = arith.maximumf %get3A_29, %max3A_30 : vector<16xf32>
        %div3A = arith.constant 1.000000e+00 : f32
        %div3A_32 = vector.broadcast %div3A : f32 to vector<16xf32>
        %div3A_33 = arith.divf %div3A_32, %max3A_31 : vector<16xf32>
        %scan3A_34 = arith.constant 0 : i32
        %scan3A_35 = arith.constant 0 : i32
        %scan3A_36 = arith.constant 8 : i32
        %scan3A_37 = arith.addi %scan3A_35, %scan3A_36 : i32
        %scan3A_38 = arith.constant 1 : i32
        scf.for %scan3A_40 = %scan3A_35 to %scan3A_37 step %scan3A_38  : i32 {
          %mul3A_41 = arith.constant 16 : i32
          %mul3A_42 = arith.muli %scan3A_40, %mul3A_41 : i32
          %get3A_43 = arith.index_cast %scan3A_26 : i32 to index
          %get3A_44 = arith.index_cast %mul3A_42 : i32 to index
          %get3A_45 = tpu.vector_load %arg16[%get3A_43, %get3A_44] {strides = array<i32>} : memref<32x128xf32, #tpu.memory_space<vmem>>, vector<1x16xf32>,
          %get3A_46 = vector.shape_cast %get3A_45 : vector<1x16xf32> to vector<16xf32>
          %mul3A_47 = arith.mulf %get3A_46, %div3A_33 : vector<16xf32>
          %mul3A_48 = arith.constant 16 : i32
          %mul3A_49 = arith.muli %scan3A_40, %mul3A_48 : i32
          %swap3A = arith.index_cast %scan3A_26 : i32 to index
          %swap3A_50 = arith.index_cast %mul3A_49 : i32 to index
          %swap3A_51 = tpu.vector_load %arg16[%swap3A, %swap3A_50] {strides = array<i32>} : memref<32x128xf32, #tpu.memory_space<vmem>>, vector<1x16xf32>,
          %swap3A_52 = vector.shape_cast %swap3A_51 : vector<1x16xf32> to vector<16xf32>
          %swap3A_53 = vector.shape_cast %mul3A_47 : vector<16xf32> to vector<1x16xf32>
          tpu.vector_store %arg16[%swap3A, %swap3A_50], %swap3A_53 {strides = array<i32>} : memref<32x128xf32, #tpu.memory_space<vmem>>, vector<1x16xf32>,
        }
        %scan3A_39 = arith.constant 8 : i32
      }
      %scan3A_25 = arith.constant 32 : i32
      "tpu.region"() ({
        %run_scoped3A = tpu.sem_alloc : memref<!tpu.dma_semaphore, #tpu.memory_space<semaphore_mem>>
        %dma_start3A = arith.constant 0 : i32
        %dma_start3A_26 = tpu.memref_slice %arg9[%multiple_of3A_13, %dma_start3A] : memref<512x128xf32, #tpu.memory_space<hbm>> -> memref<32x128xf32, #tpu.memory_space<hbm>>
        %dma_start3A_27 = arith.constant 0 : i32
        %dma_start3A_28 = tpu.memref_slice %arg9[%multiple_of3A_13, %dma_start3A_27] : memref<512x128xf32, #tpu.memory_space<hbm>> -> memref<32x128xf32, #tpu.memory_space<hbm>>
        tpu.enqueue_dma source(%arg16 : memref<32x128xf32, #tpu.memory_space<vmem>>) target(%dma_start3A_28 : memref<32x128xf32, #tpu.memory_space<hbm>>) target_semaphore(%run_scoped3A : memref<!tpu.dma_semaphore, #tpu.memory_space<semaphore_mem>>)
        %dma_wait3A = arith.constant 0 : i32
        %dma_wait3A_29 = tpu.memref_slice %arg9[%multiple_of3A_13, %dma_wait3A] : memref<512x128xf32, #tpu.memory_space<hbm>> -> memref<32x128xf32, #tpu.memory_space<hbm>>
        %dma_wait3A_30 = arith.constant 0 : i32
        %dma_wait3A_31 = tpu.memref_slice %arg9[%multiple_of3A_13, %dma_wait3A_30] : memref<512x128xf32, #tpu.memory_space<hbm>> -> memref<32x128xf32, #tpu.memory_space<hbm>>
        tpu.wait_dma2 semaphore(%run_scoped3A : memref<!tpu.dma_semaphore, #tpu.memory_space<semaphore_mem>>) src(%arg16 : memref<32x128xf32, #tpu.memory_space<vmem>>) dst(%dma_wait3A_31 : memref<32x128xf32, #tpu.memory_space<hbm>>)
        tpu.yield
      }) : () -> ()
    } else {
    }
    return
  }
}

module attributes {stable_mosaic.version = 14 : i64} {
  func.func @_edge_body(%arg0: i32, %arg1: memref<3200x128xf32, #tpu.memory_space<vmem>>, %arg2: memref<3200x128xf32, #tpu.memory_space<vmem>>, %arg3: memref<3200x128xf32, #tpu.memory_space<vmem>>, %arg4: memref<3200x128xf32, #tpu.memory_space<vmem>>, %arg5: memref<128x768xbf16, #tpu.memory_space<vmem>>, %arg6: memref<128x768xbf16, #tpu.memory_space<vmem>>, %arg7: memref<128x768xbf16, #tpu.memory_space<vmem>>, %arg8: memref<1x768xf32, #tpu.memory_space<vmem>>, %arg9: memref<768x128xbf16, #tpu.memory_space<vmem>>, %arg10: memref<1x128xf32, #tpu.memory_space<vmem>>, %arg11: memref<128x256xbf16, #tpu.memory_space<vmem>>, %arg12: memref<1x256xf32, #tpu.memory_space<vmem>>, %arg13: memref<256x128xbf16, #tpu.memory_space<vmem>>, %arg14: memref<1x128xf32, #tpu.memory_space<vmem>>, %arg15: memref<3200x128xf32, #tpu.memory_space<vmem>>, %arg16: memref<3200x128xf32, #tpu.memory_space<vmem>>) attributes {dimension_semantics = [#tpu.dimension_semantics<arbitrary>], iteration_bounds = array<i64: 25>, scalar_prefetch = 0 : i64, scratch_operands = 0 : i64, tpu.core_type = #tpu.core_type<tc>, window_params = [{transform_indices = @transform_0, window_bounds = array<i64: 3200, 128>}, {transform_indices = @transform_1, window_bounds = array<i64: 3200, 128>}, {transform_indices = @transform_2, window_bounds = array<i64: 3200, 128>}, {transform_indices = @transform_3, window_bounds = array<i64: 3200, 128>}, {pipeline_mode = #tpu.pipeline_mode<synchronous>, transform_indices = @transform_4, window_bounds = array<i64: 128, 768>}, {pipeline_mode = #tpu.pipeline_mode<synchronous>, transform_indices = @transform_5, window_bounds = array<i64: 128, 768>}, {pipeline_mode = #tpu.pipeline_mode<synchronous>, transform_indices = @transform_6, window_bounds = array<i64: 128, 768>}, {pipeline_mode = #tpu.pipeline_mode<synchronous>, transform_indices = @transform_7, window_bounds = array<i64: 1, 768>}, {pipeline_mode = #tpu.pipeline_mode<synchronous>, transform_indices = @transform_8, window_bounds = array<i64: 768, 128>}, {pipeline_mode = #tpu.pipeline_mode<synchronous>, transform_indices = @transform_9, window_bounds = array<i64: 1, 128>}, {pipeline_mode = #tpu.pipeline_mode<synchronous>, transform_indices = @transform_10, window_bounds = array<i64: 128, 256>}, {pipeline_mode = #tpu.pipeline_mode<synchronous>, transform_indices = @transform_11, window_bounds = array<i64: 1, 256>}, {pipeline_mode = #tpu.pipeline_mode<synchronous>, transform_indices = @transform_12, window_bounds = array<i64: 256, 128>}, {pipeline_mode = #tpu.pipeline_mode<synchronous>, transform_indices = @transform_13, window_bounds = array<i64: 1, 128>}, {transform_indices = @transform_14, window_bounds = array<i64: 3200, 128>}, {transform_indices = @transform_15, window_bounds = array<i64: 3200, 128>}]} {
    %get3A = arith.constant 0 : index
    %get3A_0 = arith.constant 0 : index
    %get3A_1 = vector.load %arg1[%get3A, %get3A_0] : memref<3200x128xf32, #tpu.memory_space<vmem>>, vector<3200x128xf32>
    %get3A_2 = arith.constant 0 : index
    %get3A_3 = arith.constant 0 : index
    %get3A_4 = vector.load %arg2[%get3A_2, %get3A_3] : memref<3200x128xf32, #tpu.memory_space<vmem>>, vector<3200x128xf32>
    %add3A = arith.addf %get3A_1, %get3A_4 : vector<3200x128xf32>
    %convert_element_type3A = arith.truncf %add3A : vector<3200x128xf32> to vector<3200x128xbf16>
    %get3A_5 = arith.constant 0 : index
    %get3A_6 = arith.constant 0 : index
    %get3A_7 = vector.load %arg5[%get3A_5, %get3A_6] : memref<128x768xbf16, #tpu.memory_space<vmem>>, vector<128x768xbf16>
    %dot_general3A = arith.constant dense<0.000000e+00> : vector<3200x768xf32>
    %dot_general3A_8 = tpu.matmul %convert_element_type3A, %get3A_7, %dot_general3A {dimension_numbers = #tpu.dot_dimension_numbers<[1], [0], [0], [1], [0, 0, 1, 1], [], []>, transpose_lhs_hint = false} : vector<3200x128xbf16>, vector<128x768xbf16>, vector<3200x768xf32> -> vector<3200x768xf32>
    %get3A_9 = arith.constant 0 : index
    %get3A_10 = arith.constant 0 : index
    %get3A_11 = vector.load %arg3[%get3A_9, %get3A_10] : memref<3200x128xf32, #tpu.memory_space<vmem>>, vector<3200x128xf32>
    %convert_element_type3A_12 = arith.truncf %get3A_11 : vector<3200x128xf32> to vector<3200x128xbf16>
    %get3A_13 = arith.constant 0 : index
    %get3A_14 = arith.constant 0 : index
    %get3A_15 = vector.load %arg6[%get3A_13, %get3A_14] : memref<128x768xbf16, #tpu.memory_space<vmem>>, vector<128x768xbf16>
    %dot_general3A_16 = arith.constant dense<0.000000e+00> : vector<3200x768xf32>
    %dot_general3A_17 = tpu.matmul %convert_element_type3A_12, %get3A_15, %dot_general3A_16 {dimension_numbers = #tpu.dot_dimension_numbers<[1], [0], [0], [1], [0, 0, 1, 1], [], []>, transpose_lhs_hint = false} : vector<3200x128xbf16>, vector<128x768xbf16>, vector<3200x768xf32> -> vector<3200x768xf32>
    %add3A_18 = arith.addf %dot_general3A_8, %dot_general3A_17 : vector<3200x768xf32>
    %get3A_19 = arith.constant 0 : index
    %get3A_20 = arith.constant 0 : index
    %get3A_21 = vector.load %arg4[%get3A_19, %get3A_20] : memref<3200x128xf32, #tpu.memory_space<vmem>>, vector<3200x128xf32>
    %convert_element_type3A_22 = arith.truncf %get3A_21 : vector<3200x128xf32> to vector<3200x128xbf16>
    %get3A_23 = arith.constant 0 : index
    %get3A_24 = arith.constant 0 : index
    %get3A_25 = vector.load %arg7[%get3A_23, %get3A_24] : memref<128x768xbf16, #tpu.memory_space<vmem>>, vector<128x768xbf16>
    %dot_general3A_26 = arith.constant dense<0.000000e+00> : vector<3200x768xf32>
    %dot_general3A_27 = tpu.matmul %convert_element_type3A_22, %get3A_25, %dot_general3A_26 {dimension_numbers = #tpu.dot_dimension_numbers<[1], [0], [0], [1], [0, 0, 1, 1], [], []>, transpose_lhs_hint = false} : vector<3200x128xbf16>, vector<128x768xbf16>, vector<3200x768xf32> -> vector<3200x768xf32>
    %add3A_28 = arith.addf %add3A_18, %dot_general3A_27 : vector<3200x768xf32>
    %get3A_29 = arith.constant 0 : index
    %get3A_30 = arith.constant 0 : index
    %get3A_31 = vector.load %arg8[%get3A_29, %get3A_30] : memref<1x768xf32, #tpu.memory_space<vmem>>, vector<1x768xf32>
    %add3A_32 = vector.broadcast %get3A_31 : vector<1x768xf32> to vector<3200x768xf32>
    %add3A_33 = arith.addf %add3A_28, %add3A_32 : vector<3200x768xf32>
    %ge3A = arith.constant 0.000000e+00 : f32
    %ge3A_34 = vector.broadcast %ge3A : f32 to vector<3200x768xf32>
    %ge3A_35 = arith.cmpf oge, %add3A_33, %ge3A_34 : vector<3200x768xf32>
    %mul3A = arith.constant 0.00999999977 : f32
    %mul3A_36 = vector.broadcast %mul3A : f32 to vector<3200x768xf32>
    %mul3A_37 = arith.mulf %mul3A_36, %add3A_33 : vector<3200x768xf32>
    %select_n3A = arith.select %ge3A_35, %add3A_33, %mul3A_37 : vector<3200x768xi1>, vector<3200x768xf32>
    %convert_element_type3A_38 = arith.truncf %select_n3A : vector<3200x768xf32> to vector<3200x768xbf16>
    %get3A_39 = arith.constant 0 : index
    %get3A_40 = arith.constant 0 : index
    %get3A_41 = vector.load %arg9[%get3A_39, %get3A_40] : memref<768x128xbf16, #tpu.memory_space<vmem>>, vector<768x128xbf16>
    %dot_general3A_42 = arith.constant dense<0.000000e+00> : vector<3200x128xf32>
    %dot_general3A_43 = tpu.matmul %convert_element_type3A_38, %get3A_41, %dot_general3A_42 {dimension_numbers = #tpu.dot_dimension_numbers<[1], [0], [0], [1], [0, 0, 1, 1], [], []>, transpose_lhs_hint = false} : vector<3200x768xbf16>, vector<768x128xbf16>, vector<3200x128xf32> -> vector<3200x128xf32>
    %get3A_44 = arith.constant 0 : index
    %get3A_45 = arith.constant 0 : index
    %get3A_46 = vector.load %arg10[%get3A_44, %get3A_45] : memref<1x128xf32, #tpu.memory_space<vmem>>, vector<1x128xf32>
    %add3A_47 = vector.broadcast %get3A_46 : vector<1x128xf32> to vector<3200x128xf32>
    %add3A_48 = arith.addf %dot_general3A_43, %add3A_47 : vector<3200x128xf32>
    %ge3A_49 = arith.constant 0.000000e+00 : f32
    %ge3A_50 = vector.broadcast %ge3A_49 : f32 to vector<3200x128xf32>
    %ge3A_51 = arith.cmpf oge, %add3A_48, %ge3A_50 : vector<3200x128xf32>
    %mul3A_52 = arith.constant 0.00999999977 : f32
    %mul3A_53 = vector.broadcast %mul3A_52 : f32 to vector<3200x128xf32>
    %mul3A_54 = arith.mulf %mul3A_53, %add3A_48 : vector<3200x128xf32>
    %select_n3A_55 = arith.select %ge3A_51, %add3A_48, %mul3A_54 : vector<3200x128xi1>, vector<3200x128xf32>
    %swap3A = arith.constant 0 : index
    %swap3A_56 = arith.constant 0 : index
    %swap3A_57 = vector.load %arg15[%swap3A, %swap3A_56] : memref<3200x128xf32, #tpu.memory_space<vmem>>, vector<3200x128xf32>
    tpu.vector_store %arg15[%swap3A, %swap3A_56], %select_n3A_55 {strides = array<i32>} : memref<3200x128xf32, #tpu.memory_space<vmem>>, vector<3200x128xf32>,
    %convert_element_type3A_58 = arith.truncf %select_n3A_55 : vector<3200x128xf32> to vector<3200x128xbf16>
    %get3A_59 = arith.constant 0 : index
    %get3A_60 = arith.constant 0 : index
    %get3A_61 = vector.load %arg11[%get3A_59, %get3A_60] : memref<128x256xbf16, #tpu.memory_space<vmem>>, vector<128x256xbf16>
    %dot_general3A_62 = arith.constant dense<0.000000e+00> : vector<3200x256xf32>
    %dot_general3A_63 = tpu.matmul %convert_element_type3A_58, %get3A_61, %dot_general3A_62 {dimension_numbers = #tpu.dot_dimension_numbers<[1], [0], [0], [1], [0, 0, 1, 1], [], []>, transpose_lhs_hint = false} : vector<3200x128xbf16>, vector<128x256xbf16>, vector<3200x256xf32> -> vector<3200x256xf32>
    %get3A_64 = arith.constant 0 : index
    %get3A_65 = arith.constant 0 : index
    %get3A_66 = vector.load %arg12[%get3A_64, %get3A_65] : memref<1x256xf32, #tpu.memory_space<vmem>>, vector<1x256xf32>
    %add3A_67 = vector.broadcast %get3A_66 : vector<1x256xf32> to vector<3200x256xf32>
    %add3A_68 = arith.addf %dot_general3A_63, %add3A_67 : vector<3200x256xf32>
    %ge3A_69 = arith.constant 0.000000e+00 : f32
    %ge3A_70 = vector.broadcast %ge3A_69 : f32 to vector<3200x256xf32>
    %ge3A_71 = arith.cmpf oge, %add3A_68, %ge3A_70 : vector<3200x256xf32>
    %mul3A_72 = arith.constant 0.00999999977 : f32
    %mul3A_73 = vector.broadcast %mul3A_72 : f32 to vector<3200x256xf32>
    %mul3A_74 = arith.mulf %mul3A_73, %add3A_68 : vector<3200x256xf32>
    %select_n3A_75 = arith.select %ge3A_71, %add3A_68, %mul3A_74 : vector<3200x256xi1>, vector<3200x256xf32>
    %convert_element_type3A_76 = arith.truncf %select_n3A_75 : vector<3200x256xf32> to vector<3200x256xbf16>
    %get3A_77 = arith.constant 0 : index
    %get3A_78 = arith.constant 0 : index
    %get3A_79 = vector.load %arg3[%get3A_77, %get3A_78] : memref<3200x128xf32, #tpu.memory_space<vmem>>, vector<3200x128xf32>
    %get3A_80 = arith.constant 0 : index
    %get3A_81 = arith.constant 0 : index
    %get3A_82 = vector.load %arg13[%get3A_80, %get3A_81] : memref<256x128xbf16, #tpu.memory_space<vmem>>, vector<256x128xbf16>
    %dot_general3A_83 = arith.constant dense<0.000000e+00> : vector<3200x128xf32>
    %dot_general3A_84 = tpu.matmul %convert_element_type3A_76, %get3A_82, %dot_general3A_83 {dimension_numbers = #tpu.dot_dimension_numbers<[1], [0], [0], [1], [0, 0, 1, 1], [], []>, transpose_lhs_hint = false} : vector<3200x256xbf16>, vector<256x128xbf16>, vector<3200x128xf32> -> vector<3200x128xf32>
    %add3A_85 = arith.addf %get3A_79, %dot_general3A_84 : vector<3200x128xf32>
    %get3A_86 = arith.constant 0 : index
    %get3A_87 = arith.constant 0 : index
    %get3A_88 = vector.load %arg14[%get3A_86, %get3A_87] : memref<1x128xf32, #tpu.memory_space<vmem>>, vector<1x128xf32>
    %add3A_89 = vector.broadcast %get3A_88 : vector<1x128xf32> to vector<3200x128xf32>
    %add3A_90 = arith.addf %add3A_85, %add3A_89 : vector<3200x128xf32>
    %swap3A_91 = arith.constant 0 : index
    %swap3A_92 = arith.constant 0 : index
    %swap3A_93 = vector.load %arg16[%swap3A_91, %swap3A_92] : memref<3200x128xf32, #tpu.memory_space<vmem>>, vector<3200x128xf32>
    tpu.vector_store %arg16[%swap3A_91, %swap3A_92], %add3A_90 {strides = array<i32>} : memref<3200x128xf32, #tpu.memory_space<vmem>>, vector<3200x128xf32>,
    return
  }
  func.func @transform_0(%arg0: i32) -> (i32, i32) {
    %c0_i32 = arith.constant 0 : i32
    %c0_i32_0 = arith.constant 0 : i32
    return %arg0, %c0_i32 : i32, i32
  }
  func.func @transform_1(%arg0: i32) -> (i32, i32) {
    %c0_i32 = arith.constant 0 : i32
    %c0_i32_0 = arith.constant 0 : i32
    return %arg0, %c0_i32 : i32, i32
  }
  func.func @transform_2(%arg0: i32) -> (i32, i32) {
    %c0_i32 = arith.constant 0 : i32
    %c0_i32_0 = arith.constant 0 : i32
    return %arg0, %c0_i32 : i32, i32
  }
  func.func @transform_3(%arg0: i32) -> (i32, i32) {
    %c0_i32 = arith.constant 0 : i32
    %c0_i32_0 = arith.constant 0 : i32
    return %arg0, %c0_i32 : i32, i32
  }
  func.func @transform_4(%arg0: i32) -> (i32, i32) {
    %c0_i32 = arith.constant 0 : i32
    %c0_i32_0 = arith.constant 0 : i32
    %c0_i32_1 = arith.constant 0 : i32
    return %c0_i32, %c0_i32_0 : i32, i32
  }
  func.func @transform_5(%arg0: i32) -> (i32, i32) {
    %c0_i32 = arith.constant 0 : i32
    %c0_i32_0 = arith.constant 0 : i32
    %c0_i32_1 = arith.constant 0 : i32
    return %c0_i32, %c0_i32_0 : i32, i32
  }
  func.func @transform_6(%arg0: i32) -> (i32, i32) {
    %c0_i32 = arith.constant 0 : i32
    %c0_i32_0 = arith.constant 0 : i32
    %c0_i32_1 = arith.constant 0 : i32
    return %c0_i32, %c0_i32_0 : i32, i32
  }
  func.func @transform_7(%arg0: i32) -> (i32, i32) {
    %c0_i32 = arith.constant 0 : i32
    %c0_i32_0 = arith.constant 0 : i32
    %c0_i32_1 = arith.constant 0 : i32
    return %c0_i32, %c0_i32_0 : i32, i32
  }
  func.func @transform_8(%arg0: i32) -> (i32, i32) {
    %c0_i32 = arith.constant 0 : i32
    %c0_i32_0 = arith.constant 0 : i32
    %c0_i32_1 = arith.constant 0 : i32
    return %c0_i32, %c0_i32_0 : i32, i32
  }
  func.func @transform_9(%arg0: i32) -> (i32, i32) {
    %c0_i32 = arith.constant 0 : i32
    %c0_i32_0 = arith.constant 0 : i32
    %c0_i32_1 = arith.constant 0 : i32
    return %c0_i32, %c0_i32_0 : i32, i32
  }
  func.func @transform_10(%arg0: i32) -> (i32, i32) {
    %c0_i32 = arith.constant 0 : i32
    %c0_i32_0 = arith.constant 0 : i32
    %c0_i32_1 = arith.constant 0 : i32
    return %c0_i32, %c0_i32_0 : i32, i32
  }
  func.func @transform_11(%arg0: i32) -> (i32, i32) {
    %c0_i32 = arith.constant 0 : i32
    %c0_i32_0 = arith.constant 0 : i32
    %c0_i32_1 = arith.constant 0 : i32
    return %c0_i32, %c0_i32_0 : i32, i32
  }
  func.func @transform_12(%arg0: i32) -> (i32, i32) {
    %c0_i32 = arith.constant 0 : i32
    %c0_i32_0 = arith.constant 0 : i32
    %c0_i32_1 = arith.constant 0 : i32
    return %c0_i32, %c0_i32_0 : i32, i32
  }
  func.func @transform_13(%arg0: i32) -> (i32, i32) {
    %c0_i32 = arith.constant 0 : i32
    %c0_i32_0 = arith.constant 0 : i32
    %c0_i32_1 = arith.constant 0 : i32
    return %c0_i32, %c0_i32_0 : i32, i32
  }
  func.func @transform_14(%arg0: i32) -> (i32, i32) {
    %c0_i32 = arith.constant 0 : i32
    %c0_i32_0 = arith.constant 0 : i32
    return %arg0, %c0_i32 : i32, i32
  }
  func.func @transform_15(%arg0: i32) -> (i32, i32) {
    %c0_i32 = arith.constant 0 : i32
    %c0_i32_0 = arith.constant 0 : i32
    return %arg0, %c0_i32 : i32, i32
  }
}

module attributes {stable_mosaic.version = 14 : i64} {
  func.func @_node_body(%arg0: i32, %arg1: memref<400x128xf32, #tpu.memory_space<vmem>>, %arg2: memref<400x128xf32, #tpu.memory_space<vmem>>, %arg3: memref<400x128xf32, #tpu.memory_space<vmem>>, %arg4: memref<400x128xf32, #tpu.memory_space<vmem>>, %arg5: memref<400x128xf32, #tpu.memory_space<vmem>>, %arg6: memref<400x128xf32, #tpu.memory_space<vmem>>, %arg7: memref<400x128xf32, #tpu.memory_space<vmem>>, %arg8: memref<400x128xf32, #tpu.memory_space<vmem>>, %arg9: memref<400x128xf32, #tpu.memory_space<vmem>>, %arg10: memref<400x128xf32, #tpu.memory_space<vmem>>, %arg11: memref<128x768xf32, #tpu.memory_space<vmem>>, %arg12: memref<128x768xf32, #tpu.memory_space<vmem>>, %arg13: memref<128x768xf32, #tpu.memory_space<vmem>>, %arg14: memref<1x768xf32, #tpu.memory_space<vmem>>, %arg15: memref<768x128xf32, #tpu.memory_space<vmem>>, %arg16: memref<1x128xf32, #tpu.memory_space<vmem>>, %arg17: memref<128x256xf32, #tpu.memory_space<vmem>>, %arg18: memref<1x256xf32, #tpu.memory_space<vmem>>, %arg19: memref<256x128xf32, #tpu.memory_space<vmem>>, %arg20: memref<1x128xf32, #tpu.memory_space<vmem>>, %arg21: memref<400x128xf32, #tpu.memory_space<vmem>>, %arg22: memref<400x128xf32, #tpu.memory_space<vmem>>, %arg23: memref<400x128xf32, #tpu.memory_space<vmem>>, %arg24: memref<400x128xf32, #tpu.memory_space<vmem>>) attributes {dimension_semantics = [#tpu.dimension_semantics<arbitrary>], iteration_bounds = array<i64: 25>, scalar_prefetch = 0 : i64, scratch_operands = 0 : i64, tpu.core_type = #tpu.core_type<tc>, window_params = [{transform_indices = @transform_0, window_bounds = array<i64: 400, 128>}, {transform_indices = @transform_1, window_bounds = array<i64: 400, 128>}, {transform_indices = @transform_2, window_bounds = array<i64: 400, 128>}, {transform_indices = @transform_3, window_bounds = array<i64: 400, 128>}, {transform_indices = @transform_4, window_bounds = array<i64: 400, 128>}, {transform_indices = @transform_5, window_bounds = array<i64: 400, 128>}, {transform_indices = @transform_6, window_bounds = array<i64: 400, 128>}, {transform_indices = @transform_7, window_bounds = array<i64: 400, 128>}, {transform_indices = @transform_8, window_bounds = array<i64: 400, 128>}, {transform_indices = @transform_9, window_bounds = array<i64: 400, 128>}, {pipeline_mode = #tpu.pipeline_mode<synchronous>, transform_indices = @transform_10, window_bounds = array<i64: 128, 768>}, {pipeline_mode = #tpu.pipeline_mode<synchronous>, transform_indices = @transform_11, window_bounds = array<i64: 128, 768>}, {pipeline_mode = #tpu.pipeline_mode<synchronous>, transform_indices = @transform_12, window_bounds = array<i64: 128, 768>}, {pipeline_mode = #tpu.pipeline_mode<synchronous>, transform_indices = @transform_13, window_bounds = array<i64: 1, 768>}, {pipeline_mode = #tpu.pipeline_mode<synchronous>, transform_indices = @transform_14, window_bounds = array<i64: 768, 128>}, {pipeline_mode = #tpu.pipeline_mode<synchronous>, transform_indices = @transform_15, window_bounds = array<i64: 1, 128>}, {pipeline_mode = #tpu.pipeline_mode<synchronous>, transform_indices = @transform_16, window_bounds = array<i64: 128, 256>}, {pipeline_mode = #tpu.pipeline_mode<synchronous>, transform_indices = @transform_17, window_bounds = array<i64: 1, 256>}, {pipeline_mode = #tpu.pipeline_mode<synchronous>, transform_indices = @transform_18, window_bounds = array<i64: 256, 128>}, {pipeline_mode = #tpu.pipeline_mode<synchronous>, transform_indices = @transform_19, window_bounds = array<i64: 1, 128>}, {transform_indices = @transform_20, window_bounds = array<i64: 400, 128>}, {transform_indices = @transform_21, window_bounds = array<i64: 400, 128>}, {transform_indices = @transform_22, window_bounds = array<i64: 400, 128>}, {transform_indices = @transform_23, window_bounds = array<i64: 400, 128>}]} {
    %get3A = arith.constant 0 : index
    %get3A_0 = arith.constant 0 : index
    %get3A_1 = vector.load %arg2[%get3A, %get3A_0] : memref<400x128xf32, #tpu.memory_space<vmem>>, vector<400x128xf32>
    %get3A_2 = arith.constant 0 : index
    %get3A_3 = arith.constant 0 : index
    %get3A_4 = vector.load %arg3[%get3A_2, %get3A_3] : memref<400x128xf32, #tpu.memory_space<vmem>>, vector<400x128xf32>
    %add3A = arith.addf %get3A_1, %get3A_4 : vector<400x128xf32>
    %get3A_5 = arith.constant 0 : index
    %get3A_6 = arith.constant 0 : index
    %get3A_7 = vector.load %arg4[%get3A_5, %get3A_6] : memref<400x128xf32, #tpu.memory_space<vmem>>, vector<400x128xf32>
    %add3A_8 = arith.addf %add3A, %get3A_7 : vector<400x128xf32>
    %get3A_9 = arith.constant 0 : index
    %get3A_10 = arith.constant 0 : index
    %get3A_11 = vector.load %arg5[%get3A_9, %get3A_10] : memref<400x128xf32, #tpu.memory_space<vmem>>, vector<400x128xf32>
    %add3A_12 = arith.addf %add3A_8, %get3A_11 : vector<400x128xf32>
    %get3A_13 = arith.constant 0 : index
    %get3A_14 = arith.constant 0 : index
    %get3A_15 = vector.load %arg6[%get3A_13, %get3A_14] : memref<400x128xf32, #tpu.memory_space<vmem>>, vector<400x128xf32>
    %get3A_16 = arith.constant 0 : index
    %get3A_17 = arith.constant 0 : index
    %get3A_18 = vector.load %arg7[%get3A_16, %get3A_17] : memref<400x128xf32, #tpu.memory_space<vmem>>, vector<400x128xf32>
    %add3A_19 = arith.addf %get3A_15, %get3A_18 : vector<400x128xf32>
    %get3A_20 = arith.constant 0 : index
    %get3A_21 = arith.constant 0 : index
    %get3A_22 = vector.load %arg8[%get3A_20, %get3A_21] : memref<400x128xf32, #tpu.memory_space<vmem>>, vector<400x128xf32>
    %add3A_23 = arith.addf %add3A_19, %get3A_22 : vector<400x128xf32>
    %get3A_24 = arith.constant 0 : index
    %get3A_25 = arith.constant 0 : index
    %get3A_26 = vector.load %arg9[%get3A_24, %get3A_25] : memref<400x128xf32, #tpu.memory_space<vmem>>, vector<400x128xf32>
    %add3A_27 = arith.addf %add3A_23, %get3A_26 : vector<400x128xf32>
    %swap3A = arith.constant 0 : index
    %swap3A_28 = arith.constant 0 : index
    %swap3A_29 = vector.load %arg23[%swap3A, %swap3A_28] : memref<400x128xf32, #tpu.memory_space<vmem>>, vector<400x128xf32>
    tpu.vector_store %arg23[%swap3A, %swap3A_28], %add3A_12 {strides = array<i32>} : memref<400x128xf32, #tpu.memory_space<vmem>>, vector<400x128xf32>,
    %swap3A_30 = arith.constant 0 : index
    %swap3A_31 = arith.constant 0 : index
    %swap3A_32 = vector.load %arg24[%swap3A_30, %swap3A_31] : memref<400x128xf32, #tpu.memory_space<vmem>>, vector<400x128xf32>
    tpu.vector_store %arg24[%swap3A_30, %swap3A_31], %add3A_27 {strides = array<i32>} : memref<400x128xf32, #tpu.memory_space<vmem>>, vector<400x128xf32>,
    %max3A = arith.constant 1.000000e+00 : f32
    %max3A_33 = vector.broadcast %max3A : f32 to vector<400x128xf32>
    %max3A_34 = arith.maximumf %add3A_27, %max3A_33 : vector<400x128xf32>
    %div3A = arith.divf %add3A_12, %max3A_34 : vector<400x128xf32>
    %get3A_35 = arith.constant 0 : index
    %get3A_36 = arith.constant 0 : index
    %get3A_37 = vector.load %arg1[%get3A_35, %get3A_36] : memref<400x128xf32, #tpu.memory_space<vmem>>, vector<400x128xf32>
    %get3A_38 = arith.constant 0 : index
    %get3A_39 = arith.constant 0 : index
    %get3A_40 = vector.load %arg11[%get3A_38, %get3A_39] : memref<128x768xf32, #tpu.memory_space<vmem>>, vector<128x768xf32>
    %dot_general3A = arith.constant dense<0.000000e+00> : vector<400x768xf32>
    %dot_general3A_41 = tpu.matmul %get3A_37, %get3A_40, %dot_general3A {dimension_numbers = #tpu.dot_dimension_numbers<[1], [0], [0], [1], [0, 0, 1, 1], [], []>, transpose_lhs_hint = false} : vector<400x128xf32>, vector<128x768xf32>, vector<400x768xf32> -> vector<400x768xf32>
    %get3A_42 = arith.constant 0 : index
    %get3A_43 = arith.constant 0 : index
    %get3A_44 = vector.load %arg12[%get3A_42, %get3A_43] : memref<128x768xf32, #tpu.memory_space<vmem>>, vector<128x768xf32>
    %dot_general3A_45 = arith.constant dense<0.000000e+00> : vector<400x768xf32>
    %dot_general3A_46 = tpu.matmul %div3A, %get3A_44, %dot_general3A_45 {dimension_numbers = #tpu.dot_dimension_numbers<[1], [0], [0], [1], [0, 0, 1, 1], [], []>, transpose_lhs_hint = false} : vector<400x128xf32>, vector<128x768xf32>, vector<400x768xf32> -> vector<400x768xf32>
    %add3A_47 = arith.addf %dot_general3A_41, %dot_general3A_46 : vector<400x768xf32>
    %get3A_48 = arith.constant 0 : index
    %get3A_49 = arith.constant 0 : index
    %get3A_50 = vector.load %arg10[%get3A_48, %get3A_49] : memref<400x128xf32, #tpu.memory_space<vmem>>, vector<400x128xf32>
    %get3A_51 = arith.constant 0 : index
    %get3A_52 = arith.constant 0 : index
    %get3A_53 = vector.load %arg13[%get3A_51, %get3A_52] : memref<128x768xf32, #tpu.memory_space<vmem>>, vector<128x768xf32>
    %dot_general3A_54 = arith.constant dense<0.000000e+00> : vector<400x768xf32>
    %dot_general3A_55 = tpu.matmul %get3A_50, %get3A_53, %dot_general3A_54 {dimension_numbers = #tpu.dot_dimension_numbers<[1], [0], [0], [1], [0, 0, 1, 1], [], []>, transpose_lhs_hint = false} : vector<400x128xf32>, vector<128x768xf32>, vector<400x768xf32> -> vector<400x768xf32>
    %add3A_56 = arith.addf %add3A_47, %dot_general3A_55 : vector<400x768xf32>
    %get3A_57 = arith.constant 0 : index
    %get3A_58 = arith.constant 0 : index
    %get3A_59 = vector.load %arg14[%get3A_57, %get3A_58] : memref<1x768xf32, #tpu.memory_space<vmem>>, vector<1x768xf32>
    %add3A_60 = vector.broadcast %get3A_59 : vector<1x768xf32> to vector<400x768xf32>
    %add3A_61 = arith.addf %add3A_56, %add3A_60 : vector<400x768xf32>
    %ge3A = arith.constant 0.000000e+00 : f32
    %ge3A_62 = vector.broadcast %ge3A : f32 to vector<400x768xf32>
    %ge3A_63 = arith.cmpf oge, %add3A_61, %ge3A_62 : vector<400x768xf32>
    %mul3A = arith.constant 0.00999999977 : f32
    %mul3A_64 = vector.broadcast %mul3A : f32 to vector<400x768xf32>
    %mul3A_65 = arith.mulf %mul3A_64, %add3A_61 : vector<400x768xf32>
    %select_n3A = arith.select %ge3A_63, %add3A_61, %mul3A_65 : vector<400x768xi1>, vector<400x768xf32>
    %get3A_66 = arith.constant 0 : index
    %get3A_67 = arith.constant 0 : index
    %get3A_68 = vector.load %arg15[%get3A_66, %get3A_67] : memref<768x128xf32, #tpu.memory_space<vmem>>, vector<768x128xf32>
    %dot_general3A_69 = arith.constant dense<0.000000e+00> : vector<400x128xf32>
    %dot_general3A_70 = tpu.matmul %select_n3A, %get3A_68, %dot_general3A_69 {dimension_numbers = #tpu.dot_dimension_numbers<[1], [0], [0], [1], [0, 0, 1, 1], [], []>, transpose_lhs_hint = false} : vector<400x768xf32>, vector<768x128xf32>, vector<400x128xf32> -> vector<400x128xf32>
    %get3A_71 = arith.constant 0 : index
    %get3A_72 = arith.constant 0 : index
    %get3A_73 = vector.load %arg16[%get3A_71, %get3A_72] : memref<1x128xf32, #tpu.memory_space<vmem>>, vector<1x128xf32>
    %add3A_74 = vector.broadcast %get3A_73 : vector<1x128xf32> to vector<400x128xf32>
    %add3A_75 = arith.addf %dot_general3A_70, %add3A_74 : vector<400x128xf32>
    %ge3A_76 = arith.constant 0.000000e+00 : f32
    %ge3A_77 = vector.broadcast %ge3A_76 : f32 to vector<400x128xf32>
    %ge3A_78 = arith.cmpf oge, %add3A_75, %ge3A_77 : vector<400x128xf32>
    %mul3A_79 = arith.constant 0.00999999977 : f32
    %mul3A_80 = vector.broadcast %mul3A_79 : f32 to vector<400x128xf32>
    %mul3A_81 = arith.mulf %mul3A_80, %add3A_75 : vector<400x128xf32>
    %select_n3A_82 = arith.select %ge3A_78, %add3A_75, %mul3A_81 : vector<400x128xi1>, vector<400x128xf32>
    %swap3A_83 = arith.constant 0 : index
    %swap3A_84 = arith.constant 0 : index
    %swap3A_85 = vector.load %arg21[%swap3A_83, %swap3A_84] : memref<400x128xf32, #tpu.memory_space<vmem>>, vector<400x128xf32>
    tpu.vector_store %arg21[%swap3A_83, %swap3A_84], %select_n3A_82 {strides = array<i32>} : memref<400x128xf32, #tpu.memory_space<vmem>>, vector<400x128xf32>,
    %get3A_86 = arith.constant 0 : index
    %get3A_87 = arith.constant 0 : index
    %get3A_88 = vector.load %arg17[%get3A_86, %get3A_87] : memref<128x256xf32, #tpu.memory_space<vmem>>, vector<128x256xf32>
    %dot_general3A_89 = arith.constant dense<0.000000e+00> : vector<400x256xf32>
    %dot_general3A_90 = tpu.matmul %select_n3A_82, %get3A_88, %dot_general3A_89 {dimension_numbers = #tpu.dot_dimension_numbers<[1], [0], [0], [1], [0, 0, 1, 1], [], []>, transpose_lhs_hint = false} : vector<400x128xf32>, vector<128x256xf32>, vector<400x256xf32> -> vector<400x256xf32>
    %get3A_91 = arith.constant 0 : index
    %get3A_92 = arith.constant 0 : index
    %get3A_93 = vector.load %arg18[%get3A_91, %get3A_92] : memref<1x256xf32, #tpu.memory_space<vmem>>, vector<1x256xf32>
    %add3A_94 = vector.broadcast %get3A_93 : vector<1x256xf32> to vector<400x256xf32>
    %add3A_95 = arith.addf %dot_general3A_90, %add3A_94 : vector<400x256xf32>
    %ge3A_96 = arith.constant 0.000000e+00 : f32
    %ge3A_97 = vector.broadcast %ge3A_96 : f32 to vector<400x256xf32>
    %ge3A_98 = arith.cmpf oge, %add3A_95, %ge3A_97 : vector<400x256xf32>
    %mul3A_99 = arith.constant 0.00999999977 : f32
    %mul3A_100 = vector.broadcast %mul3A_99 : f32 to vector<400x256xf32>
    %mul3A_101 = arith.mulf %mul3A_100, %add3A_95 : vector<400x256xf32>
    %select_n3A_102 = arith.select %ge3A_98, %add3A_95, %mul3A_101 : vector<400x256xi1>, vector<400x256xf32>
    %get3A_103 = arith.constant 0 : index
    %get3A_104 = arith.constant 0 : index
    %get3A_105 = vector.load %arg1[%get3A_103, %get3A_104] : memref<400x128xf32, #tpu.memory_space<vmem>>, vector<400x128xf32>
    %get3A_106 = arith.constant 0 : index
    %get3A_107 = arith.constant 0 : index
    %get3A_108 = vector.load %arg19[%get3A_106, %get3A_107] : memref<256x128xf32, #tpu.memory_space<vmem>>, vector<256x128xf32>
    %dot_general3A_109 = arith.constant dense<0.000000e+00> : vector<400x128xf32>
    %dot_general3A_110 = tpu.matmul %select_n3A_102, %get3A_108, %dot_general3A_109 {dimension_numbers = #tpu.dot_dimension_numbers<[1], [0], [0], [1], [0, 0, 1, 1], [], []>, transpose_lhs_hint = false} : vector<400x256xf32>, vector<256x128xf32>, vector<400x128xf32> -> vector<400x128xf32>
    %add3A_111 = arith.addf %get3A_105, %dot_general3A_110 : vector<400x128xf32>
    %get3A_112 = arith.constant 0 : index
    %get3A_113 = arith.constant 0 : index
    %get3A_114 = vector.load %arg20[%get3A_112, %get3A_113] : memref<1x128xf32, #tpu.memory_space<vmem>>, vector<1x128xf32>
    %add3A_115 = vector.broadcast %get3A_114 : vector<1x128xf32> to vector<400x128xf32>
    %add3A_116 = arith.addf %add3A_111, %add3A_115 : vector<400x128xf32>
    %swap3A_117 = arith.constant 0 : index
    %swap3A_118 = arith.constant 0 : index
    %swap3A_119 = vector.load %arg22[%swap3A_117, %swap3A_118] : memref<400x128xf32, #tpu.memory_space<vmem>>, vector<400x128xf32>
    tpu.vector_store %arg22[%swap3A_117, %swap3A_118], %add3A_116 {strides = array<i32>} : memref<400x128xf32, #tpu.memory_space<vmem>>, vector<400x128xf32>,
    return
  }
  func.func @transform_0(%arg0: i32) -> (i32, i32) {
    %c0_i32 = arith.constant 0 : i32
    %c0_i32_0 = arith.constant 0 : i32
    return %arg0, %c0_i32 : i32, i32
  }
  func.func @transform_1(%arg0: i32) -> (i32, i32) {
    %c0_i32 = arith.constant 0 : i32
    %c0_i32_0 = arith.constant 0 : i32
    return %arg0, %c0_i32 : i32, i32
  }
  func.func @transform_2(%arg0: i32) -> (i32, i32) {
    %c0_i32 = arith.constant 0 : i32
    %c0_i32_0 = arith.constant 0 : i32
    return %arg0, %c0_i32 : i32, i32
  }
  func.func @transform_3(%arg0: i32) -> (i32, i32) {
    %c0_i32 = arith.constant 0 : i32
    %c0_i32_0 = arith.constant 0 : i32
    return %arg0, %c0_i32 : i32, i32
  }
  func.func @transform_4(%arg0: i32) -> (i32, i32) {
    %c0_i32 = arith.constant 0 : i32
    %c0_i32_0 = arith.constant 0 : i32
    return %arg0, %c0_i32 : i32, i32
  }
  func.func @transform_5(%arg0: i32) -> (i32, i32) {
    %c0_i32 = arith.constant 0 : i32
    %c0_i32_0 = arith.constant 0 : i32
    return %arg0, %c0_i32 : i32, i32
  }
  func.func @transform_6(%arg0: i32) -> (i32, i32) {
    %c0_i32 = arith.constant 0 : i32
    %c0_i32_0 = arith.constant 0 : i32
    return %arg0, %c0_i32 : i32, i32
  }
  func.func @transform_7(%arg0: i32) -> (i32, i32) {
    %c0_i32 = arith.constant 0 : i32
    %c0_i32_0 = arith.constant 0 : i32
    return %arg0, %c0_i32 : i32, i32
  }
  func.func @transform_8(%arg0: i32) -> (i32, i32) {
    %c0_i32 = arith.constant 0 : i32
    %c0_i32_0 = arith.constant 0 : i32
    return %arg0, %c0_i32 : i32, i32
  }
  func.func @transform_9(%arg0: i32) -> (i32, i32) {
    %c0_i32 = arith.constant 0 : i32
    %c0_i32_0 = arith.constant 0 : i32
    return %arg0, %c0_i32 : i32, i32
  }
  func.func @transform_10(%arg0: i32) -> (i32, i32) {
    %c0_i32 = arith.constant 0 : i32
    %c0_i32_0 = arith.constant 0 : i32
    %c0_i32_1 = arith.constant 0 : i32
    return %c0_i32, %c0_i32_0 : i32, i32
  }
  func.func @transform_11(%arg0: i32) -> (i32, i32) {
    %c0_i32 = arith.constant 0 : i32
    %c0_i32_0 = arith.constant 0 : i32
    %c0_i32_1 = arith.constant 0 : i32
    return %c0_i32, %c0_i32_0 : i32, i32
  }
  func.func @transform_12(%arg0: i32) -> (i32, i32) {
    %c0_i32 = arith.constant 0 : i32
    %c0_i32_0 = arith.constant 0 : i32
    %c0_i32_1 = arith.constant 0 : i32
    return %c0_i32, %c0_i32_0 : i32, i32
  }
  func.func @transform_13(%arg0: i32) -> (i32, i32) {
    %c0_i32 = arith.constant 0 : i32
    %c0_i32_0 = arith.constant 0 : i32
    %c0_i32_1 = arith.constant 0 : i32
    return %c0_i32, %c0_i32_0 : i32, i32
  }
  func.func @transform_14(%arg0: i32) -> (i32, i32) {
    %c0_i32 = arith.constant 0 : i32
    %c0_i32_0 = arith.constant 0 : i32
    %c0_i32_1 = arith.constant 0 : i32
    return %c0_i32, %c0_i32_0 : i32, i32
  }
  func.func @transform_15(%arg0: i32) -> (i32, i32) {
    %c0_i32 = arith.constant 0 : i32
    %c0_i32_0 = arith.constant 0 : i32
    %c0_i32_1 = arith.constant 0 : i32
    return %c0_i32, %c0_i32_0 : i32, i32
  }
  func.func @transform_16(%arg0: i32) -> (i32, i32) {
    %c0_i32 = arith.constant 0 : i32
    %c0_i32_0 = arith.constant 0 : i32
    %c0_i32_1 = arith.constant 0 : i32
    return %c0_i32, %c0_i32_0 : i32, i32
  }
  func.func @transform_17(%arg0: i32) -> (i32, i32) {
    %c0_i32 = arith.constant 0 : i32
    %c0_i32_0 = arith.constant 0 : i32
    %c0_i32_1 = arith.constant 0 : i32
    return %c0_i32, %c0_i32_0 : i32, i32
  }
  func.func @transform_18(%arg0: i32) -> (i32, i32) {
    %c0_i32 = arith.constant 0 : i32
    %c0_i32_0 = arith.constant 0 : i32
    %c0_i32_1 = arith.constant 0 : i32
    return %c0_i32, %c0_i32_0 : i32, i32
  }
  func.func @transform_19(%arg0: i32) -> (i32, i32) {
    %c0_i32 = arith.constant 0 : i32
    %c0_i32_0 = arith.constant 0 : i32
    %c0_i32_1 = arith.constant 0 : i32
    return %c0_i32, %c0_i32_0 : i32, i32
  }
  func.func @transform_20(%arg0: i32) -> (i32, i32) {
    %c0_i32 = arith.constant 0 : i32
    %c0_i32_0 = arith.constant 0 : i32
    return %arg0, %c0_i32 : i32, i32
  }
  func.func @transform_21(%arg0: i32) -> (i32, i32) {
    %c0_i32 = arith.constant 0 : i32
    %c0_i32_0 = arith.constant 0 : i32
    return %arg0, %c0_i32 : i32, i32
  }
  func.func @transform_22(%arg0: i32) -> (i32, i32) {
    %c0_i32 = arith.constant 0 : i32
    %c0_i32_0 = arith.constant 0 : i32
    return %arg0, %c0_i32 : i32, i32
  }
  func.func @transform_23(%arg0: i32) -> (i32, i32) {
    %c0_i32 = arith.constant 0 : i32
    %c0_i32_0 = arith.constant 0 : i32
    return %arg0, %c0_i32 : i32, i32
  }
}

module attributes {stable_mosaic.version = 14 : i64} {
  func.func @_glob_body(%arg0: memref<512x128xf32, #tpu.memory_space<vmem>>, %arg1: memref<512x128xf32, #tpu.memory_space<vmem>>, %arg2: memref<512x128xf32, #tpu.memory_space<vmem>>, %arg3: memref<128x768xf32, #tpu.memory_space<vmem>>, %arg4: memref<128x768xf32, #tpu.memory_space<vmem>>, %arg5: memref<128x768xf32, #tpu.memory_space<vmem>>, %arg6: memref<1x768xf32, #tpu.memory_space<vmem>>, %arg7: memref<768x128xf32, #tpu.memory_space<vmem>>, %arg8: memref<1x128xf32, #tpu.memory_space<vmem>>, %arg9: memref<128x256xf32, #tpu.memory_space<vmem>>, %arg10: memref<1x256xf32, #tpu.memory_space<vmem>>, %arg11: memref<256x128xf32, #tpu.memory_space<vmem>>, %arg12: memref<1x128xf32, #tpu.memory_space<vmem>>, %arg13: memref<512x128xf32, #tpu.memory_space<vmem>>) attributes {dimension_semantics = [], scalar_prefetch = 0 : i64, scratch_operands = 0 : i64, tpu.core_type = #tpu.core_type<tc>} {
    %get3A = arith.constant 0 : index
    %get3A_0 = arith.constant 0 : index
    %get3A_1 = vector.load %arg0[%get3A, %get3A_0] : memref<512x128xf32, #tpu.memory_space<vmem>>, vector<512x128xf32>
    %get3A_2 = arith.constant 0 : index
    %get3A_3 = arith.constant 0 : index
    %get3A_4 = vector.load %arg3[%get3A_2, %get3A_3] : memref<128x768xf32, #tpu.memory_space<vmem>>, vector<128x768xf32>
    %dot_general3A = arith.constant dense<0.000000e+00> : vector<512x768xf32>
    %dot_general3A_5 = tpu.matmul %get3A_1, %get3A_4, %dot_general3A {dimension_numbers = #tpu.dot_dimension_numbers<[1], [0], [0], [1], [0, 0, 1, 1], [], []>, transpose_lhs_hint = false} : vector<512x128xf32>, vector<128x768xf32>, vector<512x768xf32> -> vector<512x768xf32>
    %get3A_6 = arith.constant 0 : index
    %get3A_7 = arith.constant 0 : index
    %get3A_8 = vector.load %arg1[%get3A_6, %get3A_7] : memref<512x128xf32, #tpu.memory_space<vmem>>, vector<512x128xf32>
    %get3A_9 = arith.constant 0 : index
    %get3A_10 = arith.constant 0 : index
    %get3A_11 = vector.load %arg4[%get3A_9, %get3A_10] : memref<128x768xf32, #tpu.memory_space<vmem>>, vector<128x768xf32>
    %dot_general3A_12 = arith.constant dense<0.000000e+00> : vector<512x768xf32>
    %dot_general3A_13 = tpu.matmul %get3A_8, %get3A_11, %dot_general3A_12 {dimension_numbers = #tpu.dot_dimension_numbers<[1], [0], [0], [1], [0, 0, 1, 1], [], []>, transpose_lhs_hint = false} : vector<512x128xf32>, vector<128x768xf32>, vector<512x768xf32> -> vector<512x768xf32>
    %add3A = arith.addf %dot_general3A_5, %dot_general3A_13 : vector<512x768xf32>
    %get3A_14 = arith.constant 0 : index
    %get3A_15 = arith.constant 0 : index
    %get3A_16 = vector.load %arg2[%get3A_14, %get3A_15] : memref<512x128xf32, #tpu.memory_space<vmem>>, vector<512x128xf32>
    %get3A_17 = arith.constant 0 : index
    %get3A_18 = arith.constant 0 : index
    %get3A_19 = vector.load %arg5[%get3A_17, %get3A_18] : memref<128x768xf32, #tpu.memory_space<vmem>>, vector<128x768xf32>
    %dot_general3A_20 = arith.constant dense<0.000000e+00> : vector<512x768xf32>
    %dot_general3A_21 = tpu.matmul %get3A_16, %get3A_19, %dot_general3A_20 {dimension_numbers = #tpu.dot_dimension_numbers<[1], [0], [0], [1], [0, 0, 1, 1], [], []>, transpose_lhs_hint = false} : vector<512x128xf32>, vector<128x768xf32>, vector<512x768xf32> -> vector<512x768xf32>
    %add3A_22 = arith.addf %add3A, %dot_general3A_21 : vector<512x768xf32>
    %get3A_23 = arith.constant 0 : index
    %get3A_24 = arith.constant 0 : index
    %get3A_25 = vector.load %arg6[%get3A_23, %get3A_24] : memref<1x768xf32, #tpu.memory_space<vmem>>, vector<1x768xf32>
    %add3A_26 = vector.broadcast %get3A_25 : vector<1x768xf32> to vector<512x768xf32>
    %add3A_27 = arith.addf %add3A_22, %add3A_26 : vector<512x768xf32>
    %ge3A = arith.constant 0.000000e+00 : f32
    %ge3A_28 = vector.broadcast %ge3A : f32 to vector<512x768xf32>
    %ge3A_29 = arith.cmpf oge, %add3A_27, %ge3A_28 : vector<512x768xf32>
    %mul3A = arith.constant 0.00999999977 : f32
    %mul3A_30 = vector.broadcast %mul3A : f32 to vector<512x768xf32>
    %mul3A_31 = arith.mulf %mul3A_30, %add3A_27 : vector<512x768xf32>
    %select_n3A = arith.select %ge3A_29, %add3A_27, %mul3A_31 : vector<512x768xi1>, vector<512x768xf32>
    %get3A_32 = arith.constant 0 : index
    %get3A_33 = arith.constant 0 : index
    %get3A_34 = vector.load %arg7[%get3A_32, %get3A_33] : memref<768x128xf32, #tpu.memory_space<vmem>>, vector<768x128xf32>
    %dot_general3A_35 = arith.constant dense<0.000000e+00> : vector<512x128xf32>
    %dot_general3A_36 = tpu.matmul %select_n3A, %get3A_34, %dot_general3A_35 {dimension_numbers = #tpu.dot_dimension_numbers<[1], [0], [0], [1], [0, 0, 1, 1], [], []>, transpose_lhs_hint = false} : vector<512x768xf32>, vector<768x128xf32>, vector<512x128xf32> -> vector<512x128xf32>
    %get3A_37 = arith.constant 0 : index
    %get3A_38 = arith.constant 0 : index
    %get3A_39 = vector.load %arg8[%get3A_37, %get3A_38] : memref<1x128xf32, #tpu.memory_space<vmem>>, vector<1x128xf32>
    %add3A_40 = vector.broadcast %get3A_39 : vector<1x128xf32> to vector<512x128xf32>
    %add3A_41 = arith.addf %dot_general3A_36, %add3A_40 : vector<512x128xf32>
    %ge3A_42 = arith.constant 0.000000e+00 : f32
    %ge3A_43 = vector.broadcast %ge3A_42 : f32 to vector<512x128xf32>
    %ge3A_44 = arith.cmpf oge, %add3A_41, %ge3A_43 : vector<512x128xf32>
    %mul3A_45 = arith.constant 0.00999999977 : f32
    %mul3A_46 = vector.broadcast %mul3A_45 : f32 to vector<512x128xf32>
    %mul3A_47 = arith.mulf %mul3A_46, %add3A_41 : vector<512x128xf32>
    %select_n3A_48 = arith.select %ge3A_44, %add3A_41, %mul3A_47 : vector<512x128xi1>, vector<512x128xf32>
    %get3A_49 = arith.constant 0 : index
    %get3A_50 = arith.constant 0 : index
    %get3A_51 = vector.load %arg9[%get3A_49, %get3A_50] : memref<128x256xf32, #tpu.memory_space<vmem>>, vector<128x256xf32>
    %dot_general3A_52 = arith.constant dense<0.000000e+00> : vector<512x256xf32>
    %dot_general3A_53 = tpu.matmul %select_n3A_48, %get3A_51, %dot_general3A_52 {dimension_numbers = #tpu.dot_dimension_numbers<[1], [0], [0], [1], [0, 0, 1, 1], [], []>, transpose_lhs_hint = false} : vector<512x128xf32>, vector<128x256xf32>, vector<512x256xf32> -> vector<512x256xf32>
    %get3A_54 = arith.constant 0 : index
    %get3A_55 = arith.constant 0 : index
    %get3A_56 = vector.load %arg10[%get3A_54, %get3A_55] : memref<1x256xf32, #tpu.memory_space<vmem>>, vector<1x256xf32>
    %add3A_57 = vector.broadcast %get3A_56 : vector<1x256xf32> to vector<512x256xf32>
    %add3A_58 = arith.addf %dot_general3A_53, %add3A_57 : vector<512x256xf32>
    %ge3A_59 = arith.constant 0.000000e+00 : f32
    %ge3A_60 = vector.broadcast %ge3A_59 : f32 to vector<512x256xf32>
    %ge3A_61 = arith.cmpf oge, %add3A_58, %ge3A_60 : vector<512x256xf32>
    %mul3A_62 = arith.constant 0.00999999977 : f32
    %mul3A_63 = vector.broadcast %mul3A_62 : f32 to vector<512x256xf32>
    %mul3A_64 = arith.mulf %mul3A_63, %add3A_58 : vector<512x256xf32>
    %select_n3A_65 = arith.select %ge3A_61, %add3A_58, %mul3A_64 : vector<512x256xi1>, vector<512x256xf32>
    %get3A_66 = arith.constant 0 : index
    %get3A_67 = arith.constant 0 : index
    %get3A_68 = vector.load %arg0[%get3A_66, %get3A_67] : memref<512x128xf32, #tpu.memory_space<vmem>>, vector<512x128xf32>
    %get3A_69 = arith.constant 0 : index
    %get3A_70 = arith.constant 0 : index
    %get3A_71 = vector.load %arg11[%get3A_69, %get3A_70] : memref<256x128xf32, #tpu.memory_space<vmem>>, vector<256x128xf32>
    %dot_general3A_72 = arith.constant dense<0.000000e+00> : vector<512x128xf32>
    %dot_general3A_73 = tpu.matmul %select_n3A_65, %get3A_71, %dot_general3A_72 {dimension_numbers = #tpu.dot_dimension_numbers<[1], [0], [0], [1], [0, 0, 1, 1], [], []>, transpose_lhs_hint = false} : vector<512x256xf32>, vector<256x128xf32>, vector<512x128xf32> -> vector<512x128xf32>
    %add3A_74 = arith.addf %get3A_68, %dot_general3A_73 : vector<512x128xf32>
    %get3A_75 = arith.constant 0 : index
    %get3A_76 = arith.constant 0 : index
    %get3A_77 = vector.load %arg12[%get3A_75, %get3A_76] : memref<1x128xf32, #tpu.memory_space<vmem>>, vector<1x128xf32>
    %add3A_78 = vector.broadcast %get3A_77 : vector<1x128xf32> to vector<512x128xf32>
    %add3A_79 = arith.addf %add3A_74, %add3A_78 : vector<512x128xf32>
    %swap3A = arith.constant 0 : index
    %swap3A_80 = arith.constant 0 : index
    %swap3A_81 = vector.load %arg13[%swap3A, %swap3A_80] : memref<512x128xf32, #tpu.memory_space<vmem>>, vector<512x128xf32>
    tpu.vector_store %arg13[%swap3A, %swap3A_80], %add3A_79 {strides = array<i32>} : memref<512x128xf32, #tpu.memory_space<vmem>>, vector<512x128xf32>,
    return
  }
}

</mosaic_0001>

<sc_bundles>
// kernel: kernel.18.cloned.1.call-start
scs
__scs_entry_jumppad:
0x0: {  	(pc) =	sbr.rel $0x88, $3  }
0x1: {  	(tag) =	ssettag $0x0;
	lr =	simm.s32 $0x1  }
0x2: {  	[smem:$0x3F84] =	sst lr;
	_ =	strace $0xD0000000  }
0x3: {  	_ = 	snop  }
0x4: {  	_ = 	snop  }
0x5: {  	_ = 	snop  }
0x6: {  	_ = 	snop  }
0x7: {  	_ = 	snop  }
__scs_overlays_trampoline_lowered:
0x8: {  	[smem:$0x3F93] =	sst s0  }
0x9: {  	[smem:$0x3F94] =	sst s1  }
0xa: {  	[smem:$0x3F95] =	sst s2  }
0xb: {  	[smem:$0x3F96] =	sst s3  }
0xc: {  	[smem:$0x3F97] =	sst s4  }
0xd: {  	[smem:$0x3F98] =	sst s5  }
0xe: {  	[smem:$0x3F99] =	sst s6  }
0xf: {  	[smem:$0x3F9A] =	sst s7  }
0x10: {  	[smem:$0x3F9B] =	sst s8  }
0x11: {  	[smem:$0x3F9C] =	sst s9;
	s0 =	simm.s32 @!p0 $0x0  }
0x12: {  	s1 =	sld [smem:$0x3F82];
	s0 =	simm.s32 @p0 $0x1  }
0x13: {  	[smem:$0x3F9D] =	sst s0;
	s0 =	simm.s32 @!p1 $0x0  }
0x14: {  	s2 =	sld [smem:$0x3F81];
	s0 =	simm.s32 @p1 $0x1  }
0x15: {  	[smem:$0x3F9E] =	sst s0;
	s0 =	simm.s32 @!p2 $0x0  }
0x16: {  	s3 =	sld [smem:$0x3FDB];
	s0 =	simm.s32 @p2 $0x1  }
0x17: {  	s4 =	simm.s32 $0x1BF5;
	[smem:$0x3FA0] =	sst s0  }
0x18: {  	s0 =	sld [smem:$0x3F83];
	_ =	swait.ge [sflag:s4], $0x0  }
0x19: {  	s7 =	sld [smem:$0x3F84]  }
0x1a: {  	s8 =	sadd.s32 $0xFFFFE003, lr  }
0x1b: {  	s9 =	sadd.s32 $0xFFFFFEF7, lr;
	s5 =	simm.s32 $0xFFFFFFFF;
	p2 =	slt.u32 s8, $0xFFFFF086  }
0x1c: {  	p1 =	slt.u32 s9, $0xF7A;
	s5 =	simm.s32 @!p2 $0x0  }
0x1d: {  	s5 =	simm.s32 @p1 $0x1;
	p0 =	seq.s32 s7, s2  }
0x1e: {  	s7 =	smul.u32 @!p0 $0xF7A, s2;
	p2 =	seq.s32 @!p0 s5, $0x0  }
0x1f: {  	s9 =	smul.u32 $0xF7A, s1;
	s8 =	simm.s32 @!p0 $0x1BF5;
	p2 =	por !p2, p0  }
0x20: {  	[sflag:s8] =	ssyncset.s32 @!p0 $0xFFFFF086;
	s6 =	sadd.s32 @!p0 s3, s7;
	s7 =	simm.s32 @!p0 $0x108  }
0x21: {  	s3 =	sadd.s32 s3, s9;
	s6 =	sadd.s32 @!p0 $0x88, s6;
	s7 =	simm.s32 @p2 $0x1082  }
0x22: {  	[simem:s7], [sflag:s8] =	dma.local @!p0 [hbm:s6], $0xF7A  }
0x23: {  	s9 =	sor.u32 $0xD0000000, s2;
	s6 =	simm.s32 $0x108;
	_ =	swait.ge @!p0 [sflag:s8], $0x0  }
0x24: {  	s3 =	sadd.s32 $0x88, s3;
	s6 =	simm.s32 @!p1 $0x1082;
	[sflag:s4] =	ssyncset.s32 $0xFFFFF086  }
0x25: {  	[simem:s6], [sflag:s4] =	dma.local [hbm:s3], $0xF7A  }
0x26: {  	[smem:$0x3F84] =	sst s1;
	(tag) =	ssettag s2;
	_ =	strace s9  }
0x27: {  	s1 =	sld [smem:$0x3F94]  }
0x28: {  	s2 =	sld [smem:$0x3F95]  }
0x29: {  	s4 =	sld [smem:$0x3F97]  }
0x2a: {  	p0 =	seq.s32 s5, $0x0;
	s5 =	sld [smem:$0x3F98]  }
0x2b: {  	s6 =	sld [smem:$0x3F99]  }
0x2c: {  	s7 =	sld [smem:$0x3F9A]  }
0x2d: {  	s3 =	simm.s32 $0x108;
	s8 =	sld [smem:$0x3F9B]  }
0x2e: {  	s3 =	simm.s32 @!p0 $0x1082;
	s9 =	sld [smem:$0x3F9C]  }
0x2f: {  	lr =	sadd.s32 s0, s3;
	s0 =	sld [smem:$0x3F93]  }
0x30: {  	s3 =	sld [smem:$0x3F96]  }
0x31: {  	[smem:$0x3F9F] =	sst s10  }
0x32: {  	s10 =	sld [smem:$0x3F9D];
	_ =	sdelay $0x3  }
0x33: {  	p0 =	seq.s32 s10, $0x1;
	s10 =	sld [smem:$0x3F9F];
	_ =	sdelay $0x3  }
0x34: {  	[smem:$0x3F9F] =	sst s10  }
0x35: {  	s10 =	sld [smem:$0x3F9E];
	_ =	sdelay $0x3  }
0x36: {  	p1 =	seq.s32 s10, $0x1;
	s10 =	sld [smem:$0x3F9F];
	_ =	sdelay $0x3  }
0x37: {  	[smem:$0x3F9F] =	sst s10  }
0x38: {  	s10 =	sld [smem:$0x3FA0]  }
0x39: {  	_ = 	snop;
	(pc) =	sbr.ind lr, $3  }
0x3a: {  	_ = 	snop  }
0x3b: {  	_ = 	snop  }
0x3c: {  	p2 =	seq.s32 s10, $0x1;
	s10 =	sld [smem:$0x3F9F]  }
0x3d: {  	_ =	shalt  }
0x3e: {  	_ =	shalt  }
0x3f: {  	_ =	shalt  }
0x40: {  	_ =	shalt  }
0x41: {  	_ =	shalt  }
0x42: {  	_ =	shalt  }
0x43: {  	_ =	shalt  }
0x44: {  	_ =	shalt  }
0x45: {  	_ =	shalt  }
0x46: {  	_ =	shalt  }
0x47: {  	_ =	shalt  }
0x48: {  	_ =	shalt  }
0x49: {  	_ =	shalt  }
0x4a: {  	_ =	shalt  }
0x4b: {  	_ =	shalt  }
0x4c: {  	_ =	shalt  }
0x4d: {  	_ =	shalt  }
0x4e: {  	_ =	shalt  }
0x4f: {  	_ =	shalt  }
0x50: {  	_ =	shalt  }
0x51: {  	_ =	shalt  }
0x52: {  	_ =	shalt  }
0x53: {  	_ =	shalt  }
0x54: {  	_ =	shalt  }
0x55: {  	_ =	shalt  }
0x56: {  	_ =	shalt  }
0x57: {  	_ =	shalt  }
0x58: {  	_ =	shalt  }
0x59: {  	_ =	shalt  }
0x5a: {  	_ =	shalt  }
0x5b: {  	_ =	shalt  }
0x5c: {  	_ =	shalt  }
0x5d: {  	_ =	shalt  }
0x5e: {  	_ =	shalt  }
0x5f: {  	_ =	shalt  }
0x60: {  	_ =	shalt  }
0x61: {  	_ =	shalt  }
0x62: {  	_ =	shalt  }
0x63: {  	_ =	shalt  }
0x64: {  	_ =	shalt  }
0x65: {  	_ =	shalt  }
0x66: {  	_ =	shalt  }
0x67: {  	_ =	shalt  }
0x68: {  	_ =	shalt  }
0x69: {  	_ =	shalt  }
0x6a: {  	_ =	shalt  }
0x6b: {  	_ =	shalt  }
0x6c: {  	_ =	shalt  }
0x6d: {  	_ =	shalt  }
0x6e: {  	_ =	shalt  }
0x6f: {  	_ =	shalt  }
0x70: {  	_ =	shalt  }
0x71: {  	_ =	shalt  }
0x72: {  	_ =	shalt  }
0x73: {  	_ =	shalt  }
0x74: {  	_ =	shalt  }
0x75: {  	_ =	shalt  }
0x76: {  	_ =	shalt  }
0x77: {  	_ =	shalt  }
0x78: {  	_ =	shalt  }
0x79: {  	_ =	shalt  }
0x7a: {  	_ =	shalt  }
0x7b: {  	_ =	shalt  }
0x7c: {  	_ =	shalt  }
0x7d: {  	_ =	shalt  }
0x7e: {  	_ =	shalt  }
0x7f: {  	_ =	shalt  }
0x80: {  	_ =	shalt  }
0x81: {  	_ =	shalt  }
0x82: {  	_ =	shalt  }
0x83: {  	_ =	shalt  }
0x84: {  	_ =	shalt  }
0x85: {  	_ =	shalt  }
0x86: {  	_ =	shalt  }
0x87: {  	_ =	shalt  }
.Lfunc_end0:
.L_simem_size_0:
called_computation_lowered:
.L_overlay_start_0:
0x88: {  	s2 =	sld [smem:$0x3FD9]  }
0x89: {  	s3 =	sld [smem:$0x3FFE];
	_ =	sdelay $0x1  }
0x8a: {  	s1 =	srdreg.scid  }
0x8b: {  	s0 =	sand.u32 $0x1, s1  }
0x8c: {  	s17 =	sshll.u32 s0, $0xA;
	s2 =	sadd.s32 s3, s2  }
0x8d: {  	s2 =	sadd.s32 s2, s17  }
0x8e: {  	[smem:$0x3FAB] =	sst s2  }
0x8f: {  	_ = 	snop  }
0x90: {  	s2 =	sld [smem:$0x3FC6]  }
0x91: {  	s18 =	sld [smem:$0x3FC5];
	(tm) =	ssettm $0x1  }
0x92: {  	s4 =	sld [smem:$0x3FFB];
	_ =	sdelay $0x3  }
0x93: {  	_ =	strace s4  }
0x94: {  	s4 =	sld [smem:$0x3FFC];
	_ =	sdelay $0x3  }
0x95: {  	_ =	strace s4  }
0x96: {  	s4 =	sld [smem:$0x3FFD];
	_ =	sdelay $0x3  }
0x97: {  	_ =	strace s4  }
0x98: {  	_ =	strace $0x8FFFFFFF  }
0x99: {  	s19 =	sld [smem:$0x3FDB];
	_ =	sdelay $0x1  }
0x9a: {  	s5 =	simm.s32 $_scs_section_size  }
0x9b: {  	s6 =	simm.s32 $_size__tile_overlayer_lowered;
	s7 =	simm.s32 $_tile_overlayer_lowered  }
0x9c: {  	s22 =	simm.s32 $0x1BFF;
	s21 =	sshll.u32 s7, $0x1;
	s4 =	sadd.s32 s5, s19  }
0x9d: {  	s8 =	simm.s32 $0x0;
	s20 =	sshll.u32 s6, $0x1;
	s6 =	sadd.s32 s21, s4  }
0x9e: {  	[timem:s8], [sflag:s22] =	dma.local [hbm:s6], s20  }
0x9f: {  	_ =	swait.ge [sflag:s22], s20  }
0xa0: {  	s5 =	ssub.s32 $0x0, s20;
	[sflag:s22] =	ssyncset.done $0x0  }
0xa1: {  	[sflag:s22] =	ssyncadd.s32 s5;
	_ =	sdelay $0x1  }
0xa2: {  	s23 =	simm.s32 $0x1B8B  }
0xa3: {  	_ =	swait.ge [sflag:s23], $0x1  }
0xa4: {  	[sflag:s23] =	ssyncset.done $0x0  }
0xa5: {  	s25 =	simm.s32 $0x1B8E;
	s24 =	sld [smem:$0x3FFE];
	[sflag:s23] =	ssyncadd.s32 $0xFFFFFFFF  }
0xa6: {  	s26 =	simm.s32 $execute0_lowered;
	[smem:$0x3FD2] =	sst s25  }
0xa7: {  	s6 =	sshll.u32 s26, $0x1;
	_ =	strace $0x80000046;
	[dreg:$0x1] =	wrdreg $0xFFFFFFFF  }
0xa8: {  	s28 =	simm.s32 $_size_execute0_lowered;
	s4 =	sadd.s32 s4, s6;
	[dreg:$0x0] =	wrdreg $0x0  }
0xa9: {  	s6 =	sshll.u32 s28, $0x1;
	[dreg:$0x2] =	wrdreg s4  }
0xaa: {  	[dreg:$0x3] =	wrdreg s6  }
0xab: {  	[dreg:$0x4] =	wrdreg $0xC0  }
0xac: {  	_ =	task [dreg:s8], $0x5FFFF  }
0xad: {  	[dreg:$0x1] =	wrdreg $0xFFFFFFFF  }
0xae: {  	[dreg:$0x0] =	wrdreg $0x60  }
0xaf: {  	[dreg:$0x2] =	wrdreg s2  }
0xb0: {  	[dreg:$0x3] =	wrdreg s18  }
0xb1: {  	[dreg:$0x4] =	wrdreg s24  }
0xb2: {  	[dreg:$0x5] =	wrdreg $0x9  }
0xb3: {  	_ =	task.clear_ibuf [dreg:s8], $0x6FFFF;
	_ =	strace $0x90000046  }
0xb4: {  	s29 =	simm.s32 $0x9;
	_ =	strace $0x80000048  }
0xb5: {  	_ =	swait.ge [sflag:s29], $0x1  }
0xb6: {  	[sflag:s29] =	ssyncadd.s32 $0xFFFFFFFF  }
0xb7: {  	_ =	strace $0x90000048  }
0xb8: {  	_ =	sfence  }
0xb9: {  	s30 =	sld [smem:$0x0];
	_ =	sdelay $0x2  }
0xba: {  	s31 =	sshll.u32 s1, $0xD;
	s1 =	sshrl.u32 s1, $0x2  }
0xbb: {  	s3 =	sand.u32 $0x4000, s31;
	s1 =	sadd.s32 s1, s30  }
0xbc: {  	s0 =	sor.u32 s3, s0;
	s1 =	sshll.u32 s1, $0x11  }
0xbd: {  	s0 =	sor.u32 s1, s0  }
0xbe: {  	s0 =	sadd.s32 $0x8F2B, s0  }
0xbf: {  	[sflag:s0] =	ssyncadd.remote.s32 $0x1  }
0xc0: {  	_ =	sfence.sel $0xFFFF  }
0xc1: {  	[dreg:$0x0] =	wrdreg $0xFFFFFFFF;
	(pc) =	sbr.abs _section_cstart, $3  }
0xc2: {  	[dreg:$0x1] =	wrdreg $0xFFFFFFFF  }
0xc3: {  	_ =	task.clear_ibuf [dreg:s8], $0x2FFFF;
	_ =	strace $0x9FFFFFFF  }
0xc4: {  	(tm) =	ssettm $0x7FFFFFFF  }
0xc5: {  	_ =	shalt  }
tec
execute0_lowered:
.L_overlay_start_1:
0x0: {  	(tag) =	ssettag $0x1  }
0x1: {  	s0 =	srdreg.scid  }
0x2: {  	s6 =	sand.u32 $0x1, s0  }
0x3: {  	s1 =	stileid.u32;
	s5 =	sshll.u32 s6, $0x4  }
0x4: {  	s7 =	sor.u32 s1, s5  }
0x5: {  	p0 =	sgt.u32 s7, $0x18  }
.Ltmp0:
0x6: {  	s2 =	rddreg [dreg:$0x0];
	(pc) =	sbr.rel @p0 .LBB2_4-.Ltmp0, $4  }
0x7: {  	s4 =	rddreg [dreg:$0x1]  }
0x8: {  	s9 =	rddreg [dreg:$0x2];
	s3 =	simm.s32 $0x0  }
0x9: {  	[smem:$0x7FF] =	sst s3  }
0xa: {  	s0 =	rddreg [dreg:$0x3];
	_ =	strace $0x80000047  }
0xb: {  	s5 =	smul.u32 $0x32, s7  }
0xc: {  	s10 =	smul.u32 $0x1900, s7;
	s11 =	ssub.s32 $0x2, s6  }
0xd: {  	s6 =	simm.s32 $0x190;
	s5 =	sadd.s32 s4, s5;
	s4 =	simm.s32 $0x2  }
0xe: {  	[tilespmem:s3], [sflag:$0x2] =	stream.linear.gather [hbm4b:s5+s3], $0x190, $0x38;
	[tilespmem:$0xCA00] =	vst v63  }
0xf: {  	s7 =	simm.s32 $0x200;
	s12 =	sshrl.u32 s11, $0x1;
	_ =	swait.ge [sflag:s4], $0x190  }
0x10: {  	s8 =	simm.s32 $0x1;
	s31 =	ssub.s32 s11, s12;
	[sflag:s4] =	ssyncset.done $0x0  }
0x11: {  	s9 =	sadd.s32 s10, s9;
	s10 =	smax.u32 s31, $0x1;
	[sflag:s4] =	ssyncadd.s32 $0xFFFFFE70  }
0x12: {  	[tilespmem:s7], [sflag:$0x1] =	stream.indirect.gather [hbm4b:s2+s6], $0x80, s3, s6, $0xb8;
	[tilespmem:$0xCA00] =	vst v63  }
0x13: {  	p0 =	sne.s32 s10, $0x1;
	_ =	swait.ge [sflag:s8], $0xC800  }
.Ltmp1:
0x14: {  	[sflag:s8] =	ssyncset.done $0x0;
	(pc) =	sbr.rel @!p0 .LBB2_3-.Ltmp1, $4  }
0x15: {  	s9 =	sadd.s32 $0x9200, s9;
	[sflag:s8] =	ssyncadd.s32 $0xFFFF3800  }
0x16: {  	[hbm4b:s9+s3] =	stream.linear.scatter [tilespmem:s7], [sflag:$0x2], $0xC800, $0x38;
	[tilespmem:$0xCA00] =	vst v63  }
0x17: {  	_ =	swait.ge [sflag:s4], $0xC800  }
0x18: {  	s10 =	sadd.s32 $0xFFFFFFFF, s10;
	[sflag:s4] =	ssyncset.done $0x0  }
.LBB2_2:
0x19: {  	p0 =	sne.s32 s10, $0x1;
	s10 =	sadd.s32 $0xFFFFFFFF, s10;
	[sflag:s4] =	ssyncadd.s32 $0xFFFF3800  }
0x1a: {  	[tilespmem:s3], [sflag:$0x2] =	stream.linear.gather [hbm4b:s5+s3], $0x190, $0x38;
	[tilespmem:$0xCA00] =	vst v63  }
0x1b: {  	_ =	swait.ge [sflag:s4], $0x190  }
0x1c: {  	[sflag:s4] =	ssyncset.done $0x0  }
0x1d: {  	[sflag:s4] =	ssyncadd.s32 $0xFFFFFE70  }
0x1e: {  	[tilespmem:s7], [sflag:$0x1] =	stream.indirect.gather [hbm4b:s2+s6], $0x80, s3, s6, $0xb8;
	[tilespmem:$0xCA00] =	vst v63  }
0x1f: {  	_ =	swait.ge [sflag:s8], $0xC800  }
.Ltmp2:
0x20: {  	[sflag:s8] =	ssyncset.done $0x0;
	(pc) =	sbr.rel @p0 .LBB2_2-.Ltmp2, $4  }
0x21: {  	[sflag:s8] =	ssyncadd.s32 $0xFFFF3800  }
0x22: {  	[hbm4b:s9+s3] =	stream.linear.scatter [tilespmem:s7], [sflag:$0x2], $0xC800, $0x38;
	[tilespmem:$0xCA00] =	vst v63  }
0x23: {  	_ =	swait.ge [sflag:s4], $0xC800  }
0x24: {  	[sflag:s4] =	ssyncset.done $0x0  }
.LBB2_3:
0x25: {  	[sflag:s4] =	ssyncadd.s32 $0xFFFF3800  }
.LBB2_4:
0x26: {  	_ =	sfence.sel $0x180000  }
0x27: {  	[bflag:$0x0] =	sbarrier.arrive $0xFFFF  }
0x28: {  	p0 =	sne.s32 s1, $0x0;
	_ =	strace $0x90000047  }
0x29: {  	s0 =	sadd.s32 @!p0 $0x100000, s0;
	[bflag:$0x2] =	sbarrier.arrive $0xFFFF  }
0x2a: {  	[sflag:s0] =	ssyncadd.tile.s32 @!p0 $0x1;
	_ =	shalt  }
.Lfunc_end2:
_tile_overlayer_lowered:
.L_overlay_start_2:
0x2b: {  	(tag) =	ssettag $0x2  }
0x2c: {  	s0 =	rddreg [dreg:$0x0];
	s2 =	stileid.u32  }
0x2d: {  	s1 =	rddreg [dreg:$0x1];
	p0 =	sne.s32 s2, $0x0  }
0x2e: {  	s3 =	rddreg [dreg:$0x2];
	[bflag:$0x3] =	sbarrier.arrive $0xFFFF;
	s2 =	simm.s32 @!p0 $0x1C02  }
0x2f: {  	[timem:s3], [sflag:s2] =	dma.local @!p0 [hbm:s0], s1  }
0x30: {  	s0 =	simm.s32 @!p0 $0x2  }
0x31: {  	_ =	swait.ge @!p0 [sflag:s0], s1  }
0x32: {  	s1 =	ssub.s32 @!p0 $0x0, s1;
	[sflag:s0] =	ssyncset.done @!p0 $0x0  }
0x33: {  	[sflag:s0] =	ssyncadd.s32 @!p0 s1  }
0x34: {  	[bflag:$0x3] =	sbarrier.arrive $0xFFFF  }
0x35: {  	_ =	shalt  }

// kernel: kernel.21.cloned.1.call-start
scs
__scs_entry_jumppad:
0x0: {  	(pc) =	sbr.rel $0x88, $3  }
0x1: {  	(tag) =	ssettag $0x0;
	lr =	simm.s32 $0x1  }
0x2: {  	[smem:$0x3F84] =	sst lr;
	_ =	strace $0xD0000000  }
0x3: {  	_ = 	snop  }
0x4: {  	_ = 	snop  }
0x5: {  	_ = 	snop  }
0x6: {  	_ = 	snop  }
0x7: {  	_ = 	snop  }
__scs_overlays_trampoline_lowered:
0x8: {  	[smem:$0x3F93] =	sst s0  }
0x9: {  	[smem:$0x3F94] =	sst s1  }
0xa: {  	[smem:$0x3F95] =	sst s2  }
0xb: {  	[smem:$0x3F96] =	sst s3  }
0xc: {  	[smem:$0x3F97] =	sst s4  }
0xd: {  	[smem:$0x3F98] =	sst s5  }
0xe: {  	[smem:$0x3F99] =	sst s6  }
0xf: {  	[smem:$0x3F9A] =	sst s7  }
0x10: {  	[smem:$0x3F9B] =	sst s8  }
0x11: {  	[smem:$0x3F9C] =	sst s9;
	s0 =	simm.s32 @!p0 $0x0  }
0x12: {  	s1 =	sld [smem:$0x3F82];
	s0 =	simm.s32 @p0 $0x1  }
0x13: {  	[smem:$0x3F9D] =	sst s0;
	s0 =	simm.s32 @!p1 $0x0  }
0x14: {  	s2 =	sld [smem:$0x3F81];
	s0 =	simm.s32 @p1 $0x1  }
0x15: {  	[smem:$0x3F9E] =	sst s0;
	s0 =	simm.s32 @!p2 $0x0  }
0x16: {  	s3 =	sld [smem:$0x3FDB];
	s0 =	simm.s32 @p2 $0x1  }
0x17: {  	s4 =	simm.s32 $0x1BF5;
	[smem:$0x3FA0] =	sst s0  }
0x18: {  	s0 =	sld [smem:$0x3F83];
	_ =	swait.ge [sflag:s4], $0x0  }
0x19: {  	s7 =	sld [smem:$0x3F84]  }
0x1a: {  	s8 =	sadd.s32 $0xFFFFE003, lr  }
0x1b: {  	s9 =	sadd.s32 $0xFFFFFEF7, lr;
	s5 =	simm.s32 $0xFFFFFFFF;
	p2 =	slt.u32 s8, $0xFFFFF086  }
0x1c: {  	p1 =	slt.u32 s9, $0xF7A;
	s5 =	simm.s32 @!p2 $0x0  }
0x1d: {  	s5 =	simm.s32 @p1 $0x1;
	p0 =	seq.s32 s7, s2  }
0x1e: {  	s7 =	smul.u32 @!p0 $0xF7A, s2;
	p2 =	seq.s32 @!p0 s5, $0x0  }
0x1f: {  	s9 =	smul.u32 $0xF7A, s1;
	s8 =	simm.s32 @!p0 $0x1BF5;
	p2 =	por !p2, p0  }
0x20: {  	[sflag:s8] =	ssyncset.s32 @!p0 $0xFFFFF086;
	s6 =	sadd.s32 @!p0 s3, s7;
	s7 =	simm.s32 @!p0 $0x108  }
0x21: {  	s3 =	sadd.s32 s3, s9;
	s6 =	sadd.s32 @!p0 $0x88, s6;
	s7 =	simm.s32 @p2 $0x1082  }
0x22: {  	[simem:s7], [sflag:s8] =	dma.local @!p0 [hbm:s6], $0xF7A  }
0x23: {  	s9 =	sor.u32 $0xD0000000, s2;
	s6 =	simm.s32 $0x108;
	_ =	swait.ge @!p0 [sflag:s8], $0x0  }
0x24: {  	s3 =	sadd.s32 $0x88, s3;
	s6 =	simm.s32 @!p1 $0x1082;
	[sflag:s4] =	ssyncset.s32 $0xFFFFF086  }
0x25: {  	[simem:s6], [sflag:s4] =	dma.local [hbm:s3], $0xF7A  }
0x26: {  	[smem:$0x3F84] =	sst s1;
	(tag) =	ssettag s2;
	_ =	strace s9  }
0x27: {  	s1 =	sld [smem:$0x3F94]  }
0x28: {  	s2 =	sld [smem:$0x3F95]  }
0x29: {  	s4 =	sld [smem:$0x3F97]  }
0x2a: {  	p0 =	seq.s32 s5, $0x0;
	s5 =	sld [smem:$0x3F98]  }
0x2b: {  	s6 =	sld [smem:$0x3F99]  }
0x2c: {  	s7 =	sld [smem:$0x3F9A]  }
0x2d: {  	s3 =	simm.s32 $0x108;
	s8 =	sld [smem:$0x3F9B]  }
0x2e: {  	s3 =	simm.s32 @!p0 $0x1082;
	s9 =	sld [smem:$0x3F9C]  }
0x2f: {  	lr =	sadd.s32 s0, s3;
	s0 =	sld [smem:$0x3F93]  }
0x30: {  	s3 =	sld [smem:$0x3F96]  }
0x31: {  	[smem:$0x3F9F] =	sst s10  }
0x32: {  	s10 =	sld [smem:$0x3F9D];
	_ =	sdelay $0x3  }
0x33: {  	p0 =	seq.s32 s10, $0x1;
	s10 =	sld [smem:$0x3F9F];
	_ =	sdelay $0x3  }
0x34: {  	[smem:$0x3F9F] =	sst s10  }
0x35: {  	s10 =	sld [smem:$0x3F9E];
	_ =	sdelay $0x3  }
0x36: {  	p1 =	seq.s32 s10, $0x1;
	s10 =	sld [smem:$0x3F9F];
	_ =	sdelay $0x3  }
0x37: {  	[smem:$0x3F9F] =	sst s10  }
0x38: {  	s10 =	sld [smem:$0x3FA0]  }
0x39: {  	_ = 	snop;
	(pc) =	sbr.ind lr, $3  }
0x3a: {  	_ = 	snop  }
0x3b: {  	_ = 	snop  }
0x3c: {  	p2 =	seq.s32 s10, $0x1;
	s10 =	sld [smem:$0x3F9F]  }
0x3d: {  	_ =	shalt  }
0x3e: {  	_ =	shalt  }
0x3f: {  	_ =	shalt  }
0x40: {  	_ =	shalt  }
0x41: {  	_ =	shalt  }
0x42: {  	_ =	shalt  }
0x43: {  	_ =	shalt  }
0x44: {  	_ =	shalt  }
0x45: {  	_ =	shalt  }
0x46: {  	_ =	shalt  }
0x47: {  	_ =	shalt  }
0x48: {  	_ =	shalt  }
0x49: {  	_ =	shalt  }
0x4a: {  	_ =	shalt  }
0x4b: {  	_ =	shalt  }
0x4c: {  	_ =	shalt  }
0x4d: {  	_ =	shalt  }
0x4e: {  	_ =	shalt  }
0x4f: {  	_ =	shalt  }
0x50: {  	_ =	shalt  }
0x51: {  	_ =	shalt  }
0x52: {  	_ =	shalt  }
0x53: {  	_ =	shalt  }
0x54: {  	_ =	shalt  }
0x55: {  	_ =	shalt  }
0x56: {  	_ =	shalt  }
0x57: {  	_ =	shalt  }
0x58: {  	_ =	shalt  }
0x59: {  	_ =	shalt  }
0x5a: {  	_ =	shalt  }
0x5b: {  	_ =	shalt  }
0x5c: {  	_ =	shalt  }
0x5d: {  	_ =	shalt  }
0x5e: {  	_ =	shalt  }
0x5f: {  	_ =	shalt  }
0x60: {  	_ =	shalt  }
0x61: {  	_ =	shalt  }
0x62: {  	_ =	shalt  }
0x63: {  	_ =	shalt  }
0x64: {  	_ =	shalt  }
0x65: {  	_ =	shalt  }
0x66: {  	_ =	shalt  }
0x67: {  	_ =	shalt  }
0x68: {  	_ =	shalt  }
0x69: {  	_ =	shalt  }
0x6a: {  	_ =	shalt  }
0x6b: {  	_ =	shalt  }
0x6c: {  	_ =	shalt  }
0x6d: {  	_ =	shalt  }
0x6e: {  	_ =	shalt  }
0x6f: {  	_ =	shalt  }
0x70: {  	_ =	shalt  }
0x71: {  	_ =	shalt  }
0x72: {  	_ =	shalt  }
0x73: {  	_ =	shalt  }
0x74: {  	_ =	shalt  }
0x75: {  	_ =	shalt  }
0x76: {  	_ =	shalt  }
0x77: {  	_ =	shalt  }
0x78: {  	_ =	shalt  }
0x79: {  	_ =	shalt  }
0x7a: {  	_ =	shalt  }
0x7b: {  	_ =	shalt  }
0x7c: {  	_ =	shalt  }
0x7d: {  	_ =	shalt  }
0x7e: {  	_ =	shalt  }
0x7f: {  	_ =	shalt  }
0x80: {  	_ =	shalt  }
0x81: {  	_ =	shalt  }
0x82: {  	_ =	shalt  }
0x83: {  	_ =	shalt  }
0x84: {  	_ =	shalt  }
0x85: {  	_ =	shalt  }
0x86: {  	_ =	shalt  }
0x87: {  	_ =	shalt  }
.Lfunc_end0:
.L_simem_size_0:
called_computation.1_lowered:
.L_overlay_start_0:
0x88: {  	s2 =	sld [smem:$0x3FD9]  }
0x89: {  	s3 =	sld [smem:$0x3FFE];
	_ =	sdelay $0x1  }
0x8a: {  	s1 =	srdreg.scid  }
0x8b: {  	s0 =	sand.u32 $0x1, s1  }
0x8c: {  	s15 =	sshll.u32 s0, $0xA;
	s2 =	sadd.s32 s3, s2  }
0x8d: {  	s2 =	sadd.s32 s2, s15  }
0x8e: {  	[smem:$0x3FAB] =	sst s2  }
0x8f: {  	_ = 	snop  }
0x90: {  	s16 =	sld [smem:$0x3FD0];
	_ =	sdelay $0x2  }
0x91: {  	s4 =	simm.s32 $0xD;
	s5 =	simm.s32 $0x10;
	s2 =	sld [smem:$0x3FC9]  }
0x92: {  	[smem:s5], [sflag:s4] =	dma.local [hbm:s16], $0x1  }
0x93: {  	_ =	swait.eq [sflag:s4], $0x1  }
0x94: {  	[sflag:s4] =	ssyncset.done $0x0  }
0x95: {  	[sflag:s4] =	ssyncadd.s32 $0xFFFFFFFF  }
0x96: {  	s17 =	sld [smem:$0x10];
	(tm) =	ssettm $0x1  }
0x97: {  	s18 =	sld [smem:$0x3FFB];
	_ =	sdelay $0x3  }
0x98: {  	_ =	strace s18  }
0x99: {  	s3 =	sld [smem:$0x3FFC];
	_ =	sdelay $0x3  }
0x9a: {  	_ =	strace s3  }
0x9b: {  	s3 =	sld [smem:$0x3FFD];
	_ =	sdelay $0x3  }
0x9c: {  	_ =	strace s3  }
0x9d: {  	_ =	strace $0x8FFFFFFF  }
0x9e: {  	s19 =	sld [smem:$0x3FDB];
	_ =	sdelay $0x1  }
0x9f: {  	s20 =	simm.s32 $_scs_section_size  }
0xa0: {  	s6 =	simm.s32 $_size__tile_overlayer_lowered;
	s7 =	simm.s32 $_tile_overlayer_lowered  }
0xa1: {  	s8 =	simm.s32 $0x1BFF;
	s21 =	sshll.u32 s7, $0x1;
	s5 =	sadd.s32 s20, s19  }
0xa2: {  	s22 =	simm.s32 $0x0;
	s6 =	sshll.u32 s6, $0x1;
	s7 =	sadd.s32 s21, s5  }
0xa3: {  	[timem:s22], [sflag:s8] =	dma.local [hbm:s7], s6  }
0xa4: {  	_ =	swait.ge [sflag:s8], s6  }
0xa5: {  	s6 =	ssub.s32 $0x0, s6;
	[sflag:s8] =	ssyncset.done $0x0  }
0xa6: {  	[sflag:s8] =	ssyncadd.s32 s6;
	_ =	sdelay $0x1  }
0xa7: {  	s23 =	simm.s32 $0x1B8B  }
0xa8: {  	_ =	swait.ge [sflag:s23], $0x1  }
0xa9: {  	[sflag:s23] =	ssyncset.done $0x0  }
0xaa: {  	[sflag:s23] =	ssyncadd.s32 $0xFFFFFFFF  }
0xab: {  	s6 =	sld [smem:$0x0]  }
0xac: {  	s7 =	sand.u32 $0xFFFFFFFE, s1  }
0xad: {  	p0 =	sne.s32 s1, s7  }
0xae: {  	s7 =	sshll.u32 @p0 s7, $0xE  }
0xaf: {  	s7 =	sadd.s32 @p0 $0x11B8D, s7;
	s8 =	sshll.u32 @p0 s6, $0x11  }
0xb0: {  	s7 =	sor.u32 @p0 s8, s7  }
0xb1: {  	[sflag:s7] =	ssyncadd.remote.s32 @p0 $0x1;
	_ =	sdelay $0x1  }
0xb2: {  	s7 =	simm.s32 @p0 $0x1B8D  }
0xb3: {  	_ =	swait.eq @p0 [sflag:s7], $0x1  }
0xb4: {  	[sflag:s7] =	ssyncadd.s32 @p0 $0xFFFFFFFF  }
0xb5: {  	s8 =	sshll.u32 @!p0 s1, $0xE  }
0xb6: {  	s8 =	sor.u32 @!p0 $0x4000, s8;
	s7 =	simm.s32 @!p0 $0x1B8D  }
0xb7: {  	s6 =	sshll.u32 @!p0 s6, $0x11;
	s8 =	sadd.s32 @!p0 $0x11B8D, s8;
	_ =	swait.eq @!p0 [sflag:s7], $0x1  }
0xb8: {  	s6 =	sor.u32 @!p0 s6, s8;
	[sflag:s7] =	ssyncadd.s32 @!p0 $0xFFFFFFFF  }
0xb9: {  	s25 =	simm.s32 $0x1B8E;
	s24 =	sld [smem:$0x3FFE];
	[sflag:s6] =	ssyncadd.remote.s32 @!p0 $0x1  }
0xba: {  	s26 =	simm.s32 $execute0_lowered;
	[smem:$0x3FD2] =	sst s25  }
0xbb: {  	s7 =	sshll.u32 s26, $0x1;
	_ =	strace $0x80000052;
	[dreg:$0x1] =	wrdreg $0xFFFFFFFF  }
0xbc: {  	s28 =	simm.s32 $_size_execute0_lowered;
	s5 =	sadd.s32 s5, s7;
	[dreg:$0x0] =	wrdreg $0x0  }
0xbd: {  	s7 =	sshll.u32 s28, $0x1;
	[dreg:$0x2] =	wrdreg s5  }
0xbe: {  	[dreg:$0x3] =	wrdreg s7  }
0xbf: {  	[dreg:$0x4] =	wrdreg $0xC0  }
0xc0: {  	_ =	task [dreg:s22], $0x5FFFF  }
0xc1: {  	[dreg:$0x1] =	wrdreg $0xFFFFFFFF  }
0xc2: {  	[dreg:$0x0] =	wrdreg $0x60  }
0xc3: {  	[dreg:$0x2] =	wrdreg s2  }
0xc4: {  	[dreg:$0x3] =	wrdreg s24  }
0xc5: {  	[dreg:$0x4] =	wrdreg s17  }
0xc6: {  	[dreg:$0x5] =	wrdreg $0x9  }
0xc7: {  	_ =	task.clear_ibuf [dreg:s22], $0x6FFFF;
	_ =	strace $0x90000052  }
0xc8: {  	s29 =	simm.s32 $0x9;
	_ =	strace $0x80000054  }
0xc9: {  	_ =	swait.ge [sflag:s29], $0x1  }
0xca: {  	[sflag:s29] =	ssyncadd.s32 $0xFFFFFFFF  }
0xcb: {  	_ =	strace $0x90000054  }
0xcc: {  	_ =	sfence  }
0xcd: {  	s30 =	sld [smem:$0x0];
	_ =	sdelay $0x2  }
0xce: {  	s31 =	sshll.u32 s1, $0xD;
	s1 =	sshrl.u32 s1, $0x2  }
0xcf: {  	s4 =	sand.u32 $0x4000, s31;
	s1 =	sadd.s32 s1, s30  }
0xd0: {  	s0 =	sor.u32 s4, s0;
	s1 =	sshll.u32 s1, $0x11  }
0xd1: {  	s0 =	sor.u32 s1, s0  }
0xd2: {  	s0 =	sadd.s32 $0x8F2B, s0  }
0xd3: {  	[sflag:s0] =	ssyncadd.remote.s32 $0x1  }
0xd4: {  	_ =	sfence.sel $0xFFFF  }
0xd5: {  	[dreg:$0x0] =	wrdreg $0xFFFFFFFF;
	(pc) =	sbr.abs _section_cstart, $3  }
0xd6: {  	[dreg:$0x1] =	wrdreg $0xFFFFFFFF  }
0xd7: {  	_ =	task.clear_ibuf [dreg:s22], $0x2FFFF;
	_ =	strace $0x9FFFFFFF  }
0xd8: {  	(tm) =	ssettm $0x7FFFFFFF  }
0xd9: {  	_ =	shalt  }
tec
execute0_lowered:
.L_overlay_start_1:
0x0: {  	(tag) =	ssettag $0x1  }
0x1: {  	s1 =	rddreg [dreg:$0x0]  }
0x2: {  	s4 =	rddreg [dreg:$0x1];
	s3 =	srdreg.scid  }
0x3: {  	s5 =	rddreg [dreg:$0x2];
	s6 =	sand.u32 $0x1, s3  }
0x4: {  	s0 =	rddreg [dreg:$0x3];
	s7 =	smul.u32 $0x320, s6  }
0x5: {  	s2 =	simm.s32 $0x0;
	s3 =	stileid.u32;
	s9 =	smul.u32 $0x19000, s6  }
0x6: {  	[smem:$0x7FF] =	sst s2;
	s8 =	ssub.s32 $0x2, s6;
	s29 =	smul.u32 $0x32, s3  }
0x7: {  	_ =	strace $0x80000053;
	s12 =	smul.u32 $0x1900, s3;
	s10 =	sshrl.u32 s8, $0x1  }
0x8: {  	s13 =	sshll.u32 s6, $0x4;
	s8 =	ssub.s32 s8, s10;
	s11 =	sadd.s32 s7, s4  }
0x9: {  	s7 =	sadd.s32 s7, s5;
	s9 =	sadd.s32 s9, s4;
	s4 =	sadd.s32 $0x9200, s4  }
0xa: {  	s5 =	smax.u32 s8, $0x1;
	s30 =	sadd.s32 s29, s11;
	s31 =	sadd.s32 s12, s9  }
0xb: {  	s7 =	sadd.s32 s29, s7;
	s6 =	sadd.s32 $0xB3BC00, s30;
	s8 =	sadd.s32 $0xB3E400, s31  }
0xc: {  	s11 =	sor.u32 s13, s3;
	s9 =	sadd.s32 $0xC76C00, s31;
	s10 =	sadd.s32 $0xDAF400, s31  }
.LBB2_1:
0xd: {  	p0 =	sgt.u32 s11, $0xC7  }
0xe: {  	s13 =	simm.s32 @!p0 $0x0;
	s12 =	simm.s32 @!p0 $0x4;
	p0 =	por p0, p0  }
0xf: {  	[tilespmem:s13], [sflag:$0x4] =	stream.linear.gather @!p0 [hbm4b:s6+s13], $0x190, $0x38;
	[tilespmem:$0x19400] =	vst v63  }
0x10: {  	_ =	swait.ge @!p0 [sflag:s12], $0x190  }
0x11: {  	[sflag:s12] =	ssyncset.done @!p0 $0x0  }
0x12: {  	s14 =	simm.s32 @!p0 $0x200;
	[sflag:s12] =	ssyncadd.s32 @!p0 $0xFFFFFE70  }
0x13: {  	[tilespmem:s14], [sflag:$0x4] =	stream.linear.gather @!p0 [hbm4b:s7+s13], $0x190, $0x38;
	[tilespmem:$0x19400] =	vst v63  }
0x14: {  	_ =	swait.ge @!p0 [sflag:s12], $0x190  }
0x15: {  	[sflag:s12] =	ssyncset.done @!p0 $0x0  }
0x16: {  	s15 =	simm.s32 @!p0 $0x190;
	s16 =	simm.s32 @!p0 $0x400;
	[sflag:s12] =	ssyncadd.s32 @!p0 $0xFFFFFE70  }
0x17: {  	[tilespmem:s16], [sflag:$0x1] =	stream.indirect.gather @!p0 [hbm4b:s1+s15], $0x80, s13, s15, $0xb8;
	[tilespmem:$0x19400] =	vst v63  }
0x18: {  	s17 =	simm.s32 @!p0 $0xCC00;
	s18 =	simm.s32 @!p0 $0x1  }
0x19: {  	[tilespmem:s17], [sflag:$0x2] =	stream.indirect.gather @!p0 [hbm4b:s1+s15], $0x80, s14, s15, $0xb8;
	[tilespmem:$0x19400] =	vst v63  }
0x1a: {  	_ =	swait.ge @!p0 [sflag:s18], $0xC800  }
0x1b: {  	[sflag:s18] =	ssyncset.done @!p0 $0x0  }
0x1c: {  	s14 =	simm.s32 @!p0 $0x2;
	[sflag:s18] =	ssyncadd.s32 @!p0 $0xFFFF3800  }
0x1d: {  	_ =	swait.ge @!p0 [sflag:s14], $0xC800  }
0x1e: {  	[sflag:s14] =	ssyncset.done @!p0 $0x0  }
0x1f: {  	[sflag:s14] =	ssyncadd.s32 @!p0 $0xFFFF3800;
	s14 =	sadd.s32 @!p0 $0x0, s8  }
0x20: {  	[hbm4b:s14+s13] =	stream.linear.scatter @!p0 [tilespmem:s16], [sflag:$0x4], $0xC800, $0x38;
	[tilespmem:$0x19400] =	vst v63  }
0x21: {  	_ =	swait.ge @!p0 [sflag:s12], $0xC800  }
0x22: {  	[sflag:s12] =	ssyncset.done @!p0 $0x0  }
0x23: {  	s14 =	sadd.s32 @!p0 $0x0, s9;
	[sflag:s12] =	ssyncadd.s32 @!p0 $0xFFFF3800  }
0x24: {  	[hbm4b:s14+s13] =	stream.linear.scatter @!p0 [tilespmem:s17], [sflag:$0x4], $0xC800, $0x38;
	[tilespmem:$0x19400] =	vst v63  }
0x25: {  	_ =	swait.ge @!p0 [sflag:s12], $0xC800  }
0x26: {  	[sflag:s12] =	ssyncset.done @!p0 $0x0  }
0x27: {  	[sflag:s12] =	ssyncadd.s32 @!p0 $0xFFFF3800  }
0x28: {  	[tilespmem:s16], [sflag:$0x1] =	stream.indirect.gather @!p0 [hbm4b:s4+s15], $0x80, s13, s15, $0xb8;
	[tilespmem:$0x19400] =	vst v63  }
0x29: {  	_ =	swait.ge @!p0 [sflag:s18], $0xC800  }
0x2a: {  	s14 =	simm.s32 $0x64000;
	s12 =	simm.s32 $0x32000;
	[sflag:s18] =	ssyncset.done @!p0 $0x0  }
0x2b: {  	s15 =	sadd.s32 @!p0 $0x0, s10;
	[sflag:s18] =	ssyncadd.s32 @!p0 $0xFFFF3800;
	s18 =	simm.s32 @!p0 $0x3  }
0x2c: {  	[hbm4b:s15+s13] =	stream.linear.scatter @!p0 [tilespmem:s16], [sflag:$0x3], $0xC800, $0x38;
	[tilespmem:$0x19400] =	vst v63  }
0x2d: {  	s13 =	sadd.s32 $0x640, s7;
	s16 =	sadd.s32 $0x20, s11;
	_ =	swait.ge @!p0 [sflag:s18], $0xC800  }
0x2e: {  	s15 =	sadd.s32 $0x640, s6;
	p2 =	sgt.u32 s16, $0xC7;
	[sflag:s18] =	ssyncset.done @!p0 $0x0  }
.LBB2_2:
0x2f: {  	s17 =	simm.s32 @!p2 $0x0;
	s19 =	simm.s32 @!p2 $0x4;
	[sflag:s18] =	ssyncadd.s32 @!p0 $0xFFFF3800  }
0x30: {  	s18 =	smov.u32 s12;
	s12 =	smov.u32 s14;
	p0 =	por p2, p2  }
0x31: {  	[tilespmem:s17], [sflag:$0x4] =	stream.linear.gather @!p0 [hbm4b:s15+s17], $0x190, $0x38;
	[tilespmem:$0x19400] =	vst v63  }
0x32: {  	s14 =	sadd.s32 $0x32000, s14;
	_ =	swait.ge @!p0 [sflag:s19], $0x190  }
0x33: {  	p1 =	sne.s32 s14, $0x15E000;
	[sflag:s19] =	ssyncset.done @!p0 $0x0  }
0x34: {  	s20 =	simm.s32 @!p0 $0x200;
	[sflag:s19] =	ssyncadd.s32 @!p0 $0xFFFFFE70  }
0x35: {  	[tilespmem:s20], [sflag:$0x4] =	stream.linear.gather @!p0 [hbm4b:s13+s17], $0x190, $0x38;
	[tilespmem:$0x19400] =	vst v63  }
0x36: {  	_ =	swait.ge @!p0 [sflag:s19], $0x190  }
0x37: {  	[sflag:s19] =	ssyncset.done @!p0 $0x0  }
0x38: {  	s21 =	simm.s32 @!p0 $0x190;
	s22 =	simm.s32 @!p0 $0x400;
	[sflag:s19] =	ssyncadd.s32 @!p0 $0xFFFFFE70  }
0x39: {  	[tilespmem:s22], [sflag:$0x1] =	stream.indirect.gather @!p0 [hbm4b:s1+s21], $0x80, s17, s21, $0xb8;
	[tilespmem:$0x19400] =	vst v63  }
0x3a: {  	s23 =	simm.s32 @!p0 $0xCC00;
	s24 =	simm.s32 @!p0 $0x1  }
0x3b: {  	[tilespmem:s23], [sflag:$0x2] =	stream.indirect.gather @!p0 [hbm4b:s1+s21], $0x80, s20, s21, $0xb8;
	[tilespmem:$0x19400] =	vst v63  }
0x3c: {  	_ =	swait.ge @!p0 [sflag:s24], $0xC800  }
0x3d: {  	[sflag:s24] =	ssyncset.done @!p0 $0x0  }
0x3e: {  	s20 =	simm.s32 @!p0 $0x2;
	[sflag:s24] =	ssyncadd.s32 @!p0 $0xFFFF3800  }
0x3f: {  	_ =	swait.ge @!p0 [sflag:s20], $0xC800  }
0x40: {  	[sflag:s20] =	ssyncset.done @!p0 $0x0  }
0x41: {  	[sflag:s20] =	ssyncadd.s32 @!p0 $0xFFFF3800;
	s20 =	sadd.s32 @!p0 s18, s8  }
0x42: {  	[hbm4b:s20+s17] =	stream.linear.scatter @!p0 [tilespmem:s22], [sflag:$0x4], $0xC800, $0x38;
	[tilespmem:$0x19400] =	vst v63  }
0x43: {  	_ =	swait.ge @!p0 [sflag:s19], $0xC800  }
0x44: {  	[sflag:s19] =	ssyncset.done @!p0 $0x0  }
0x45: {  	s20 =	sadd.s32 @!p0 s18, s9;
	[sflag:s19] =	ssyncadd.s32 @!p0 $0xFFFF3800  }
0x46: {  	[hbm4b:s20+s17] =	stream.linear.scatter @!p0 [tilespmem:s23], [sflag:$0x4], $0xC800, $0x38;
	[tilespmem:$0x19400] =	vst v63  }
0x47: {  	_ =	swait.ge @!p0 [sflag:s19], $0xC800  }
0x48: {  	[sflag:s19] =	ssyncset.done @!p0 $0x0  }
0x49: {  	[sflag:s19] =	ssyncadd.s32 @!p0 $0xFFFF3800  }
0x4a: {  	[tilespmem:s22], [sflag:$0x1] =	stream.indirect.gather @!p0 [hbm4b:s4+s21], $0x80, s17, s21, $0xb8;
	[tilespmem:$0x19400] =	vst v63  }
0x4b: {  	_ =	swait.ge @!p0 [sflag:s24], $0xC800  }
.Ltmp0:
0x4c: {  	[sflag:s24] =	ssyncset.done @!p0 $0x0;
	(pc) =	sbr.rel @p1 .LBB2_2-.Ltmp0, $4  }
0x4d: {  	s19 =	sadd.s32 @!p0 s18, s10;
	s18 =	simm.s32 @!p0 $0x3;
	[sflag:s24] =	ssyncadd.s32 @!p0 $0xFFFF3800  }
0x4e: {  	[hbm4b:s19+s17] =	stream.linear.scatter @!p0 [tilespmem:s22], [sflag:$0x3], $0xC800, $0x38;
	[tilespmem:$0x19400] =	vst v63  }
0x4f: {  	s16 =	sadd.s32 $0x20, s16;
	s13 =	sadd.s32 $0x640, s13;
	_ =	swait.ge @!p0 [sflag:s18], $0xC800  }
0x50: {  	p2 =	sgt.u32 s16, $0xC7;
	s15 =	sadd.s32 $0x640, s15;
	[sflag:s18] =	ssyncset.done @!p0 $0x0  }
0x51: {  	s14 =	simm.s32 @!p2 $0x0  }
0x52: {  	s16 =	simm.s32 @!p2 $0x4;
	[sflag:s18] =	ssyncadd.s32 @!p0 $0xFFFF3800;
	p0 =	por p2, p2  }
0x53: {  	[tilespmem:s14], [sflag:$0x4] =	stream.linear.gather @!p0 [hbm4b:s15+s14], $0x190, $0x38;
	[tilespmem:$0x19400] =	vst v63  }
0x54: {  	_ =	swait.ge @!p0 [sflag:s16], $0x190  }
0x55: {  	[sflag:s16] =	ssyncset.done @!p0 $0x0  }
0x56: {  	s15 =	simm.s32 @!p0 $0x200;
	[sflag:s16] =	ssyncadd.s32 @!p0 $0xFFFFFE70  }
0x57: {  	[tilespmem:s15], [sflag:$0x4] =	stream.linear.gather @!p0 [hbm4b:s13+s14], $0x190, $0x38;
	[tilespmem:$0x19400] =	vst v63  }
0x58: {  	_ =	swait.ge @!p0 [sflag:s16], $0x190  }
0x59: {  	[sflag:s16] =	ssyncset.done @!p0 $0x0  }
0x5a: {  	s17 =	simm.s32 @!p0 $0x400;
	s13 =	simm.s32 @!p0 $0x190;
	[sflag:s16] =	ssyncadd.s32 @!p0 $0xFFFFFE70  }
0x5b: {  	[tilespmem:s17], [sflag:$0x1] =	stream.indirect.gather @!p0 [hbm4b:s1+s13], $0x80, s14, s13, $0xb8;
	[tilespmem:$0x19400] =	vst v63  }
0x5c: {  	s18 =	simm.s32 @!p0 $0xCC00;
	s19 =	simm.s32 @!p0 $0x1  }
0x5d: {  	[tilespmem:s18], [sflag:$0x2] =	stream.indirect.gather @!p0 [hbm4b:s1+s13], $0x80, s15, s13, $0xb8;
	[tilespmem:$0x19400] =	vst v63  }
0x5e: {  	_ =	swait.ge @!p0 [sflag:s19], $0xC800  }
0x5f: {  	[sflag:s19] =	ssyncset.done @!p0 $0x0  }
0x60: {  	s15 =	simm.s32 @!p0 $0x2;
	[sflag:s19] =	ssyncadd.s32 @!p0 $0xFFFF3800  }
0x61: {  	_ =	swait.ge @!p0 [sflag:s15], $0xC800  }
0x62: {  	[sflag:s15] =	ssyncset.done @!p0 $0x0  }
0x63: {  	[sflag:s15] =	ssyncadd.s32 @!p0 $0xFFFF3800;
	s15 =	sadd.s32 @!p0 s12, s8  }
0x64: {  	[hbm4b:s15+s14] =	stream.linear.scatter @!p0 [tilespmem:s17], [sflag:$0x4], $0xC800, $0x38;
	[tilespmem:$0x19400] =	vst v63  }
0x65: {  	_ =	swait.ge @!p0 [sflag:s16], $0xC800  }
0x66: {  	[sflag:s16] =	ssyncset.done @!p0 $0x0  }
0x67: {  	s15 =	sadd.s32 @!p0 s12, s9;
	[sflag:s16] =	ssyncadd.s32 @!p0 $0xFFFF3800  }
0x68: {  	[hbm4b:s15+s14] =	stream.linear.scatter @!p0 [tilespmem:s18], [sflag:$0x4], $0xC800, $0x38;
	[tilespmem:$0x19400] =	vst v63  }
0x69: {  	_ =	swait.ge @!p0 [sflag:s16], $0xC800  }
0x6a: {  	[sflag:s16] =	ssyncset.done @!p0 $0x0  }
0x6b: {  	[sflag:s16] =	ssyncadd.s32 @!p0 $0xFFFF3800  }
0x6c: {  	[tilespmem:s17], [sflag:$0x1] =	stream.indirect.gather @!p0 [hbm4b:s4+s13], $0x80, s14, s13, $0xb8;
	[tilespmem:$0x19400] =	vst v63  }
0x6d: {  	s2 =	sadd.s32 $0x1, s2;
	_ =	swait.ge @!p0 [sflag:s19], $0xC800  }
0x6e: {  	p1 =	sne.s32 s2, s5;
	s12 =	sadd.s32 @!p0 s12, s10;
	[sflag:s19] =	ssyncset.done @!p0 $0x0  }
.Ltmp1:
0x6f: {  	s13 =	simm.s32 @!p0 $0x3;
	[sflag:s19] =	ssyncadd.s32 @!p0 $0xFFFF3800;
	(pc) =	sbr.rel @p1 .LBB2_1-.Ltmp1, $4  }
0x70: {  	[hbm4b:s12+s14] =	stream.linear.scatter @!p0 [tilespmem:s17], [sflag:$0x3], $0xC800, $0x38;
	[tilespmem:$0x19400] =	vst v63  }
0x71: {  	_ =	swait.ge @!p0 [sflag:s13], $0xC800  }
0x72: {  	[sflag:s13] =	ssyncset.done @!p0 $0x0  }
0x73: {  	[sflag:s13] =	ssyncadd.s32 @!p0 $0xFFFF3800  }
0x74: {  	_ =	sfence.sel $0x180000  }
0x75: {  	[bflag:$0x0] =	sbarrier.arrive $0xFFFF  }
0x76: {  	p0 =	sne.s32 s3, $0x0;
	_ =	strace $0x90000053  }
0x77: {  	s0 =	sadd.s32 @!p0 $0x100000, s0;
	[bflag:$0x2] =	sbarrier.arrive $0xFFFF  }
0x78: {  	[sflag:s0] =	ssyncadd.tile.s32 @!p0 $0x1;
	_ =	shalt  }
.Lfunc_end2:
_tile_overlayer_lowered:
.L_overlay_start_2:
0x79: {  	(tag) =	ssettag $0x2  }
0x7a: {  	s0 =	rddreg [dreg:$0x0];
	s2 =	stileid.u32  }
0x7b: {  	s1 =	rddreg [dreg:$0x1];
	p0 =	sne.s32 s2, $0x0  }
0x7c: {  	s3 =	rddreg [dreg:$0x2];
	[bflag:$0x3] =	sbarrier.arrive $0xFFFF;
	s2 =	simm.s32 @!p0 $0x1C03  }
0x7d: {  	[timem:s3], [sflag:s2] =	dma.local @!p0 [hbm:s0], s1  }
0x7e: {  	s0 =	simm.s32 @!p0 $0x3  }
0x7f: {  	_ =	swait.ge @!p0 [sflag:s0], s1  }
0x80: {  	s1 =	ssub.s32 @!p0 $0x0, s1;
	[sflag:s0] =	ssyncset.done @!p0 $0x0  }
0x81: {  	[sflag:s0] =	ssyncadd.s32 @!p0 s1  }
0x82: {  	[bflag:$0x3] =	sbarrier.arrive $0xFFFF  }
0x83: {  	_ =	shalt  }

// kernel: kernel.24.cloned.1.call-start
scs
__scs_entry_jumppad:
0x0: {  	(pc) =	sbr.rel $0x88, $3  }
0x1: {  	(tag) =	ssettag $0x0;
	lr =	simm.s32 $0x1  }
0x2: {  	[smem:$0x3F84] =	sst lr;
	_ =	strace $0xD0000000  }
0x3: {  	_ = 	snop  }
0x4: {  	_ = 	snop  }
0x5: {  	_ = 	snop  }
0x6: {  	_ = 	snop  }
0x7: {  	_ = 	snop  }
__scs_overlays_trampoline_lowered:
0x8: {  	[smem:$0x3F93] =	sst s0  }
0x9: {  	[smem:$0x3F94] =	sst s1  }
0xa: {  	[smem:$0x3F95] =	sst s2  }
0xb: {  	[smem:$0x3F96] =	sst s3  }
0xc: {  	[smem:$0x3F97] =	sst s4  }
0xd: {  	[smem:$0x3F98] =	sst s5  }
0xe: {  	[smem:$0x3F99] =	sst s6  }
0xf: {  	[smem:$0x3F9A] =	sst s7  }
0x10: {  	[smem:$0x3F9B] =	sst s8  }
0x11: {  	[smem:$0x3F9C] =	sst s9;
	s0 =	simm.s32 @!p0 $0x0  }
0x12: {  	s1 =	sld [smem:$0x3F82];
	s0 =	simm.s32 @p0 $0x1  }
0x13: {  	[smem:$0x3F9D] =	sst s0;
	s0 =	simm.s32 @!p1 $0x0  }
0x14: {  	s2 =	sld [smem:$0x3F81];
	s0 =	simm.s32 @p1 $0x1  }
0x15: {  	[smem:$0x3F9E] =	sst s0;
	s0 =	simm.s32 @!p2 $0x0  }
0x16: {  	s3 =	sld [smem:$0x3FDB];
	s0 =	simm.s32 @p2 $0x1  }
0x17: {  	s4 =	simm.s32 $0x1BF5;
	[smem:$0x3FA0] =	sst s0  }
0x18: {  	s0 =	sld [smem:$0x3F83];
	_ =	swait.ge [sflag:s4], $0x0  }
0x19: {  	s7 =	sld [smem:$0x3F84]  }
0x1a: {  	s8 =	sadd.s32 $0xFFFFE003, lr  }
0x1b: {  	s9 =	sadd.s32 $0xFFFFFEF7, lr;
	s5 =	simm.s32 $0xFFFFFFFF;
	p2 =	slt.u32 s8, $0xFFFFF086  }
0x1c: {  	p1 =	slt.u32 s9, $0xF7A;
	s5 =	simm.s32 @!p2 $0x0  }
0x1d: {  	s5 =	simm.s32 @p1 $0x1;
	p0 =	seq.s32 s7, s2  }
0x1e: {  	s7 =	smul.u32 @!p0 $0xF7A, s2;
	p2 =	seq.s32 @!p0 s5, $0x0  }
0x1f: {  	s9 =	smul.u32 $0xF7A, s1;
	s8 =	simm.s32 @!p0 $0x1BF5;
	p2 =	por !p2, p0  }
0x20: {  	[sflag:s8] =	ssyncset.s32 @!p0 $0xFFFFF086;
	s6 =	sadd.s32 @!p0 s3, s7;
	s7 =	simm.s32 @!p0 $0x108  }
0x21: {  	s3 =	sadd.s32 s3, s9;
	s6 =	sadd.s32 @!p0 $0x88, s6;
	s7 =	simm.s32 @p2 $0x1082  }
0x22: {  	[simem:s7], [sflag:s8] =	dma.local @!p0 [hbm:s6], $0xF7A  }
0x23: {  	s9 =	sor.u32 $0xD0000000, s2;
	s6 =	simm.s32 $0x108;
	_ =	swait.ge @!p0 [sflag:s8], $0x0  }
0x24: {  	s3 =	sadd.s32 $0x88, s3;
	s6 =	simm.s32 @!p1 $0x1082;
	[sflag:s4] =	ssyncset.s32 $0xFFFFF086  }
0x25: {  	[simem:s6], [sflag:s4] =	dma.local [hbm:s3], $0xF7A  }
0x26: {  	[smem:$0x3F84] =	sst s1;
	(tag) =	ssettag s2;
	_ =	strace s9  }
0x27: {  	s1 =	sld [smem:$0x3F94]  }
0x28: {  	s2 =	sld [smem:$0x3F95]  }
0x29: {  	s4 =	sld [smem:$0x3F97]  }
0x2a: {  	p0 =	seq.s32 s5, $0x0;
	s5 =	sld [smem:$0x3F98]  }
0x2b: {  	s6 =	sld [smem:$0x3F99]  }
0x2c: {  	s7 =	sld [smem:$0x3F9A]  }
0x2d: {  	s3 =	simm.s32 $0x108;
	s8 =	sld [smem:$0x3F9B]  }
0x2e: {  	s3 =	simm.s32 @!p0 $0x1082;
	s9 =	sld [smem:$0x3F9C]  }
0x2f: {  	lr =	sadd.s32 s0, s3;
	s0 =	sld [smem:$0x3F93]  }
0x30: {  	s3 =	sld [smem:$0x3F96]  }
0x31: {  	[smem:$0x3F9F] =	sst s10  }
0x32: {  	s10 =	sld [smem:$0x3F9D];
	_ =	sdelay $0x3  }
0x33: {  	p0 =	seq.s32 s10, $0x1;
	s10 =	sld [smem:$0x3F9F];
	_ =	sdelay $0x3  }
0x34: {  	[smem:$0x3F9F] =	sst s10  }
0x35: {  	s10 =	sld [smem:$0x3F9E];
	_ =	sdelay $0x3  }
0x36: {  	p1 =	seq.s32 s10, $0x1;
	s10 =	sld [smem:$0x3F9F];
	_ =	sdelay $0x3  }
0x37: {  	[smem:$0x3F9F] =	sst s10  }
0x38: {  	s10 =	sld [smem:$0x3FA0]  }
0x39: {  	_ = 	snop;
	(pc) =	sbr.ind lr, $3  }
0x3a: {  	_ = 	snop  }
0x3b: {  	_ = 	snop  }
0x3c: {  	p2 =	seq.s32 s10, $0x1;
	s10 =	sld [smem:$0x3F9F]  }
0x3d: {  	_ =	shalt  }
0x3e: {  	_ =	shalt  }
0x3f: {  	_ =	shalt  }
0x40: {  	_ =	shalt  }
0x41: {  	_ =	shalt  }
0x42: {  	_ =	shalt  }
0x43: {  	_ =	shalt  }
0x44: {  	_ =	shalt  }
0x45: {  	_ =	shalt  }
0x46: {  	_ =	shalt  }
0x47: {  	_ =	shalt  }
0x48: {  	_ =	shalt  }
0x49: {  	_ =	shalt  }
0x4a: {  	_ =	shalt  }
0x4b: {  	_ =	shalt  }
0x4c: {  	_ =	shalt  }
0x4d: {  	_ =	shalt  }
0x4e: {  	_ =	shalt  }
0x4f: {  	_ =	shalt  }
0x50: {  	_ =	shalt  }
0x51: {  	_ =	shalt  }
0x52: {  	_ =	shalt  }
0x53: {  	_ =	shalt  }
0x54: {  	_ =	shalt  }
0x55: {  	_ =	shalt  }
0x56: {  	_ =	shalt  }
0x57: {  	_ =	shalt  }
0x58: {  	_ =	shalt  }
0x59: {  	_ =	shalt  }
0x5a: {  	_ =	shalt  }
0x5b: {  	_ =	shalt  }
0x5c: {  	_ =	shalt  }
0x5d: {  	_ =	shalt  }
0x5e: {  	_ =	shalt  }
0x5f: {  	_ =	shalt  }
0x60: {  	_ =	shalt  }
0x61: {  	_ =	shalt  }
0x62: {  	_ =	shalt  }
0x63: {  	_ =	shalt  }
0x64: {  	_ =	shalt  }
0x65: {  	_ =	shalt  }
0x66: {  	_ =	shalt  }
0x67: {  	_ =	shalt  }
0x68: {  	_ =	shalt  }
0x69: {  	_ =	shalt  }
0x6a: {  	_ =	shalt  }
0x6b: {  	_ =	shalt  }
0x6c: {  	_ =	shalt  }
0x6d: {  	_ =	shalt  }
0x6e: {  	_ =	shalt  }
0x6f: {  	_ =	shalt  }
0x70: {  	_ =	shalt  }
0x71: {  	_ =	shalt  }
0x72: {  	_ =	shalt  }
0x73: {  	_ =	shalt  }
0x74: {  	_ =	shalt  }
0x75: {  	_ =	shalt  }
0x76: {  	_ =	shalt  }
0x77: {  	_ =	shalt  }
0x78: {  	_ =	shalt  }
0x79: {  	_ =	shalt  }
0x7a: {  	_ =	shalt  }
0x7b: {  	_ =	shalt  }
0x7c: {  	_ =	shalt  }
0x7d: {  	_ =	shalt  }
0x7e: {  	_ =	shalt  }
0x7f: {  	_ =	shalt  }
0x80: {  	_ =	shalt  }
0x81: {  	_ =	shalt  }
0x82: {  	_ =	shalt  }
0x83: {  	_ =	shalt  }
0x84: {  	_ =	shalt  }
0x85: {  	_ =	shalt  }
0x86: {  	_ =	shalt  }
0x87: {  	_ =	shalt  }
.Lfunc_end0:
.L_simem_size_0:
called_computation.2_lowered:
.L_overlay_start_0:
0x88: {  	s2 =	sld [smem:$0x3FD9]  }
0x89: {  	s3 =	sld [smem:$0x3FFE];
	_ =	sdelay $0x1  }
0x8a: {  	s1 =	srdreg.scid  }
0x8b: {  	s0 =	sand.u32 $0x1, s1  }
0x8c: {  	s15 =	sshll.u32 s0, $0xA;
	s2 =	sadd.s32 s3, s2  }
0x8d: {  	s2 =	sadd.s32 s2, s15  }
0x8e: {  	[smem:$0x3FAB] =	sst s2  }
0x8f: {  	_ = 	snop  }
0x90: {  	s2 =	sld [smem:$0x3FD0];
	_ =	sdelay $0x2  }
0x91: {  	s4 =	simm.s32 $0xD;
	s16 =	simm.s32 $0x10  }
0x92: {  	[smem:s16], [sflag:s4] =	dma.local [hbm:s2], $0x1  }
0x93: {  	_ =	swait.eq [sflag:s4], $0x1  }
0x94: {  	[sflag:s4] =	ssyncset.done $0x0  }
0x95: {  	s17 =	sld [smem:$0x11];
	[sflag:s4] =	ssyncadd.s32 $0xFFFFFFFF  }
0x96: {  	s18 =	sld [smem:$0x12];
	(tm) =	ssettm $0x1  }
0x97: {  	s19 =	sld [smem:$0x3FFB];
	_ =	sdelay $0x3  }
0x98: {  	_ =	strace s19  }
0x99: {  	s2 =	sld [smem:$0x3FFC];
	_ =	sdelay $0x3  }
0x9a: {  	_ =	strace s2  }
0x9b: {  	s2 =	sld [smem:$0x3FFD];
	_ =	sdelay $0x3  }
0x9c: {  	_ =	strace s2  }
0x9d: {  	_ =	strace $0x8FFFFFFF  }
0x9e: {  	s20 =	sld [smem:$0x3FDB];
	_ =	sdelay $0x1  }
0x9f: {  	s5 =	simm.s32 $_scs_section_size  }
0xa0: {  	s6 =	simm.s32 $_size__tile_overlayer_lowered;
	s7 =	simm.s32 $_tile_overlayer_lowered  }
0xa1: {  	s8 =	simm.s32 $0x1BFF;
	s21 =	sshll.u32 s7, $0x1;
	s5 =	sadd.s32 s5, s20  }
0xa2: {  	s22 =	simm.s32 $0x0;
	s6 =	sshll.u32 s6, $0x1;
	s7 =	sadd.s32 s21, s5  }
0xa3: {  	[timem:s22], [sflag:s8] =	dma.local [hbm:s7], s6  }
0xa4: {  	_ =	swait.ge [sflag:s8], s6  }
0xa5: {  	s6 =	ssub.s32 $0x0, s6;
	[sflag:s8] =	ssyncset.done $0x0  }
0xa6: {  	[sflag:s8] =	ssyncadd.s32 s6;
	_ =	sdelay $0x1  }
0xa7: {  	s23 =	simm.s32 $0x1B8B  }
0xa8: {  	_ =	swait.ge [sflag:s23], $0x1  }
0xa9: {  	[sflag:s23] =	ssyncset.done $0x0  }
0xaa: {  	[sflag:s23] =	ssyncadd.s32 $0xFFFFFFFF  }
0xab: {  	s6 =	sld [smem:$0x0]  }
0xac: {  	s7 =	sand.u32 $0xFFFFFFFE, s1  }
0xad: {  	p0 =	sne.s32 s1, s7  }
0xae: {  	s7 =	sshll.u32 @p0 s7, $0xE  }
0xaf: {  	s7 =	sadd.s32 @p0 $0x11B8D, s7;
	s8 =	sshll.u32 @p0 s6, $0x11  }
0xb0: {  	s7 =	sor.u32 @p0 s8, s7  }
0xb1: {  	[sflag:s7] =	ssyncadd.remote.s32 @p0 $0x1;
	_ =	sdelay $0x1  }
0xb2: {  	s7 =	simm.s32 @p0 $0x1B8D  }
0xb3: {  	_ =	swait.eq @p0 [sflag:s7], $0x1  }
0xb4: {  	[sflag:s7] =	ssyncadd.s32 @p0 $0xFFFFFFFF  }
0xb5: {  	s8 =	sshll.u32 @!p0 s1, $0xE  }
0xb6: {  	s8 =	sor.u32 @!p0 $0x4000, s8;
	s7 =	simm.s32 @!p0 $0x1B8D  }
0xb7: {  	s6 =	sshll.u32 @!p0 s6, $0x11;
	s8 =	sadd.s32 @!p0 $0x11B8D, s8;
	_ =	swait.eq @!p0 [sflag:s7], $0x1  }
0xb8: {  	s6 =	sor.u32 @!p0 s6, s8;
	[sflag:s7] =	ssyncadd.s32 @!p0 $0xFFFFFFFF  }
0xb9: {  	s25 =	simm.s32 $0x1B8E;
	s24 =	sld [smem:$0x3FFE];
	[sflag:s6] =	ssyncadd.remote.s32 @!p0 $0x1  }
0xba: {  	s26 =	simm.s32 $execute0_lowered;
	[smem:$0x3FD2] =	sst s25  }
0xbb: {  	s7 =	sshll.u32 s26, $0x1;
	_ =	strace $0x8000005E;
	[dreg:$0x1] =	wrdreg $0xFFFFFFFF  }
0xbc: {  	s28 =	simm.s32 $_size_execute0_lowered;
	s5 =	sadd.s32 s5, s7;
	[dreg:$0x0] =	wrdreg $0x0  }
0xbd: {  	s7 =	sshll.u32 s28, $0x1;
	[dreg:$0x2] =	wrdreg s5  }
0xbe: {  	[dreg:$0x3] =	wrdreg s7  }
0xbf: {  	[dreg:$0x4] =	wrdreg $0xC0  }
0xc0: {  	_ =	task [dreg:s22], $0x5FFFF  }
0xc1: {  	[dreg:$0x1] =	wrdreg $0xFFFFFFFF  }
0xc2: {  	[dreg:$0x0] =	wrdreg $0x60  }
0xc3: {  	[dreg:$0x2] =	wrdreg s17  }
0xc4: {  	[dreg:$0x3] =	wrdreg s24  }
0xc5: {  	[dreg:$0x4] =	wrdreg s18  }
0xc6: {  	[dreg:$0x5] =	wrdreg $0x95000  }
0xc7: {  	[dreg:$0x6] =	wrdreg $0x135000  }
0xc8: {  	[dreg:$0x7] =	wrdreg $0x9  }
0xc9: {  	_ =	task.clear_ibuf [dreg:s22], $0x8FFFF;
	_ =	strace $0x9000005E  }
0xca: {  	s29 =	simm.s32 $0x9;
	_ =	strace $0x80000060  }
0xcb: {  	_ =	swait.ge [sflag:s29], $0x1  }
0xcc: {  	[sflag:s29] =	ssyncadd.s32 $0xFFFFFFFF  }
0xcd: {  	_ =	strace $0x90000060  }
0xce: {  	_ =	sfence  }
0xcf: {  	s30 =	sld [smem:$0x0];
	_ =	sdelay $0x2  }
0xd0: {  	s31 =	sshll.u32 s1, $0xD;
	s1 =	sshrl.u32 s1, $0x2  }
0xd1: {  	s4 =	sand.u32 $0x4000, s31;
	s1 =	sadd.s32 s1, s30  }
0xd2: {  	s0 =	sor.u32 s4, s0;
	s1 =	sshll.u32 s1, $0x11  }
0xd3: {  	s0 =	sor.u32 s1, s0  }
0xd4: {  	s0 =	sadd.s32 $0x8F2B, s0  }
0xd5: {  	[sflag:s0] =	ssyncadd.remote.s32 $0x1  }
0xd6: {  	_ =	sfence.sel $0xFFFF  }
0xd7: {  	[dreg:$0x0] =	wrdreg $0xFFFFFFFF;
	(pc) =	sbr.abs _section_cstart, $3  }
0xd8: {  	[dreg:$0x1] =	wrdreg $0xFFFFFFFF  }
0xd9: {  	_ =	task.clear_ibuf [dreg:s22], $0x2FFFF;
	_ =	strace $0x9FFFFFFF  }
0xda: {  	(tm) =	ssettm $0x7FFFFFFF  }
0xdb: {  	_ =	shalt  }
tec
execute0_lowered:
.L_overlay_start_1:
0x0: {  	(tag) =	ssettag $0x1  }
0x1: {  	s10 =	rddreg [dreg:$0x0]  }
0x2: {  	s7 =	rddreg [dreg:$0x1]  }
0x3: {  	s1 =	rddreg [dreg:$0x2]  }
0x4: {  	s2 =	rddreg [dreg:$0x3]  }
0x5: {  	s4 =	rddreg [dreg:$0x4]  }
0x6: {  	s0 =	rddreg [dreg:$0x5];
	s5 =	simm.s32 $0x0  }
0x7: {  	s3 =	stileid.u32;
	s6 =	srdreg.scid;
	s18 =	simm.s32 $0x4100  }
0x8: {  	s20 =	simm.s32 $0x2;
	s21 =	simm.s32 $0x0;
	[smem:$0x7FF] =	sst s5  }
0x9: {  	s8 =	sshll.u32 s3, $0x4;
	s9 =	sand.u32 $0x1, s6;
	s14 =	smul.u32 $0xA000, s3  }
0xa: {  	s6 =	sadd.s32 $0x30400, s7;
	s26 =	sshll.u32 s3, $0x6;
	s28 =	smul.u32 $0x1400, s3  }
0xb: {  	s29 =	smul.u32 $0x28000, s3;
	s30 =	sshll.u32 s3, $0xB;
	p0 =	sne.s32 s3, $0xF  }
0xc: {  	_ =	strace $0x8000005F;
	s11 =	sadd.s32 s8, s7;
	s24 =	smul.u32 $0x13880, s9  }
0xd: {  	s12 =	ssub.s32 $0x2, s9;
	s19 =	smul.u32 $0x1388, s9;
	s10 =	sadd.s32 s30, s10  }
0xe: {  	s13 =	sshrl.u32 s12, $0x1;
	s16 =	sadd.s32 s14, s2;
	s17 =	sadd.s32 s14, s4  }
0xf: {  	s9 =	sadd.s32 $0xB3BC00, s11;
	s31 =	sshrl.u32 s29, $0x2;
	s15 =	sadd.s32 s24, s7  }
0x10: {  	s25 =	ssub.s32 s12, s13;
	s7 =	sor.u32 $0x1C01, s26;
	s13 =	sadd.s32 s31, s2  }
0x11: {  	s14 =	sadd.s32 s31, s4;
	s17 =	sshrl.u32 s17, $0x3;
	v0 =	vmov s19;
	s19 =	simm.s32 $0x8100  }
0x12: {  	s8 =	smax.u32 s25, $0x1;
	s12 =	sadd.s32 s28, s15;
	s15 =	sshrl.u32 s16, $0x3  }
0x13: {  	s16 =	simm.s32 $0x1;
	s11 =	sadd.s32 $0x110B000, s12;
	s12 =	sadd.s32 $0x1132200, s12  }
.LBB2_1:
0x14: {  	[spmem:s15], [sflag:s7] =	dma.local [hbm:s1], $0x1400  }
0x15: {  	_ =	swait.ge [sflag:s16], $0x1400  }
0x16: {  	[sflag:s16] =	ssyncset.done $0x0  }
0x17: {  	[sflag:s16] =	ssyncadd.s32 $0xFFFFEC00  }
0x18: {  	[spmem:s17], [sflag:s7] =	dma.local [hbm:s1], $0x1400  }
0x19: {  	_ =	swait.ge [sflag:s16], $0x1400  }
0x1a: {  	[sflag:s16] =	ssyncset.done $0x0  }
0x1b: {  	[sflag:s16] =	ssyncadd.s32 $0xFFFFEC00  }
0x1c: {  	[tilespmem:s18], [sflag:$0x1] =	stream.linear.gather [hbm4b:s6+s5], $0x4000, $0x38;
	[tilespmem:$0x1D500] =	vst v63  }
0x1d: {  	_ =	swait.ge [sflag:s16], $0x4000  }
0x1e: {  	s22 =	sadd.s32 $0x0, s3;
	[sflag:s16] =	ssyncset.done $0x0  }
0x1f: {  	p1 =	sgt.u32 s22, $0x270;
	[sflag:s16] =	ssyncadd.s32 $0xFFFFC000  }
0x20: {  	s23 =	simm.s32 @!p1 $0x0;
	s22 =	simm.s32 @!p1 $0x2;
	[bflag:$0x0] =	sbarrier.arrive $0xFFFF  }
0x21: {  	[tilespmem:s23], [sflag:$0x2] =	stream.linear.gather @!p1 [hbm4b:s9+s23], $0x80, $0x38;
	[tilespmem:$0x1D500] =	vst v63  }
0x22: {  	_ =	swait.ge @!p1 [sflag:s22], $0x80;
	p1 =	por p1, p1  }
0x23: {  	[sflag:s22] =	ssyncset.done @!p1 $0x0  }
0x24: {  	[sflag:s22] =	ssyncadd.s32 @!p1 $0xFFFFFF80  }
0x25: {  	v1 =	vld @!p1 [tilespmem:$0x50]  }
0x26: {  	v2 =	vld @!p1 [tilespmem:$0x30]  }
0x27: {  	v3 =	vld @!p1 [tilespmem:$0x20]  }
0x28: {  	v4 =	vld @!p1 [tilespmem:$0x10]  }
0x29: {  	v5 =	vld @!p1 [tilespmem:$0x40]  }
0x2a: {  	v6 =	vld @!p1 [tilespmem:$0x0];
	v1 =	vsub.s32 @!p1 v1, v0  }
0x2b: {  	v7 =	vld @!p1 [tilespmem:$0x60];
	v2 =	vsub.s32 @!p1 v2, v0;
	v1 =	vmin.u32 @!p1 v1, $0x1388  }
0x2c: {  	v8 =	vld @!p1 [tilespmem:$0x70];
	v3 =	vsub.s32 @!p1 v3, v0;
	v2 =	vmin.u32 @!p1 v2, $0x1388;
	[tilespmem:$0xD0] =	vst @!p1 v1  }
0x2d: {  	v3 =	vmin.u32 @!p1 v3, $0x1388;
	v1 =	vsub.s32 @!p1 v4, v0;
	[tilespmem:$0xB0] =	vst @!p1 v2  }
0x2e: {  	[tilespmem:$0xA0] =	vst @!p1 v3;
	v2 =	vsub.s32 @!p1 v5, v0;
	v1 =	vmin.u32 @!p1 v1, $0x1388  }
0x2f: {  	v3 =	vsub.s32 @!p1 v6, v0;
	[tilespmem:$0x90] =	vst @!p1 v1;
	v1 =	vmin.u32 @!p1 v2, $0x1388  }
0x30: {  	s24 =	simm.s32 $0x10;
	v2 =	vmin.u32 @!p1 v3, $0x1388;
	[tilespmem:$0xC0] =	vst @!p1 v1;
	v1 =	vsub.s32 @!p1 v7, v0  }
0x31: {  	s26 =	smov.u32 s9;
	s28 =	smov.u32 s10;
	s25 =	smov.u32 s10;
	[tilespmem:$0x80] =	vst @!p1 v2;
	v2 =	vsub.s32 @!p1 v8, v0;
	v1 =	vmin.u32 @!p1 v1, $0x1388  }
.LBB2_2:
0x32: {  	s26 =	sadd.s32 $0x100, s26  }
0x33: {  	[tilespmem:$0xE0] =	vst @!p1 v1;
	v1 =	vmin.u32 @!p1 v2, $0x1388;
	s28 =	sadd.s32 $0x8000, s28;
	s29 =	smov.u32 s24;
	s24 =	sadd.s32 $0x10, s24  }
0x34: {  	s30 =	simm.s32 @!p1 $0x100;
	p2 =	sne.s32 s24, $0x280;
	[tilespmem:$0xF0] =	vst @!p1 v1  }
0x35: {  	[tilespmem:s30], [sflag:$0x2] =	stream.linear.gather @!p1 [hbm4b:s25+s23], $0x4000, $0x38;
	[tilespmem:$0x1D500] =	vst v63  }
0x36: {  	s25 =	smov.u32 s28;
	_ =	swait.ge @!p1 [sflag:s22], $0x4000  }
0x37: {  	s23 =	sadd.s32 s29, s3;
	[sflag:s22] =	ssyncset.done @!p1 $0x0  }
0x38: {  	s29 =	simm.s32 @!p1 $0x80;
	[sflag:s22] =	ssyncadd.s32 @!p1 $0xFFFFC000  }
0x39: {  	[spmem:s2] =	stream.indirect.scatter.add.f32 @!p1 [tilespmem:s30], [sflag:$0x2], $0x80, s29, s29, $0xb8;
	[tilespmem:$0x1D500] =	vst v63  }
0x3a: {  	_ =	swait.ge @!p1 [sflag:s22], $0x4000  }
0x3b: {  	[sflag:s22] =	ssyncset.done @!p1 $0x0  }
0x3c: {  	s30 =	simm.s32 @!p1 $0x1;
	[sflag:s22] =	ssyncadd.s32 @!p1 $0xFFFFC000;
	s22 =	simm.s32 @!p1 $0x4100  }
0x3d: {  	[spmem:s4] =	stream.indirect.scatter.add.f32 @!p1 [tilespmem:s22], [sflag:$0x1], $0x80, s29, s29, $0xb8;
	[tilespmem:$0x1D500] =	vst v63  }
0x3e: {  	_ =	swait.ge @!p1 [sflag:s30], $0x4000  }
0x3f: {  	p3 =	sgt.u32 s23, $0x270;
	[sflag:s30] =	ssyncset.done @!p1 $0x0  }
0x40: {  	s23 =	simm.s32 @!p3 $0x0;
	s22 =	simm.s32 @!p3 $0x2;
	[sflag:s30] =	ssyncadd.s32 @!p1 $0xFFFFC000  }
0x41: {  	[tilespmem:s23], [sflag:$0x2] =	stream.linear.gather @!p3 [hbm4b:s26+s23], $0x80, $0x38;
	[tilespmem:$0x1D500] =	vst v63  }
0x42: {  	p1 =	por p3, p3;
	_ =	swait.ge @!p3 [sflag:s22], $0x80  }
0x43: {  	[sflag:s22] =	ssyncset.done @!p1 $0x0  }
0x44: {  	[sflag:s22] =	ssyncadd.s32 @!p1 $0xFFFFFF80  }
0x45: {  	v1 =	vld @!p1 [tilespmem:$0x50]  }
0x46: {  	v2 =	vld @!p1 [tilespmem:$0x30]  }
0x47: {  	v3 =	vld @!p1 [tilespmem:$0x20]  }
0x48: {  	v4 =	vld @!p1 [tilespmem:$0x10]  }
0x49: {  	v5 =	vld @!p1 [tilespmem:$0x40]  }
0x4a: {  	v6 =	vld @!p1 [tilespmem:$0x0];
	v1 =	vsub.s32 @!p1 v1, v0  }
0x4b: {  	v2 =	vsub.s32 @!p1 v2, v0;
	v1 =	vmin.u32 @!p1 v1, $0x1388;
	v7 =	vld @!p1 [tilespmem:$0x60]  }
0x4c: {  	v3 =	vsub.s32 @!p1 v3, v0;
	v2 =	vmin.u32 @!p1 v2, $0x1388;
	[tilespmem:$0xD0] =	vst @!p1 v1;
	v8 =	vld @!p1 [tilespmem:$0x70]  }
.Ltmp0:
0x4d: {  	v1 =	vsub.s32 @!p1 v4, v0;
	v3 =	vmin.u32 @!p1 v3, $0x1388;
	[tilespmem:$0xB0] =	vst @!p1 v2;
	(pc) =	sbr.rel @p2 .LBB2_2-.Ltmp0, $4  }
0x4e: {  	v1 =	vmin.u32 @!p1 v1, $0x1388;
	[tilespmem:$0xA0] =	vst @!p1 v3;
	v2 =	vsub.s32 @!p1 v5, v0  }
0x4f: {  	v3 =	vsub.s32 @!p1 v6, v0;
	[tilespmem:$0x90] =	vst @!p1 v1;
	v1 =	vmin.u32 @!p1 v2, $0x1388  }
0x50: {  	v2 =	vmin.u32 @!p1 v3, $0x1388;
	[tilespmem:$0xC0] =	vst @!p1 v1;
	v1 =	vsub.s32 @!p1 v7, v0  }
0x51: {  	[tilespmem:$0x80] =	vst @!p1 v2;
	v1 =	vmin.u32 @!p1 v1, $0x1388;
	v2 =	vsub.s32 @!p1 v8, v0  }
0x52: {  	[tilespmem:$0xE0] =	vst @!p1 v1;
	v1 =	vmin.u32 @!p1 v2, $0x1388  }
0x53: {  	s24 =	simm.s32 @!p1 $0x100;
	[tilespmem:$0xF0] =	vst @!p1 v1  }
0x54: {  	[tilespmem:s24], [sflag:$0x2] =	stream.linear.gather @!p1 [hbm4b:s25+s23], $0x4000, $0x38;
	[tilespmem:$0x1D500] =	vst v63  }
0x55: {  	_ =	swait.ge @!p1 [sflag:s22], $0x4000  }
0x56: {  	[sflag:s22] =	ssyncset.done @!p1 $0x0  }
0x57: {  	s23 =	simm.s32 @!p1 $0x80;
	[sflag:s22] =	ssyncadd.s32 @!p1 $0xFFFFC000  }
0x58: {  	[spmem:s2] =	stream.indirect.scatter.add.f32 @!p1 [tilespmem:s24], [sflag:$0x2], $0x80, s23, s23, $0xb8;
	[tilespmem:$0x1D500] =	vst v63  }
0x59: {  	_ =	swait.ge @!p1 [sflag:s22], $0x4000  }
0x5a: {  	[sflag:s22] =	ssyncset.done @!p1 $0x0  }
0x5b: {  	s24 =	simm.s32 @!p1 $0x1;
	[sflag:s22] =	ssyncadd.s32 @!p1 $0xFFFFC000;
	s22 =	simm.s32 @!p1 $0x4100  }
0x5c: {  	[spmem:s4] =	stream.indirect.scatter.add.f32 @!p1 [tilespmem:s22], [sflag:$0x1], $0x80, s23, s23, $0xb8;
	[tilespmem:$0x1D500] =	vst v63  }
0x5d: {  	_ =	swait.ge @!p1 [sflag:s24], $0x4000  }
0x5e: {  	s26 =	smov.u32 s11;
	[sflag:s24] =	ssyncset.done @!p1 $0x0  }
0x5f: {  	s25 =	smov.u32 s12;
	s22 =	simm.s32 $0x0;
	[sflag:s24] =	ssyncadd.s32 @!p1 $0xFFFFC000  }
0x60: {  	s23 =	smov.u32 s14;
	s24 =	smov.u32 s13;
	[bflag:$0x0] =	sbarrier.arrive $0xFFFF  }
.LBB2_4:
0x61: {  	p1 =	sgt.u32 @!p0 s22, $0x4  }
0x62: {  	p1 =	por p0, !p1  }
0x63: {  	[tilespmem:s19], [sflag:$0x2] =	stream.linear.gather @p1 [spmem:s24], $0x1400, $0x38;
	[tilespmem:$0x1D500] =	vst v63  }
0x64: {  	_ =	swait.ge @p1 [sflag:s20], $0x1400  }
0x65: {  	[sflag:s20] =	ssyncset.done @p1 $0x0  }
0x66: {  	[sflag:s20] =	ssyncadd.s32 @p1 $0xFFFFEC00  }
0x67: {  	[hbm4b:s26+s5] =	stream.linear.scatter @p1 [tilespmem:s19], [sflag:$0x2], $0x1400, $0x38;
	[tilespmem:$0x1D500] =	vst v63  }
0x68: {  	_ =	swait.ge @p1 [sflag:s20], $0x1400  }
0x69: {  	[sflag:s20] =	ssyncset.done @p1 $0x0  }
0x6a: {  	[sflag:s20] =	ssyncadd.s32 @p1 $0xFFFFEC00  }
0x6b: {  	[tilespmem:s19], [sflag:$0x2] =	stream.linear.gather @p1 [spmem:s23], $0x1400, $0x38;
	[tilespmem:$0x1D500] =	vst v63  }
0x6c: {  	_ =	swait.ge @p1 [sflag:s20], $0x1400  }
0x6d: {  	[sflag:s20] =	ssyncset.done @p1 $0x0  }
0x6e: {  	[sflag:s20] =	ssyncadd.s32 @p1 $0xFFFFEC00  }
0x6f: {  	[hbm4b:s25+s5] =	stream.linear.scatter @p1 [tilespmem:s19], [sflag:$0x1], $0x1400, $0x38;
	[tilespmem:$0x1D500] =	vst v63  }
0x70: {  	_ =	swait.ge @p1 [sflag:s16], $0x1400  }
0x71: {  	s22 =	sadd.s32 $0x1, s22;
	[sflag:s16] =	ssyncset.done @p1 $0x0  }
0x72: {  	[sflag:s16] =	ssyncadd.s32 @p1 $0xFFFFEC00;
	p1 =	sne.s32 s22, $0x8  }
.Ltmp1:
0x73: {  	_ = 	snop;
	(pc) =	sbr.rel @p1 .LBB2_4-.Ltmp1, $3  }
0x74: {  	_ =	sdelay $0x1  }
0x75: {  	s24 =	sadd.s32 $0x1400, s24  }
0x76: {  	s26 =	sadd.s32 $0x280, s26;
	s23 =	sadd.s32 $0x1400, s23;
	s25 =	sadd.s32 $0x280, s25  }
0x77: {  	s21 =	sadd.s32 $0x1, s21  }
0x78: {  	p1 =	sne.s32 s21, s8  }
.Ltmp2:
0x79: {  	_ = 	snop;
	(pc) =	sbr.rel @p1 .LBB2_1-.Ltmp2, $1  }
0x7a: {  	_ =	sdelay $0x3  }
0x7b: {  	_ =	sfence.sel $0x180000  }
0x7c: {  	[bflag:$0x0] =	sbarrier.arrive $0xFFFF  }
0x7d: {  	p0 =	sne.s32 s3, $0x0;
	_ =	strace $0x9000005F  }
0x7e: {  	s0 =	sadd.s32 @!p0 $0x100000, s0;
	[bflag:$0x2] =	sbarrier.arrive $0xFFFF  }
0x7f: {  	[sflag:s0] =	ssyncadd.tile.s32 @!p0 $0x1;
	_ =	shalt  }
.Lfunc_end2:
_tile_overlayer_lowered:
.L_overlay_start_2:
0x80: {  	(tag) =	ssettag $0x2  }
0x81: {  	s0 =	rddreg [dreg:$0x0];
	s2 =	stileid.u32  }
0x82: {  	s1 =	rddreg [dreg:$0x1];
	p0 =	sne.s32 s2, $0x0  }
0x83: {  	s3 =	rddreg [dreg:$0x2];
	[bflag:$0x3] =	sbarrier.arrive $0xFFFF;
	s2 =	simm.s32 @!p0 $0x1C01  }
0x84: {  	[timem:s3], [sflag:s2] =	dma.local @!p0 [hbm:s0], s1  }
0x85: {  	s0 =	simm.s32 @!p0 $0x1  }
0x86: {  	_ =	swait.ge @!p0 [sflag:s0], s1  }
0x87: {  	s1 =	ssub.s32 @!p0 $0x0, s1;
	[sflag:s0] =	ssyncset.done @!p0 $0x0  }
0x88: {  	[sflag:s0] =	ssyncadd.s32 @!p0 s1  }
0x89: {  	[bflag:$0x3] =	sbarrier.arrive $0xFFFF  }
0x8a: {  	_ =	shalt  }

// kernel: kernel.27.cloned.1.call-start
scs
__scs_entry_jumppad:
0x0: {  	(pc) =	sbr.rel $0x88, $3  }
0x1: {  	(tag) =	ssettag $0x0;
	lr =	simm.s32 $0x1  }
0x2: {  	[smem:$0x3F84] =	sst lr;
	_ =	strace $0xD0000000  }
0x3: {  	_ = 	snop  }
0x4: {  	_ = 	snop  }
0x5: {  	_ = 	snop  }
0x6: {  	_ = 	snop  }
0x7: {  	_ = 	snop  }
__scs_overlays_trampoline_lowered:
0x8: {  	[smem:$0x3F93] =	sst s0  }
0x9: {  	[smem:$0x3F94] =	sst s1  }
0xa: {  	[smem:$0x3F95] =	sst s2  }
0xb: {  	[smem:$0x3F96] =	sst s3  }
0xc: {  	[smem:$0x3F97] =	sst s4  }
0xd: {  	[smem:$0x3F98] =	sst s5  }
0xe: {  	[smem:$0x3F99] =	sst s6  }
0xf: {  	[smem:$0x3F9A] =	sst s7  }
0x10: {  	[smem:$0x3F9B] =	sst s8  }
0x11: {  	[smem:$0x3F9C] =	sst s9;
	s0 =	simm.s32 @!p0 $0x0  }
0x12: {  	s1 =	sld [smem:$0x3F82];
	s0 =	simm.s32 @p0 $0x1  }
0x13: {  	[smem:$0x3F9D] =	sst s0;
	s0 =	simm.s32 @!p1 $0x0  }
0x14: {  	s2 =	sld [smem:$0x3F81];
	s0 =	simm.s32 @p1 $0x1  }
0x15: {  	[smem:$0x3F9E] =	sst s0;
	s0 =	simm.s32 @!p2 $0x0  }
0x16: {  	s3 =	sld [smem:$0x3FDB];
	s0 =	simm.s32 @p2 $0x1  }
0x17: {  	s4 =	simm.s32 $0x1BF5;
	[smem:$0x3FA0] =	sst s0  }
0x18: {  	s0 =	sld [smem:$0x3F83];
	_ =	swait.ge [sflag:s4], $0x0  }
0x19: {  	s7 =	sld [smem:$0x3F84]  }
0x1a: {  	s8 =	sadd.s32 $0xFFFFE003, lr  }
0x1b: {  	s9 =	sadd.s32 $0xFFFFFEF7, lr;
	s5 =	simm.s32 $0xFFFFFFFF;
	p2 =	slt.u32 s8, $0xFFFFF086  }
0x1c: {  	p1 =	slt.u32 s9, $0xF7A;
	s5 =	simm.s32 @!p2 $0x0  }
0x1d: {  	s5 =	simm.s32 @p1 $0x1;
	p0 =	seq.s32 s7, s2  }
0x1e: {  	s7 =	smul.u32 @!p0 $0xF7A, s2;
	p2 =	seq.s32 @!p0 s5, $0x0  }
0x1f: {  	s9 =	smul.u32 $0xF7A, s1;
	s8 =	simm.s32 @!p0 $0x1BF5;
	p2 =	por !p2, p0  }
0x20: {  	[sflag:s8] =	ssyncset.s32 @!p0 $0xFFFFF086;
	s6 =	sadd.s32 @!p0 s3, s7;
	s7 =	simm.s32 @!p0 $0x108  }
0x21: {  	s3 =	sadd.s32 s3, s9;
	s6 =	sadd.s32 @!p0 $0x88, s6;
	s7 =	simm.s32 @p2 $0x1082  }
0x22: {  	[simem:s7], [sflag:s8] =	dma.local @!p0 [hbm:s6], $0xF7A  }
0x23: {  	s9 =	sor.u32 $0xD0000000, s2;
	s6 =	simm.s32 $0x108;
	_ =	swait.ge @!p0 [sflag:s8], $0x0  }
0x24: {  	s3 =	sadd.s32 $0x88, s3;
	s6 =	simm.s32 @!p1 $0x1082;
	[sflag:s4] =	ssyncset.s32 $0xFFFFF086  }
0x25: {  	[simem:s6], [sflag:s4] =	dma.local [hbm:s3], $0xF7A  }
0x26: {  	[smem:$0x3F84] =	sst s1;
	(tag) =	ssettag s2;
	_ =	strace s9  }
0x27: {  	s1 =	sld [smem:$0x3F94]  }
0x28: {  	s2 =	sld [smem:$0x3F95]  }
0x29: {  	s4 =	sld [smem:$0x3F97]  }
0x2a: {  	p0 =	seq.s32 s5, $0x0;
	s5 =	sld [smem:$0x3F98]  }
0x2b: {  	s6 =	sld [smem:$0x3F99]  }
0x2c: {  	s7 =	sld [smem:$0x3F9A]  }
0x2d: {  	s3 =	simm.s32 $0x108;
	s8 =	sld [smem:$0x3F9B]  }
0x2e: {  	s3 =	simm.s32 @!p0 $0x1082;
	s9 =	sld [smem:$0x3F9C]  }
0x2f: {  	lr =	sadd.s32 s0, s3;
	s0 =	sld [smem:$0x3F93]  }
0x30: {  	s3 =	sld [smem:$0x3F96]  }
0x31: {  	[smem:$0x3F9F] =	sst s10  }
0x32: {  	s10 =	sld [smem:$0x3F9D];
	_ =	sdelay $0x3  }
0x33: {  	p0 =	seq.s32 s10, $0x1;
	s10 =	sld [smem:$0x3F9F];
	_ =	sdelay $0x3  }
0x34: {  	[smem:$0x3F9F] =	sst s10  }
0x35: {  	s10 =	sld [smem:$0x3F9E];
	_ =	sdelay $0x3  }
0x36: {  	p1 =	seq.s32 s10, $0x1;
	s10 =	sld [smem:$0x3F9F];
	_ =	sdelay $0x3  }
0x37: {  	[smem:$0x3F9F] =	sst s10  }
0x38: {  	s10 =	sld [smem:$0x3FA0]  }
0x39: {  	_ = 	snop;
	(pc) =	sbr.ind lr, $3  }
0x3a: {  	_ = 	snop  }
0x3b: {  	_ = 	snop  }
0x3c: {  	p2 =	seq.s32 s10, $0x1;
	s10 =	sld [smem:$0x3F9F]  }
0x3d: {  	_ =	shalt  }
0x3e: {  	_ =	shalt  }
0x3f: {  	_ =	shalt  }
0x40: {  	_ =	shalt  }
0x41: {  	_ =	shalt  }
0x42: {  	_ =	shalt  }
0x43: {  	_ =	shalt  }
0x44: {  	_ =	shalt  }
0x45: {  	_ =	shalt  }
0x46: {  	_ =	shalt  }
0x47: {  	_ =	shalt  }
0x48: {  	_ =	shalt  }
0x49: {  	_ =	shalt  }
0x4a: {  	_ =	shalt  }
0x4b: {  	_ =	shalt  }
0x4c: {  	_ =	shalt  }
0x4d: {  	_ =	shalt  }
0x4e: {  	_ =	shalt  }
0x4f: {  	_ =	shalt  }
0x50: {  	_ =	shalt  }
0x51: {  	_ =	shalt  }
0x52: {  	_ =	shalt  }
0x53: {  	_ =	shalt  }
0x54: {  	_ =	shalt  }
0x55: {  	_ =	shalt  }
0x56: {  	_ =	shalt  }
0x57: {  	_ =	shalt  }
0x58: {  	_ =	shalt  }
0x59: {  	_ =	shalt  }
0x5a: {  	_ =	shalt  }
0x5b: {  	_ =	shalt  }
0x5c: {  	_ =	shalt  }
0x5d: {  	_ =	shalt  }
0x5e: {  	_ =	shalt  }
0x5f: {  	_ =	shalt  }
0x60: {  	_ =	shalt  }
0x61: {  	_ =	shalt  }
0x62: {  	_ =	shalt  }
0x63: {  	_ =	shalt  }
0x64: {  	_ =	shalt  }
0x65: {  	_ =	shalt  }
0x66: {  	_ =	shalt  }
0x67: {  	_ =	shalt  }
0x68: {  	_ =	shalt  }
0x69: {  	_ =	shalt  }
0x6a: {  	_ =	shalt  }
0x6b: {  	_ =	shalt  }
0x6c: {  	_ =	shalt  }
0x6d: {  	_ =	shalt  }
0x6e: {  	_ =	shalt  }
0x6f: {  	_ =	shalt  }
0x70: {  	_ =	shalt  }
0x71: {  	_ =	shalt  }
0x72: {  	_ =	shalt  }
0x73: {  	_ =	shalt  }
0x74: {  	_ =	shalt  }
0x75: {  	_ =	shalt  }
0x76: {  	_ =	shalt  }
0x77: {  	_ =	shalt  }
0x78: {  	_ =	shalt  }
0x79: {  	_ =	shalt  }
0x7a: {  	_ =	shalt  }
0x7b: {  	_ =	shalt  }
0x7c: {  	_ =	shalt  }
0x7d: {  	_ =	shalt  }
0x7e: {  	_ =	shalt  }
0x7f: {  	_ =	shalt  }
0x80: {  	_ =	shalt  }
0x81: {  	_ =	shalt  }
0x82: {  	_ =	shalt  }
0x83: {  	_ =	shalt  }
0x84: {  	_ =	shalt  }
0x85: {  	_ =	shalt  }
0x86: {  	_ =	shalt  }
0x87: {  	_ =	shalt  }
.Lfunc_end0:
.L_simem_size_0:
called_computation.3_lowered:
.L_overlay_start_0:
0x88: {  	s2 =	sld [smem:$0x3FD9]  }
0x89: {  	s3 =	sld [smem:$0x3FFE];
	_ =	sdelay $0x1  }
0x8a: {  	s1 =	srdreg.scid  }
0x8b: {  	s0 =	sand.u32 $0x1, s1  }
0x8c: {  	s17 =	sshll.u32 s0, $0xA;
	s2 =	sadd.s32 s3, s2  }
0x8d: {  	s2 =	sadd.s32 s2, s17  }
0x8e: {  	[smem:$0x3FAB] =	sst s2  }
0x8f: {  	_ = 	snop  }
0x90: {  	s2 =	sld [smem:$0x3FC9];
	(tm) =	ssettm $0x1  }
0x91: {  	s18 =	sld [smem:$0x3FFB];
	_ =	sdelay $0x3  }
0x92: {  	_ =	strace s18  }
0x93: {  	s3 =	sld [smem:$0x3FFC];
	_ =	sdelay $0x3  }
0x94: {  	_ =	strace s3  }
0x95: {  	s3 =	sld [smem:$0x3FFD];
	_ =	sdelay $0x3  }
0x96: {  	_ =	strace s3  }
0x97: {  	_ =	strace $0x8FFFFFFF  }
0x98: {  	s19 =	sld [smem:$0x3FDB];
	_ =	sdelay $0x1  }
0x99: {  	s4 =	simm.s32 $_scs_section_size  }
0x9a: {  	s5 =	simm.s32 $_size__tile_overlayer_lowered;
	s6 =	simm.s32 $_tile_overlayer_lowered  }
0x9b: {  	s22 =	simm.s32 $0x1BFF;
	s21 =	sshll.u32 s6, $0x1;
	s3 =	sadd.s32 s4, s19  }
0x9c: {  	s7 =	simm.s32 $0x0;
	s20 =	sshll.u32 s5, $0x1;
	s5 =	sadd.s32 s21, s3  }
0x9d: {  	[timem:s7], [sflag:s22] =	dma.local [hbm:s5], s20  }
0x9e: {  	_ =	swait.ge [sflag:s22], s20  }
0x9f: {  	s4 =	ssub.s32 $0x0, s20;
	[sflag:s22] =	ssyncset.done $0x0  }
0xa0: {  	[sflag:s22] =	ssyncadd.s32 s4;
	_ =	sdelay $0x1  }
0xa1: {  	s23 =	simm.s32 $0x1B8B  }
0xa2: {  	_ =	swait.ge [sflag:s23], $0x1  }
0xa3: {  	[sflag:s23] =	ssyncset.done $0x0  }
0xa4: {  	s25 =	simm.s32 $0x1B8E;
	s24 =	sld [smem:$0x3FFE];
	[sflag:s23] =	ssyncadd.s32 $0xFFFFFFFF  }
0xa5: {  	s26 =	simm.s32 $execute0_lowered;
	[smem:$0x3FD2] =	sst s25  }
0xa6: {  	s5 =	sshll.u32 s26, $0x1;
	_ =	strace $0x80000049;
	[dreg:$0x1] =	wrdreg $0xFFFFFFFF  }
0xa7: {  	s28 =	simm.s32 $_size_execute0_lowered;
	s3 =	sadd.s32 s3, s5;
	[dreg:$0x0] =	wrdreg $0x0  }
0xa8: {  	s5 =	sshll.u32 s28, $0x1;
	[dreg:$0x2] =	wrdreg s3  }
0xa9: {  	[dreg:$0x3] =	wrdreg s5  }
0xaa: {  	[dreg:$0x4] =	wrdreg $0xC0  }
0xab: {  	_ =	task [dreg:s7], $0x5FFFF  }
0xac: {  	[dreg:$0x1] =	wrdreg $0xFFFFFFFF  }
0xad: {  	[dreg:$0x0] =	wrdreg $0x60  }
0xae: {  	[dreg:$0x2] =	wrdreg s2  }
0xaf: {  	[dreg:$0x3] =	wrdreg s24  }
0xb0: {  	[dreg:$0x4] =	wrdreg $0xA  }
0xb1: {  	_ =	task.clear_ibuf [dreg:s7], $0x5FFFF;
	_ =	strace $0x90000049  }
0xb2: {  	s29 =	simm.s32 $0xA;
	_ =	strace $0x8000004B  }
0xb3: {  	_ =	swait.ge [sflag:s29], $0x1  }
0xb4: {  	[sflag:s29] =	ssyncadd.s32 $0xFFFFFFFF  }
0xb5: {  	_ =	strace $0x9000004B  }
0xb6: {  	_ =	sfence  }
0xb7: {  	s30 =	sld [smem:$0x0];
	_ =	sdelay $0x2  }
0xb8: {  	s31 =	sshll.u32 s1, $0xD;
	s1 =	sshrl.u32 s1, $0x2  }
0xb9: {  	s3 =	sand.u32 $0x4000, s31;
	s1 =	sadd.s32 s1, s30  }
0xba: {  	s0 =	sor.u32 s3, s0;
	s1 =	sshll.u32 s1, $0x11  }
0xbb: {  	s0 =	sor.u32 s1, s0  }
0xbc: {  	s0 =	sadd.s32 $0x8F2B, s0  }
0xbd: {  	[sflag:s0] =	ssyncadd.remote.s32 $0x1  }
0xbe: {  	_ =	sfence.sel $0xFFFF  }
0xbf: {  	[dreg:$0x0] =	wrdreg $0xFFFFFFFF;
	(pc) =	sbr.abs _section_cstart, $3  }
0xc0: {  	[dreg:$0x1] =	wrdreg $0xFFFFFFFF  }
0xc1: {  	_ =	task.clear_ibuf [dreg:s7], $0x2FFFF;
	_ =	strace $0x9FFFFFFF  }
0xc2: {  	(tm) =	ssettm $0x7FFFFFFF  }
0xc3: {  	_ =	shalt  }
tec
execute0_lowered:
.L_overlay_start_1:
0x0: {  	(tag) =	ssettag $0x1  }
0x1: {  	s1 =	rddreg [dreg:$0x0];
	s3 =	srdreg.scid  }
0x2: {  	s4 =	rddreg [dreg:$0x1];
	s5 =	sand.u32 $0x1, s3  }
0x3: {  	s0 =	rddreg [dreg:$0x2];
	s6 =	smul.u32 $0x320, s5  }
0x4: {  	s2 =	simm.s32 $0x0;
	s3 =	stileid.u32;
	s7 =	smul.u32 $0x19000, s5  }
0x5: {  	[smem:$0x7FF] =	sst s2;
	s9 =	smul.u32 $0x32, s3  }
0x6: {  	_ =	strace $0x8000004A;
	s8 =	ssub.s32 $0x2, s5;
	s11 =	smul.u32 $0x1900, s3  }
0x7: {  	s12 =	sshll.u32 s5, $0x4;
	s10 =	sshrl.u32 s8, $0x1;
	s6 =	sadd.s32 s6, s4  }
0x8: {  	s7 =	sadd.s32 s7, s4;
	s4 =	sadd.s32 $0x9200, s4;
	s8 =	ssub.s32 s8, s10  }
0x9: {  	s5 =	smax.u32 s8, $0x1;
	s30 =	sadd.s32 s9, s6;
	s31 =	sadd.s32 s11, s7  }
0xa: {  	s6 =	sadd.s32 $0x37C00, s30;
	s7 =	sadd.s32 $0x30400, s30;
	s8 =	sadd.s32 $0x3F400, s31  }
0xb: {  	s11 =	sor.u32 s12, s3;
	s9 =	sadd.s32 $0x177C00, s31;
	s10 =	sadd.s32 $0x2B0400, s31  }
.LBB2_1:
0xc: {  	p0 =	sgt.u32 s11, $0xC7  }
0xd: {  	s13 =	simm.s32 @!p0 $0x0;
	s12 =	simm.s32 @!p0 $0x4;
	p0 =	por p0, p0  }
0xe: {  	[tilespmem:s13], [sflag:$0x4] =	stream.linear.gather @!p0 [hbm4b:s6+s13], $0x190, $0x38;
	[tilespmem:$0x19400] =	vst v63  }
0xf: {  	_ =	swait.ge @!p0 [sflag:s12], $0x190  }
0x10: {  	[sflag:s12] =	ssyncset.done @!p0 $0x0  }
0x11: {  	s14 =	simm.s32 @!p0 $0x200;
	[sflag:s12] =	ssyncadd.s32 @!p0 $0xFFFFFE70  }
0x12: {  	[tilespmem:s14], [sflag:$0x4] =	stream.linear.gather @!p0 [hbm4b:s7+s13], $0x190, $0x38;
	[tilespmem:$0x19400] =	vst v63  }
0x13: {  	_ =	swait.ge @!p0 [sflag:s12], $0x190  }
0x14: {  	[sflag:s12] =	ssyncset.done @!p0 $0x0  }
0x15: {  	s15 =	simm.s32 @!p0 $0x190;
	s16 =	simm.s32 @!p0 $0x400;
	[sflag:s12] =	ssyncadd.s32 @!p0 $0xFFFFFE70  }
0x16: {  	[tilespmem:s16], [sflag:$0x1] =	stream.indirect.gather @!p0 [hbm4b:s1+s15], $0x80, s13, s15, $0xb8;
	[tilespmem:$0x19400] =	vst v63  }
0x17: {  	s17 =	simm.s32 @!p0 $0xCC00;
	s18 =	simm.s32 @!p0 $0x1  }
0x18: {  	[tilespmem:s17], [sflag:$0x2] =	stream.indirect.gather @!p0 [hbm4b:s1+s15], $0x80, s14, s15, $0xb8;
	[tilespmem:$0x19400] =	vst v63  }
0x19: {  	_ =	swait.ge @!p0 [sflag:s18], $0xC800  }
0x1a: {  	[sflag:s18] =	ssyncset.done @!p0 $0x0  }
0x1b: {  	s14 =	simm.s32 @!p0 $0x2;
	[sflag:s18] =	ssyncadd.s32 @!p0 $0xFFFF3800  }
0x1c: {  	_ =	swait.ge @!p0 [sflag:s14], $0xC800  }
0x1d: {  	[sflag:s14] =	ssyncset.done @!p0 $0x0  }
0x1e: {  	[sflag:s14] =	ssyncadd.s32 @!p0 $0xFFFF3800;
	s14 =	sadd.s32 @!p0 $0x0, s8  }
0x1f: {  	[hbm4b:s14+s13] =	stream.linear.scatter @!p0 [tilespmem:s16], [sflag:$0x4], $0xC800, $0x38;
	[tilespmem:$0x19400] =	vst v63  }
0x20: {  	_ =	swait.ge @!p0 [sflag:s12], $0xC800  }
0x21: {  	[sflag:s12] =	ssyncset.done @!p0 $0x0  }
0x22: {  	s14 =	sadd.s32 @!p0 $0x0, s9;
	[sflag:s12] =	ssyncadd.s32 @!p0 $0xFFFF3800  }
0x23: {  	[hbm4b:s14+s13] =	stream.linear.scatter @!p0 [tilespmem:s17], [sflag:$0x4], $0xC800, $0x38;
	[tilespmem:$0x19400] =	vst v63  }
0x24: {  	_ =	swait.ge @!p0 [sflag:s12], $0xC800  }
0x25: {  	[sflag:s12] =	ssyncset.done @!p0 $0x0  }
0x26: {  	[sflag:s12] =	ssyncadd.s32 @!p0 $0xFFFF3800  }
0x27: {  	[tilespmem:s16], [sflag:$0x1] =	stream.indirect.gather @!p0 [hbm4b:s4+s15], $0x80, s13, s15, $0xb8;
	[tilespmem:$0x19400] =	vst v63  }
0x28: {  	_ =	swait.ge @!p0 [sflag:s18], $0xC800  }
0x29: {  	s14 =	simm.s32 $0x64000;
	s12 =	simm.s32 $0x32000;
	[sflag:s18] =	ssyncset.done @!p0 $0x0  }
0x2a: {  	s15 =	sadd.s32 @!p0 $0x0, s10;
	[sflag:s18] =	ssyncadd.s32 @!p0 $0xFFFF3800;
	s18 =	simm.s32 @!p0 $0x3  }
0x2b: {  	[hbm4b:s15+s13] =	stream.linear.scatter @!p0 [tilespmem:s16], [sflag:$0x3], $0xC800, $0x38;
	[tilespmem:$0x19400] =	vst v63  }
0x2c: {  	s13 =	sadd.s32 $0x640, s7;
	s16 =	sadd.s32 $0x20, s11;
	_ =	swait.ge @!p0 [sflag:s18], $0xC800  }
0x2d: {  	s15 =	sadd.s32 $0x640, s6;
	p2 =	sgt.u32 s16, $0xC7;
	[sflag:s18] =	ssyncset.done @!p0 $0x0  }
.LBB2_2:
0x2e: {  	s17 =	simm.s32 @!p2 $0x0;
	s19 =	simm.s32 @!p2 $0x4;
	[sflag:s18] =	ssyncadd.s32 @!p0 $0xFFFF3800  }
0x2f: {  	s18 =	smov.u32 s12;
	s12 =	smov.u32 s14;
	p0 =	por p2, p2  }
0x30: {  	[tilespmem:s17], [sflag:$0x4] =	stream.linear.gather @!p0 [hbm4b:s15+s17], $0x190, $0x38;
	[tilespmem:$0x19400] =	vst v63  }
0x31: {  	s14 =	sadd.s32 $0x32000, s14;
	_ =	swait.ge @!p0 [sflag:s19], $0x190  }
0x32: {  	p1 =	sne.s32 s14, $0x15E000;
	[sflag:s19] =	ssyncset.done @!p0 $0x0  }
0x33: {  	s20 =	simm.s32 @!p0 $0x200;
	[sflag:s19] =	ssyncadd.s32 @!p0 $0xFFFFFE70  }
0x34: {  	[tilespmem:s20], [sflag:$0x4] =	stream.linear.gather @!p0 [hbm4b:s13+s17], $0x190, $0x38;
	[tilespmem:$0x19400] =	vst v63  }
0x35: {  	_ =	swait.ge @!p0 [sflag:s19], $0x190  }
0x36: {  	[sflag:s19] =	ssyncset.done @!p0 $0x0  }
0x37: {  	s21 =	simm.s32 @!p0 $0x190;
	s22 =	simm.s32 @!p0 $0x400;
	[sflag:s19] =	ssyncadd.s32 @!p0 $0xFFFFFE70  }
0x38: {  	[tilespmem:s22], [sflag:$0x1] =	stream.indirect.gather @!p0 [hbm4b:s1+s21], $0x80, s17, s21, $0xb8;
	[tilespmem:$0x19400] =	vst v63  }
0x39: {  	s23 =	simm.s32 @!p0 $0xCC00;
	s24 =	simm.s32 @!p0 $0x1  }
0x3a: {  	[tilespmem:s23], [sflag:$0x2] =	stream.indirect.gather @!p0 [hbm4b:s1+s21], $0x80, s20, s21, $0xb8;
	[tilespmem:$0x19400] =	vst v63  }
0x3b: {  	_ =	swait.ge @!p0 [sflag:s24], $0xC800  }
0x3c: {  	[sflag:s24] =	ssyncset.done @!p0 $0x0  }
0x3d: {  	s20 =	simm.s32 @!p0 $0x2;
	[sflag:s24] =	ssyncadd.s32 @!p0 $0xFFFF3800  }
0x3e: {  	_ =	swait.ge @!p0 [sflag:s20], $0xC800  }
0x3f: {  	[sflag:s20] =	ssyncset.done @!p0 $0x0  }
0x40: {  	[sflag:s20] =	ssyncadd.s32 @!p0 $0xFFFF3800;
	s20 =	sadd.s32 @!p0 s18, s8  }
0x41: {  	[hbm4b:s20+s17] =	stream.linear.scatter @!p0 [tilespmem:s22], [sflag:$0x4], $0xC800, $0x38;
	[tilespmem:$0x19400] =	vst v63  }
0x42: {  	_ =	swait.ge @!p0 [sflag:s19], $0xC800  }
0x43: {  	[sflag:s19] =	ssyncset.done @!p0 $0x0  }
0x44: {  	s20 =	sadd.s32 @!p0 s18, s9;
	[sflag:s19] =	ssyncadd.s32 @!p0 $0xFFFF3800  }
0x45: {  	[hbm4b:s20+s17] =	stream.linear.scatter @!p0 [tilespmem:s23], [sflag:$0x4], $0xC800, $0x38;
	[tilespmem:$0x19400] =	vst v63  }
0x46: {  	_ =	swait.ge @!p0 [sflag:s19], $0xC800  }
0x47: {  	[sflag:s19] =	ssyncset.done @!p0 $0x0  }
0x48: {  	[sflag:s19] =	ssyncadd.s32 @!p0 $0xFFFF3800  }
0x49: {  	[tilespmem:s22], [sflag:$0x1] =	stream.indirect.gather @!p0 [hbm4b:s4+s21], $0x80, s17, s21, $0xb8;
	[tilespmem:$0x19400] =	vst v63  }
0x4a: {  	_ =	swait.ge @!p0 [sflag:s24], $0xC800  }
.Ltmp0:
0x4b: {  	[sflag:s24] =	ssyncset.done @!p0 $0x0;
	(pc) =	sbr.rel @p1 .LBB2_2-.Ltmp0, $4  }
0x4c: {  	s19 =	sadd.s32 @!p0 s18, s10;
	s18 =	simm.s32 @!p0 $0x3;
	[sflag:s24] =	ssyncadd.s32 @!p0 $0xFFFF3800  }
0x4d: {  	[hbm4b:s19+s17] =	stream.linear.scatter @!p0 [tilespmem:s22], [sflag:$0x3], $0xC800, $0x38;
	[tilespmem:$0x19400] =	vst v63  }
0x4e: {  	s16 =	sadd.s32 $0x20, s16;
	s13 =	sadd.s32 $0x640, s13;
	_ =	swait.ge @!p0 [sflag:s18], $0xC800  }
0x4f: {  	p2 =	sgt.u32 s16, $0xC7;
	s15 =	sadd.s32 $0x640, s15;
	[sflag:s18] =	ssyncset.done @!p0 $0x0  }
0x50: {  	s14 =	simm.s32 @!p2 $0x0  }
0x51: {  	s16 =	simm.s32 @!p2 $0x4;
	[sflag:s18] =	ssyncadd.s32 @!p0 $0xFFFF3800;
	p0 =	por p2, p2  }
0x52: {  	[tilespmem:s14], [sflag:$0x4] =	stream.linear.gather @!p0 [hbm4b:s15+s14], $0x190, $0x38;
	[tilespmem:$0x19400] =	vst v63  }
0x53: {  	_ =	swait.ge @!p0 [sflag:s16], $0x190  }
0x54: {  	[sflag:s16] =	ssyncset.done @!p0 $0x0  }
0x55: {  	s15 =	simm.s32 @!p0 $0x200;
	[sflag:s16] =	ssyncadd.s32 @!p0 $0xFFFFFE70  }
0x56: {  	[tilespmem:s15], [sflag:$0x4] =	stream.linear.gather @!p0 [hbm4b:s13+s14], $0x190, $0x38;
	[tilespmem:$0x19400] =	vst v63  }
0x57: {  	_ =	swait.ge @!p0 [sflag:s16], $0x190  }
0x58: {  	[sflag:s16] =	ssyncset.done @!p0 $0x0  }
0x59: {  	s17 =	simm.s32 @!p0 $0x400;
	s13 =	simm.s32 @!p0 $0x190;
	[sflag:s16] =	ssyncadd.s32 @!p0 $0xFFFFFE70  }
0x5a: {  	[tilespmem:s17], [sflag:$0x1] =	stream.indirect.gather @!p0 [hbm4b:s1+s13], $0x80, s14, s13, $0xb8;
	[tilespmem:$0x19400] =	vst v63  }
0x5b: {  	s18 =	simm.s32 @!p0 $0xCC00;
	s19 =	simm.s32 @!p0 $0x1  }
0x5c: {  	[tilespmem:s18], [sflag:$0x2] =	stream.indirect.gather @!p0 [hbm4b:s1+s13], $0x80, s15, s13, $0xb8;
	[tilespmem:$0x19400] =	vst v63  }
0x5d: {  	_ =	swait.ge @!p0 [sflag:s19], $0xC800  }
0x5e: {  	[sflag:s19] =	ssyncset.done @!p0 $0x0  }
0x5f: {  	s15 =	simm.s32 @!p0 $0x2;
	[sflag:s19] =	ssyncadd.s32 @!p0 $0xFFFF3800  }
0x60: {  	_ =	swait.ge @!p0 [sflag:s15], $0xC800  }
0x61: {  	[sflag:s15] =	ssyncset.done @!p0 $0x0  }
0x62: {  	[sflag:s15] =	ssyncadd.s32 @!p0 $0xFFFF3800;
	s15 =	sadd.s32 @!p0 s12, s8  }
0x63: {  	[hbm4b:s15+s14] =	stream.linear.scatter @!p0 [tilespmem:s17], [sflag:$0x4], $0xC800, $0x38;
	[tilespmem:$0x19400] =	vst v63  }
0x64: {  	_ =	swait.ge @!p0 [sflag:s16], $0xC800  }
0x65: {  	[sflag:s16] =	ssyncset.done @!p0 $0x0  }
0x66: {  	s15 =	sadd.s32 @!p0 s12, s9;
	[sflag:s16] =	ssyncadd.s32 @!p0 $0xFFFF3800  }
0x67: {  	[hbm4b:s15+s14] =	stream.linear.scatter @!p0 [tilespmem:s18], [sflag:$0x4], $0xC800, $0x38;
	[tilespmem:$0x19400] =	vst v63  }
0x68: {  	_ =	swait.ge @!p0 [sflag:s16], $0xC800  }
0x69: {  	[sflag:s16] =	ssyncset.done @!p0 $0x0  }
0x6a: {  	[sflag:s16] =	ssyncadd.s32 @!p0 $0xFFFF3800  }
0x6b: {  	[tilespmem:s17], [sflag:$0x1] =	stream.indirect.gather @!p0 [hbm4b:s4+s13], $0x80, s14, s13, $0xb8;
	[tilespmem:$0x19400] =	vst v63  }
0x6c: {  	s2 =	sadd.s32 $0x1, s2;
	_ =	swait.ge @!p0 [sflag:s19], $0xC800  }
0x6d: {  	p1 =	sne.s32 s2, s5;
	s12 =	sadd.s32 @!p0 s12, s10;
	[sflag:s19] =	ssyncset.done @!p0 $0x0  }
.Ltmp1:
0x6e: {  	s13 =	simm.s32 @!p0 $0x3;
	[sflag:s19] =	ssyncadd.s32 @!p0 $0xFFFF3800;
	(pc) =	sbr.rel @p1 .LBB2_1-.Ltmp1, $4  }
0x6f: {  	[hbm4b:s12+s14] =	stream.linear.scatter @!p0 [tilespmem:s17], [sflag:$0x3], $0xC800, $0x38;
	[tilespmem:$0x19400] =	vst v63  }
0x70: {  	_ =	swait.ge @!p0 [sflag:s13], $0xC800  }
0x71: {  	[sflag:s13] =	ssyncset.done @!p0 $0x0  }
0x72: {  	[sflag:s13] =	ssyncadd.s32 @!p0 $0xFFFF3800  }
0x73: {  	_ =	sfence.sel $0x180000  }
0x74: {  	[bflag:$0x0] =	sbarrier.arrive $0xFFFF  }
0x75: {  	p0 =	sne.s32 s3, $0x0;
	_ =	strace $0x9000004A  }
0x76: {  	s0 =	sadd.s32 @!p0 $0x100000, s0;
	[bflag:$0x2] =	sbarrier.arrive $0xFFFF  }
0x77: {  	[sflag:s0] =	ssyncadd.tile.s32 @!p0 $0x1;
	_ =	shalt  }
.Lfunc_end2:
_tile_overlayer_lowered:
.L_overlay_start_2:
0x78: {  	(tag) =	ssettag $0x2  }
0x79: {  	s0 =	rddreg [dreg:$0x0];
	s2 =	stileid.u32  }
0x7a: {  	s1 =	rddreg [dreg:$0x1];
	p0 =	sne.s32 s2, $0x0  }
0x7b: {  	s3 =	rddreg [dreg:$0x2];
	[bflag:$0x3] =	sbarrier.arrive $0xFFFF;
	s2 =	simm.s32 @!p0 $0x1C03  }
0x7c: {  	[timem:s3], [sflag:s2] =	dma.local @!p0 [hbm:s0], s1  }
0x7d: {  	s0 =	simm.s32 @!p0 $0x3  }
0x7e: {  	_ =	swait.ge @!p0 [sflag:s0], s1  }
0x7f: {  	s1 =	ssub.s32 @!p0 $0x0, s1;
	[sflag:s0] =	ssyncset.done @!p0 $0x0  }
0x80: {  	[sflag:s0] =	ssyncadd.s32 @!p0 s1  }
0x81: {  	[bflag:$0x3] =	sbarrier.arrive $0xFFFF  }
0x82: {  	_ =	shalt  }

// kernel: kernel.30.cloned.1.call-start
scs
__scs_entry_jumppad:
0x0: {  	(pc) =	sbr.rel $0x88, $3  }
0x1: {  	(tag) =	ssettag $0x0;
	lr =	simm.s32 $0x1  }
0x2: {  	[smem:$0x3F84] =	sst lr;
	_ =	strace $0xD0000000  }
0x3: {  	_ = 	snop  }
0x4: {  	_ = 	snop  }
0x5: {  	_ = 	snop  }
0x6: {  	_ = 	snop  }
0x7: {  	_ = 	snop  }
__scs_overlays_trampoline_lowered:
0x8: {  	[smem:$0x3F93] =	sst s0  }
0x9: {  	[smem:$0x3F94] =	sst s1  }
0xa: {  	[smem:$0x3F95] =	sst s2  }
0xb: {  	[smem:$0x3F96] =	sst s3  }
0xc: {  	[smem:$0x3F97] =	sst s4  }
0xd: {  	[smem:$0x3F98] =	sst s5  }
0xe: {  	[smem:$0x3F99] =	sst s6  }
0xf: {  	[smem:$0x3F9A] =	sst s7  }
0x10: {  	[smem:$0x3F9B] =	sst s8  }
0x11: {  	[smem:$0x3F9C] =	sst s9;
	s0 =	simm.s32 @!p0 $0x0  }
0x12: {  	s1 =	sld [smem:$0x3F82];
	s0 =	simm.s32 @p0 $0x1  }
0x13: {  	[smem:$0x3F9D] =	sst s0;
	s0 =	simm.s32 @!p1 $0x0  }
0x14: {  	s2 =	sld [smem:$0x3F81];
	s0 =	simm.s32 @p1 $0x1  }
0x15: {  	[smem:$0x3F9E] =	sst s0;
	s0 =	simm.s32 @!p2 $0x0  }
0x16: {  	s3 =	sld [smem:$0x3FDB];
	s0 =	simm.s32 @p2 $0x1  }
0x17: {  	s4 =	simm.s32 $0x1BF5;
	[smem:$0x3FA0] =	sst s0  }
0x18: {  	s0 =	sld [smem:$0x3F83];
	_ =	swait.ge [sflag:s4], $0x0  }
0x19: {  	s7 =	sld [smem:$0x3F84]  }
0x1a: {  	s8 =	sadd.s32 $0xFFFFE003, lr  }
0x1b: {  	s9 =	sadd.s32 $0xFFFFFEF7, lr;
	s5 =	simm.s32 $0xFFFFFFFF;
	p2 =	slt.u32 s8, $0xFFFFF086  }
0x1c: {  	p1 =	slt.u32 s9, $0xF7A;
	s5 =	simm.s32 @!p2 $0x0  }
0x1d: {  	s5 =	simm.s32 @p1 $0x1;
	p0 =	seq.s32 s7, s2  }
0x1e: {  	s7 =	smul.u32 @!p0 $0xF7A, s2;
	p2 =	seq.s32 @!p0 s5, $0x0  }
0x1f: {  	s9 =	smul.u32 $0xF7A, s1;
	s8 =	simm.s32 @!p0 $0x1BF5;
	p2 =	por !p2, p0  }
0x20: {  	[sflag:s8] =	ssyncset.s32 @!p0 $0xFFFFF086;
	s6 =	sadd.s32 @!p0 s3, s7;
	s7 =	simm.s32 @!p0 $0x108  }
0x21: {  	s3 =	sadd.s32 s3, s9;
	s6 =	sadd.s32 @!p0 $0x88, s6;
	s7 =	simm.s32 @p2 $0x1082  }
0x22: {  	[simem:s7], [sflag:s8] =	dma.local @!p0 [hbm:s6], $0xF7A  }
0x23: {  	s9 =	sor.u32 $0xD0000000, s2;
	s6 =	simm.s32 $0x108;
	_ =	swait.ge @!p0 [sflag:s8], $0x0  }
0x24: {  	s3 =	sadd.s32 $0x88, s3;
	s6 =	simm.s32 @!p1 $0x1082;
	[sflag:s4] =	ssyncset.s32 $0xFFFFF086  }
0x25: {  	[simem:s6], [sflag:s4] =	dma.local [hbm:s3], $0xF7A  }
0x26: {  	[smem:$0x3F84] =	sst s1;
	(tag) =	ssettag s2;
	_ =	strace s9  }
0x27: {  	s1 =	sld [smem:$0x3F94]  }
0x28: {  	s2 =	sld [smem:$0x3F95]  }
0x29: {  	s4 =	sld [smem:$0x3F97]  }
0x2a: {  	p0 =	seq.s32 s5, $0x0;
	s5 =	sld [smem:$0x3F98]  }
0x2b: {  	s6 =	sld [smem:$0x3F99]  }
0x2c: {  	s7 =	sld [smem:$0x3F9A]  }
0x2d: {  	s3 =	simm.s32 $0x108;
	s8 =	sld [smem:$0x3F9B]  }
0x2e: {  	s3 =	simm.s32 @!p0 $0x1082;
	s9 =	sld [smem:$0x3F9C]  }
0x2f: {  	lr =	sadd.s32 s0, s3;
	s0 =	sld [smem:$0x3F93]  }
0x30: {  	s3 =	sld [smem:$0x3F96]  }
0x31: {  	[smem:$0x3F9F] =	sst s10  }
0x32: {  	s10 =	sld [smem:$0x3F9D];
	_ =	sdelay $0x3  }
0x33: {  	p0 =	seq.s32 s10, $0x1;
	s10 =	sld [smem:$0x3F9F];
	_ =	sdelay $0x3  }
0x34: {  	[smem:$0x3F9F] =	sst s10  }
0x35: {  	s10 =	sld [smem:$0x3F9E];
	_ =	sdelay $0x3  }
0x36: {  	p1 =	seq.s32 s10, $0x1;
	s10 =	sld [smem:$0x3F9F];
	_ =	sdelay $0x3  }
0x37: {  	[smem:$0x3F9F] =	sst s10  }
0x38: {  	s10 =	sld [smem:$0x3FA0]  }
0x39: {  	_ = 	snop;
	(pc) =	sbr.ind lr, $3  }
0x3a: {  	_ = 	snop  }
0x3b: {  	_ = 	snop  }
0x3c: {  	p2 =	seq.s32 s10, $0x1;
	s10 =	sld [smem:$0x3F9F]  }
0x3d: {  	_ =	shalt  }
0x3e: {  	_ =	shalt  }
0x3f: {  	_ =	shalt  }
0x40: {  	_ =	shalt  }
0x41: {  	_ =	shalt  }
0x42: {  	_ =	shalt  }
0x43: {  	_ =	shalt  }
0x44: {  	_ =	shalt  }
0x45: {  	_ =	shalt  }
0x46: {  	_ =	shalt  }
0x47: {  	_ =	shalt  }
0x48: {  	_ =	shalt  }
0x49: {  	_ =	shalt  }
0x4a: {  	_ =	shalt  }
0x4b: {  	_ =	shalt  }
0x4c: {  	_ =	shalt  }
0x4d: {  	_ =	shalt  }
0x4e: {  	_ =	shalt  }
0x4f: {  	_ =	shalt  }
0x50: {  	_ =	shalt  }
0x51: {  	_ =	shalt  }
0x52: {  	_ =	shalt  }
0x53: {  	_ =	shalt  }
0x54: {  	_ =	shalt  }
0x55: {  	_ =	shalt  }
0x56: {  	_ =	shalt  }
0x57: {  	_ =	shalt  }
0x58: {  	_ =	shalt  }
0x59: {  	_ =	shalt  }
0x5a: {  	_ =	shalt  }
0x5b: {  	_ =	shalt  }
0x5c: {  	_ =	shalt  }
0x5d: {  	_ =	shalt  }
0x5e: {  	_ =	shalt  }
0x5f: {  	_ =	shalt  }
0x60: {  	_ =	shalt  }
0x61: {  	_ =	shalt  }
0x62: {  	_ =	shalt  }
0x63: {  	_ =	shalt  }
0x64: {  	_ =	shalt  }
0x65: {  	_ =	shalt  }
0x66: {  	_ =	shalt  }
0x67: {  	_ =	shalt  }
0x68: {  	_ =	shalt  }
0x69: {  	_ =	shalt  }
0x6a: {  	_ =	shalt  }
0x6b: {  	_ =	shalt  }
0x6c: {  	_ =	shalt  }
0x6d: {  	_ =	shalt  }
0x6e: {  	_ =	shalt  }
0x6f: {  	_ =	shalt  }
0x70: {  	_ =	shalt  }
0x71: {  	_ =	shalt  }
0x72: {  	_ =	shalt  }
0x73: {  	_ =	shalt  }
0x74: {  	_ =	shalt  }
0x75: {  	_ =	shalt  }
0x76: {  	_ =	shalt  }
0x77: {  	_ =	shalt  }
0x78: {  	_ =	shalt  }
0x79: {  	_ =	shalt  }
0x7a: {  	_ =	shalt  }
0x7b: {  	_ =	shalt  }
0x7c: {  	_ =	shalt  }
0x7d: {  	_ =	shalt  }
0x7e: {  	_ =	shalt  }
0x7f: {  	_ =	shalt  }
0x80: {  	_ =	shalt  }
0x81: {  	_ =	shalt  }
0x82: {  	_ =	shalt  }
0x83: {  	_ =	shalt  }
0x84: {  	_ =	shalt  }
0x85: {  	_ =	shalt  }
0x86: {  	_ =	shalt  }
0x87: {  	_ =	shalt  }
.Lfunc_end0:
.L_simem_size_0:
called_computation.4_lowered:
.L_overlay_start_0:
0x88: {  	s2 =	sld [smem:$0x3FD9]  }
0x89: {  	s3 =	sld [smem:$0x3FFE];
	_ =	sdelay $0x1  }
0x8a: {  	s1 =	srdreg.scid  }
0x8b: {  	s0 =	sand.u32 $0x1, s1  }
0x8c: {  	s15 =	sshll.u32 s0, $0xA;
	s2 =	sadd.s32 s3, s2  }
0x8d: {  	s2 =	sadd.s32 s2, s15  }
0x8e: {  	[smem:$0x3FAB] =	sst s2  }
0x8f: {  	_ = 	snop  }
0x90: {  	s2 =	sld [smem:$0x3FD0];
	_ =	sdelay $0x2  }
0x91: {  	s16 =	simm.s32 $0xD;
	s4 =	simm.s32 $0x10  }
0x92: {  	[smem:s4], [sflag:s16] =	dma.local [hbm:s2], $0x1  }
0x93: {  	_ =	swait.eq [sflag:s16], $0x1  }
0x94: {  	[sflag:s16] =	ssyncset.done $0x0  }
0x95: {  	[sflag:s16] =	ssyncadd.s32 $0xFFFFFFFF  }
0x96: {  	s17 =	sld [smem:$0x12];
	(tm) =	ssettm $0x1  }
0x97: {  	s18 =	sld [smem:$0x3FFB];
	_ =	sdelay $0x3  }
0x98: {  	_ =	strace s18  }
0x99: {  	s2 =	sld [smem:$0x3FFC];
	_ =	sdelay $0x3  }
0x9a: {  	_ =	strace s2  }
0x9b: {  	s2 =	sld [smem:$0x3FFD];
	_ =	sdelay $0x3  }
0x9c: {  	_ =	strace s2  }
0x9d: {  	_ =	strace $0x8FFFFFFF  }
0x9e: {  	s19 =	sld [smem:$0x3FDB];
	_ =	sdelay $0x1  }
0x9f: {  	s20 =	simm.s32 $_scs_section_size  }
0xa0: {  	s5 =	simm.s32 $_size__tile_overlayer_lowered;
	s6 =	simm.s32 $_tile_overlayer_lowered  }
0xa1: {  	s7 =	simm.s32 $0x1BFF;
	s21 =	sshll.u32 s6, $0x1;
	s4 =	sadd.s32 s20, s19  }
0xa2: {  	s22 =	simm.s32 $0x0;
	s5 =	sshll.u32 s5, $0x1;
	s6 =	sadd.s32 s21, s4  }
0xa3: {  	[timem:s22], [sflag:s7] =	dma.local [hbm:s6], s5  }
0xa4: {  	_ =	swait.ge [sflag:s7], s5  }
0xa5: {  	s5 =	ssub.s32 $0x0, s5;
	[sflag:s7] =	ssyncset.done $0x0  }
0xa6: {  	[sflag:s7] =	ssyncadd.s32 s5;
	_ =	sdelay $0x1  }
0xa7: {  	s23 =	simm.s32 $0x1B8B  }
0xa8: {  	_ =	swait.ge [sflag:s23], $0x1  }
0xa9: {  	[sflag:s23] =	ssyncset.done $0x0  }
0xaa: {  	[sflag:s23] =	ssyncadd.s32 $0xFFFFFFFF  }
0xab: {  	s5 =	sld [smem:$0x0]  }
0xac: {  	s6 =	sand.u32 $0xFFFFFFFE, s1  }
0xad: {  	p0 =	sne.s32 s1, s6  }
0xae: {  	s6 =	sshll.u32 @p0 s6, $0xE  }
0xaf: {  	s6 =	sadd.s32 @p0 $0x11B8D, s6;
	s7 =	sshll.u32 @p0 s5, $0x11  }
0xb0: {  	s6 =	sor.u32 @p0 s7, s6  }
0xb1: {  	[sflag:s6] =	ssyncadd.remote.s32 @p0 $0x1;
	_ =	sdelay $0x1  }
0xb2: {  	s6 =	simm.s32 @p0 $0x1B8D  }
0xb3: {  	_ =	swait.eq @p0 [sflag:s6], $0x1  }
0xb4: {  	[sflag:s6] =	ssyncadd.s32 @p0 $0xFFFFFFFF  }
0xb5: {  	s7 =	sshll.u32 @!p0 s1, $0xE  }
0xb6: {  	s7 =	sor.u32 @!p0 $0x4000, s7;
	s6 =	simm.s32 @!p0 $0x1B8D  }
0xb7: {  	s5 =	sshll.u32 @!p0 s5, $0x11;
	s7 =	sadd.s32 @!p0 $0x11B8D, s7;
	_ =	swait.eq @!p0 [sflag:s6], $0x1  }
0xb8: {  	s5 =	sor.u32 @!p0 s5, s7;
	[sflag:s6] =	ssyncadd.s32 @!p0 $0xFFFFFFFF  }
0xb9: {  	s25 =	simm.s32 $0x1B8E;
	s24 =	sld [smem:$0x3FFE];
	[sflag:s5] =	ssyncadd.remote.s32 @!p0 $0x1  }
0xba: {  	s26 =	simm.s32 $execute0_lowered;
	[smem:$0x3FD2] =	sst s25  }
0xbb: {  	s6 =	sshll.u32 s26, $0x1;
	_ =	strace $0x80000055;
	[dreg:$0x1] =	wrdreg $0xFFFFFFFF  }
0xbc: {  	s28 =	simm.s32 $_size_execute0_lowered;
	s4 =	sadd.s32 s4, s6;
	[dreg:$0x0] =	wrdreg $0x0  }
0xbd: {  	s6 =	sshll.u32 s28, $0x1;
	[dreg:$0x2] =	wrdreg s4  }
0xbe: {  	[dreg:$0x3] =	wrdreg s6  }
0xbf: {  	[dreg:$0x4] =	wrdreg $0xC0  }
0xc0: {  	_ =	task [dreg:s22], $0x5FFFF  }
0xc1: {  	[dreg:$0x1] =	wrdreg $0xFFFFFFFF  }
0xc2: {  	[dreg:$0x0] =	wrdreg $0x60  }
0xc3: {  	[dreg:$0x2] =	wrdreg s24  }
0xc4: {  	[dreg:$0x3] =	wrdreg s17  }
0xc5: {  	[dreg:$0x4] =	wrdreg $0x95000  }
0xc6: {  	[dreg:$0x5] =	wrdreg $0x135000  }
0xc7: {  	[dreg:$0x6] =	wrdreg $0xA  }
0xc8: {  	_ =	task.clear_ibuf [dreg:s22], $0x7FFFF;
	_ =	strace $0x90000055  }
0xc9: {  	s29 =	simm.s32 $0xA;
	_ =	strace $0x80000057  }
0xca: {  	_ =	swait.ge [sflag:s29], $0x1  }
0xcb: {  	[sflag:s29] =	ssyncadd.s32 $0xFFFFFFFF  }
0xcc: {  	_ =	strace $0x90000057  }
0xcd: {  	_ =	sfence  }
0xce: {  	s30 =	sld [smem:$0x0];
	_ =	sdelay $0x2  }
0xcf: {  	s31 =	sshll.u32 s1, $0xD;
	s1 =	sshrl.u32 s1, $0x2  }
0xd0: {  	s4 =	sand.u32 $0x4000, s31;
	s1 =	sadd.s32 s1, s30  }
0xd1: {  	s0 =	sor.u32 s4, s0;
	s1 =	sshll.u32 s1, $0x11  }
0xd2: {  	s0 =	sor.u32 s1, s0  }
0xd3: {  	s0 =	sadd.s32 $0x8F2B, s0  }
0xd4: {  	[sflag:s0] =	ssyncadd.remote.s32 $0x1  }
0xd5: {  	_ =	sfence.sel $0xFFFF  }
0xd6: {  	[dreg:$0x0] =	wrdreg $0xFFFFFFFF;
	(pc) =	sbr.abs _section_cstart, $3  }
0xd7: {  	[dreg:$0x1] =	wrdreg $0xFFFFFFFF  }
0xd8: {  	_ =	task.clear_ibuf [dreg:s22], $0x2FFFF;
	_ =	strace $0x9FFFFFFF  }
0xd9: {  	(tm) =	ssettm $0x7FFFFFFF  }
tec
execute0_lowered:
.L_overlay_start_1:
0x0: {  	(tag) =	ssettag $0x1  }
0x1: {  	s7 =	rddreg [dreg:$0x0]  }
0x2: {  	s1 =	rddreg [dreg:$0x1]  }
0x3: {  	s2 =	rddreg [dreg:$0x2]  }
0x4: {  	s3 =	rddreg [dreg:$0x3]  }
0x5: {  	s0 =	rddreg [dreg:$0x4];
	s5 =	simm.s32 $0x0;
	s4 =	stileid.u32  }
0x6: {  	s6 =	srdreg.scid;
	s16 =	simm.s32 $0x1;
	s18 =	simm.s32 $0x4100  }
0x7: {  	s20 =	simm.s32 $0x2;
	s21 =	simm.s32 $0x0;
	[smem:$0x7FF] =	sst s5  }
0x8: {  	s8 =	sshll.u32 s4, $0xB;
	s9 =	sshll.u32 s4, $0x4;
	s28 =	smul.u32 $0xA000, s4  }
0x9: {  	s10 =	sand.u32 $0x1, s6;
	s6 =	sadd.s32 $0x30400, s7;
	s31 =	smul.u32 $0x1400, s4  }
0xa: {  	s30 =	sshll.u32 s4, $0x6;
	s14 =	smul.u32 $0x28000, s4;
	p0 =	sne.s32 s4, $0xF  }
0xb: {  	_ =	strace $0x80000056;
	s11 =	sadd.s32 s8, s7;
	s25 =	smul.u32 $0x13880, s10  }
0xc: {  	s9 =	sadd.s32 s9, s7;
	s12 =	ssub.s32 $0x2, s10;
	s19 =	smul.u32 $0x1388, s10  }
0xd: {  	s26 =	sshrl.u32 s12, $0x1;
	s15 =	sadd.s32 s28, s2;
	s17 =	sadd.s32 s28, s3  }
0xe: {  	s9 =	sadd.s32 $0x37C00, s9;
	s10 =	sadd.s32 $0x1291400, s11;
	s14 =	sshrl.u32 s14, $0x2  }
0xf: {  	s13 =	sadd.s32 s25, s7;
	s29 =	ssub.s32 s12, s26;
	s7 =	sor.u32 $0x1C01, s30  }
0x10: {  	s15 =	sshrl.u32 s15, $0x3;
	s17 =	sshrl.u32 s17, $0x3;
	v0 =	vmov s19;
	s19 =	simm.s32 $0x8100  }
0x11: {  	s8 =	smax.u32 s29, $0x1;
	s12 =	sadd.s32 s31, s13;
	s13 =	sadd.s32 s14, s2  }
0x12: {  	s14 =	sadd.s32 s14, s3;
	s11 =	sadd.s32 $0xEE7C00, s12;
	s12 =	sadd.s32 $0xF0EE00, s12  }
.LBB2_1:
0x13: {  	[spmem:s15], [sflag:s7] =	dma.local [hbm:s1], $0x1400  }
0x14: {  	_ =	swait.ge [sflag:s16], $0x1400  }
0x15: {  	[sflag:s16] =	ssyncset.done $0x0  }
0x16: {  	[sflag:s16] =	ssyncadd.s32 $0xFFFFEC00  }
0x17: {  	[spmem:s17], [sflag:s7] =	dma.local [hbm:s1], $0x1400  }
0x18: {  	_ =	swait.ge [sflag:s16], $0x1400  }
0x19: {  	[sflag:s16] =	ssyncset.done $0x0  }
0x1a: {  	[sflag:s16] =	ssyncadd.s32 $0xFFFFEC00  }
0x1b: {  	[tilespmem:s18], [sflag:$0x1] =	stream.linear.gather [hbm4b:s6+s5], $0x4000, $0x38;
	[tilespmem:$0x1D500] =	vst v63  }
0x1c: {  	_ =	swait.ge [sflag:s16], $0x4000  }
0x1d: {  	s22 =	sadd.s32 $0x0, s4;
	[sflag:s16] =	ssyncset.done $0x0  }
0x1e: {  	p1 =	sgt.u32 s22, $0x270;
	[sflag:s16] =	ssyncadd.s32 $0xFFFFC000  }
0x1f: {  	s23 =	simm.s32 @!p1 $0x0;
	s22 =	simm.s32 @!p1 $0x2;
	[bflag:$0x0] =	sbarrier.arrive $0xFFFF  }
0x20: {  	[tilespmem:s23], [sflag:$0x2] =	stream.linear.gather @!p1 [hbm4b:s9+s23], $0x80, $0x38;
	[tilespmem:$0x1D500] =	vst v63  }
0x21: {  	_ =	swait.ge @!p1 [sflag:s22], $0x80;
	p1 =	por p1, p1  }
0x22: {  	[sflag:s22] =	ssyncset.done @!p1 $0x0  }
0x23: {  	[sflag:s22] =	ssyncadd.s32 @!p1 $0xFFFFFF80  }
0x24: {  	v1 =	vld @!p1 [tilespmem:$0x50]  }
0x25: {  	v2 =	vld @!p1 [tilespmem:$0x30]  }
0x26: {  	v3 =	vld @!p1 [tilespmem:$0x20]  }
0x27: {  	v4 =	vld @!p1 [tilespmem:$0x10]  }
0x28: {  	v5 =	vld @!p1 [tilespmem:$0x40]  }
0x29: {  	v6 =	vld @!p1 [tilespmem:$0x0];
	v1 =	vsub.s32 @!p1 v1, v0  }
0x2a: {  	v7 =	vld @!p1 [tilespmem:$0x60];
	v2 =	vsub.s32 @!p1 v2, v0;
	v1 =	vmin.u32 @!p1 v1, $0x1388  }
0x2b: {  	v8 =	vld @!p1 [tilespmem:$0x70];
	v3 =	vsub.s32 @!p1 v3, v0;
	v2 =	vmin.u32 @!p1 v2, $0x1388;
	[tilespmem:$0xD0] =	vst @!p1 v1  }
0x2c: {  	v3 =	vmin.u32 @!p1 v3, $0x1388;
	v1 =	vsub.s32 @!p1 v4, v0;
	[tilespmem:$0xB0] =	vst @!p1 v2  }
0x2d: {  	[tilespmem:$0xA0] =	vst @!p1 v3;
	v2 =	vsub.s32 @!p1 v5, v0;
	v1 =	vmin.u32 @!p1 v1, $0x1388  }
0x2e: {  	v3 =	vsub.s32 @!p1 v6, v0;
	[tilespmem:$0x90] =	vst @!p1 v1;
	v1 =	vmin.u32 @!p1 v2, $0x1388  }
0x2f: {  	s24 =	simm.s32 $0x10;
	v2 =	vmin.u32 @!p1 v3, $0x1388;
	[tilespmem:$0xC0] =	vst @!p1 v1;
	v1 =	vsub.s32 @!p1 v7, v0  }
0x30: {  	s26 =	smov.u32 s9;
	s28 =	smov.u32 s10;
	s25 =	smov.u32 s10;
	[tilespmem:$0x80] =	vst @!p1 v2;
	v2 =	vsub.s32 @!p1 v8, v0;
	v1 =	vmin.u32 @!p1 v1, $0x1388  }
.LBB2_2:
0x31: {  	s26 =	sadd.s32 $0x100, s26  }
0x32: {  	[tilespmem:$0xE0] =	vst @!p1 v1;
	v1 =	vmin.u32 @!p1 v2, $0x1388;
	s28 =	sadd.s32 $0x8000, s28;
	s29 =	smov.u32 s24;
	s24 =	sadd.s32 $0x10, s24  }
0x33: {  	s30 =	simm.s32 @!p1 $0x100;
	p2 =	sne.s32 s24, $0x280;
	[tilespmem:$0xF0] =	vst @!p1 v1  }
0x34: {  	[tilespmem:s30], [sflag:$0x2] =	stream.linear.gather @!p1 [hbm4b:s25+s23], $0x4000, $0x38;
	[tilespmem:$0x1D500] =	vst v63  }
0x35: {  	s25 =	smov.u32 s28;
	_ =	swait.ge @!p1 [sflag:s22], $0x4000  }
0x36: {  	s23 =	sadd.s32 s29, s4;
	[sflag:s22] =	ssyncset.done @!p1 $0x0  }
0x37: {  	s29 =	simm.s32 @!p1 $0x80;
	[sflag:s22] =	ssyncadd.s32 @!p1 $0xFFFFC000  }
0x38: {  	[spmem:s2] =	stream.indirect.scatter.add.f32 @!p1 [tilespmem:s30], [sflag:$0x2], $0x80, s29, s29, $0xb8;
	[tilespmem:$0x1D500] =	vst v63  }
0x39: {  	_ =	swait.ge @!p1 [sflag:s22], $0x4000  }
0x3a: {  	[sflag:s22] =	ssyncset.done @!p1 $0x0  }
0x3b: {  	s30 =	simm.s32 @!p1 $0x1;
	[sflag:s22] =	ssyncadd.s32 @!p1 $0xFFFFC000;
	s22 =	simm.s32 @!p1 $0x4100  }
0x3c: {  	[spmem:s3] =	stream.indirect.scatter.add.f32 @!p1 [tilespmem:s22], [sflag:$0x1], $0x80, s29, s29, $0xb8;
	[tilespmem:$0x1D500] =	vst v63  }
0x3d: {  	_ =	swait.ge @!p1 [sflag:s30], $0x4000  }
0x3e: {  	p3 =	sgt.u32 s23, $0x270;
	[sflag:s30] =	ssyncset.done @!p1 $0x0  }
0x3f: {  	s23 =	simm.s32 @!p3 $0x0;
	s22 =	simm.s32 @!p3 $0x2;
	[sflag:s30] =	ssyncadd.s32 @!p1 $0xFFFFC000  }
0x40: {  	[tilespmem:s23], [sflag:$0x2] =	stream.linear.gather @!p3 [hbm4b:s26+s23], $0x80, $0x38;
	[tilespmem:$0x1D500] =	vst v63  }
0x41: {  	p1 =	por p3, p3;
	_ =	swait.ge @!p3 [sflag:s22], $0x80  }
0x42: {  	[sflag:s22] =	ssyncset.done @!p1 $0x0  }
0x43: {  	[sflag:s22] =	ssyncadd.s32 @!p1 $0xFFFFFF80  }
0x44: {  	v1 =	vld @!p1 [tilespmem:$0x50]  }
0x45: {  	v2 =	vld @!p1 [tilespmem:$0x30]  }
0x46: {  	v3 =	vld @!p1 [tilespmem:$0x20]  }
0x47: {  	v4 =	vld @!p1 [tilespmem:$0x10]  }
0x48: {  	v5 =	vld @!p1 [tilespmem:$0x40]  }
0x49: {  	v6 =	vld @!p1 [tilespmem:$0x0];
	v1 =	vsub.s32 @!p1 v1, v0  }
0x4a: {  	v2 =	vsub.s32 @!p1 v2, v0;
	v1 =	vmin.u32 @!p1 v1, $0x1388;
	v7 =	vld @!p1 [tilespmem:$0x60]  }
0x4b: {  	v3 =	vsub.s32 @!p1 v3, v0;
	v2 =	vmin.u32 @!p1 v2, $0x1388;
	[tilespmem:$0xD0] =	vst @!p1 v1;
	v8 =	vld @!p1 [tilespmem:$0x70]  }
.Ltmp0:
0x4c: {  	v1 =	vsub.s32 @!p1 v4, v0;
	v3 =	vmin.u32 @!p1 v3, $0x1388;
	[tilespmem:$0xB0] =	vst @!p1 v2;
	(pc) =	sbr.rel @p2 .LBB2_2-.Ltmp0, $4  }
0x4d: {  	v1 =	vmin.u32 @!p1 v1, $0x1388;
	[tilespmem:$0xA0] =	vst @!p1 v3;
	v2 =	vsub.s32 @!p1 v5, v0  }
0x4e: {  	v3 =	vsub.s32 @!p1 v6, v0;
	[tilespmem:$0x90] =	vst @!p1 v1;
	v1 =	vmin.u32 @!p1 v2, $0x1388  }
0x4f: {  	v2 =	vmin.u32 @!p1 v3, $0x1388;
	[tilespmem:$0xC0] =	vst @!p1 v1;
	v1 =	vsub.s32 @!p1 v7, v0  }
0x50: {  	[tilespmem:$0x80] =	vst @!p1 v2;
	v1 =	vmin.u32 @!p1 v1, $0x1388;
	v2 =	vsub.s32 @!p1 v8, v0  }
0x51: {  	[tilespmem:$0xE0] =	vst @!p1 v1;
	v1 =	vmin.u32 @!p1 v2, $0x1388  }
0x52: {  	s24 =	simm.s32 @!p1 $0x100;
	[tilespmem:$0xF0] =	vst @!p1 v1  }
0x53: {  	[tilespmem:s24], [sflag:$0x2] =	stream.linear.gather @!p1 [hbm4b:s25+s23], $0x4000, $0x38;
	[tilespmem:$0x1D500] =	vst v63  }
0x54: {  	_ =	swait.ge @!p1 [sflag:s22], $0x4000  }
0x55: {  	[sflag:s22] =	ssyncset.done @!p1 $0x0  }
0x56: {  	s23 =	simm.s32 @!p1 $0x80;
	[sflag:s22] =	ssyncadd.s32 @!p1 $0xFFFFC000  }
0x57: {  	[spmem:s2] =	stream.indirect.scatter.add.f32 @!p1 [tilespmem:s24], [sflag:$0x2], $0x80, s23, s23, $0xb8;
	[tilespmem:$0x1D500] =	vst v63  }
0x58: {  	_ =	swait.ge @!p1 [sflag:s22], $0x4000  }
0x59: {  	[sflag:s22] =	ssyncset.done @!p1 $0x0  }
0x5a: {  	s24 =	simm.s32 @!p1 $0x1;
	[sflag:s22] =	ssyncadd.s32 @!p1 $0xFFFFC000;
	s22 =	simm.s32 @!p1 $0x4100  }
0x5b: {  	[spmem:s3] =	stream.indirect.scatter.add.f32 @!p1 [tilespmem:s22], [sflag:$0x1], $0x80, s23, s23, $0xb8;
	[tilespmem:$0x1D500] =	vst v63  }
0x5c: {  	_ =	swait.ge @!p1 [sflag:s24], $0x4000  }
0x5d: {  	s26 =	smov.u32 s11;
	[sflag:s24] =	ssyncset.done @!p1 $0x0  }
0x5e: {  	s25 =	smov.u32 s12;
	s22 =	simm.s32 $0x0;
	[sflag:s24] =	ssyncadd.s32 @!p1 $0xFFFFC000  }
0x5f: {  	s23 =	smov.u32 s14;
	s24 =	smov.u32 s13;
	[bflag:$0x0] =	sbarrier.arrive $0xFFFF  }
.LBB2_4:
0x60: {  	p1 =	sgt.u32 @!p0 s22, $0x4  }
0x61: {  	p1 =	por p0, !p1  }
0x62: {  	[tilespmem:s19], [sflag:$0x2] =	stream.linear.gather @p1 [spmem:s24], $0x1400, $0x38;
	[tilespmem:$0x1D500] =	vst v63  }
0x63: {  	_ =	swait.ge @p1 [sflag:s20], $0x1400  }
0x64: {  	[sflag:s20] =	ssyncset.done @p1 $0x0  }
0x65: {  	[sflag:s20] =	ssyncadd.s32 @p1 $0xFFFFEC00  }
0x66: {  	[hbm4b:s26+s5] =	stream.linear.scatter @p1 [tilespmem:s19], [sflag:$0x2], $0x1400, $0x38;
	[tilespmem:$0x1D500] =	vst v63  }
0x67: {  	_ =	swait.ge @p1 [sflag:s20], $0x1400  }
0x68: {  	[sflag:s20] =	ssyncset.done @p1 $0x0  }
0x69: {  	[sflag:s20] =	ssyncadd.s32 @p1 $0xFFFFEC00  }
0x6a: {  	[tilespmem:s19], [sflag:$0x2] =	stream.linear.gather @p1 [spmem:s23], $0x1400, $0x38;
	[tilespmem:$0x1D500] =	vst v63  }
0x6b: {  	_ =	swait.ge @p1 [sflag:s20], $0x1400  }
0x6c: {  	[sflag:s20] =	ssyncset.done @p1 $0x0  }
0x6d: {  	[sflag:s20] =	ssyncadd.s32 @p1 $0xFFFFEC00  }
0x6e: {  	[hbm4b:s25+s5] =	stream.linear.scatter @p1 [tilespmem:s19], [sflag:$0x1], $0x1400, $0x38;
	[tilespmem:$0x1D500] =	vst v63  }
0x6f: {  	_ =	swait.ge @p1 [sflag:s16], $0x1400  }
0x70: {  	s22 =	sadd.s32 $0x1, s22;
	[sflag:s16] =	ssyncset.done @p1 $0x0  }
0x71: {  	[sflag:s16] =	ssyncadd.s32 @p1 $0xFFFFEC00;
	p1 =	sne.s32 s22, $0x8  }
.Ltmp1:
0x72: {  	_ = 	snop;
	(pc) =	sbr.rel @p1 .LBB2_4-.Ltmp1, $3  }
0x73: {  	_ =	sdelay $0x1  }
0x74: {  	s24 =	sadd.s32 $0x1400, s24  }
0x75: {  	s26 =	sadd.s32 $0x280, s26;
	s23 =	sadd.s32 $0x1400, s23;
	s25 =	sadd.s32 $0x280, s25  }
0x76: {  	s21 =	sadd.s32 $0x1, s21  }
0x77: {  	p1 =	sne.s32 s21, s8  }
.Ltmp2:
0x78: {  	_ = 	snop;
	(pc) =	sbr.rel @p1 .LBB2_1-.Ltmp2, $1  }
0x79: {  	_ =	sdelay $0x3  }
0x7a: {  	_ =	sfence.sel $0x180000  }
0x7b: {  	[bflag:$0x0] =	sbarrier.arrive $0xFFFF  }
0x7c: {  	p0 =	sne.s32 s4, $0x0;
	_ =	strace $0x90000056  }
0x7d: {  	s0 =	sadd.s32 @!p0 $0x100000, s0;
	[bflag:$0x2] =	sbarrier.arrive $0xFFFF  }
0x7e: {  	[sflag:s0] =	ssyncadd.tile.s32 @!p0 $0x1;
	_ =	shalt  }
.Lfunc_end2:
_tile_overlayer_lowered:
.L_overlay_start_2:
0x7f: {  	(tag) =	ssettag $0x2  }
0x80: {  	s0 =	rddreg [dreg:$0x0];
	s2 =	stileid.u32  }
0x81: {  	s1 =	rddreg [dreg:$0x1];
	p0 =	sne.s32 s2, $0x0  }
0x82: {  	s3 =	rddreg [dreg:$0x2];
	[bflag:$0x3] =	sbarrier.arrive $0xFFFF;
	s2 =	simm.s32 @!p0 $0x1C01  }
0x83: {  	[timem:s3], [sflag:s2] =	dma.local @!p0 [hbm:s0], s1  }
0x84: {  	s0 =	simm.s32 @!p0 $0x1  }
0x85: {  	_ =	swait.ge @!p0 [sflag:s0], s1  }
0x86: {  	s1 =	ssub.s32 @!p0 $0x0, s1;
	[sflag:s0] =	ssyncset.done @!p0 $0x0  }
0x87: {  	[sflag:s0] =	ssyncadd.s32 @!p0 s1  }
0x88: {  	[bflag:$0x3] =	sbarrier.arrive $0xFFFF  }
0x89: {  	_ =	shalt  }

// kernel: kernel.33.cloned.1.call-start
scs
__scs_entry_jumppad:
0x0: {  	(pc) =	sbr.rel $0x88, $3  }
0x1: {  	(tag) =	ssettag $0x0;
	lr =	simm.s32 $0x1  }
0x2: {  	[smem:$0x3F84] =	sst lr;
	_ =	strace $0xD0000000  }
0x3: {  	_ = 	snop  }
0x4: {  	_ = 	snop  }
0x5: {  	_ = 	snop  }
0x6: {  	_ = 	snop  }
0x7: {  	_ = 	snop  }
__scs_overlays_trampoline_lowered:
0x8: {  	[smem:$0x3F93] =	sst s0  }
0x9: {  	[smem:$0x3F94] =	sst s1  }
0xa: {  	[smem:$0x3F95] =	sst s2  }
0xb: {  	[smem:$0x3F96] =	sst s3  }
0xc: {  	[smem:$0x3F97] =	sst s4  }
0xd: {  	[smem:$0x3F98] =	sst s5  }
0xe: {  	[smem:$0x3F99] =	sst s6  }
0xf: {  	[smem:$0x3F9A] =	sst s7  }
0x10: {  	[smem:$0x3F9B] =	sst s8  }
0x11: {  	[smem:$0x3F9C] =	sst s9;
	s0 =	simm.s32 @!p0 $0x0  }
0x12: {  	s1 =	sld [smem:$0x3F82];
	s0 =	simm.s32 @p0 $0x1  }
0x13: {  	[smem:$0x3F9D] =	sst s0;
	s0 =	simm.s32 @!p1 $0x0  }
0x14: {  	s2 =	sld [smem:$0x3F81];
	s0 =	simm.s32 @p1 $0x1  }
0x15: {  	[smem:$0x3F9E] =	sst s0;
	s0 =	simm.s32 @!p2 $0x0  }
0x16: {  	s3 =	sld [smem:$0x3FDB];
	s0 =	simm.s32 @p2 $0x1  }
0x17: {  	s4 =	simm.s32 $0x1BF5;
	[smem:$0x3FA0] =	sst s0  }
0x18: {  	s0 =	sld [smem:$0x3F83];
	_ =	swait.ge [sflag:s4], $0x0  }
0x19: {  	s7 =	sld [smem:$0x3F84]  }
0x1a: {  	s8 =	sadd.s32 $0xFFFFE003, lr  }
0x1b: {  	s9 =	sadd.s32 $0xFFFFFEF7, lr;
	s5 =	simm.s32 $0xFFFFFFFF;
	p2 =	slt.u32 s8, $0xFFFFF086  }
0x1c: {  	p1 =	slt.u32 s9, $0xF7A;
	s5 =	simm.s32 @!p2 $0x0  }
0x1d: {  	s5 =	simm.s32 @p1 $0x1;
	p0 =	seq.s32 s7, s2  }
0x1e: {  	s7 =	smul.u32 @!p0 $0xF7A, s2;
	p2 =	seq.s32 @!p0 s5, $0x0  }
0x1f: {  	s9 =	smul.u32 $0xF7A, s1;
	s8 =	simm.s32 @!p0 $0x1BF5;
	p2 =	por !p2, p0  }
0x20: {  	[sflag:s8] =	ssyncset.s32 @!p0 $0xFFFFF086;
	s6 =	sadd.s32 @!p0 s3, s7;
	s7 =	simm.s32 @!p0 $0x108  }
0x21: {  	s3 =	sadd.s32 s3, s9;
	s6 =	sadd.s32 @!p0 $0x88, s6;
	s7 =	simm.s32 @p2 $0x1082  }
0x22: {  	[simem:s7], [sflag:s8] =	dma.local @!p0 [hbm:s6], $0xF7A  }
0x23: {  	s9 =	sor.u32 $0xD0000000, s2;
	s6 =	simm.s32 $0x108;
	_ =	swait.ge @!p0 [sflag:s8], $0x0  }
0x24: {  	s3 =	sadd.s32 $0x88, s3;
	s6 =	simm.s32 @!p1 $0x1082;
	[sflag:s4] =	ssyncset.s32 $0xFFFFF086  }
0x25: {  	[simem:s6], [sflag:s4] =	dma.local [hbm:s3], $0xF7A  }
0x26: {  	[smem:$0x3F84] =	sst s1;
	(tag) =	ssettag s2;
	_ =	strace s9  }
0x27: {  	s1 =	sld [smem:$0x3F94]  }
0x28: {  	s2 =	sld [smem:$0x3F95]  }
0x29: {  	s4 =	sld [smem:$0x3F97]  }
0x2a: {  	p0 =	seq.s32 s5, $0x0;
	s5 =	sld [smem:$0x3F98]  }
0x2b: {  	s6 =	sld [smem:$0x3F99]  }
0x2c: {  	s7 =	sld [smem:$0x3F9A]  }
0x2d: {  	s3 =	simm.s32 $0x108;
	s8 =	sld [smem:$0x3F9B]  }
0x2e: {  	s3 =	simm.s32 @!p0 $0x1082;
	s9 =	sld [smem:$0x3F9C]  }
0x2f: {  	lr =	sadd.s32 s0, s3;
	s0 =	sld [smem:$0x3F93]  }
0x30: {  	s3 =	sld [smem:$0x3F96]  }
0x31: {  	[smem:$0x3F9F] =	sst s10  }
0x32: {  	s10 =	sld [smem:$0x3F9D];
	_ =	sdelay $0x3  }
0x33: {  	p0 =	seq.s32 s10, $0x1;
	s10 =	sld [smem:$0x3F9F];
	_ =	sdelay $0x3  }
0x34: {  	[smem:$0x3F9F] =	sst s10  }
0x35: {  	s10 =	sld [smem:$0x3F9E];
	_ =	sdelay $0x3  }
0x36: {  	p1 =	seq.s32 s10, $0x1;
	s10 =	sld [smem:$0x3F9F];
	_ =	sdelay $0x3  }
0x37: {  	[smem:$0x3F9F] =	sst s10  }
0x38: {  	s10 =	sld [smem:$0x3FA0]  }
0x39: {  	_ = 	snop;
	(pc) =	sbr.ind lr, $3  }
0x3a: {  	_ = 	snop  }
0x3b: {  	_ = 	snop  }
0x3c: {  	p2 =	seq.s32 s10, $0x1;
	s10 =	sld [smem:$0x3F9F]  }
0x3d: {  	_ =	shalt  }
0x3e: {  	_ =	shalt  }
0x3f: {  	_ =	shalt  }
0x40: {  	_ =	shalt  }
0x41: {  	_ =	shalt  }
0x42: {  	_ =	shalt  }
0x43: {  	_ =	shalt  }
0x44: {  	_ =	shalt  }
0x45: {  	_ =	shalt  }
0x46: {  	_ =	shalt  }
0x47: {  	_ =	shalt  }
0x48: {  	_ =	shalt  }
0x49: {  	_ =	shalt  }
0x4a: {  	_ =	shalt  }
0x4b: {  	_ =	shalt  }
0x4c: {  	_ =	shalt  }
0x4d: {  	_ =	shalt  }
0x4e: {  	_ =	shalt  }
0x4f: {  	_ =	shalt  }
0x50: {  	_ =	shalt  }
0x51: {  	_ =	shalt  }
0x52: {  	_ =	shalt  }
0x53: {  	_ =	shalt  }
0x54: {  	_ =	shalt  }
0x55: {  	_ =	shalt  }
0x56: {  	_ =	shalt  }
0x57: {  	_ =	shalt  }
0x58: {  	_ =	shalt  }
0x59: {  	_ =	shalt  }
0x5a: {  	_ =	shalt  }
0x5b: {  	_ =	shalt  }
0x5c: {  	_ =	shalt  }
0x5d: {  	_ =	shalt  }
0x5e: {  	_ =	shalt  }
0x5f: {  	_ =	shalt  }
0x60: {  	_ =	shalt  }
0x61: {  	_ =	shalt  }
0x62: {  	_ =	shalt  }
0x63: {  	_ =	shalt  }
0x64: {  	_ =	shalt  }
0x65: {  	_ =	shalt  }
0x66: {  	_ =	shalt  }
0x67: {  	_ =	shalt  }
0x68: {  	_ =	shalt  }
0x69: {  	_ =	shalt  }
0x6a: {  	_ =	shalt  }
0x6b: {  	_ =	shalt  }
0x6c: {  	_ =	shalt  }
0x6d: {  	_ =	shalt  }
0x6e: {  	_ =	shalt  }
0x6f: {  	_ =	shalt  }
0x70: {  	_ =	shalt  }
0x71: {  	_ =	shalt  }
0x72: {  	_ =	shalt  }
0x73: {  	_ =	shalt  }
0x74: {  	_ =	shalt  }
0x75: {  	_ =	shalt  }
0x76: {  	_ =	shalt  }
0x77: {  	_ =	shalt  }
0x78: {  	_ =	shalt  }
0x79: {  	_ =	shalt  }
0x7a: {  	_ =	shalt  }
0x7b: {  	_ =	shalt  }
0x7c: {  	_ =	shalt  }
0x7d: {  	_ =	shalt  }
0x7e: {  	_ =	shalt  }
0x7f: {  	_ =	shalt  }
0x80: {  	_ =	shalt  }
0x81: {  	_ =	shalt  }
0x82: {  	_ =	shalt  }
0x83: {  	_ =	shalt  }
0x84: {  	_ =	shalt  }
0x85: {  	_ =	shalt  }
0x86: {  	_ =	shalt  }
0x87: {  	_ =	shalt  }
.Lfunc_end0:
.L_simem_size_0:
called_computation.5_lowered:
.L_overlay_start_0:
0x88: {  	s2 =	sld [smem:$0x3FD9]  }
0x89: {  	s3 =	sld [smem:$0x3FFE];
	_ =	sdelay $0x1  }
0x8a: {  	s1 =	srdreg.scid  }
0x8b: {  	s0 =	sand.u32 $0x1, s1  }
0x8c: {  	s17 =	sshll.u32 s0, $0xA;
	s2 =	sadd.s32 s3, s2  }
0x8d: {  	s2 =	sadd.s32 s2, s17  }
0x8e: {  	[smem:$0x3FAB] =	sst s2  }
0x8f: {  	_ = 	snop  }
0x90: {  	s18 =	sld [smem:$0x3FC9];
	(tm) =	ssettm $0x1  }
0x91: {  	s19 =	sld [smem:$0x3FFB];
	_ =	sdelay $0x3  }
0x92: {  	_ =	strace s19  }
0x93: {  	s2 =	sld [smem:$0x3FFC];
	_ =	sdelay $0x3  }
0x94: {  	_ =	strace s2  }
0x95: {  	s2 =	sld [smem:$0x3FFD];
	_ =	sdelay $0x3  }
0x96: {  	_ =	strace s2  }
0x97: {  	_ =	strace $0x8FFFFFFF  }
0x98: {  	s20 =	sld [smem:$0x3FDB];
	_ =	sdelay $0x1  }
0x99: {  	s4 =	simm.s32 $_scs_section_size  }
0x9a: {  	s5 =	simm.s32 $_size__tile_overlayer_lowered;
	s6 =	simm.s32 $_tile_overlayer_lowered  }
0x9b: {  	s7 =	simm.s32 $0x1BFF;
	s21 =	sshll.u32 s6, $0x1;
	s4 =	sadd.s32 s4, s20  }
0x9c: {  	s22 =	simm.s32 $0x0;
	s5 =	sshll.u32 s5, $0x1;
	s6 =	sadd.s32 s21, s4  }
0x9d: {  	[timem:s22], [sflag:s7] =	dma.local [hbm:s6], s5  }
0x9e: {  	_ =	swait.ge [sflag:s7], s5  }
0x9f: {  	s5 =	ssub.s32 $0x0, s5;
	[sflag:s7] =	ssyncset.done $0x0  }
0xa0: {  	[sflag:s7] =	ssyncadd.s32 s5;
	_ =	sdelay $0x1  }
0xa1: {  	s23 =	simm.s32 $0x1B8B  }
0xa2: {  	_ =	swait.ge [sflag:s23], $0x1  }
0xa3: {  	[sflag:s23] =	ssyncset.done $0x0  }
0xa4: {  	[sflag:s23] =	ssyncadd.s32 $0xFFFFFFFF  }
0xa5: {  	s5 =	sld [smem:$0x0]  }
0xa6: {  	s6 =	sand.u32 $0xFFFFFFFE, s1  }
0xa7: {  	p0 =	sne.s32 s1, s6  }
0xa8: {  	s6 =	sshll.u32 @p0 s6, $0xE  }
0xa9: {  	s6 =	sadd.s32 @p0 $0x11B8D, s6;
	s7 =	sshll.u32 @p0 s5, $0x11  }
0xaa: {  	s6 =	sor.u32 @p0 s7, s6  }
0xab: {  	[sflag:s6] =	ssyncadd.remote.s32 @p0 $0x1;
	_ =	sdelay $0x1  }
0xac: {  	s6 =	simm.s32 @p0 $0x1B8D  }
0xad: {  	_ =	swait.eq @p0 [sflag:s6], $0x1  }
0xae: {  	[sflag:s6] =	ssyncadd.s32 @p0 $0xFFFFFFFF  }
0xaf: {  	s7 =	sshll.u32 @!p0 s1, $0xE  }
0xb0: {  	s7 =	sor.u32 @!p0 $0x4000, s7;
	s6 =	simm.s32 @!p0 $0x1B8D  }
0xb1: {  	s5 =	sshll.u32 @!p0 s5, $0x11;
	s7 =	sadd.s32 @!p0 $0x11B8D, s7;
	_ =	swait.eq @!p0 [sflag:s6], $0x1  }
0xb2: {  	s5 =	sor.u32 @!p0 s5, s7;
	[sflag:s6] =	ssyncadd.s32 @!p0 $0xFFFFFFFF  }
0xb3: {  	s25 =	simm.s32 $0x1B8E;
	s24 =	sld [smem:$0x3FFE];
	[sflag:s5] =	ssyncadd.remote.s32 @!p0 $0x1  }
0xb4: {  	s26 =	simm.s32 $execute0_lowered;
	[smem:$0x3FD2] =	sst s25  }
0xb5: {  	s6 =	sshll.u32 s26, $0x1;
	_ =	strace $0x8000004C;
	[dreg:$0x1] =	wrdreg $0xFFFFFFFF  }
0xb6: {  	s28 =	simm.s32 $_size_execute0_lowered;
	s4 =	sadd.s32 s4, s6;
	[dreg:$0x0] =	wrdreg $0x0  }
0xb7: {  	s6 =	sshll.u32 s28, $0x1;
	[dreg:$0x2] =	wrdreg s4  }
0xb8: {  	[dreg:$0x3] =	wrdreg s6  }
0xb9: {  	[dreg:$0x4] =	wrdreg $0xC0  }
0xba: {  	_ =	task [dreg:s22], $0x5FFFF  }
0xbb: {  	[dreg:$0x1] =	wrdreg $0xFFFFFFFF  }
0xbc: {  	[dreg:$0x0] =	wrdreg $0x60  }
0xbd: {  	[dreg:$0x2] =	wrdreg s18  }
0xbe: {  	[dreg:$0x3] =	wrdreg s24  }
0xbf: {  	[dreg:$0x4] =	wrdreg $0xB  }
0xc0: {  	_ =	task.clear_ibuf [dreg:s22], $0x5FFFF;
	_ =	strace $0x9000004C  }
0xc1: {  	s29 =	simm.s32 $0xB;
	_ =	strace $0x8000004E  }
0xc2: {  	_ =	swait.ge [sflag:s29], $0x1  }
0xc3: {  	[sflag:s29] =	ssyncadd.s32 $0xFFFFFFFF  }
0xc4: {  	_ =	strace $0x9000004E  }
0xc5: {  	_ =	sfence  }
0xc6: {  	s30 =	sld [smem:$0x0];
	_ =	sdelay $0x2  }
0xc7: {  	s31 =	sshll.u32 s1, $0xD;
	s1 =	sshrl.u32 s1, $0x2  }
0xc8: {  	s4 =	sand.u32 $0x4000, s31;
	s1 =	sadd.s32 s1, s30  }
0xc9: {  	s0 =	sor.u32 s4, s0;
	s1 =	sshll.u32 s1, $0x11  }
0xca: {  	s0 =	sor.u32 s1, s0  }
0xcb: {  	s0 =	sadd.s32 $0x8F2B, s0  }
0xcc: {  	[sflag:s0] =	ssyncadd.remote.s32 $0x1  }
0xcd: {  	_ =	sfence.sel $0xFFFF  }
0xce: {  	[dreg:$0x0] =	wrdreg $0xFFFFFFFF;
	(pc) =	sbr.abs _section_cstart, $3  }
0xcf: {  	[dreg:$0x1] =	wrdreg $0xFFFFFFFF  }
0xd0: {  	_ =	task.clear_ibuf [dreg:s22], $0x2FFFF;
	_ =	strace $0x9FFFFFFF  }
0xd1: {  	(tm) =	ssettm $0x7FFFFFFF  }
tec
execute0_lowered:
.L_overlay_start_1:
0x0: {  	(tag) =	ssettag $0x1  }
0x1: {  	s1 =	rddreg [dreg:$0x0];
	s3 =	srdreg.scid  }
0x2: {  	s4 =	rddreg [dreg:$0x1];
	s5 =	sand.u32 $0x1, s3  }
0x3: {  	s0 =	rddreg [dreg:$0x2];
	s6 =	smul.u32 $0x320, s5  }
0x4: {  	s2 =	simm.s32 $0x0;
	s3 =	stileid.u32;
	s7 =	smul.u32 $0x19000, s5  }
0x5: {  	[smem:$0x7FF] =	sst s2;
	s9 =	smul.u32 $0x32, s3  }
0x6: {  	_ =	strace $0x8000004D;
	s8 =	ssub.s32 $0x2, s5;
	s11 =	smul.u32 $0x1900, s3  }
0x7: {  	s12 =	sshll.u32 s5, $0x4;
	s10 =	sshrl.u32 s8, $0x1;
	s6 =	sadd.s32 s6, s4  }
0x8: {  	s7 =	sadd.s32 s7, s4;
	s4 =	sadd.s32 $0x9200, s4;
	s8 =	ssub.s32 s8, s10  }
0x9: {  	s5 =	smax.u32 s8, $0x1;
	s30 =	sadd.s32 s9, s6;
	s31 =	sadd.s32 s11, s7  }
0xa: {  	s6 =	sadd.s32 $0x3A400, s30;
	s7 =	sadd.s32 $0x32C00, s30;
	s8 =	sadd.s32 $0x3E8C00, s31  }
0xb: {  	s11 =	sor.u32 s12, s3;
	s9 =	sadd.s32 $0x521400, s31;
	s10 =	sadd.s32 $0x659C00, s31  }
.LBB2_1:
0xc: {  	p0 =	sgt.u32 s11, $0xC7  }
0xd: {  	s13 =	simm.s32 @!p0 $0x0;
	s12 =	simm.s32 @!p0 $0x4;
	p0 =	por p0, p0  }
0xe: {  	[tilespmem:s13], [sflag:$0x4] =	stream.linear.gather @!p0 [hbm4b:s6+s13], $0x190, $0x38;
	[tilespmem:$0x19400] =	vst v63  }
0xf: {  	_ =	swait.ge @!p0 [sflag:s12], $0x190  }
0x10: {  	[sflag:s12] =	ssyncset.done @!p0 $0x0  }
0x11: {  	s14 =	simm.s32 @!p0 $0x200;
	[sflag:s12] =	ssyncadd.s32 @!p0 $0xFFFFFE70  }
0x12: {  	[tilespmem:s14], [sflag:$0x4] =	stream.linear.gather @!p0 [hbm4b:s7+s13], $0x190, $0x38;
	[tilespmem:$0x19400] =	vst v63  }
0x13: {  	_ =	swait.ge @!p0 [sflag:s12], $0x190  }
0x14: {  	[sflag:s12] =	ssyncset.done @!p0 $0x0  }
0x15: {  	s15 =	simm.s32 @!p0 $0x190;
	s16 =	simm.s32 @!p0 $0x400;
	[sflag:s12] =	ssyncadd.s32 @!p0 $0xFFFFFE70  }
0x16: {  	[tilespmem:s16], [sflag:$0x1] =	stream.indirect.gather @!p0 [hbm4b:s1+s15], $0x80, s13, s15, $0xb8;
	[tilespmem:$0x19400] =	vst v63  }
0x17: {  	s17 =	simm.s32 @!p0 $0xCC00;
	s18 =	simm.s32 @!p0 $0x1  }
0x18: {  	[tilespmem:s17], [sflag:$0x2] =	stream.indirect.gather @!p0 [hbm4b:s1+s15], $0x80, s14, s15, $0xb8;
	[tilespmem:$0x19400] =	vst v63  }
0x19: {  	_ =	swait.ge @!p0 [sflag:s18], $0xC800  }
0x1a: {  	[sflag:s18] =	ssyncset.done @!p0 $0x0  }
0x1b: {  	s14 =	simm.s32 @!p0 $0x2;
	[sflag:s18] =	ssyncadd.s32 @!p0 $0xFFFF3800  }
0x1c: {  	_ =	swait.ge @!p0 [sflag:s14], $0xC800  }
0x1d: {  	[sflag:s14] =	ssyncset.done @!p0 $0x0  }
0x1e: {  	[sflag:s14] =	ssyncadd.s32 @!p0 $0xFFFF3800;
	s14 =	sadd.s32 @!p0 $0x0, s8  }
0x1f: {  	[hbm4b:s14+s13] =	stream.linear.scatter @!p0 [tilespmem:s16], [sflag:$0x4], $0xC800, $0x38;
	[tilespmem:$0x19400] =	vst v63  }
0x20: {  	_ =	swait.ge @!p0 [sflag:s12], $0xC800  }
0x21: {  	[sflag:s12] =	ssyncset.done @!p0 $0x0  }
0x22: {  	s14 =	sadd.s32 @!p0 $0x0, s9;
	[sflag:s12] =	ssyncadd.s32 @!p0 $0xFFFF3800  }
0x23: {  	[hbm4b:s14+s13] =	stream.linear.scatter @!p0 [tilespmem:s17], [sflag:$0x4], $0xC800, $0x38;
	[tilespmem:$0x19400] =	vst v63  }
0x24: {  	_ =	swait.ge @!p0 [sflag:s12], $0xC800  }
0x25: {  	[sflag:s12] =	ssyncset.done @!p0 $0x0  }
0x26: {  	[sflag:s12] =	ssyncadd.s32 @!p0 $0xFFFF3800  }
0x27: {  	[tilespmem:s16], [sflag:$0x1] =	stream.indirect.gather @!p0 [hbm4b:s4+s15], $0x80, s13, s15, $0xb8;
	[tilespmem:$0x19400] =	vst v63  }
0x28: {  	_ =	swait.ge @!p0 [sflag:s18], $0xC800  }
0x29: {  	s14 =	simm.s32 $0x64000;
	s12 =	simm.s32 $0x32000;
	[sflag:s18] =	ssyncset.done @!p0 $0x0  }
0x2a: {  	s15 =	sadd.s32 @!p0 $0x0, s10;
	[sflag:s18] =	ssyncadd.s32 @!p0 $0xFFFF3800;
	s18 =	simm.s32 @!p0 $0x3  }
0x2b: {  	[hbm4b:s15+s13] =	stream.linear.scatter @!p0 [tilespmem:s16], [sflag:$0x3], $0xC800, $0x38;
	[tilespmem:$0x19400] =	vst v63  }
0x2c: {  	s13 =	sadd.s32 $0x640, s7;
	s16 =	sadd.s32 $0x20, s11;
	_ =	swait.ge @!p0 [sflag:s18], $0xC800  }
0x2d: {  	s15 =	sadd.s32 $0x640, s6;
	p2 =	sgt.u32 s16, $0xC7;
	[sflag:s18] =	ssyncset.done @!p0 $0x0  }
.LBB2_2:
0x2e: {  	s17 =	simm.s32 @!p2 $0x0;
	s19 =	simm.s32 @!p2 $0x4;
	[sflag:s18] =	ssyncadd.s32 @!p0 $0xFFFF3800  }
0x2f: {  	s18 =	smov.u32 s12;
	s12 =	smov.u32 s14;
	p0 =	por p2, p2  }
0x30: {  	[tilespmem:s17], [sflag:$0x4] =	stream.linear.gather @!p0 [hbm4b:s15+s17], $0x190, $0x38;
	[tilespmem:$0x19400] =	vst v63  }
0x31: {  	s14 =	sadd.s32 $0x32000, s14;
	_ =	swait.ge @!p0 [sflag:s19], $0x190  }
0x32: {  	p1 =	sne.s32 s14, $0x15E000;
	[sflag:s19] =	ssyncset.done @!p0 $0x0  }
0x33: {  	s20 =	simm.s32 @!p0 $0x200;
	[sflag:s19] =	ssyncadd.s32 @!p0 $0xFFFFFE70  }
0x34: {  	[tilespmem:s20], [sflag:$0x4] =	stream.linear.gather @!p0 [hbm4b:s13+s17], $0x190, $0x38;
	[tilespmem:$0x19400] =	vst v63  }
0x35: {  	_ =	swait.ge @!p0 [sflag:s19], $0x190  }
0x36: {  	[sflag:s19] =	ssyncset.done @!p0 $0x0  }
0x37: {  	s21 =	simm.s32 @!p0 $0x190;
	s22 =	simm.s32 @!p0 $0x400;
	[sflag:s19] =	ssyncadd.s32 @!p0 $0xFFFFFE70  }
0x38: {  	[tilespmem:s22], [sflag:$0x1] =	stream.indirect.gather @!p0 [hbm4b:s1+s21], $0x80, s17, s21, $0xb8;
	[tilespmem:$0x19400] =	vst v63  }
0x39: {  	s23 =	simm.s32 @!p0 $0xCC00;
	s24 =	simm.s32 @!p0 $0x1  }
0x3a: {  	[tilespmem:s23], [sflag:$0x2] =	stream.indirect.gather @!p0 [hbm4b:s1+s21], $0x80, s20, s21, $0xb8;
	[tilespmem:$0x19400] =	vst v63  }
0x3b: {  	_ =	swait.ge @!p0 [sflag:s24], $0xC800  }
0x3c: {  	[sflag:s24] =	ssyncset.done @!p0 $0x0  }
0x3d: {  	s20 =	simm.s32 @!p0 $0x2;
	[sflag:s24] =	ssyncadd.s32 @!p0 $0xFFFF3800  }
0x3e: {  	_ =	swait.ge @!p0 [sflag:s20], $0xC800  }
0x3f: {  	[sflag:s20] =	ssyncset.done @!p0 $0x0  }
0x40: {  	[sflag:s20] =	ssyncadd.s32 @!p0 $0xFFFF3800;
	s20 =	sadd.s32 @!p0 s18, s8  }
0x41: {  	[hbm4b:s20+s17] =	stream.linear.scatter @!p0 [tilespmem:s22], [sflag:$0x4], $0xC800, $0x38;
	[tilespmem:$0x19400] =	vst v63  }
0x42: {  	_ =	swait.ge @!p0 [sflag:s19], $0xC800  }
0x43: {  	[sflag:s19] =	ssyncset.done @!p0 $0x0  }
0x44: {  	s20 =	sadd.s32 @!p0 s18, s9;
	[sflag:s19] =	ssyncadd.s32 @!p0 $0xFFFF3800  }
0x45: {  	[hbm4b:s20+s17] =	stream.linear.scatter @!p0 [tilespmem:s23], [sflag:$0x4], $0xC800, $0x38;
	[tilespmem:$0x19400] =	vst v63  }
0x46: {  	_ =	swait.ge @!p0 [sflag:s19], $0xC800  }
0x47: {  	[sflag:s19] =	ssyncset.done @!p0 $0x0  }
0x48: {  	[sflag:s19] =	ssyncadd.s32 @!p0 $0xFFFF3800  }
0x49: {  	[tilespmem:s22], [sflag:$0x1] =	stream.indirect.gather @!p0 [hbm4b:s4+s21], $0x80, s17, s21, $0xb8;
	[tilespmem:$0x19400] =	vst v63  }
0x4a: {  	_ =	swait.ge @!p0 [sflag:s24], $0xC800  }
.Ltmp0:
0x4b: {  	[sflag:s24] =	ssyncset.done @!p0 $0x0;
	(pc) =	sbr.rel @p1 .LBB2_2-.Ltmp0, $4  }
0x4c: {  	s19 =	sadd.s32 @!p0 s18, s10;
	s18 =	simm.s32 @!p0 $0x3;
	[sflag:s24] =	ssyncadd.s32 @!p0 $0xFFFF3800  }
0x4d: {  	[hbm4b:s19+s17] =	stream.linear.scatter @!p0 [tilespmem:s22], [sflag:$0x3], $0xC800, $0x38;
	[tilespmem:$0x19400] =	vst v63  }
0x4e: {  	s16 =	sadd.s32 $0x20, s16;
	s13 =	sadd.s32 $0x640, s13;
	_ =	swait.ge @!p0 [sflag:s18], $0xC800  }
0x4f: {  	p2 =	sgt.u32 s16, $0xC7;
	s15 =	sadd.s32 $0x640, s15;
	[sflag:s18] =	ssyncset.done @!p0 $0x0  }
0x50: {  	s14 =	simm.s32 @!p2 $0x0  }
0x51: {  	s16 =	simm.s32 @!p2 $0x4;
	[sflag:s18] =	ssyncadd.s32 @!p0 $0xFFFF3800;
	p0 =	por p2, p2  }
0x52: {  	[tilespmem:s14], [sflag:$0x4] =	stream.linear.gather @!p0 [hbm4b:s15+s14], $0x190, $0x38;
	[tilespmem:$0x19400] =	vst v63  }
0x53: {  	_ =	swait.ge @!p0 [sflag:s16], $0x190  }
0x54: {  	[sflag:s16] =	ssyncset.done @!p0 $0x0  }
0x55: {  	s15 =	simm.s32 @!p0 $0x200;
	[sflag:s16] =	ssyncadd.s32 @!p0 $0xFFFFFE70  }
0x56: {  	[tilespmem:s15], [sflag:$0x4] =	stream.linear.gather @!p0 [hbm4b:s13+s14], $0x190, $0x38;
	[tilespmem:$0x19400] =	vst v63  }
0x57: {  	_ =	swait.ge @!p0 [sflag:s16], $0x190  }
0x58: {  	[sflag:s16] =	ssyncset.done @!p0 $0x0  }
0x59: {  	s17 =	simm.s32 @!p0 $0x400;
	s13 =	simm.s32 @!p0 $0x190;
	[sflag:s16] =	ssyncadd.s32 @!p0 $0xFFFFFE70  }
0x5a: {  	[tilespmem:s17], [sflag:$0x1] =	stream.indirect.gather @!p0 [hbm4b:s1+s13], $0x80, s14, s13, $0xb8;
	[tilespmem:$0x19400] =	vst v63  }
0x5b: {  	s18 =	simm.s32 @!p0 $0xCC00;
	s19 =	simm.s32 @!p0 $0x1  }
0x5c: {  	[tilespmem:s18], [sflag:$0x2] =	stream.indirect.gather @!p0 [hbm4b:s1+s13], $0x80, s15, s13, $0xb8;
	[tilespmem:$0x19400] =	vst v63  }
0x5d: {  	_ =	swait.ge @!p0 [sflag:s19], $0xC800  }
0x5e: {  	[sflag:s19] =	ssyncset.done @!p0 $0x0  }
0x5f: {  	s15 =	simm.s32 @!p0 $0x2;
	[sflag:s19] =	ssyncadd.s32 @!p0 $0xFFFF3800  }
0x60: {  	_ =	swait.ge @!p0 [sflag:s15], $0xC800  }
0x61: {  	[sflag:s15] =	ssyncset.done @!p0 $0x0  }
0x62: {  	[sflag:s15] =	ssyncadd.s32 @!p0 $0xFFFF3800;
	s15 =	sadd.s32 @!p0 s12, s8  }
0x63: {  	[hbm4b:s15+s14] =	stream.linear.scatter @!p0 [tilespmem:s17], [sflag:$0x4], $0xC800, $0x38;
	[tilespmem:$0x19400] =	vst v63  }
0x64: {  	_ =	swait.ge @!p0 [sflag:s16], $0xC800  }
0x65: {  	[sflag:s16] =	ssyncset.done @!p0 $0x0  }
0x66: {  	s15 =	sadd.s32 @!p0 s12, s9;
	[sflag:s16] =	ssyncadd.s32 @!p0 $0xFFFF3800  }
0x67: {  	[hbm4b:s15+s14] =	stream.linear.scatter @!p0 [tilespmem:s18], [sflag:$0x4], $0xC800, $0x38;
	[tilespmem:$0x19400] =	vst v63  }
0x68: {  	_ =	swait.ge @!p0 [sflag:s16], $0xC800  }
0x69: {  	[sflag:s16] =	ssyncset.done @!p0 $0x0  }
0x6a: {  	[sflag:s16] =	ssyncadd.s32 @!p0 $0xFFFF3800  }
0x6b: {  	[tilespmem:s17], [sflag:$0x1] =	stream.indirect.gather @!p0 [hbm4b:s4+s13], $0x80, s14, s13, $0xb8;
	[tilespmem:$0x19400] =	vst v63  }
0x6c: {  	s2 =	sadd.s32 $0x1, s2;
	_ =	swait.ge @!p0 [sflag:s19], $0xC800  }
0x6d: {  	p1 =	sne.s32 s2, s5;
	s12 =	sadd.s32 @!p0 s12, s10;
	[sflag:s19] =	ssyncset.done @!p0 $0x0  }
.Ltmp1:
0x6e: {  	s13 =	simm.s32 @!p0 $0x3;
	[sflag:s19] =	ssyncadd.s32 @!p0 $0xFFFF3800;
	(pc) =	sbr.rel @p1 .LBB2_1-.Ltmp1, $4  }
0x6f: {  	[hbm4b:s12+s14] =	stream.linear.scatter @!p0 [tilespmem:s17], [sflag:$0x3], $0xC800, $0x38;
	[tilespmem:$0x19400] =	vst v63  }
0x70: {  	_ =	swait.ge @!p0 [sflag:s13], $0xC800  }
0x71: {  	[sflag:s13] =	ssyncset.done @!p0 $0x0  }
0x72: {  	[sflag:s13] =	ssyncadd.s32 @!p0 $0xFFFF3800  }
0x73: {  	_ =	sfence.sel $0x180000  }
0x74: {  	[bflag:$0x0] =	sbarrier.arrive $0xFFFF  }
0x75: {  	p0 =	sne.s32 s3, $0x0;
	_ =	strace $0x9000004D  }
0x76: {  	s0 =	sadd.s32 @!p0 $0x100000, s0;
	[bflag:$0x2] =	sbarrier.arrive $0xFFFF  }
0x77: {  	[sflag:s0] =	ssyncadd.tile.s32 @!p0 $0x1;
	_ =	shalt  }
.Lfunc_end2:
_tile_overlayer_lowered:
.L_overlay_start_2:
0x78: {  	(tag) =	ssettag $0x2  }
0x79: {  	s0 =	rddreg [dreg:$0x0];
	s2 =	stileid.u32  }
0x7a: {  	s1 =	rddreg [dreg:$0x1];
	p0 =	sne.s32 s2, $0x0  }
0x7b: {  	s3 =	rddreg [dreg:$0x2];
	[bflag:$0x3] =	sbarrier.arrive $0xFFFF;
	s2 =	simm.s32 @!p0 $0x1C03  }
0x7c: {  	[timem:s3], [sflag:s2] =	dma.local @!p0 [hbm:s0], s1  }
0x7d: {  	s0 =	simm.s32 @!p0 $0x3  }
0x7e: {  	_ =	swait.ge @!p0 [sflag:s0], s1  }
0x7f: {  	s1 =	ssub.s32 @!p0 $0x0, s1;
	[sflag:s0] =	ssyncset.done @!p0 $0x0  }
0x80: {  	[sflag:s0] =	ssyncadd.s32 @!p0 s1  }
0x81: {  	[bflag:$0x3] =	sbarrier.arrive $0xFFFF  }
0x82: {  	_ =	shalt  }

// kernel: kernel.36.cloned.1.call-start
scs
__scs_entry_jumppad:
0x0: {  	(pc) =	sbr.rel $0x88, $3  }
0x1: {  	(tag) =	ssettag $0x0;
	lr =	simm.s32 $0x1  }
0x2: {  	[smem:$0x3F84] =	sst lr;
	_ =	strace $0xD0000000  }
0x3: {  	_ = 	snop  }
0x4: {  	_ = 	snop  }
0x5: {  	_ = 	snop  }
0x6: {  	_ = 	snop  }
0x7: {  	_ = 	snop  }
__scs_overlays_trampoline_lowered:
0x8: {  	[smem:$0x3F93] =	sst s0  }
0x9: {  	[smem:$0x3F94] =	sst s1  }
0xa: {  	[smem:$0x3F95] =	sst s2  }
0xb: {  	[smem:$0x3F96] =	sst s3  }
0xc: {  	[smem:$0x3F97] =	sst s4  }
0xd: {  	[smem:$0x3F98] =	sst s5  }
0xe: {  	[smem:$0x3F99] =	sst s6  }
0xf: {  	[smem:$0x3F9A] =	sst s7  }
0x10: {  	[smem:$0x3F9B] =	sst s8  }
0x11: {  	[smem:$0x3F9C] =	sst s9;
	s0 =	simm.s32 @!p0 $0x0  }
0x12: {  	s1 =	sld [smem:$0x3F82];
	s0 =	simm.s32 @p0 $0x1  }
0x13: {  	[smem:$0x3F9D] =	sst s0;
	s0 =	simm.s32 @!p1 $0x0  }
0x14: {  	s2 =	sld [smem:$0x3F81];
	s0 =	simm.s32 @p1 $0x1  }
0x15: {  	[smem:$0x3F9E] =	sst s0;
	s0 =	simm.s32 @!p2 $0x0  }
0x16: {  	s3 =	sld [smem:$0x3FDB];
	s0 =	simm.s32 @p2 $0x1  }
0x17: {  	s4 =	simm.s32 $0x1BF5;
	[smem:$0x3FA0] =	sst s0  }
0x18: {  	s0 =	sld [smem:$0x3F83];
	_ =	swait.ge [sflag:s4], $0x0  }
0x19: {  	s7 =	sld [smem:$0x3F84]  }
0x1a: {  	s8 =	sadd.s32 $0xFFFFE003, lr  }
0x1b: {  	s9 =	sadd.s32 $0xFFFFFEF7, lr;
	s5 =	simm.s32 $0xFFFFFFFF;
	p2 =	slt.u32 s8, $0xFFFFF086  }
0x1c: {  	p1 =	slt.u32 s9, $0xF7A;
	s5 =	simm.s32 @!p2 $0x0  }
0x1d: {  	s5 =	simm.s32 @p1 $0x1;
	p0 =	seq.s32 s7, s2  }
0x1e: {  	s7 =	smul.u32 @!p0 $0xF7A, s2;
	p2 =	seq.s32 @!p0 s5, $0x0  }
0x1f: {  	s9 =	smul.u32 $0xF7A, s1;
	s8 =	simm.s32 @!p0 $0x1BF5;
	p2 =	por !p2, p0  }
0x20: {  	[sflag:s8] =	ssyncset.s32 @!p0 $0xFFFFF086;
	s6 =	sadd.s32 @!p0 s3, s7;
	s7 =	simm.s32 @!p0 $0x108  }
0x21: {  	s3 =	sadd.s32 s3, s9;
	s6 =	sadd.s32 @!p0 $0x88, s6;
	s7 =	simm.s32 @p2 $0x1082  }
0x22: {  	[simem:s7], [sflag:s8] =	dma.local @!p0 [hbm:s6], $0xF7A  }
0x23: {  	s9 =	sor.u32 $0xD0000000, s2;
	s6 =	simm.s32 $0x108;
	_ =	swait.ge @!p0 [sflag:s8], $0x0  }
0x24: {  	s3 =	sadd.s32 $0x88, s3;
	s6 =	simm.s32 @!p1 $0x1082;
	[sflag:s4] =	ssyncset.s32 $0xFFFFF086  }
0x25: {  	[simem:s6], [sflag:s4] =	dma.local [hbm:s3], $0xF7A  }
0x26: {  	[smem:$0x3F84] =	sst s1;
	(tag) =	ssettag s2;
	_ =	strace s9  }
0x27: {  	s1 =	sld [smem:$0x3F94]  }
0x28: {  	s2 =	sld [smem:$0x3F95]  }
0x29: {  	s4 =	sld [smem:$0x3F97]  }
0x2a: {  	p0 =	seq.s32 s5, $0x0;
	s5 =	sld [smem:$0x3F98]  }
0x2b: {  	s6 =	sld [smem:$0x3F99]  }
0x2c: {  	s7 =	sld [smem:$0x3F9A]  }
0x2d: {  	s3 =	simm.s32 $0x108;
	s8 =	sld [smem:$0x3F9B]  }
0x2e: {  	s3 =	simm.s32 @!p0 $0x1082;
	s9 =	sld [smem:$0x3F9C]  }
0x2f: {  	lr =	sadd.s32 s0, s3;
	s0 =	sld [smem:$0x3F93]  }
0x30: {  	s3 =	sld [smem:$0x3F96]  }
0x31: {  	[smem:$0x3F9F] =	sst s10  }
0x32: {  	s10 =	sld [smem:$0x3F9D];
	_ =	sdelay $0x3  }
0x33: {  	p0 =	seq.s32 s10, $0x1;
	s10 =	sld [smem:$0x3F9F];
	_ =	sdelay $0x3  }
0x34: {  	[smem:$0x3F9F] =	sst s10  }
0x35: {  	s10 =	sld [smem:$0x3F9E];
	_ =	sdelay $0x3  }
0x36: {  	p1 =	seq.s32 s10, $0x1;
	s10 =	sld [smem:$0x3F9F];
	_ =	sdelay $0x3  }
0x37: {  	[smem:$0x3F9F] =	sst s10  }
0x38: {  	s10 =	sld [smem:$0x3FA0]  }
0x39: {  	_ = 	snop;
	(pc) =	sbr.ind lr, $3  }
0x3a: {  	_ = 	snop  }
0x3b: {  	_ = 	snop  }
0x3c: {  	p2 =	seq.s32 s10, $0x1;
	s10 =	sld [smem:$0x3F9F]  }
0x3d: {  	_ =	shalt  }
0x3e: {  	_ =	shalt  }
0x3f: {  	_ =	shalt  }
0x40: {  	_ =	shalt  }
0x41: {  	_ =	shalt  }
0x42: {  	_ =	shalt  }
0x43: {  	_ =	shalt  }
0x44: {  	_ =	shalt  }
0x45: {  	_ =	shalt  }
0x46: {  	_ =	shalt  }
0x47: {  	_ =	shalt  }
0x48: {  	_ =	shalt  }
0x49: {  	_ =	shalt  }
0x4a: {  	_ =	shalt  }
0x4b: {  	_ =	shalt  }
0x4c: {  	_ =	shalt  }
0x4d: {  	_ =	shalt  }
0x4e: {  	_ =	shalt  }
0x4f: {  	_ =	shalt  }
0x50: {  	_ =	shalt  }
0x51: {  	_ =	shalt  }
0x52: {  	_ =	shalt  }
0x53: {  	_ =	shalt  }
0x54: {  	_ =	shalt  }
0x55: {  	_ =	shalt  }
0x56: {  	_ =	shalt  }
0x57: {  	_ =	shalt  }
0x58: {  	_ =	shalt  }
0x59: {  	_ =	shalt  }
0x5a: {  	_ =	shalt  }
0x5b: {  	_ =	shalt  }
0x5c: {  	_ =	shalt  }
0x5d: {  	_ =	shalt  }
0x5e: {  	_ =	shalt  }
0x5f: {  	_ =	shalt  }
0x60: {  	_ =	shalt  }
0x61: {  	_ =	shalt  }
0x62: {  	_ =	shalt  }
0x63: {  	_ =	shalt  }
0x64: {  	_ =	shalt  }
0x65: {  	_ =	shalt  }
0x66: {  	_ =	shalt  }
0x67: {  	_ =	shalt  }
0x68: {  	_ =	shalt  }
0x69: {  	_ =	shalt  }
0x6a: {  	_ =	shalt  }
0x6b: {  	_ =	shalt  }
0x6c: {  	_ =	shalt  }
0x6d: {  	_ =	shalt  }
0x6e: {  	_ =	shalt  }
0x6f: {  	_ =	shalt  }
0x70: {  	_ =	shalt  }
0x71: {  	_ =	shalt  }
0x72: {  	_ =	shalt  }
0x73: {  	_ =	shalt  }
0x74: {  	_ =	shalt  }
0x75: {  	_ =	shalt  }
0x76: {  	_ =	shalt  }
0x77: {  	_ =	shalt  }
0x78: {  	_ =	shalt  }
0x79: {  	_ =	shalt  }
0x7a: {  	_ =	shalt  }
0x7b: {  	_ =	shalt  }
0x7c: {  	_ =	shalt  }
0x7d: {  	_ =	shalt  }
0x7e: {  	_ =	shalt  }
0x7f: {  	_ =	shalt  }
0x80: {  	_ =	shalt  }
0x81: {  	_ =	shalt  }
0x82: {  	_ =	shalt  }
0x83: {  	_ =	shalt  }
0x84: {  	_ =	shalt  }
0x85: {  	_ =	shalt  }
0x86: {  	_ =	shalt  }
0x87: {  	_ =	shalt  }
.Lfunc_end0:
.L_simem_size_0:
called_computation.6_lowered:
.L_overlay_start_0:
0x88: {  	s2 =	sld [smem:$0x3FD9]  }
0x89: {  	s3 =	sld [smem:$0x3FFE];
	_ =	sdelay $0x1  }
0x8a: {  	s1 =	srdreg.scid  }
0x8b: {  	s0 =	sand.u32 $0x1, s1  }
0x8c: {  	s15 =	sshll.u32 s0, $0xA;
	s2 =	sadd.s32 s3, s2  }
0x8d: {  	s2 =	sadd.s32 s2, s15  }
0x8e: {  	[smem:$0x3FAB] =	sst s2  }
0x8f: {  	_ = 	snop  }
0x90: {  	s2 =	sld [smem:$0x3FD0];
	_ =	sdelay $0x2  }
0x91: {  	s16 =	simm.s32 $0xD;
	s4 =	simm.s32 $0x10  }
0x92: {  	[smem:s4], [sflag:s16] =	dma.local [hbm:s2], $0x1  }
0x93: {  	_ =	swait.eq [sflag:s16], $0x1  }
0x94: {  	[sflag:s16] =	ssyncset.done $0x0  }
0x95: {  	[sflag:s16] =	ssyncadd.s32 $0xFFFFFFFF  }
0x96: {  	s17 =	sld [smem:$0x12];
	(tm) =	ssettm $0x1  }
0x97: {  	s18 =	sld [smem:$0x3FFB];
	_ =	sdelay $0x3  }
0x98: {  	_ =	strace s18  }
0x99: {  	s2 =	sld [smem:$0x3FFC];
	_ =	sdelay $0x3  }
0x9a: {  	_ =	strace s2  }
0x9b: {  	s2 =	sld [smem:$0x3FFD];
	_ =	sdelay $0x3  }
0x9c: {  	_ =	strace s2  }
0x9d: {  	_ =	strace $0x8FFFFFFF  }
0x9e: {  	s19 =	sld [smem:$0x3FDB];
	_ =	sdelay $0x1  }
0x9f: {  	s20 =	simm.s32 $_scs_section_size  }
0xa0: {  	s5 =	simm.s32 $_size__tile_overlayer_lowered;
	s6 =	simm.s32 $_tile_overlayer_lowered  }
0xa1: {  	s7 =	simm.s32 $0x1BFF;
	s21 =	sshll.u32 s6, $0x1;
	s4 =	sadd.s32 s20, s19  }
0xa2: {  	s22 =	simm.s32 $0x0;
	s5 =	sshll.u32 s5, $0x1;
	s6 =	sadd.s32 s21, s4  }
0xa3: {  	[timem:s22], [sflag:s7] =	dma.local [hbm:s6], s5  }
0xa4: {  	_ =	swait.ge [sflag:s7], s5  }
0xa5: {  	s5 =	ssub.s32 $0x0, s5;
	[sflag:s7] =	ssyncset.done $0x0  }
0xa6: {  	[sflag:s7] =	ssyncadd.s32 s5;
	_ =	sdelay $0x1  }
0xa7: {  	s23 =	simm.s32 $0x1B8B  }
0xa8: {  	_ =	swait.ge [sflag:s23], $0x1  }
0xa9: {  	[sflag:s23] =	ssyncset.done $0x0  }
0xaa: {  	[sflag:s23] =	ssyncadd.s32 $0xFFFFFFFF  }
0xab: {  	s5 =	sld [smem:$0x0]  }
0xac: {  	s6 =	sand.u32 $0xFFFFFFFE, s1  }
0xad: {  	p0 =	sne.s32 s1, s6  }
0xae: {  	s6 =	sshll.u32 @p0 s6, $0xE  }
0xaf: {  	s6 =	sadd.s32 @p0 $0x11B8D, s6;
	s7 =	sshll.u32 @p0 s5, $0x11  }
0xb0: {  	s6 =	sor.u32 @p0 s7, s6  }
0xb1: {  	[sflag:s6] =	ssyncadd.remote.s32 @p0 $0x1;
	_ =	sdelay $0x1  }
0xb2: {  	s6 =	simm.s32 @p0 $0x1B8D  }
0xb3: {  	_ =	swait.eq @p0 [sflag:s6], $0x1  }
0xb4: {  	[sflag:s6] =	ssyncadd.s32 @p0 $0xFFFFFFFF  }
0xb5: {  	s7 =	sshll.u32 @!p0 s1, $0xE  }
0xb6: {  	s7 =	sor.u32 @!p0 $0x4000, s7;
	s6 =	simm.s32 @!p0 $0x1B8D  }
0xb7: {  	s5 =	sshll.u32 @!p0 s5, $0x11;
	s7 =	sadd.s32 @!p0 $0x11B8D, s7;
	_ =	swait.eq @!p0 [sflag:s6], $0x1  }
0xb8: {  	s5 =	sor.u32 @!p0 s5, s7;
	[sflag:s6] =	ssyncadd.s32 @!p0 $0xFFFFFFFF  }
0xb9: {  	s25 =	simm.s32 $0x1B8E;
	s24 =	sld [smem:$0x3FFE];
	[sflag:s5] =	ssyncadd.remote.s32 @!p0 $0x1  }
0xba: {  	s26 =	simm.s32 $execute0_lowered;
	[smem:$0x3FD2] =	sst s25  }
0xbb: {  	s6 =	sshll.u32 s26, $0x1;
	_ =	strace $0x80000058;
	[dreg:$0x1] =	wrdreg $0xFFFFFFFF  }
0xbc: {  	s28 =	simm.s32 $_size_execute0_lowered;
	s4 =	sadd.s32 s4, s6;
	[dreg:$0x0] =	wrdreg $0x0  }
0xbd: {  	s6 =	sshll.u32 s28, $0x1;
	[dreg:$0x2] =	wrdreg s4  }
0xbe: {  	[dreg:$0x3] =	wrdreg s6  }
0xbf: {  	[dreg:$0x4] =	wrdreg $0xC0  }
0xc0: {  	_ =	task [dreg:s22], $0x5FFFF  }
0xc1: {  	[dreg:$0x1] =	wrdreg $0xFFFFFFFF  }
0xc2: {  	[dreg:$0x0] =	wrdreg $0x60  }
0xc3: {  	[dreg:$0x2] =	wrdreg s24  }
0xc4: {  	[dreg:$0x3] =	wrdreg s17  }
0xc5: {  	[dreg:$0x4] =	wrdreg $0x95000  }
0xc6: {  	[dreg:$0x5] =	wrdreg $0x135000  }
0xc7: {  	[dreg:$0x6] =	wrdreg $0xB  }
0xc8: {  	_ =	task.clear_ibuf [dreg:s22], $0x7FFFF;
	_ =	strace $0x90000058  }
0xc9: {  	s29 =	simm.s32 $0xB;
	_ =	strace $0x8000005A  }
0xca: {  	_ =	swait.ge [sflag:s29], $0x1  }
0xcb: {  	[sflag:s29] =	ssyncadd.s32 $0xFFFFFFFF  }
0xcc: {  	_ =	strace $0x9000005A  }
0xcd: {  	_ =	sfence  }
0xce: {  	s30 =	sld [smem:$0x0];
	_ =	sdelay $0x2  }
0xcf: {  	s31 =	sshll.u32 s1, $0xD;
	s1 =	sshrl.u32 s1, $0x2  }
0xd0: {  	s4 =	sand.u32 $0x4000, s31;
	s1 =	sadd.s32 s1, s30  }
0xd1: {  	s0 =	sor.u32 s4, s0;
	s1 =	sshll.u32 s1, $0x11  }
0xd2: {  	s0 =	sor.u32 s1, s0  }
0xd3: {  	s0 =	sadd.s32 $0x8F2B, s0  }
0xd4: {  	[sflag:s0] =	ssyncadd.remote.s32 $0x1  }
0xd5: {  	_ =	sfence.sel $0xFFFF  }
0xd6: {  	[dreg:$0x0] =	wrdreg $0xFFFFFFFF;
	(pc) =	sbr.abs _section_cstart, $3  }
0xd7: {  	[dreg:$0x1] =	wrdreg $0xFFFFFFFF  }
0xd8: {  	_ =	task.clear_ibuf [dreg:s22], $0x2FFFF;
	_ =	strace $0x9FFFFFFF  }
0xd9: {  	(tm) =	ssettm $0x7FFFFFFF  }
tec
execute0_lowered:
.L_overlay_start_1:
0x0: {  	(tag) =	ssettag $0x1  }
0x1: {  	s7 =	rddreg [dreg:$0x0]  }
0x2: {  	s1 =	rddreg [dreg:$0x1]  }
0x3: {  	s2 =	rddreg [dreg:$0x2]  }
0x4: {  	s3 =	rddreg [dreg:$0x3]  }
0x5: {  	s0 =	rddreg [dreg:$0x4];
	s5 =	simm.s32 $0x0;
	s4 =	stileid.u32  }
0x6: {  	s6 =	srdreg.scid;
	s16 =	simm.s32 $0x1;
	s18 =	simm.s32 $0x4100  }
0x7: {  	s20 =	simm.s32 $0x2;
	s21 =	simm.s32 $0x0;
	[smem:$0x7FF] =	sst s5  }
0x8: {  	s8 =	sshll.u32 s4, $0xB;
	s9 =	sshll.u32 s4, $0x4;
	s28 =	smul.u32 $0xA000, s4  }
0x9: {  	s10 =	sand.u32 $0x1, s6;
	s6 =	sadd.s32 $0x30400, s7;
	s31 =	smul.u32 $0x1400, s4  }
0xa: {  	s30 =	sshll.u32 s4, $0x6;
	s14 =	smul.u32 $0x28000, s4;
	p0 =	sne.s32 s4, $0xF  }
0xb: {  	_ =	strace $0x80000059;
	s11 =	sadd.s32 s8, s7;
	s25 =	smul.u32 $0x13880, s10  }
0xc: {  	s9 =	sadd.s32 s9, s7;
	s12 =	ssub.s32 $0x2, s10;
	s19 =	smul.u32 $0x1388, s10  }
0xd: {  	s26 =	sshrl.u32 s12, $0x1;
	s15 =	sadd.s32 s28, s2;
	s17 =	sadd.s32 s28, s3  }
0xe: {  	s9 =	sadd.s32 $0x3A400, s9;
	s10 =	sadd.s32 $0x3F400, s11;
	s14 =	sshrl.u32 s14, $0x2  }
0xf: {  	s13 =	sadd.s32 s25, s7;
	s29 =	ssub.s32 s12, s26;
	s7 =	sor.u32 $0x1C01, s30  }
0x10: {  	s15 =	sshrl.u32 s15, $0x3;
	s17 =	sshrl.u32 s17, $0x3;
	v0 =	vmov s19;
	s19 =	simm.s32 $0x8100  }
0x11: {  	s8 =	smax.u32 s29, $0x1;
	s12 =	sadd.s32 s31, s13;
	s13 =	sadd.s32 s14, s2  }
0x12: {  	s14 =	sadd.s32 s14, s3;
	s11 =	sadd.s32 $0xF36000, s12;
	s12 =	sadd.s32 $0xF5D200, s12  }
.LBB2_1:
0x13: {  	[spmem:s15], [sflag:s7] =	dma.local [hbm:s1], $0x1400  }
0x14: {  	_ =	swait.ge [sflag:s16], $0x1400  }
0x15: {  	[sflag:s16] =	ssyncset.done $0x0  }
0x16: {  	[sflag:s16] =	ssyncadd.s32 $0xFFFFEC00  }
0x17: {  	[spmem:s17], [sflag:s7] =	dma.local [hbm:s1], $0x1400  }
0x18: {  	_ =	swait.ge [sflag:s16], $0x1400  }
0x19: {  	[sflag:s16] =	ssyncset.done $0x0  }
0x1a: {  	[sflag:s16] =	ssyncadd.s32 $0xFFFFEC00  }
0x1b: {  	[tilespmem:s18], [sflag:$0x1] =	stream.linear.gather [hbm4b:s6+s5], $0x4000, $0x38;
	[tilespmem:$0x1D500] =	vst v63  }
0x1c: {  	_ =	swait.ge [sflag:s16], $0x4000  }
0x1d: {  	s22 =	sadd.s32 $0x0, s4;
	[sflag:s16] =	ssyncset.done $0x0  }
0x1e: {  	p1 =	sgt.u32 s22, $0x270;
	[sflag:s16] =	ssyncadd.s32 $0xFFFFC000  }
0x1f: {  	s23 =	simm.s32 @!p1 $0x0;
	s22 =	simm.s32 @!p1 $0x2;
	[bflag:$0x0] =	sbarrier.arrive $0xFFFF  }
0x20: {  	[tilespmem:s23], [sflag:$0x2] =	stream.linear.gather @!p1 [hbm4b:s9+s23], $0x80, $0x38;
	[tilespmem:$0x1D500] =	vst v63  }
0x21: {  	_ =	swait.ge @!p1 [sflag:s22], $0x80;
	p1 =	por p1, p1  }
0x22: {  	[sflag:s22] =	ssyncset.done @!p1 $0x0  }
0x23: {  	[sflag:s22] =	ssyncadd.s32 @!p1 $0xFFFFFF80  }
0x24: {  	v1 =	vld @!p1 [tilespmem:$0x50]  }
0x25: {  	v2 =	vld @!p1 [tilespmem:$0x30]  }
0x26: {  	v3 =	vld @!p1 [tilespmem:$0x20]  }
0x27: {  	v4 =	vld @!p1 [tilespmem:$0x10]  }
0x28: {  	v5 =	vld @!p1 [tilespmem:$0x40]  }
0x29: {  	v6 =	vld @!p1 [tilespmem:$0x0];
	v1 =	vsub.s32 @!p1 v1, v0  }
0x2a: {  	v7 =	vld @!p1 [tilespmem:$0x60];
	v2 =	vsub.s32 @!p1 v2, v0;
	v1 =	vmin.u32 @!p1 v1, $0x1388  }
0x2b: {  	v8 =	vld @!p1 [tilespmem:$0x70];
	v3 =	vsub.s32 @!p1 v3, v0;
	v2 =	vmin.u32 @!p1 v2, $0x1388;
	[tilespmem:$0xD0] =	vst @!p1 v1  }
0x2c: {  	v3 =	vmin.u32 @!p1 v3, $0x1388;
	v1 =	vsub.s32 @!p1 v4, v0;
	[tilespmem:$0xB0] =	vst @!p1 v2  }
0x2d: {  	[tilespmem:$0xA0] =	vst @!p1 v3;
	v2 =	vsub.s32 @!p1 v5, v0;
	v1 =	vmin.u32 @!p1 v1, $0x1388  }
0x2e: {  	v3 =	vsub.s32 @!p1 v6, v0;
	[tilespmem:$0x90] =	vst @!p1 v1;
	v1 =	vmin.u32 @!p1 v2, $0x1388  }
0x2f: {  	s24 =	simm.s32 $0x10;
	v2 =	vmin.u32 @!p1 v3, $0x1388;
	[tilespmem:$0xC0] =	vst @!p1 v1;
	v1 =	vsub.s32 @!p1 v7, v0  }
0x30: {  	s26 =	smov.u32 s9;
	s28 =	smov.u32 s10;
	s25 =	smov.u32 s10;
	[tilespmem:$0x80] =	vst @!p1 v2;
	v2 =	vsub.s32 @!p1 v8, v0;
	v1 =	vmin.u32 @!p1 v1, $0x1388  }
.LBB2_2:
0x31: {  	s26 =	sadd.s32 $0x100, s26  }
0x32: {  	[tilespmem:$0xE0] =	vst @!p1 v1;
	v1 =	vmin.u32 @!p1 v2, $0x1388;
	s28 =	sadd.s32 $0x8000, s28;
	s29 =	smov.u32 s24;
	s24 =	sadd.s32 $0x10, s24  }
0x33: {  	s30 =	simm.s32 @!p1 $0x100;
	p2 =	sne.s32 s24, $0x280;
	[tilespmem:$0xF0] =	vst @!p1 v1  }
0x34: {  	[tilespmem:s30], [sflag:$0x2] =	stream.linear.gather @!p1 [hbm4b:s25+s23], $0x4000, $0x38;
	[tilespmem:$0x1D500] =	vst v63  }
0x35: {  	s25 =	smov.u32 s28;
	_ =	swait.ge @!p1 [sflag:s22], $0x4000  }
0x36: {  	s23 =	sadd.s32 s29, s4;
	[sflag:s22] =	ssyncset.done @!p1 $0x0  }
0x37: {  	s29 =	simm.s32 @!p1 $0x80;
	[sflag:s22] =	ssyncadd.s32 @!p1 $0xFFFFC000  }
0x38: {  	[spmem:s2] =	stream.indirect.scatter.add.f32 @!p1 [tilespmem:s30], [sflag:$0x2], $0x80, s29, s29, $0xb8;
	[tilespmem:$0x1D500] =	vst v63  }
0x39: {  	_ =	swait.ge @!p1 [sflag:s22], $0x4000  }
0x3a: {  	[sflag:s22] =	ssyncset.done @!p1 $0x0  }
0x3b: {  	s30 =	simm.s32 @!p1 $0x1;
	[sflag:s22] =	ssyncadd.s32 @!p1 $0xFFFFC000;
	s22 =	simm.s32 @!p1 $0x4100  }
0x3c: {  	[spmem:s3] =	stream.indirect.scatter.add.f32 @!p1 [tilespmem:s22], [sflag:$0x1], $0x80, s29, s29, $0xb8;
	[tilespmem:$0x1D500] =	vst v63  }
0x3d: {  	_ =	swait.ge @!p1 [sflag:s30], $0x4000  }
0x3e: {  	p3 =	sgt.u32 s23, $0x270;
	[sflag:s30] =	ssyncset.done @!p1 $0x0  }
0x3f: {  	s23 =	simm.s32 @!p3 $0x0;
	s22 =	simm.s32 @!p3 $0x2;
	[sflag:s30] =	ssyncadd.s32 @!p1 $0xFFFFC000  }
0x40: {  	[tilespmem:s23], [sflag:$0x2] =	stream.linear.gather @!p3 [hbm4b:s26+s23], $0x80, $0x38;
	[tilespmem:$0x1D500] =	vst v63  }
0x41: {  	p1 =	por p3, p3;
	_ =	swait.ge @!p3 [sflag:s22], $0x80  }
0x42: {  	[sflag:s22] =	ssyncset.done @!p1 $0x0  }
0x43: {  	[sflag:s22] =	ssyncadd.s32 @!p1 $0xFFFFFF80  }
0x44: {  	v1 =	vld @!p1 [tilespmem:$0x50]  }
0x45: {  	v2 =	vld @!p1 [tilespmem:$0x30]  }
0x46: {  	v3 =	vld @!p1 [tilespmem:$0x20]  }
0x47: {  	v4 =	vld @!p1 [tilespmem:$0x10]  }
0x48: {  	v5 =	vld @!p1 [tilespmem:$0x40]  }
0x49: {  	v6 =	vld @!p1 [tilespmem:$0x0];
	v1 =	vsub.s32 @!p1 v1, v0  }
0x4a: {  	v2 =	vsub.s32 @!p1 v2, v0;
	v1 =	vmin.u32 @!p1 v1, $0x1388;
	v7 =	vld @!p1 [tilespmem:$0x60]  }
0x4b: {  	v3 =	vsub.s32 @!p1 v3, v0;
	v2 =	vmin.u32 @!p1 v2, $0x1388;
	[tilespmem:$0xD0] =	vst @!p1 v1;
	v8 =	vld @!p1 [tilespmem:$0x70]  }
.Ltmp0:
0x4c: {  	v1 =	vsub.s32 @!p1 v4, v0;
	v3 =	vmin.u32 @!p1 v3, $0x1388;
	[tilespmem:$0xB0] =	vst @!p1 v2;
	(pc) =	sbr.rel @p2 .LBB2_2-.Ltmp0, $4  }
0x4d: {  	v1 =	vmin.u32 @!p1 v1, $0x1388;
	[tilespmem:$0xA0] =	vst @!p1 v3;
	v2 =	vsub.s32 @!p1 v5, v0  }
0x4e: {  	v3 =	vsub.s32 @!p1 v6, v0;
	[tilespmem:$0x90] =	vst @!p1 v1;
	v1 =	vmin.u32 @!p1 v2, $0x1388  }
0x4f: {  	v2 =	vmin.u32 @!p1 v3, $0x1388;
	[tilespmem:$0xC0] =	vst @!p1 v1;
	v1 =	vsub.s32 @!p1 v7, v0  }
0x50: {  	[tilespmem:$0x80] =	vst @!p1 v2;
	v1 =	vmin.u32 @!p1 v1, $0x1388;
	v2 =	vsub.s32 @!p1 v8, v0  }
0x51: {  	[tilespmem:$0xE0] =	vst @!p1 v1;
	v1 =	vmin.u32 @!p1 v2, $0x1388  }
0x52: {  	s24 =	simm.s32 @!p1 $0x100;
	[tilespmem:$0xF0] =	vst @!p1 v1  }
0x53: {  	[tilespmem:s24], [sflag:$0x2] =	stream.linear.gather @!p1 [hbm4b:s25+s23], $0x4000, $0x38;
	[tilespmem:$0x1D500] =	vst v63  }
0x54: {  	_ =	swait.ge @!p1 [sflag:s22], $0x4000  }
0x55: {  	[sflag:s22] =	ssyncset.done @!p1 $0x0  }
0x56: {  	s23 =	simm.s32 @!p1 $0x80;
	[sflag:s22] =	ssyncadd.s32 @!p1 $0xFFFFC000  }
0x57: {  	[spmem:s2] =	stream.indirect.scatter.add.f32 @!p1 [tilespmem:s24], [sflag:$0x2], $0x80, s23, s23, $0xb8;
	[tilespmem:$0x1D500] =	vst v63  }
0x58: {  	_ =	swait.ge @!p1 [sflag:s22], $0x4000  }
0x59: {  	[sflag:s22] =	ssyncset.done @!p1 $0x0  }
0x5a: {  	s24 =	simm.s32 @!p1 $0x1;
	[sflag:s22] =	ssyncadd.s32 @!p1 $0xFFFFC000;
	s22 =	simm.s32 @!p1 $0x4100  }
0x5b: {  	[spmem:s3] =	stream.indirect.scatter.add.f32 @!p1 [tilespmem:s22], [sflag:$0x1], $0x80, s23, s23, $0xb8;
	[tilespmem:$0x1D500] =	vst v63  }
0x5c: {  	_ =	swait.ge @!p1 [sflag:s24], $0x4000  }
0x5d: {  	s26 =	smov.u32 s11;
	[sflag:s24] =	ssyncset.done @!p1 $0x0  }
0x5e: {  	s25 =	smov.u32 s12;
	s22 =	simm.s32 $0x0;
	[sflag:s24] =	ssyncadd.s32 @!p1 $0xFFFFC000  }
0x5f: {  	s23 =	smov.u32 s14;
	s24 =	smov.u32 s13;
	[bflag:$0x0] =	sbarrier.arrive $0xFFFF  }
.LBB2_4:
0x60: {  	p1 =	sgt.u32 @!p0 s22, $0x4  }
0x61: {  	p1 =	por p0, !p1  }
0x62: {  	[tilespmem:s19], [sflag:$0x2] =	stream.linear.gather @p1 [spmem:s24], $0x1400, $0x38;
	[tilespmem:$0x1D500] =	vst v63  }
0x63: {  	_ =	swait.ge @p1 [sflag:s20], $0x1400  }
0x64: {  	[sflag:s20] =	ssyncset.done @p1 $0x0  }
0x65: {  	[sflag:s20] =	ssyncadd.s32 @p1 $0xFFFFEC00  }
0x66: {  	[hbm4b:s26+s5] =	stream.linear.scatter @p1 [tilespmem:s19], [sflag:$0x2], $0x1400, $0x38;
	[tilespmem:$0x1D500] =	vst v63  }
0x67: {  	_ =	swait.ge @p1 [sflag:s20], $0x1400  }
0x68: {  	[sflag:s20] =	ssyncset.done @p1 $0x0  }
0x69: {  	[sflag:s20] =	ssyncadd.s32 @p1 $0xFFFFEC00  }
0x6a: {  	[tilespmem:s19], [sflag:$0x2] =	stream.linear.gather @p1 [spmem:s23], $0x1400, $0x38;
	[tilespmem:$0x1D500] =	vst v63  }
0x6b: {  	_ =	swait.ge @p1 [sflag:s20], $0x1400  }
0x6c: {  	[sflag:s20] =	ssyncset.done @p1 $0x0  }
0x6d: {  	[sflag:s20] =	ssyncadd.s32 @p1 $0xFFFFEC00  }
0x6e: {  	[hbm4b:s25+s5] =	stream.linear.scatter @p1 [tilespmem:s19], [sflag:$0x1], $0x1400, $0x38;
	[tilespmem:$0x1D500] =	vst v63  }
0x6f: {  	_ =	swait.ge @p1 [sflag:s16], $0x1400  }
0x70: {  	s22 =	sadd.s32 $0x1, s22;
	[sflag:s16] =	ssyncset.done @p1 $0x0  }
0x71: {  	[sflag:s16] =	ssyncadd.s32 @p1 $0xFFFFEC00;
	p1 =	sne.s32 s22, $0x8  }
.Ltmp1:
0x72: {  	_ = 	snop;
	(pc) =	sbr.rel @p1 .LBB2_4-.Ltmp1, $3  }
0x73: {  	_ =	sdelay $0x1  }
0x74: {  	s24 =	sadd.s32 $0x1400, s24  }
0x75: {  	s26 =	sadd.s32 $0x280, s26;
	s23 =	sadd.s32 $0x1400, s23;
	s25 =	sadd.s32 $0x280, s25  }
0x76: {  	s21 =	sadd.s32 $0x1, s21  }
0x77: {  	p1 =	sne.s32 s21, s8  }
.Ltmp2:
0x78: {  	_ = 	snop;
	(pc) =	sbr.rel @p1 .LBB2_1-.Ltmp2, $1  }
0x79: {  	_ =	sdelay $0x3  }
0x7a: {  	_ =	sfence.sel $0x180000  }
0x7b: {  	[bflag:$0x0] =	sbarrier.arrive $0xFFFF  }
0x7c: {  	p0 =	sne.s32 s4, $0x0;
	_ =	strace $0x90000059  }
0x7d: {  	s0 =	sadd.s32 @!p0 $0x100000, s0;
	[bflag:$0x2] =	sbarrier.arrive $0xFFFF  }
0x7e: {  	[sflag:s0] =	ssyncadd.tile.s32 @!p0 $0x1;
	_ =	shalt  }
.Lfunc_end2:
_tile_overlayer_lowered:
.L_overlay_start_2:
0x7f: {  	(tag) =	ssettag $0x2  }
0x80: {  	s0 =	rddreg [dreg:$0x0];
	s2 =	stileid.u32  }
0x81: {  	s1 =	rddreg [dreg:$0x1];
	p0 =	sne.s32 s2, $0x0  }
0x82: {  	s3 =	rddreg [dreg:$0x2];
	[bflag:$0x3] =	sbarrier.arrive $0xFFFF;
	s2 =	simm.s32 @!p0 $0x1C01  }
0x83: {  	[timem:s3], [sflag:s2] =	dma.local @!p0 [hbm:s0], s1  }
0x84: {  	s0 =	simm.s32 @!p0 $0x1  }
0x85: {  	_ =	swait.ge @!p0 [sflag:s0], s1  }
0x86: {  	s1 =	ssub.s32 @!p0 $0x0, s1;
	[sflag:s0] =	ssyncset.done @!p0 $0x0  }
0x87: {  	[sflag:s0] =	ssyncadd.s32 @!p0 s1  }
0x88: {  	[bflag:$0x3] =	sbarrier.arrive $0xFFFF  }
0x89: {  	_ =	shalt  }

// kernel: kernel.39.cloned.1.call-start
scs
__scs_entry_jumppad:
0x0: {  	(pc) =	sbr.rel $0x88, $3  }
0x1: {  	(tag) =	ssettag $0x0;
	lr =	simm.s32 $0x1  }
0x2: {  	[smem:$0x3F84] =	sst lr;
	_ =	strace $0xD0000000  }
0x3: {  	_ = 	snop  }
0x4: {  	_ = 	snop  }
0x5: {  	_ = 	snop  }
0x6: {  	_ = 	snop  }
0x7: {  	_ = 	snop  }
__scs_overlays_trampoline_lowered:
0x8: {  	[smem:$0x3F93] =	sst s0  }
0x9: {  	[smem:$0x3F94] =	sst s1  }
0xa: {  	[smem:$0x3F95] =	sst s2  }
0xb: {  	[smem:$0x3F96] =	sst s3  }
0xc: {  	[smem:$0x3F97] =	sst s4  }
0xd: {  	[smem:$0x3F98] =	sst s5  }
0xe: {  	[smem:$0x3F99] =	sst s6  }
0xf: {  	[smem:$0x3F9A] =	sst s7  }
0x10: {  	[smem:$0x3F9B] =	sst s8  }
0x11: {  	[smem:$0x3F9C] =	sst s9;
	s0 =	simm.s32 @!p0 $0x0  }
0x12: {  	s1 =	sld [smem:$0x3F82];
	s0 =	simm.s32 @p0 $0x1  }
0x13: {  	[smem:$0x3F9D] =	sst s0;
	s0 =	simm.s32 @!p1 $0x0  }
0x14: {  	s2 =	sld [smem:$0x3F81];
	s0 =	simm.s32 @p1 $0x1  }
0x15: {  	[smem:$0x3F9E] =	sst s0;
	s0 =	simm.s32 @!p2 $0x0  }
0x16: {  	s3 =	sld [smem:$0x3FDB];
	s0 =	simm.s32 @p2 $0x1  }
0x17: {  	s4 =	simm.s32 $0x1BF5;
	[smem:$0x3FA0] =	sst s0  }
0x18: {  	s0 =	sld [smem:$0x3F83];
	_ =	swait.ge [sflag:s4], $0x0  }
0x19: {  	s7 =	sld [smem:$0x3F84]  }
0x1a: {  	s8 =	sadd.s32 $0xFFFFE003, lr  }
0x1b: {  	s9 =	sadd.s32 $0xFFFFFEF7, lr;
	s5 =	simm.s32 $0xFFFFFFFF;
	p2 =	slt.u32 s8, $0xFFFFF086  }
0x1c: {  	p1 =	slt.u32 s9, $0xF7A;
	s5 =	simm.s32 @!p2 $0x0  }
0x1d: {  	s5 =	simm.s32 @p1 $0x1;
	p0 =	seq.s32 s7, s2  }
0x1e: {  	s7 =	smul.u32 @!p0 $0xF7A, s2;
	p2 =	seq.s32 @!p0 s5, $0x0  }
0x1f: {  	s9 =	smul.u32 $0xF7A, s1;
	s8 =	simm.s32 @!p0 $0x1BF5;
	p2 =	por !p2, p0  }
0x20: {  	[sflag:s8] =	ssyncset.s32 @!p0 $0xFFFFF086;
	s6 =	sadd.s32 @!p0 s3, s7;
	s7 =	simm.s32 @!p0 $0x108  }
0x21: {  	s3 =	sadd.s32 s3, s9;
	s6 =	sadd.s32 @!p0 $0x88, s6;
	s7 =	simm.s32 @p2 $0x1082  }
0x22: {  	[simem:s7], [sflag:s8] =	dma.local @!p0 [hbm:s6], $0xF7A  }
0x23: {  	s9 =	sor.u32 $0xD0000000, s2;
	s6 =	simm.s32 $0x108;
	_ =	swait.ge @!p0 [sflag:s8], $0x0  }
0x24: {  	s3 =	sadd.s32 $0x88, s3;
	s6 =	simm.s32 @!p1 $0x1082;
	[sflag:s4] =	ssyncset.s32 $0xFFFFF086  }
0x25: {  	[simem:s6], [sflag:s4] =	dma.local [hbm:s3], $0xF7A  }
0x26: {  	[smem:$0x3F84] =	sst s1;
	(tag) =	ssettag s2;
	_ =	strace s9  }
0x27: {  	s1 =	sld [smem:$0x3F94]  }
0x28: {  	s2 =	sld [smem:$0x3F95]  }
0x29: {  	s4 =	sld [smem:$0x3F97]  }
0x2a: {  	p0 =	seq.s32 s5, $0x0;
	s5 =	sld [smem:$0x3F98]  }
0x2b: {  	s6 =	sld [smem:$0x3F99]  }
0x2c: {  	s7 =	sld [smem:$0x3F9A]  }
0x2d: {  	s3 =	simm.s32 $0x108;
	s8 =	sld [smem:$0x3F9B]  }
0x2e: {  	s3 =	simm.s32 @!p0 $0x1082;
	s9 =	sld [smem:$0x3F9C]  }
0x2f: {  	lr =	sadd.s32 s0, s3;
	s0 =	sld [smem:$0x3F93]  }
0x30: {  	s3 =	sld [smem:$0x3F96]  }
0x31: {  	[smem:$0x3F9F] =	sst s10  }
0x32: {  	s10 =	sld [smem:$0x3F9D];
	_ =	sdelay $0x3  }
0x33: {  	p0 =	seq.s32 s10, $0x1;
	s10 =	sld [smem:$0x3F9F];
	_ =	sdelay $0x3  }
0x34: {  	[smem:$0x3F9F] =	sst s10  }
0x35: {  	s10 =	sld [smem:$0x3F9E];
	_ =	sdelay $0x3  }
0x36: {  	p1 =	seq.s32 s10, $0x1;
	s10 =	sld [smem:$0x3F9F];
	_ =	sdelay $0x3  }
0x37: {  	[smem:$0x3F9F] =	sst s10  }
0x38: {  	s10 =	sld [smem:$0x3FA0]  }
0x39: {  	_ = 	snop;
	(pc) =	sbr.ind lr, $3  }
0x3a: {  	_ = 	snop  }
0x3b: {  	_ = 	snop  }
0x3c: {  	p2 =	seq.s32 s10, $0x1;
	s10 =	sld [smem:$0x3F9F]  }
0x3d: {  	_ =	shalt  }
0x3e: {  	_ =	shalt  }
0x3f: {  	_ =	shalt  }
0x40: {  	_ =	shalt  }
0x41: {  	_ =	shalt  }
0x42: {  	_ =	shalt  }
0x43: {  	_ =	shalt  }
0x44: {  	_ =	shalt  }
0x45: {  	_ =	shalt  }
0x46: {  	_ =	shalt  }
0x47: {  	_ =	shalt  }
0x48: {  	_ =	shalt  }
0x49: {  	_ =	shalt  }
0x4a: {  	_ =	shalt  }
0x4b: {  	_ =	shalt  }
0x4c: {  	_ =	shalt  }
0x4d: {  	_ =	shalt  }
0x4e: {  	_ =	shalt  }
0x4f: {  	_ =	shalt  }
0x50: {  	_ =	shalt  }
0x51: {  	_ =	shalt  }
0x52: {  	_ =	shalt  }
0x53: {  	_ =	shalt  }
0x54: {  	_ =	shalt  }
0x55: {  	_ =	shalt  }
0x56: {  	_ =	shalt  }
0x57: {  	_ =	shalt  }
0x58: {  	_ =	shalt  }
0x59: {  	_ =	shalt  }
0x5a: {  	_ =	shalt  }
0x5b: {  	_ =	shalt  }
0x5c: {  	_ =	shalt  }
0x5d: {  	_ =	shalt  }
0x5e: {  	_ =	shalt  }
0x5f: {  	_ =	shalt  }
0x60: {  	_ =	shalt  }
0x61: {  	_ =	shalt  }
0x62: {  	_ =	shalt  }
0x63: {  	_ =	shalt  }
0x64: {  	_ =	shalt  }
0x65: {  	_ =	shalt  }
0x66: {  	_ =	shalt  }
0x67: {  	_ =	shalt  }
0x68: {  	_ =	shalt  }
0x69: {  	_ =	shalt  }
0x6a: {  	_ =	shalt  }
0x6b: {  	_ =	shalt  }
0x6c: {  	_ =	shalt  }
0x6d: {  	_ =	shalt  }
0x6e: {  	_ =	shalt  }
0x6f: {  	_ =	shalt  }
0x70: {  	_ =	shalt  }
0x71: {  	_ =	shalt  }
0x72: {  	_ =	shalt  }
0x73: {  	_ =	shalt  }
0x74: {  	_ =	shalt  }
0x75: {  	_ =	shalt  }
0x76: {  	_ =	shalt  }
0x77: {  	_ =	shalt  }
0x78: {  	_ =	shalt  }
0x79: {  	_ =	shalt  }
0x7a: {  	_ =	shalt  }
0x7b: {  	_ =	shalt  }
0x7c: {  	_ =	shalt  }
0x7d: {  	_ =	shalt  }
0x7e: {  	_ =	shalt  }
0x7f: {  	_ =	shalt  }
0x80: {  	_ =	shalt  }
0x81: {  	_ =	shalt  }
0x82: {  	_ =	shalt  }
0x83: {  	_ =	shalt  }
0x84: {  	_ =	shalt  }
0x85: {  	_ =	shalt  }
0x86: {  	_ =	shalt  }
0x87: {  	_ =	shalt  }
.Lfunc_end0:
.L_simem_size_0:
called_computation.7_lowered:
.L_overlay_start_0:
0x88: {  	s2 =	sld [smem:$0x3FD9]  }
0x89: {  	s3 =	sld [smem:$0x3FFE];
	_ =	sdelay $0x1  }
0x8a: {  	s1 =	srdreg.scid  }
0x8b: {  	s0 =	sand.u32 $0x1, s1  }
0x8c: {  	s17 =	sshll.u32 s0, $0xA;
	s2 =	sadd.s32 s3, s2  }
0x8d: {  	s2 =	sadd.s32 s2, s17  }
0x8e: {  	[smem:$0x3FAB] =	sst s2  }
0x8f: {  	_ = 	snop  }
0x90: {  	s18 =	sld [smem:$0x3FC9];
	(tm) =	ssettm $0x1  }
0x91: {  	s19 =	sld [smem:$0x3FFB];
	_ =	sdelay $0x3  }
0x92: {  	_ =	strace s19  }
0x93: {  	s2 =	sld [smem:$0x3FFC];
	_ =	sdelay $0x3  }
0x94: {  	_ =	strace s2  }
0x95: {  	s2 =	sld [smem:$0x3FFD];
	_ =	sdelay $0x3  }
0x96: {  	_ =	strace s2  }
0x97: {  	_ =	strace $0x8FFFFFFF  }
0x98: {  	s20 =	sld [smem:$0x3FDB];
	_ =	sdelay $0x1  }
0x99: {  	s4 =	simm.s32 $_scs_section_size  }
0x9a: {  	s5 =	simm.s32 $_size__tile_overlayer_lowered;
	s6 =	simm.s32 $_tile_overlayer_lowered  }
0x9b: {  	s7 =	simm.s32 $0x1BFF;
	s21 =	sshll.u32 s6, $0x1;
	s4 =	sadd.s32 s4, s20  }
0x9c: {  	s22 =	simm.s32 $0x0;
	s5 =	sshll.u32 s5, $0x1;
	s6 =	sadd.s32 s21, s4  }
0x9d: {  	[timem:s22], [sflag:s7] =	dma.local [hbm:s6], s5  }
0x9e: {  	_ =	swait.ge [sflag:s7], s5  }
0x9f: {  	s5 =	ssub.s32 $0x0, s5;
	[sflag:s7] =	ssyncset.done $0x0  }
0xa0: {  	[sflag:s7] =	ssyncadd.s32 s5;
	_ =	sdelay $0x1  }
0xa1: {  	s23 =	simm.s32 $0x1B8B  }
0xa2: {  	_ =	swait.ge [sflag:s23], $0x1  }
0xa3: {  	[sflag:s23] =	ssyncset.done $0x0  }
0xa4: {  	[sflag:s23] =	ssyncadd.s32 $0xFFFFFFFF  }
0xa5: {  	s5 =	sld [smem:$0x0]  }
0xa6: {  	s6 =	sand.u32 $0xFFFFFFFE, s1  }
0xa7: {  	p0 =	sne.s32 s1, s6  }
0xa8: {  	s6 =	sshll.u32 @p0 s6, $0xE  }
0xa9: {  	s6 =	sadd.s32 @p0 $0x11B8D, s6;
	s7 =	sshll.u32 @p0 s5, $0x11  }
0xaa: {  	s6 =	sor.u32 @p0 s7, s6  }
0xab: {  	[sflag:s6] =	ssyncadd.remote.s32 @p0 $0x1;
	_ =	sdelay $0x1  }
0xac: {  	s6 =	simm.s32 @p0 $0x1B8D  }
0xad: {  	_ =	swait.eq @p0 [sflag:s6], $0x1  }
0xae: {  	[sflag:s6] =	ssyncadd.s32 @p0 $0xFFFFFFFF  }
0xaf: {  	s7 =	sshll.u32 @!p0 s1, $0xE  }
0xb0: {  	s7 =	sor.u32 @!p0 $0x4000, s7;
	s6 =	simm.s32 @!p0 $0x1B8D  }
0xb1: {  	s5 =	sshll.u32 @!p0 s5, $0x11;
	s7 =	sadd.s32 @!p0 $0x11B8D, s7;
	_ =	swait.eq @!p0 [sflag:s6], $0x1  }
0xb2: {  	s5 =	sor.u32 @!p0 s5, s7;
	[sflag:s6] =	ssyncadd.s32 @!p0 $0xFFFFFFFF  }
0xb3: {  	s25 =	simm.s32 $0x1B8E;
	s24 =	sld [smem:$0x3FFE];
	[sflag:s5] =	ssyncadd.remote.s32 @!p0 $0x1  }
0xb4: {  	s26 =	simm.s32 $execute0_lowered;
	[smem:$0x3FD2] =	sst s25  }
0xb5: {  	s6 =	sshll.u32 s26, $0x1;
	_ =	strace $0x8000004F;
	[dreg:$0x1] =	wrdreg $0xFFFFFFFF  }
0xb6: {  	s28 =	simm.s32 $_size_execute0_lowered;
	s4 =	sadd.s32 s4, s6;
	[dreg:$0x0] =	wrdreg $0x0  }
0xb7: {  	s6 =	sshll.u32 s28, $0x1;
	[dreg:$0x2] =	wrdreg s4  }
0xb8: {  	[dreg:$0x3] =	wrdreg s6  }
0xb9: {  	[dreg:$0x4] =	wrdreg $0xC0  }
0xba: {  	_ =	task [dreg:s22], $0x5FFFF  }
0xbb: {  	[dreg:$0x1] =	wrdreg $0xFFFFFFFF  }
0xbc: {  	[dreg:$0x0] =	wrdreg $0x60  }
0xbd: {  	[dreg:$0x2] =	wrdreg s18  }
0xbe: {  	[dreg:$0x3] =	wrdreg s24  }
0xbf: {  	[dreg:$0x4] =	wrdreg $0xC  }
0xc0: {  	_ =	task.clear_ibuf [dreg:s22], $0x5FFFF;
	_ =	strace $0x9000004F  }
0xc1: {  	s29 =	simm.s32 $0xC;
	_ =	strace $0x80000051  }
0xc2: {  	_ =	swait.ge [sflag:s29], $0x1  }
0xc3: {  	[sflag:s29] =	ssyncadd.s32 $0xFFFFFFFF  }
0xc4: {  	_ =	strace $0x90000051  }
0xc5: {  	_ =	sfence  }
0xc6: {  	s30 =	sld [smem:$0x0];
	_ =	sdelay $0x2  }
0xc7: {  	s31 =	sshll.u32 s1, $0xD;
	s1 =	sshrl.u32 s1, $0x2  }
0xc8: {  	s4 =	sand.u32 $0x4000, s31;
	s1 =	sadd.s32 s1, s30  }
0xc9: {  	s0 =	sor.u32 s4, s0;
	s1 =	sshll.u32 s1, $0x11  }
0xca: {  	s0 =	sor.u32 s1, s0  }
0xcb: {  	s0 =	sadd.s32 $0x8F2B, s0  }
0xcc: {  	[sflag:s0] =	ssyncadd.remote.s32 $0x1  }
0xcd: {  	_ =	sfence.sel $0xFFFF  }
0xce: {  	[dreg:$0x0] =	wrdreg $0xFFFFFFFF;
	(pc) =	sbr.abs _section_cstart, $3  }
0xcf: {  	[dreg:$0x1] =	wrdreg $0xFFFFFFFF  }
0xd0: {  	_ =	task.clear_ibuf [dreg:s22], $0x2FFFF;
	_ =	strace $0x9FFFFFFF  }
0xd1: {  	(tm) =	ssettm $0x7FFFFFFF  }
tec
execute0_lowered:
.L_overlay_start_1:
0x0: {  	(tag) =	ssettag $0x1  }
0x1: {  	s1 =	rddreg [dreg:$0x0];
	s3 =	srdreg.scid  }
0x2: {  	s4 =	rddreg [dreg:$0x1];
	s5 =	sand.u32 $0x1, s3  }
0x3: {  	s0 =	rddreg [dreg:$0x2];
	s6 =	smul.u32 $0x320, s5  }
0x4: {  	s2 =	simm.s32 $0x0;
	s3 =	stileid.u32;
	s7 =	smul.u32 $0x19000, s5  }
0x5: {  	[smem:$0x7FF] =	sst s2;
	s9 =	smul.u32 $0x32, s3  }
0x6: {  	_ =	strace $0x80000050;
	s8 =	ssub.s32 $0x2, s5;
	s11 =	smul.u32 $0x1900, s3  }
0x7: {  	s12 =	sshll.u32 s5, $0x4;
	s10 =	sshrl.u32 s8, $0x1;
	s6 =	sadd.s32 s6, s4  }
0x8: {  	s7 =	sadd.s32 s7, s4;
	s4 =	sadd.s32 $0x9200, s4;
	s8 =	ssub.s32 s8, s10  }
0x9: {  	s5 =	smax.u32 s8, $0x1;
	s30 =	sadd.s32 s9, s6;
	s31 =	sadd.s32 s11, s7  }
0xa: {  	s6 =	sadd.s32 $0x3CC00, s30;
	s7 =	sadd.s32 $0x35400, s30;
	s8 =	sadd.s32 $0x792400, s31  }
0xb: {  	s11 =	sor.u32 s12, s3;
	s9 =	sadd.s32 $0x8CAC00, s31;
	s10 =	sadd.s32 $0xA03400, s31  }
.LBB2_1:
0xc: {  	p0 =	sgt.u32 s11, $0xC7  }
0xd: {  	s13 =	simm.s32 @!p0 $0x0;
	s12 =	simm.s32 @!p0 $0x4;
	p0 =	por p0, p0  }
0xe: {  	[tilespmem:s13], [sflag:$0x4] =	stream.linear.gather @!p0 [hbm4b:s6+s13], $0x190, $0x38;
	[tilespmem:$0x19400] =	vst v63  }
0xf: {  	_ =	swait.ge @!p0 [sflag:s12], $0x190  }
0x10: {  	[sflag:s12] =	ssyncset.done @!p0 $0x0  }
0x11: {  	s14 =	simm.s32 @!p0 $0x200;
	[sflag:s12] =	ssyncadd.s32 @!p0 $0xFFFFFE70  }
0x12: {  	[tilespmem:s14], [sflag:$0x4] =	stream.linear.gather @!p0 [hbm4b:s7+s13], $0x190, $0x38;
	[tilespmem:$0x19400] =	vst v63  }
0x13: {  	_ =	swait.ge @!p0 [sflag:s12], $0x190  }
0x14: {  	[sflag:s12] =	ssyncset.done @!p0 $0x0  }
0x15: {  	s15 =	simm.s32 @!p0 $0x190;
	s16 =	simm.s32 @!p0 $0x400;
	[sflag:s12] =	ssyncadd.s32 @!p0 $0xFFFFFE70  }
0x16: {  	[tilespmem:s16], [sflag:$0x1] =	stream.indirect.gather @!p0 [hbm4b:s1+s15], $0x80, s13, s15, $0xb8;
	[tilespmem:$0x19400] =	vst v63  }
0x17: {  	s17 =	simm.s32 @!p0 $0xCC00;
	s18 =	simm.s32 @!p0 $0x1  }
0x18: {  	[tilespmem:s17], [sflag:$0x2] =	stream.indirect.gather @!p0 [hbm4b:s1+s15], $0x80, s14, s15, $0xb8;
	[tilespmem:$0x19400] =	vst v63  }
0x19: {  	_ =	swait.ge @!p0 [sflag:s18], $0xC800  }
0x1a: {  	[sflag:s18] =	ssyncset.done @!p0 $0x0  }
0x1b: {  	s14 =	simm.s32 @!p0 $0x2;
	[sflag:s18] =	ssyncadd.s32 @!p0 $0xFFFF3800  }
0x1c: {  	_ =	swait.ge @!p0 [sflag:s14], $0xC800  }
0x1d: {  	[sflag:s14] =	ssyncset.done @!p0 $0x0  }
0x1e: {  	[sflag:s14] =	ssyncadd.s32 @!p0 $0xFFFF3800;
	s14 =	sadd.s32 @!p0 $0x0, s8  }
0x1f: {  	[hbm4b:s14+s13] =	stream.linear.scatter @!p0 [tilespmem:s16], [sflag:$0x4], $0xC800, $0x38;
	[tilespmem:$0x19400] =	vst v63  }
0x20: {  	_ =	swait.ge @!p0 [sflag:s12], $0xC800  }
0x21: {  	[sflag:s12] =	ssyncset.done @!p0 $0x0  }
0x22: {  	s14 =	sadd.s32 @!p0 $0x0, s9;
	[sflag:s12] =	ssyncadd.s32 @!p0 $0xFFFF3800  }
0x23: {  	[hbm4b:s14+s13] =	stream.linear.scatter @!p0 [tilespmem:s17], [sflag:$0x4], $0xC800, $0x38;
	[tilespmem:$0x19400] =	vst v63  }
0x24: {  	_ =	swait.ge @!p0 [sflag:s12], $0xC800  }
0x25: {  	[sflag:s12] =	ssyncset.done @!p0 $0x0  }
0x26: {  	[sflag:s12] =	ssyncadd.s32 @!p0 $0xFFFF3800  }
0x27: {  	[tilespmem:s16], [sflag:$0x1] =	stream.indirect.gather @!p0 [hbm4b:s4+s15], $0x80, s13, s15, $0xb8;
	[tilespmem:$0x19400] =	vst v63  }
0x28: {  	_ =	swait.ge @!p0 [sflag:s18], $0xC800  }
0x29: {  	s14 =	simm.s32 $0x64000;
	s12 =	simm.s32 $0x32000;
	[sflag:s18] =	ssyncset.done @!p0 $0x0  }
0x2a: {  	s15 =	sadd.s32 @!p0 $0x0, s10;
	[sflag:s18] =	ssyncadd.s32 @!p0 $0xFFFF3800;
	s18 =	simm.s32 @!p0 $0x3  }
0x2b: {  	[hbm4b:s15+s13] =	stream.linear.scatter @!p0 [tilespmem:s16], [sflag:$0x3], $0xC800, $0x38;
	[tilespmem:$0x19400] =	vst v63  }
0x2c: {  	s13 =	sadd.s32 $0x640, s7;
	s16 =	sadd.s32 $0x20, s11;
	_ =	swait.ge @!p0 [sflag:s18], $0xC800  }
0x2d: {  	s15 =	sadd.s32 $0x640, s6;
	p2 =	sgt.u32 s16, $0xC7;
	[sflag:s18] =	ssyncset.done @!p0 $0x0  }
.LBB2_2:
0x2e: {  	s17 =	simm.s32 @!p2 $0x0;
	s19 =	simm.s32 @!p2 $0x4;
	[sflag:s18] =	ssyncadd.s32 @!p0 $0xFFFF3800  }
0x2f: {  	s18 =	smov.u32 s12;
	s12 =	smov.u32 s14;
	p0 =	por p2, p2  }
0x30: {  	[tilespmem:s17], [sflag:$0x4] =	stream.linear.gather @!p0 [hbm4b:s15+s17], $0x190, $0x38;
	[tilespmem:$0x19400] =	vst v63  }
0x31: {  	s14 =	sadd.s32 $0x32000, s14;
	_ =	swait.ge @!p0 [sflag:s19], $0x190  }
0x32: {  	p1 =	sne.s32 s14, $0x15E000;
	[sflag:s19] =	ssyncset.done @!p0 $0x0  }
0x33: {  	s20 =	simm.s32 @!p0 $0x200;
	[sflag:s19] =	ssyncadd.s32 @!p0 $0xFFFFFE70  }
0x34: {  	[tilespmem:s20], [sflag:$0x4] =	stream.linear.gather @!p0 [hbm4b:s13+s17], $0x190, $0x38;
	[tilespmem:$0x19400] =	vst v63  }
0x35: {  	_ =	swait.ge @!p0 [sflag:s19], $0x190  }
0x36: {  	[sflag:s19] =	ssyncset.done @!p0 $0x0  }
0x37: {  	s21 =	simm.s32 @!p0 $0x190;
	s22 =	simm.s32 @!p0 $0x400;
	[sflag:s19] =	ssyncadd.s32 @!p0 $0xFFFFFE70  }
0x38: {  	[tilespmem:s22], [sflag:$0x1] =	stream.indirect.gather @!p0 [hbm4b:s1+s21], $0x80, s17, s21, $0xb8;
	[tilespmem:$0x19400] =	vst v63  }
0x39: {  	s23 =	simm.s32 @!p0 $0xCC00;
	s24 =	simm.s32 @!p0 $0x1  }
0x3a: {  	[tilespmem:s23], [sflag:$0x2] =	stream.indirect.gather @!p0 [hbm4b:s1+s21], $0x80, s20, s21, $0xb8;
	[tilespmem:$0x19400] =	vst v63  }
0x3b: {  	_ =	swait.ge @!p0 [sflag:s24], $0xC800  }
0x3c: {  	[sflag:s24] =	ssyncset.done @!p0 $0x0  }
0x3d: {  	s20 =	simm.s32 @!p0 $0x2;
	[sflag:s24] =	ssyncadd.s32 @!p0 $0xFFFF3800  }
0x3e: {  	_ =	swait.ge @!p0 [sflag:s20], $0xC800  }
0x3f: {  	[sflag:s20] =	ssyncset.done @!p0 $0x0  }
0x40: {  	[sflag:s20] =	ssyncadd.s32 @!p0 $0xFFFF3800;
	s20 =	sadd.s32 @!p0 s18, s8  }
0x41: {  	[hbm4b:s20+s17] =	stream.linear.scatter @!p0 [tilespmem:s22], [sflag:$0x4], $0xC800, $0x38;
	[tilespmem:$0x19400] =	vst v63  }
0x42: {  	_ =	swait.ge @!p0 [sflag:s19], $0xC800  }
0x43: {  	[sflag:s19] =	ssyncset.done @!p0 $0x0  }
0x44: {  	s20 =	sadd.s32 @!p0 s18, s9;
	[sflag:s19] =	ssyncadd.s32 @!p0 $0xFFFF3800  }
0x45: {  	[hbm4b:s20+s17] =	stream.linear.scatter @!p0 [tilespmem:s23], [sflag:$0x4], $0xC800, $0x38;
	[tilespmem:$0x19400] =	vst v63  }
0x46: {  	_ =	swait.ge @!p0 [sflag:s19], $0xC800  }
0x47: {  	[sflag:s19] =	ssyncset.done @!p0 $0x0  }
0x48: {  	[sflag:s19] =	ssyncadd.s32 @!p0 $0xFFFF3800  }
0x49: {  	[tilespmem:s22], [sflag:$0x1] =	stream.indirect.gather @!p0 [hbm4b:s4+s21], $0x80, s17, s21, $0xb8;
	[tilespmem:$0x19400] =	vst v63  }
0x4a: {  	_ =	swait.ge @!p0 [sflag:s24], $0xC800  }
.Ltmp0:
0x4b: {  	[sflag:s24] =	ssyncset.done @!p0 $0x0;
	(pc) =	sbr.rel @p1 .LBB2_2-.Ltmp0, $4  }
0x4c: {  	s19 =	sadd.s32 @!p0 s18, s10;
	s18 =	simm.s32 @!p0 $0x3;
	[sflag:s24] =	ssyncadd.s32 @!p0 $0xFFFF3800  }
0x4d: {  	[hbm4b:s19+s17] =	stream.linear.scatter @!p0 [tilespmem:s22], [sflag:$0x3], $0xC800, $0x38;
	[tilespmem:$0x19400] =	vst v63  }
0x4e: {  	s16 =	sadd.s32 $0x20, s16;
	s13 =	sadd.s32 $0x640, s13;
	_ =	swait.ge @!p0 [sflag:s18], $0xC800  }
0x4f: {  	p2 =	sgt.u32 s16, $0xC7;
	s15 =	sadd.s32 $0x640, s15;
	[sflag:s18] =	ssyncset.done @!p0 $0x0  }
0x50: {  	s14 =	simm.s32 @!p2 $0x0  }
0x51: {  	s16 =	simm.s32 @!p2 $0x4;
	[sflag:s18] =	ssyncadd.s32 @!p0 $0xFFFF3800;
	p0 =	por p2, p2  }
0x52: {  	[tilespmem:s14], [sflag:$0x4] =	stream.linear.gather @!p0 [hbm4b:s15+s14], $0x190, $0x38;
	[tilespmem:$0x19400] =	vst v63  }
0x53: {  	_ =	swait.ge @!p0 [sflag:s16], $0x190  }
0x54: {  	[sflag:s16] =	ssyncset.done @!p0 $0x0  }
0x55: {  	s15 =	simm.s32 @!p0 $0x200;
	[sflag:s16] =	ssyncadd.s32 @!p0 $0xFFFFFE70  }
0x56: {  	[tilespmem:s15], [sflag:$0x4] =	stream.linear.gather @!p0 [hbm4b:s13+s14], $0x190, $0x38;
	[tilespmem:$0x19400] =	vst v63  }
0x57: {  	_ =	swait.ge @!p0 [sflag:s16], $0x190  }
0x58: {  	[sflag:s16] =	ssyncset.done @!p0 $0x0  }
0x59: {  	s17 =	simm.s32 @!p0 $0x400;
	s13 =	simm.s32 @!p0 $0x190;
	[sflag:s16] =	ssyncadd.s32 @!p0 $0xFFFFFE70  }
0x5a: {  	[tilespmem:s17], [sflag:$0x1] =	stream.indirect.gather @!p0 [hbm4b:s1+s13], $0x80, s14, s13, $0xb8;
	[tilespmem:$0x19400] =	vst v63  }
0x5b: {  	s18 =	simm.s32 @!p0 $0xCC00;
	s19 =	simm.s32 @!p0 $0x1  }
0x5c: {  	[tilespmem:s18], [sflag:$0x2] =	stream.indirect.gather @!p0 [hbm4b:s1+s13], $0x80, s15, s13, $0xb8;
	[tilespmem:$0x19400] =	vst v63  }
0x5d: {  	_ =	swait.ge @!p0 [sflag:s19], $0xC800  }
0x5e: {  	[sflag:s19] =	ssyncset.done @!p0 $0x0  }
0x5f: {  	s15 =	simm.s32 @!p0 $0x2;
	[sflag:s19] =	ssyncadd.s32 @!p0 $0xFFFF3800  }
0x60: {  	_ =	swait.ge @!p0 [sflag:s15], $0xC800  }
0x61: {  	[sflag:s15] =	ssyncset.done @!p0 $0x0  }
0x62: {  	[sflag:s15] =	ssyncadd.s32 @!p0 $0xFFFF3800;
	s15 =	sadd.s32 @!p0 s12, s8  }
0x63: {  	[hbm4b:s15+s14] =	stream.linear.scatter @!p0 [tilespmem:s17], [sflag:$0x4], $0xC800, $0x38;
	[tilespmem:$0x19400] =	vst v63  }
0x64: {  	_ =	swait.ge @!p0 [sflag:s16], $0xC800  }
0x65: {  	[sflag:s16] =	ssyncset.done @!p0 $0x0  }
0x66: {  	s15 =	sadd.s32 @!p0 s12, s9;
	[sflag:s16] =	ssyncadd.s32 @!p0 $0xFFFF3800  }
0x67: {  	[hbm4b:s15+s14] =	stream.linear.scatter @!p0 [tilespmem:s18], [sflag:$0x4], $0xC800, $0x38;
	[tilespmem:$0x19400] =	vst v63  }
0x68: {  	_ =	swait.ge @!p0 [sflag:s16], $0xC800  }
0x69: {  	[sflag:s16] =	ssyncset.done @!p0 $0x0  }
0x6a: {  	[sflag:s16] =	ssyncadd.s32 @!p0 $0xFFFF3800  }
0x6b: {  	[tilespmem:s17], [sflag:$0x1] =	stream.indirect.gather @!p0 [hbm4b:s4+s13], $0x80, s14, s13, $0xb8;
	[tilespmem:$0x19400] =	vst v63  }
0x6c: {  	s2 =	sadd.s32 $0x1, s2;
	_ =	swait.ge @!p0 [sflag:s19], $0xC800  }
0x6d: {  	p1 =	sne.s32 s2, s5;
	s12 =	sadd.s32 @!p0 s12, s10;
	[sflag:s19] =	ssyncset.done @!p0 $0x0  }
.Ltmp1:
0x6e: {  	s13 =	simm.s32 @!p0 $0x3;
	[sflag:s19] =	ssyncadd.s32 @!p0 $0xFFFF3800;
	(pc) =	sbr.rel @p1 .LBB2_1-.Ltmp1, $4  }
0x6f: {  	[hbm4b:s12+s14] =	stream.linear.scatter @!p0 [tilespmem:s17], [sflag:$0x3], $0xC800, $0x38;
	[tilespmem:$0x19400] =	vst v63  }
0x70: {  	_ =	swait.ge @!p0 [sflag:s13], $0xC800  }
0x71: {  	[sflag:s13] =	ssyncset.done @!p0 $0x0  }
0x72: {  	[sflag:s13] =	ssyncadd.s32 @!p0 $0xFFFF3800  }
0x73: {  	_ =	sfence.sel $0x180000  }
0x74: {  	[bflag:$0x0] =	sbarrier.arrive $0xFFFF  }
0x75: {  	p0 =	sne.s32 s3, $0x0;
	_ =	strace $0x90000050  }
0x76: {  	s0 =	sadd.s32 @!p0 $0x100000, s0;
	[bflag:$0x2] =	sbarrier.arrive $0xFFFF  }
0x77: {  	[sflag:s0] =	ssyncadd.tile.s32 @!p0 $0x1;
	_ =	shalt  }
.Lfunc_end2:
_tile_overlayer_lowered:
.L_overlay_start_2:
0x78: {  	(tag) =	ssettag $0x2  }
0x79: {  	s0 =	rddreg [dreg:$0x0];
	s2 =	stileid.u32  }
0x7a: {  	s1 =	rddreg [dreg:$0x1];
	p0 =	sne.s32 s2, $0x0  }
0x7b: {  	s3 =	rddreg [dreg:$0x2];
	[bflag:$0x3] =	sbarrier.arrive $0xFFFF;
	s2 =	simm.s32 @!p0 $0x1C03  }
0x7c: {  	[timem:s3], [sflag:s2] =	dma.local @!p0 [hbm:s0], s1  }
0x7d: {  	s0 =	simm.s32 @!p0 $0x3  }
0x7e: {  	_ =	swait.ge @!p0 [sflag:s0], s1  }
0x7f: {  	s1 =	ssub.s32 @!p0 $0x0, s1;
	[sflag:s0] =	ssyncset.done @!p0 $0x0  }
0x80: {  	[sflag:s0] =	ssyncadd.s32 @!p0 s1  }
0x81: {  	[bflag:$0x3] =	sbarrier.arrive $0xFFFF  }
0x82: {  	_ =	shalt  }

// kernel: kernel.42.cloned.1.call-start
scs
__scs_entry_jumppad:
0x0: {  	(pc) =	sbr.rel $0x88, $3  }
0x1: {  	(tag) =	ssettag $0x0;
	lr =	simm.s32 $0x1  }
0x2: {  	[smem:$0x3F84] =	sst lr;
	_ =	strace $0xD0000000  }
0x3: {  	_ = 	snop  }
0x4: {  	_ = 	snop  }
0x5: {  	_ = 	snop  }
0x6: {  	_ = 	snop  }
0x7: {  	_ = 	snop  }
__scs_overlays_trampoline_lowered:
0x8: {  	[smem:$0x3F93] =	sst s0  }
0x9: {  	[smem:$0x3F94] =	sst s1  }
0xa: {  	[smem:$0x3F95] =	sst s2  }
0xb: {  	[smem:$0x3F96] =	sst s3  }
0xc: {  	[smem:$0x3F97] =	sst s4  }
0xd: {  	[smem:$0x3F98] =	sst s5  }
0xe: {  	[smem:$0x3F99] =	sst s6  }
0xf: {  	[smem:$0x3F9A] =	sst s7  }
0x10: {  	[smem:$0x3F9B] =	sst s8  }
0x11: {  	[smem:$0x3F9C] =	sst s9;
	s0 =	simm.s32 @!p0 $0x0  }
0x12: {  	s1 =	sld [smem:$0x3F82];
	s0 =	simm.s32 @p0 $0x1  }
0x13: {  	[smem:$0x3F9D] =	sst s0;
	s0 =	simm.s32 @!p1 $0x0  }
0x14: {  	s2 =	sld [smem:$0x3F81];
	s0 =	simm.s32 @p1 $0x1  }
0x15: {  	[smem:$0x3F9E] =	sst s0;
	s0 =	simm.s32 @!p2 $0x0  }
0x16: {  	s3 =	sld [smem:$0x3FDB];
	s0 =	simm.s32 @p2 $0x1  }
0x17: {  	s4 =	simm.s32 $0x1BF5;
	[smem:$0x3FA0] =	sst s0  }
0x18: {  	s0 =	sld [smem:$0x3F83];
	_ =	swait.ge [sflag:s4], $0x0  }
0x19: {  	s7 =	sld [smem:$0x3F84]  }
0x1a: {  	s8 =	sadd.s32 $0xFFFFE003, lr  }
0x1b: {  	s9 =	sadd.s32 $0xFFFFFEF7, lr;
	s5 =	simm.s32 $0xFFFFFFFF;
	p2 =	slt.u32 s8, $0xFFFFF086  }
0x1c: {  	p1 =	slt.u32 s9, $0xF7A;
	s5 =	simm.s32 @!p2 $0x0  }
0x1d: {  	s5 =	simm.s32 @p1 $0x1;
	p0 =	seq.s32 s7, s2  }
0x1e: {  	s7 =	smul.u32 @!p0 $0xF7A, s2;
	p2 =	seq.s32 @!p0 s5, $0x0  }
0x1f: {  	s9 =	smul.u32 $0xF7A, s1;
	s8 =	simm.s32 @!p0 $0x1BF5;
	p2 =	por !p2, p0  }
0x20: {  	[sflag:s8] =	ssyncset.s32 @!p0 $0xFFFFF086;
	s6 =	sadd.s32 @!p0 s3, s7;
	s7 =	simm.s32 @!p0 $0x108  }
0x21: {  	s3 =	sadd.s32 s3, s9;
	s6 =	sadd.s32 @!p0 $0x88, s6;
	s7 =	simm.s32 @p2 $0x1082  }
0x22: {  	[simem:s7], [sflag:s8] =	dma.local @!p0 [hbm:s6], $0xF7A  }
0x23: {  	s9 =	sor.u32 $0xD0000000, s2;
	s6 =	simm.s32 $0x108;
	_ =	swait.ge @!p0 [sflag:s8], $0x0  }
0x24: {  	s3 =	sadd.s32 $0x88, s3;
	s6 =	simm.s32 @!p1 $0x1082;
	[sflag:s4] =	ssyncset.s32 $0xFFFFF086  }
0x25: {  	[simem:s6], [sflag:s4] =	dma.local [hbm:s3], $0xF7A  }
0x26: {  	[smem:$0x3F84] =	sst s1;
	(tag) =	ssettag s2;
	_ =	strace s9  }
0x27: {  	s1 =	sld [smem:$0x3F94]  }
0x28: {  	s2 =	sld [smem:$0x3F95]  }
0x29: {  	s4 =	sld [smem:$0x3F97]  }
0x2a: {  	p0 =	seq.s32 s5, $0x0;
	s5 =	sld [smem:$0x3F98]  }
0x2b: {  	s6 =	sld [smem:$0x3F99]  }
0x2c: {  	s7 =	sld [smem:$0x3F9A]  }
0x2d: {  	s3 =	simm.s32 $0x108;
	s8 =	sld [smem:$0x3F9B]  }
0x2e: {  	s3 =	simm.s32 @!p0 $0x1082;
	s9 =	sld [smem:$0x3F9C]  }
0x2f: {  	lr =	sadd.s32 s0, s3;
	s0 =	sld [smem:$0x3F93]  }
0x30: {  	s3 =	sld [smem:$0x3F96]  }
0x31: {  	[smem:$0x3F9F] =	sst s10  }
0x32: {  	s10 =	sld [smem:$0x3F9D];
	_ =	sdelay $0x3  }
0x33: {  	p0 =	seq.s32 s10, $0x1;
	s10 =	sld [smem:$0x3F9F];
	_ =	sdelay $0x3  }
0x34: {  	[smem:$0x3F9F] =	sst s10  }
0x35: {  	s10 =	sld [smem:$0x3F9E];
	_ =	sdelay $0x3  }
0x36: {  	p1 =	seq.s32 s10, $0x1;
	s10 =	sld [smem:$0x3F9F];
	_ =	sdelay $0x3  }
0x37: {  	[smem:$0x3F9F] =	sst s10  }
0x38: {  	s10 =	sld [smem:$0x3FA0]  }
0x39: {  	_ = 	snop;
	(pc) =	sbr.ind lr, $3  }
0x3a: {  	_ = 	snop  }
0x3b: {  	_ = 	snop  }
0x3c: {  	p2 =	seq.s32 s10, $0x1;
	s10 =	sld [smem:$0x3F9F]  }
0x3d: {  	_ =	shalt  }
0x3e: {  	_ =	shalt  }
0x3f: {  	_ =	shalt  }
0x40: {  	_ =	shalt  }
0x41: {  	_ =	shalt  }
0x42: {  	_ =	shalt  }
0x43: {  	_ =	shalt  }
0x44: {  	_ =	shalt  }
0x45: {  	_ =	shalt  }
0x46: {  	_ =	shalt  }
0x47: {  	_ =	shalt  }
0x48: {  	_ =	shalt  }
0x49: {  	_ =	shalt  }
0x4a: {  	_ =	shalt  }
0x4b: {  	_ =	shalt  }
0x4c: {  	_ =	shalt  }
0x4d: {  	_ =	shalt  }
0x4e: {  	_ =	shalt  }
0x4f: {  	_ =	shalt  }
0x50: {  	_ =	shalt  }
0x51: {  	_ =	shalt  }
0x52: {  	_ =	shalt  }
0x53: {  	_ =	shalt  }
0x54: {  	_ =	shalt  }
0x55: {  	_ =	shalt  }
0x56: {  	_ =	shalt  }
0x57: {  	_ =	shalt  }
0x58: {  	_ =	shalt  }
0x59: {  	_ =	shalt  }
0x5a: {  	_ =	shalt  }
0x5b: {  	_ =	shalt  }
0x5c: {  	_ =	shalt  }
0x5d: {  	_ =	shalt  }
0x5e: {  	_ =	shalt  }
0x5f: {  	_ =	shalt  }
0x60: {  	_ =	shalt  }
0x61: {  	_ =	shalt  }
0x62: {  	_ =	shalt  }
0x63: {  	_ =	shalt  }
0x64: {  	_ =	shalt  }
0x65: {  	_ =	shalt  }
0x66: {  	_ =	shalt  }
0x67: {  	_ =	shalt  }
0x68: {  	_ =	shalt  }
0x69: {  	_ =	shalt  }
0x6a: {  	_ =	shalt  }
0x6b: {  	_ =	shalt  }
0x6c: {  	_ =	shalt  }
0x6d: {  	_ =	shalt  }
0x6e: {  	_ =	shalt  }
0x6f: {  	_ =	shalt  }
0x70: {  	_ =	shalt  }
0x71: {  	_ =	shalt  }
0x72: {  	_ =	shalt  }
0x73: {  	_ =	shalt  }
0x74: {  	_ =	shalt  }
0x75: {  	_ =	shalt  }
0x76: {  	_ =	shalt  }
0x77: {  	_ =	shalt  }
0x78: {  	_ =	shalt  }
0x79: {  	_ =	shalt  }
0x7a: {  	_ =	shalt  }
0x7b: {  	_ =	shalt  }
0x7c: {  	_ =	shalt  }
0x7d: {  	_ =	shalt  }
0x7e: {  	_ =	shalt  }
0x7f: {  	_ =	shalt  }
0x80: {  	_ =	shalt  }
0x81: {  	_ =	shalt  }
0x82: {  	_ =	shalt  }
0x83: {  	_ =	shalt  }
0x84: {  	_ =	shalt  }
0x85: {  	_ =	shalt  }
0x86: {  	_ =	shalt  }
0x87: {  	_ =	shalt  }
.Lfunc_end0:
.L_simem_size_0:
called_computation.8_lowered:
.L_overlay_start_0:
0x88: {  	s2 =	sld [smem:$0x3FD9]  }
0x89: {  	s3 =	sld [smem:$0x3FFE];
	_ =	sdelay $0x1  }
0x8a: {  	s1 =	srdreg.scid  }
0x8b: {  	s0 =	sand.u32 $0x1, s1  }
0x8c: {  	s15 =	sshll.u32 s0, $0xA;
	s2 =	sadd.s32 s3, s2  }
0x8d: {  	s2 =	sadd.s32 s2, s15  }
0x8e: {  	[smem:$0x3FAB] =	sst s2  }
0x8f: {  	_ = 	snop  }
0x90: {  	s2 =	sld [smem:$0x3FD0];
	_ =	sdelay $0x2  }
0x91: {  	s16 =	simm.s32 $0xD;
	s4 =	simm.s32 $0x10  }
0x92: {  	[smem:s4], [sflag:s16] =	dma.local [hbm:s2], $0x1  }
0x93: {  	_ =	swait.eq [sflag:s16], $0x1  }
0x94: {  	[sflag:s16] =	ssyncset.done $0x0  }
0x95: {  	[sflag:s16] =	ssyncadd.s32 $0xFFFFFFFF  }
0x96: {  	s17 =	sld [smem:$0x12];
	(tm) =	ssettm $0x1  }
0x97: {  	s18 =	sld [smem:$0x3FFB];
	_ =	sdelay $0x3  }
0x98: {  	_ =	strace s18  }
0x99: {  	s2 =	sld [smem:$0x3FFC];
	_ =	sdelay $0x3  }
0x9a: {  	_ =	strace s2  }
0x9b: {  	s2 =	sld [smem:$0x3FFD];
	_ =	sdelay $0x3  }
0x9c: {  	_ =	strace s2  }
0x9d: {  	_ =	strace $0x8FFFFFFF  }
0x9e: {  	s19 =	sld [smem:$0x3FDB];
	_ =	sdelay $0x1  }
0x9f: {  	s20 =	simm.s32 $_scs_section_size  }
0xa0: {  	s5 =	simm.s32 $_size__tile_overlayer_lowered;
	s6 =	simm.s32 $_tile_overlayer_lowered  }
0xa1: {  	s7 =	simm.s32 $0x1BFF;
	s21 =	sshll.u32 s6, $0x1;
	s4 =	sadd.s32 s20, s19  }
0xa2: {  	s22 =	simm.s32 $0x0;
	s5 =	sshll.u32 s5, $0x1;
	s6 =	sadd.s32 s21, s4  }
0xa3: {  	[timem:s22], [sflag:s7] =	dma.local [hbm:s6], s5  }
0xa4: {  	_ =	swait.ge [sflag:s7], s5  }
0xa5: {  	s5 =	ssub.s32 $0x0, s5;
	[sflag:s7] =	ssyncset.done $0x0  }
0xa6: {  	[sflag:s7] =	ssyncadd.s32 s5;
	_ =	sdelay $0x1  }
0xa7: {  	s23 =	simm.s32 $0x1B8B  }
0xa8: {  	_ =	swait.ge [sflag:s23], $0x1  }
0xa9: {  	[sflag:s23] =	ssyncset.done $0x0  }
0xaa: {  	[sflag:s23] =	ssyncadd.s32 $0xFFFFFFFF  }
0xab: {  	s5 =	sld [smem:$0x0]  }
0xac: {  	s6 =	sand.u32 $0xFFFFFFFE, s1  }
0xad: {  	p0 =	sne.s32 s1, s6  }
0xae: {  	s6 =	sshll.u32 @p0 s6, $0xE  }
0xaf: {  	s6 =	sadd.s32 @p0 $0x11B8D, s6;
	s7 =	sshll.u32 @p0 s5, $0x11  }
0xb0: {  	s6 =	sor.u32 @p0 s7, s6  }
0xb1: {  	[sflag:s6] =	ssyncadd.remote.s32 @p0 $0x1;
	_ =	sdelay $0x1  }
0xb2: {  	s6 =	simm.s32 @p0 $0x1B8D  }
0xb3: {  	_ =	swait.eq @p0 [sflag:s6], $0x1  }
0xb4: {  	[sflag:s6] =	ssyncadd.s32 @p0 $0xFFFFFFFF  }
0xb5: {  	s7 =	sshll.u32 @!p0 s1, $0xE  }
0xb6: {  	s7 =	sor.u32 @!p0 $0x4000, s7;
	s6 =	simm.s32 @!p0 $0x1B8D  }
0xb7: {  	s5 =	sshll.u32 @!p0 s5, $0x11;
	s7 =	sadd.s32 @!p0 $0x11B8D, s7;
	_ =	swait.eq @!p0 [sflag:s6], $0x1  }
0xb8: {  	s5 =	sor.u32 @!p0 s5, s7;
	[sflag:s6] =	ssyncadd.s32 @!p0 $0xFFFFFFFF  }
0xb9: {  	s25 =	simm.s32 $0x1B8E;
	s24 =	sld [smem:$0x3FFE];
	[sflag:s5] =	ssyncadd.remote.s32 @!p0 $0x1  }
0xba: {  	s26 =	simm.s32 $execute0_lowered;
	[smem:$0x3FD2] =	sst s25  }
0xbb: {  	s6 =	sshll.u32 s26, $0x1;
	_ =	strace $0x8000005B;
	[dreg:$0x1] =	wrdreg $0xFFFFFFFF  }
0xbc: {  	s28 =	simm.s32 $_size_execute0_lowered;
	s4 =	sadd.s32 s4, s6;
	[dreg:$0x0] =	wrdreg $0x0  }
0xbd: {  	s6 =	sshll.u32 s28, $0x1;
	[dreg:$0x2] =	wrdreg s4  }
0xbe: {  	[dreg:$0x3] =	wrdreg s6  }
0xbf: {  	[dreg:$0x4] =	wrdreg $0xC0  }
0xc0: {  	_ =	task [dreg:s22], $0x5FFFF  }
0xc1: {  	[dreg:$0x1] =	wrdreg $0xFFFFFFFF  }
0xc2: {  	[dreg:$0x0] =	wrdreg $0x60  }
0xc3: {  	[dreg:$0x2] =	wrdreg s24  }
0xc4: {  	[dreg:$0x3] =	wrdreg s17  }
0xc5: {  	[dreg:$0x4] =	wrdreg $0x95000  }
0xc6: {  	[dreg:$0x5] =	wrdreg $0x135000  }
0xc7: {  	[dreg:$0x6] =	wrdreg $0xC  }
0xc8: {  	_ =	task.clear_ibuf [dreg:s22], $0x7FFFF;
	_ =	strace $0x9000005B  }
0xc9: {  	s29 =	simm.s32 $0xC;
	_ =	strace $0x8000005D  }
0xca: {  	_ =	swait.ge [sflag:s29], $0x1  }
0xcb: {  	[sflag:s29] =	ssyncadd.s32 $0xFFFFFFFF  }
0xcc: {  	_ =	strace $0x9000005D  }
0xcd: {  	_ =	sfence  }
0xce: {  	s30 =	sld [smem:$0x0];
	_ =	sdelay $0x2  }
0xcf: {  	s31 =	sshll.u32 s1, $0xD;
	s1 =	sshrl.u32 s1, $0x2  }
0xd0: {  	s4 =	sand.u32 $0x4000, s31;
	s1 =	sadd.s32 s1, s30  }
0xd1: {  	s0 =	sor.u32 s4, s0;
	s1 =	sshll.u32 s1, $0x11  }
0xd2: {  	s0 =	sor.u32 s1, s0  }
0xd3: {  	s0 =	sadd.s32 $0x8F2B, s0  }
0xd4: {  	[sflag:s0] =	ssyncadd.remote.s32 $0x1  }
0xd5: {  	_ =	sfence.sel $0xFFFF  }
0xd6: {  	[dreg:$0x0] =	wrdreg $0xFFFFFFFF;
	(pc) =	sbr.abs _section_cstart, $3  }
0xd7: {  	[dreg:$0x1] =	wrdreg $0xFFFFFFFF  }
0xd8: {  	_ =	task.clear_ibuf [dreg:s22], $0x2FFFF;
	_ =	strace $0x9FFFFFFF  }
0xd9: {  	(tm) =	ssettm $0x7FFFFFFF  }
tec
execute0_lowered:
.L_overlay_start_1:
0x0: {  	(tag) =	ssettag $0x1  }
0x1: {  	s7 =	rddreg [dreg:$0x0]  }
0x2: {  	s1 =	rddreg [dreg:$0x1]  }
0x3: {  	s2 =	rddreg [dreg:$0x2]  }
0x4: {  	s3 =	rddreg [dreg:$0x3]  }
0x5: {  	s0 =	rddreg [dreg:$0x4];
	s5 =	simm.s32 $0x0;
	s4 =	stileid.u32  }
0x6: {  	s6 =	srdreg.scid;
	s16 =	simm.s32 $0x1;
	s18 =	simm.s32 $0x4100  }
0x7: {  	s20 =	simm.s32 $0x2;
	s21 =	simm.s32 $0x0;
	[smem:$0x7FF] =	sst s5  }
0x8: {  	s8 =	sshll.u32 s4, $0xB;
	s9 =	sshll.u32 s4, $0x4;
	s28 =	smul.u32 $0xA000, s4  }
0x9: {  	s10 =	sand.u32 $0x1, s6;
	s6 =	sadd.s32 $0x30400, s7;
	s31 =	smul.u32 $0x1400, s4  }
0xa: {  	s30 =	sshll.u32 s4, $0x6;
	s14 =	smul.u32 $0x28000, s4;
	p0 =	sne.s32 s4, $0xF  }
0xb: {  	_ =	strace $0x8000005C;
	s11 =	sadd.s32 s8, s7;
	s25 =	smul.u32 $0x13880, s10  }
0xc: {  	s9 =	sadd.s32 s9, s7;
	s12 =	ssub.s32 $0x2, s10;
	s19 =	smul.u32 $0x1388, s10  }
0xd: {  	s26 =	sshrl.u32 s12, $0x1;
	s15 =	sadd.s32 s28, s2;
	s17 =	sadd.s32 s28, s3  }
0xe: {  	s9 =	sadd.s32 $0x3CC00, s9;
	s10 =	sadd.s32 $0xF84400, s11;
	s14 =	sshrl.u32 s14, $0x2  }
0xf: {  	s13 =	sadd.s32 s25, s7;
	s29 =	ssub.s32 s12, s26;
	s7 =	sor.u32 $0x1C01, s30  }
0x10: {  	s15 =	sshrl.u32 s15, $0x3;
	s17 =	sshrl.u32 s17, $0x3;
	v0 =	vmov s19;
	s19 =	simm.s32 $0x8100  }
0x11: {  	s8 =	smax.u32 s29, $0x1;
	s12 =	sadd.s32 s31, s13;
	s13 =	sadd.s32 s14, s2  }
0x12: {  	s14 =	sadd.s32 s14, s3;
	s11 =	sadd.s32 $0x10BCC00, s12;
	s12 =	sadd.s32 $0x10E3E00, s12  }
.LBB2_1:
0x13: {  	[spmem:s15], [sflag:s7] =	dma.local [hbm:s1], $0x1400  }
0x14: {  	_ =	swait.ge [sflag:s16], $0x1400  }
0x15: {  	[sflag:s16] =	ssyncset.done $0x0  }
0x16: {  	[sflag:s16] =	ssyncadd.s32 $0xFFFFEC00  }
0x17: {  	[spmem:s17], [sflag:s7] =	dma.local [hbm:s1], $0x1400  }
0x18: {  	_ =	swait.ge [sflag:s16], $0x1400  }
0x19: {  	[sflag:s16] =	ssyncset.done $0x0  }
0x1a: {  	[sflag:s16] =	ssyncadd.s32 $0xFFFFEC00  }
0x1b: {  	[tilespmem:s18], [sflag:$0x1] =	stream.linear.gather [hbm4b:s6+s5], $0x4000, $0x38;
	[tilespmem:$0x1D500] =	vst v63  }
0x1c: {  	_ =	swait.ge [sflag:s16], $0x4000  }
0x1d: {  	s22 =	sadd.s32 $0x0, s4;
	[sflag:s16] =	ssyncset.done $0x0  }
0x1e: {  	p1 =	sgt.u32 s22, $0x270;
	[sflag:s16] =	ssyncadd.s32 $0xFFFFC000  }
0x1f: {  	s23 =	simm.s32 @!p1 $0x0;
	s22 =	simm.s32 @!p1 $0x2;
	[bflag:$0x0] =	sbarrier.arrive $0xFFFF  }
0x20: {  	[tilespmem:s23], [sflag:$0x2] =	stream.linear.gather @!p1 [hbm4b:s9+s23], $0x80, $0x38;
	[tilespmem:$0x1D500] =	vst v63  }
0x21: {  	_ =	swait.ge @!p1 [sflag:s22], $0x80;
	p1 =	por p1, p1  }
0x22: {  	[sflag:s22] =	ssyncset.done @!p1 $0x0  }
0x23: {  	[sflag:s22] =	ssyncadd.s32 @!p1 $0xFFFFFF80  }
0x24: {  	v1 =	vld @!p1 [tilespmem:$0x50]  }
0x25: {  	v2 =	vld @!p1 [tilespmem:$0x30]  }
0x26: {  	v3 =	vld @!p1 [tilespmem:$0x20]  }
0x27: {  	v4 =	vld @!p1 [tilespmem:$0x10]  }
0x28: {  	v5 =	vld @!p1 [tilespmem:$0x40]  }
0x29: {  	v6 =	vld @!p1 [tilespmem:$0x0];
	v1 =	vsub.s32 @!p1 v1, v0  }
0x2a: {  	v7 =	vld @!p1 [tilespmem:$0x60];
	v2 =	vsub.s32 @!p1 v2, v0;
	v1 =	vmin.u32 @!p1 v1, $0x1388  }
0x2b: {  	v8 =	vld @!p1 [tilespmem:$0x70];
	v3 =	vsub.s32 @!p1 v3, v0;
	v2 =	vmin.u32 @!p1 v2, $0x1388;
	[tilespmem:$0xD0] =	vst @!p1 v1  }
0x2c: {  	v3 =	vmin.u32 @!p1 v3, $0x1388;
	v1 =	vsub.s32 @!p1 v4, v0;
	[tilespmem:$0xB0] =	vst @!p1 v2  }
0x2d: {  	[tilespmem:$0xA0] =	vst @!p1 v3;
	v2 =	vsub.s32 @!p1 v5, v0;
	v1 =	vmin.u32 @!p1 v1, $0x1388  }
0x2e: {  	v3 =	vsub.s32 @!p1 v6, v0;
	[tilespmem:$0x90] =	vst @!p1 v1;
	v1 =	vmin.u32 @!p1 v2, $0x1388  }
0x2f: {  	s24 =	simm.s32 $0x10;
	v2 =	vmin.u32 @!p1 v3, $0x1388;
	[tilespmem:$0xC0] =	vst @!p1 v1;
	v1 =	vsub.s32 @!p1 v7, v0  }
0x30: {  	s26 =	smov.u32 s9;
	s28 =	smov.u32 s10;
	s25 =	smov.u32 s10;
	[tilespmem:$0x80] =	vst @!p1 v2;
	v2 =	vsub.s32 @!p1 v8, v0;
	v1 =	vmin.u32 @!p1 v1, $0x1388  }
.LBB2_2:
0x31: {  	s26 =	sadd.s32 $0x100, s26  }
0x32: {  	[tilespmem:$0xE0] =	vst @!p1 v1;
	v1 =	vmin.u32 @!p1 v2, $0x1388;
	s28 =	sadd.s32 $0x8000, s28;
	s29 =	smov.u32 s24;
	s24 =	sadd.s32 $0x10, s24  }
0x33: {  	s30 =	simm.s32 @!p1 $0x100;
	p2 =	sne.s32 s24, $0x280;
	[tilespmem:$0xF0] =	vst @!p1 v1  }
0x34: {  	[tilespmem:s30], [sflag:$0x2] =	stream.linear.gather @!p1 [hbm4b:s25+s23], $0x4000, $0x38;
	[tilespmem:$0x1D500] =	vst v63  }
0x35: {  	s25 =	smov.u32 s28;
	_ =	swait.ge @!p1 [sflag:s22], $0x4000  }
0x36: {  	s23 =	sadd.s32 s29, s4;
	[sflag:s22] =	ssyncset.done @!p1 $0x0  }
0x37: {  	s29 =	simm.s32 @!p1 $0x80;
	[sflag:s22] =	ssyncadd.s32 @!p1 $0xFFFFC000  }
0x38: {  	[spmem:s2] =	stream.indirect.scatter.add.f32 @!p1 [tilespmem:s30], [sflag:$0x2], $0x80, s29, s29, $0xb8;
	[tilespmem:$0x1D500] =	vst v63  }
0x39: {  	_ =	swait.ge @!p1 [sflag:s22], $0x4000  }
0x3a: {  	[sflag:s22] =	ssyncset.done @!p1 $0x0  }
0x3b: {  	s30 =	simm.s32 @!p1 $0x1;
	[sflag:s22] =	ssyncadd.s32 @!p1 $0xFFFFC000;
	s22 =	simm.s32 @!p1 $0x4100  }
0x3c: {  	[spmem:s3] =	stream.indirect.scatter.add.f32 @!p1 [tilespmem:s22], [sflag:$0x1], $0x80, s29, s29, $0xb8;
	[tilespmem:$0x1D500] =	vst v63  }
0x3d: {  	_ =	swait.ge @!p1 [sflag:s30], $0x4000  }
0x3e: {  	p3 =	sgt.u32 s23, $0x270;
	[sflag:s30] =	ssyncset.done @!p1 $0x0  }
0x3f: {  	s23 =	simm.s32 @!p3 $0x0;
	s22 =	simm.s32 @!p3 $0x2;
	[sflag:s30] =	ssyncadd.s32 @!p1 $0xFFFFC000  }
0x40: {  	[tilespmem:s23], [sflag:$0x2] =	stream.linear.gather @!p3 [hbm4b:s26+s23], $0x80, $0x38;
	[tilespmem:$0x1D500] =	vst v63  }
0x41: {  	p1 =	por p3, p3;
	_ =	swait.ge @!p3 [sflag:s22], $0x80  }
0x42: {  	[sflag:s22] =	ssyncset.done @!p1 $0x0  }
0x43: {  	[sflag:s22] =	ssyncadd.s32 @!p1 $0xFFFFFF80  }
0x44: {  	v1 =	vld @!p1 [tilespmem:$0x50]  }
0x45: {  	v2 =	vld @!p1 [tilespmem:$0x30]  }
0x46: {  	v3 =	vld @!p1 [tilespmem:$0x20]  }
0x47: {  	v4 =	vld @!p1 [tilespmem:$0x10]  }
0x48: {  	v5 =	vld @!p1 [tilespmem:$0x40]  }
0x49: {  	v6 =	vld @!p1 [tilespmem:$0x0];
	v1 =	vsub.s32 @!p1 v1, v0  }
0x4a: {  	v2 =	vsub.s32 @!p1 v2, v0;
	v1 =	vmin.u32 @!p1 v1, $0x1388;
	v7 =	vld @!p1 [tilespmem:$0x60]  }
0x4b: {  	v3 =	vsub.s32 @!p1 v3, v0;
	v2 =	vmin.u32 @!p1 v2, $0x1388;
	[tilespmem:$0xD0] =	vst @!p1 v1;
	v8 =	vld @!p1 [tilespmem:$0x70]  }
.Ltmp0:
0x4c: {  	v1 =	vsub.s32 @!p1 v4, v0;
	v3 =	vmin.u32 @!p1 v3, $0x1388;
	[tilespmem:$0xB0] =	vst @!p1 v2;
	(pc) =	sbr.rel @p2 .LBB2_2-.Ltmp0, $4  }
0x4d: {  	v1 =	vmin.u32 @!p1 v1, $0x1388;
	[tilespmem:$0xA0] =	vst @!p1 v3;
	v2 =	vsub.s32 @!p1 v5, v0  }
0x4e: {  	v3 =	vsub.s32 @!p1 v6, v0;
	[tilespmem:$0x90] =	vst @!p1 v1;
	v1 =	vmin.u32 @!p1 v2, $0x1388  }
0x4f: {  	v2 =	vmin.u32 @!p1 v3, $0x1388;
	[tilespmem:$0xC0] =	vst @!p1 v1;
	v1 =	vsub.s32 @!p1 v7, v0  }
0x50: {  	[tilespmem:$0x80] =	vst @!p1 v2;
	v1 =	vmin.u32 @!p1 v1, $0x1388;
	v2 =	vsub.s32 @!p1 v8, v0  }
0x51: {  	[tilespmem:$0xE0] =	vst @!p1 v1;
	v1 =	vmin.u32 @!p1 v2, $0x1388  }
0x52: {  	s24 =	simm.s32 @!p1 $0x100;
	[tilespmem:$0xF0] =	vst @!p1 v1  }
0x53: {  	[tilespmem:s24], [sflag:$0x2] =	stream.linear.gather @!p1 [hbm4b:s25+s23], $0x4000, $0x38;
	[tilespmem:$0x1D500] =	vst v63  }
0x54: {  	_ =	swait.ge @!p1 [sflag:s22], $0x4000  }
0x55: {  	[sflag:s22] =	ssyncset.done @!p1 $0x0  }
0x56: {  	s23 =	simm.s32 @!p1 $0x80;
	[sflag:s22] =	ssyncadd.s32 @!p1 $0xFFFFC000  }
0x57: {  	[spmem:s2] =	stream.indirect.scatter.add.f32 @!p1 [tilespmem:s24], [sflag:$0x2], $0x80, s23, s23, $0xb8;
	[tilespmem:$0x1D500] =	vst v63  }
0x58: {  	_ =	swait.ge @!p1 [sflag:s22], $0x4000  }
0x59: {  	[sflag:s22] =	ssyncset.done @!p1 $0x0  }
0x5a: {  	s24 =	simm.s32 @!p1 $0x1;
	[sflag:s22] =	ssyncadd.s32 @!p1 $0xFFFFC000;
	s22 =	simm.s32 @!p1 $0x4100  }
0x5b: {  	[spmem:s3] =	stream.indirect.scatter.add.f32 @!p1 [tilespmem:s22], [sflag:$0x1], $0x80, s23, s23, $0xb8;
	[tilespmem:$0x1D500] =	vst v63  }
0x5c: {  	_ =	swait.ge @!p1 [sflag:s24], $0x4000  }
0x5d: {  	s26 =	smov.u32 s11;
	[sflag:s24] =	ssyncset.done @!p1 $0x0  }
0x5e: {  	s25 =	smov.u32 s12;
	s22 =	simm.s32 $0x0;
	[sflag:s24] =	ssyncadd.s32 @!p1 $0xFFFFC000  }
0x5f: {  	s23 =	smov.u32 s14;
	s24 =	smov.u32 s13;
	[bflag:$0x0] =	sbarrier.arrive $0xFFFF  }
.LBB2_4:
0x60: {  	p1 =	sgt.u32 @!p0 s22, $0x4  }
0x61: {  	p1 =	por p0, !p1  }
0x62: {  	[tilespmem:s19], [sflag:$0x2] =	stream.linear.gather @p1 [spmem:s24], $0x1400, $0x38;
	[tilespmem:$0x1D500] =	vst v63  }
0x63: {  	_ =	swait.ge @p1 [sflag:s20], $0x1400  }
0x64: {  	[sflag:s20] =	ssyncset.done @p1 $0x0  }
0x65: {  	[sflag:s20] =	ssyncadd.s32 @p1 $0xFFFFEC00  }
0x66: {  	[hbm4b:s26+s5] =	stream.linear.scatter @p1 [tilespmem:s19], [sflag:$0x2], $0x1400, $0x38;
	[tilespmem:$0x1D500] =	vst v63  }
0x67: {  	_ =	swait.ge @p1 [sflag:s20], $0x1400  }
0x68: {  	[sflag:s20] =	ssyncset.done @p1 $0x0  }
0x69: {  	[sflag:s20] =	ssyncadd.s32 @p1 $0xFFFFEC00  }
0x6a: {  	[tilespmem:s19], [sflag:$0x2] =	stream.linear.gather @p1 [spmem:s23], $0x1400, $0x38;
	[tilespmem:$0x1D500] =	vst v63  }
0x6b: {  	_ =	swait.ge @p1 [sflag:s20], $0x1400  }
0x6c: {  	[sflag:s20] =	ssyncset.done @p1 $0x0  }
0x6d: {  	[sflag:s20] =	ssyncadd.s32 @p1 $0xFFFFEC00  }
0x6e: {  	[hbm4b:s25+s5] =	stream.linear.scatter @p1 [tilespmem:s19], [sflag:$0x1], $0x1400, $0x38;
	[tilespmem:$0x1D500] =	vst v63  }
0x6f: {  	_ =	swait.ge @p1 [sflag:s16], $0x1400  }
0x70: {  	s22 =	sadd.s32 $0x1, s22;
	[sflag:s16] =	ssyncset.done @p1 $0x0  }
0x71: {  	[sflag:s16] =	ssyncadd.s32 @p1 $0xFFFFEC00;
	p1 =	sne.s32 s22, $0x8  }
.Ltmp1:
0x72: {  	_ = 	snop;
	(pc) =	sbr.rel @p1 .LBB2_4-.Ltmp1, $3  }
0x73: {  	_ =	sdelay $0x1  }
0x74: {  	s24 =	sadd.s32 $0x1400, s24  }
0x75: {  	s26 =	sadd.s32 $0x280, s26;
	s23 =	sadd.s32 $0x1400, s23;
	s25 =	sadd.s32 $0x280, s25  }
0x76: {  	s21 =	sadd.s32 $0x1, s21  }
0x77: {  	p1 =	sne.s32 s21, s8  }
.Ltmp2:
0x78: {  	_ = 	snop;
	(pc) =	sbr.rel @p1 .LBB2_1-.Ltmp2, $1  }
0x79: {  	_ =	sdelay $0x3  }
0x7a: {  	_ =	sfence.sel $0x180000  }
0x7b: {  	[bflag:$0x0] =	sbarrier.arrive $0xFFFF  }
0x7c: {  	p0 =	sne.s32 s4, $0x0;
	_ =	strace $0x9000005C  }
0x7d: {  	s0 =	sadd.s32 @!p0 $0x100000, s0;
	[bflag:$0x2] =	sbarrier.arrive $0xFFFF  }
0x7e: {  	[sflag:s0] =	ssyncadd.tile.s32 @!p0 $0x1;
	_ =	shalt  }
.Lfunc_end2:
_tile_overlayer_lowered:
.L_overlay_start_2:
0x7f: {  	(tag) =	ssettag $0x2  }
0x80: {  	s0 =	rddreg [dreg:$0x0];
	s2 =	stileid.u32  }
0x81: {  	s1 =	rddreg [dreg:$0x1];
	p0 =	sne.s32 s2, $0x0  }
0x82: {  	s3 =	rddreg [dreg:$0x2];
	[bflag:$0x3] =	sbarrier.arrive $0xFFFF;
	s2 =	simm.s32 @!p0 $0x1C01  }
0x83: {  	[timem:s3], [sflag:s2] =	dma.local @!p0 [hbm:s0], s1  }
0x84: {  	s0 =	simm.s32 @!p0 $0x1  }
0x85: {  	_ =	swait.ge @!p0 [sflag:s0], s1  }
0x86: {  	s1 =	ssub.s32 @!p0 $0x0, s1;
	[sflag:s0] =	ssyncset.done @!p0 $0x0  }
0x87: {  	[sflag:s0] =	ssyncadd.s32 @!p0 s1  }
0x88: {  	[bflag:$0x3] =	sbarrier.arrive $0xFFFF  }
0x89: {  	_ =	shalt  }

// kernel: kernel.45.cloned.1.call-start
scs
__scs_entry_jumppad:
0x0: {  	(pc) =	sbr.rel $0x88, $3  }
0x1: {  	(tag) =	ssettag $0x0;
	lr =	simm.s32 $0x1  }
0x2: {  	[smem:$0x3F84] =	sst lr;
	_ =	strace $0xD0000000  }
0x3: {  	_ = 	snop  }
0x4: {  	_ = 	snop  }
0x5: {  	_ = 	snop  }
0x6: {  	_ = 	snop  }
0x7: {  	_ = 	snop  }
__scs_overlays_trampoline_lowered:
0x8: {  	[smem:$0x3F93] =	sst s0  }
0x9: {  	[smem:$0x3F94] =	sst s1  }
0xa: {  	[smem:$0x3F95] =	sst s2  }
0xb: {  	[smem:$0x3F96] =	sst s3  }
0xc: {  	[smem:$0x3F97] =	sst s4  }
0xd: {  	[smem:$0x3F98] =	sst s5  }
0xe: {  	[smem:$0x3F99] =	sst s6  }
0xf: {  	[smem:$0x3F9A] =	sst s7  }
0x10: {  	[smem:$0x3F9B] =	sst s8  }
0x11: {  	[smem:$0x3F9C] =	sst s9;
	s0 =	simm.s32 @!p0 $0x0  }
0x12: {  	s1 =	sld [smem:$0x3F82];
	s0 =	simm.s32 @p0 $0x1  }
0x13: {  	[smem:$0x3F9D] =	sst s0;
	s0 =	simm.s32 @!p1 $0x0  }
0x14: {  	s2 =	sld [smem:$0x3F81];
	s0 =	simm.s32 @p1 $0x1  }
0x15: {  	[smem:$0x3F9E] =	sst s0;
	s0 =	simm.s32 @!p2 $0x0  }
0x16: {  	s3 =	sld [smem:$0x3FDB];
	s0 =	simm.s32 @p2 $0x1  }
0x17: {  	s4 =	simm.s32 $0x1BF5;
	[smem:$0x3FA0] =	sst s0  }
0x18: {  	s0 =	sld [smem:$0x3F83];
	_ =	swait.ge [sflag:s4], $0x0  }
0x19: {  	s7 =	sld [smem:$0x3F84]  }
0x1a: {  	s8 =	sadd.s32 $0xFFFFE003, lr  }
0x1b: {  	s9 =	sadd.s32 $0xFFFFFEF7, lr;
	s5 =	simm.s32 $0xFFFFFFFF;
	p2 =	slt.u32 s8, $0xFFFFF086  }
0x1c: {  	p1 =	slt.u32 s9, $0xF7A;
	s5 =	simm.s32 @!p2 $0x0  }
0x1d: {  	s5 =	simm.s32 @p1 $0x1;
	p0 =	seq.s32 s7, s2  }
0x1e: {  	s7 =	smul.u32 @!p0 $0xF7A, s2;
	p2 =	seq.s32 @!p0 s5, $0x0  }
0x1f: {  	s9 =	smul.u32 $0xF7A, s1;
	s8 =	simm.s32 @!p0 $0x1BF5;
	p2 =	por !p2, p0  }
0x20: {  	[sflag:s8] =	ssyncset.s32 @!p0 $0xFFFFF086;
	s6 =	sadd.s32 @!p0 s3, s7;
	s7 =	simm.s32 @!p0 $0x108  }
0x21: {  	s3 =	sadd.s32 s3, s9;
	s6 =	sadd.s32 @!p0 $0x88, s6;
	s7 =	simm.s32 @p2 $0x1082  }
0x22: {  	[simem:s7], [sflag:s8] =	dma.local @!p0 [hbm:s6], $0xF7A  }
0x23: {  	s9 =	sor.u32 $0xD0000000, s2;
	s6 =	simm.s32 $0x108;
	_ =	swait.ge @!p0 [sflag:s8], $0x0  }
0x24: {  	s3 =	sadd.s32 $0x88, s3;
	s6 =	simm.s32 @!p1 $0x1082;
	[sflag:s4] =	ssyncset.s32 $0xFFFFF086  }
0x25: {  	[simem:s6], [sflag:s4] =	dma.local [hbm:s3], $0xF7A  }
0x26: {  	[smem:$0x3F84] =	sst s1;
	(tag) =	ssettag s2;
	_ =	strace s9  }
0x27: {  	s1 =	sld [smem:$0x3F94]  }
0x28: {  	s2 =	sld [smem:$0x3F95]  }
0x29: {  	s4 =	sld [smem:$0x3F97]  }
0x2a: {  	p0 =	seq.s32 s5, $0x0;
	s5 =	sld [smem:$0x3F98]  }
0x2b: {  	s6 =	sld [smem:$0x3F99]  }
0x2c: {  	s7 =	sld [smem:$0x3F9A]  }
0x2d: {  	s3 =	simm.s32 $0x108;
	s8 =	sld [smem:$0x3F9B]  }
0x2e: {  	s3 =	simm.s32 @!p0 $0x1082;
	s9 =	sld [smem:$0x3F9C]  }
0x2f: {  	lr =	sadd.s32 s0, s3;
	s0 =	sld [smem:$0x3F93]  }
0x30: {  	s3 =	sld [smem:$0x3F96]  }
0x31: {  	[smem:$0x3F9F] =	sst s10  }
0x32: {  	s10 =	sld [smem:$0x3F9D];
	_ =	sdelay $0x3  }
0x33: {  	p0 =	seq.s32 s10, $0x1;
	s10 =	sld [smem:$0x3F9F];
	_ =	sdelay $0x3  }
0x34: {  	[smem:$0x3F9F] =	sst s10  }
0x35: {  	s10 =	sld [smem:$0x3F9E];
	_ =	sdelay $0x3  }
0x36: {  	p1 =	seq.s32 s10, $0x1;
	s10 =	sld [smem:$0x3F9F];
	_ =	sdelay $0x3  }
0x37: {  	[smem:$0x3F9F] =	sst s10  }
0x38: {  	s10 =	sld [smem:$0x3FA0]  }
0x39: {  	_ = 	snop;
	(pc) =	sbr.ind lr, $3  }
0x3a: {  	_ = 	snop  }
0x3b: {  	_ = 	snop  }
0x3c: {  	p2 =	seq.s32 s10, $0x1;
	s10 =	sld [smem:$0x3F9F]  }
0x3d: {  	_ =	shalt  }
0x3e: {  	_ =	shalt  }
0x3f: {  	_ =	shalt  }
0x40: {  	_ =	shalt  }
0x41: {  	_ =	shalt  }
0x42: {  	_ =	shalt  }
0x43: {  	_ =	shalt  }
0x44: {  	_ =	shalt  }
0x45: {  	_ =	shalt  }
0x46: {  	_ =	shalt  }
0x47: {  	_ =	shalt  }
0x48: {  	_ =	shalt  }
0x49: {  	_ =	shalt  }
0x4a: {  	_ =	shalt  }
0x4b: {  	_ =	shalt  }
0x4c: {  	_ =	shalt  }
0x4d: {  	_ =	shalt  }
0x4e: {  	_ =	shalt  }
0x4f: {  	_ =	shalt  }
0x50: {  	_ =	shalt  }
0x51: {  	_ =	shalt  }
0x52: {  	_ =	shalt  }
0x53: {  	_ =	shalt  }
0x54: {  	_ =	shalt  }
0x55: {  	_ =	shalt  }
0x56: {  	_ =	shalt  }
0x57: {  	_ =	shalt  }
0x58: {  	_ =	shalt  }
0x59: {  	_ =	shalt  }
0x5a: {  	_ =	shalt  }
0x5b: {  	_ =	shalt  }
0x5c: {  	_ =	shalt  }
0x5d: {  	_ =	shalt  }
0x5e: {  	_ =	shalt  }
0x5f: {  	_ =	shalt  }
0x60: {  	_ =	shalt  }
0x61: {  	_ =	shalt  }
0x62: {  	_ =	shalt  }
0x63: {  	_ =	shalt  }
0x64: {  	_ =	shalt  }
0x65: {  	_ =	shalt  }
0x66: {  	_ =	shalt  }
0x67: {  	_ =	shalt  }
0x68: {  	_ =	shalt  }
0x69: {  	_ =	shalt  }
0x6a: {  	_ =	shalt  }
0x6b: {  	_ =	shalt  }
0x6c: {  	_ =	shalt  }
0x6d: {  	_ =	shalt  }
0x6e: {  	_ =	shalt  }
0x6f: {  	_ =	shalt  }
0x70: {  	_ =	shalt  }
0x71: {  	_ =	shalt  }
0x72: {  	_ =	shalt  }
0x73: {  	_ =	shalt  }
0x74: {  	_ =	shalt  }
0x75: {  	_ =	shalt  }
0x76: {  	_ =	shalt  }
0x77: {  	_ =	shalt  }
0x78: {  	_ =	shalt  }
0x79: {  	_ =	shalt  }
0x7a: {  	_ =	shalt  }
0x7b: {  	_ =	shalt  }
0x7c: {  	_ =	shalt  }
0x7d: {  	_ =	shalt  }
0x7e: {  	_ =	shalt  }
0x7f: {  	_ =	shalt  }
0x80: {  	_ =	shalt  }
0x81: {  	_ =	shalt  }
0x82: {  	_ =	shalt  }
0x83: {  	_ =	shalt  }
0x84: {  	_ =	shalt  }
0x85: {  	_ =	shalt  }
0x86: {  	_ =	shalt  }
0x87: {  	_ =	shalt  }
.Lfunc_end0:
.L_simem_size_0:
called_computation.9_lowered:
.L_overlay_start_0:
0x88: {  	s2 =	sld [smem:$0x3FD9]  }
0x89: {  	s3 =	sld [smem:$0x3FFE];
	_ =	sdelay $0x1  }
0x8a: {  	s1 =	srdreg.scid  }
0x8b: {  	s0 =	sand.u32 $0x1, s1  }
0x8c: {  	s14 =	sshll.u32 s0, $0xA;
	s2 =	sadd.s32 s3, s2  }
0x8d: {  	s2 =	sadd.s32 s2, s14  }
0x8e: {  	[smem:$0x3FAB] =	sst s2  }
0x8f: {  	_ = 	snop  }
0x90: {  	s2 =	sld [smem:$0x3FD0];
	_ =	sdelay $0x2  }
0x91: {  	s4 =	simm.s32 $0xD;
	s5 =	simm.s32 $0x10;
	s15 =	sld [smem:$0x3FC5]  }
0x92: {  	[smem:s5], [sflag:s4] =	dma.local [hbm:s2], $0x1  }
0x93: {  	_ =	swait.eq [sflag:s4], $0x1  }
0x94: {  	[sflag:s4] =	ssyncset.done $0x0  }
0x95: {  	[sflag:s4] =	ssyncadd.s32 $0xFFFFFFFF  }
0x96: {  	s16 =	sld [smem:$0x12];
	(tm) =	ssettm $0x1  }
0x97: {  	s17 =	sld [smem:$0x3FFB];
	_ =	sdelay $0x3  }
0x98: {  	_ =	strace s17  }
0x99: {  	s4 =	sld [smem:$0x3FFC];
	_ =	sdelay $0x3  }
0x9a: {  	_ =	strace s4  }
0x9b: {  	s4 =	sld [smem:$0x3FFD];
	_ =	sdelay $0x3  }
0x9c: {  	_ =	strace s4  }
0x9d: {  	_ =	strace $0x8FFFFFFF  }
0x9e: {  	s18 =	sld [smem:$0x3FDB];
	_ =	sdelay $0x1  }
0x9f: {  	s19 =	simm.s32 $_scs_section_size  }
0xa0: {  	s6 =	simm.s32 $_size__tile_overlayer_lowered;
	s7 =	simm.s32 $_tile_overlayer_lowered  }
0xa1: {  	s22 =	simm.s32 $0x1BFF;
	s21 =	sshll.u32 s7, $0x1;
	s4 =	sadd.s32 s19, s18  }
0xa2: {  	s8 =	simm.s32 $0x0;
	s20 =	sshll.u32 s6, $0x1;
	s6 =	sadd.s32 s21, s4  }
0xa3: {  	[timem:s8], [sflag:s22] =	dma.local [hbm:s6], s20  }
0xa4: {  	_ =	swait.ge [sflag:s22], s20  }
0xa5: {  	s5 =	ssub.s32 $0x0, s20;
	[sflag:s22] =	ssyncset.done $0x0  }
0xa6: {  	[sflag:s22] =	ssyncadd.s32 s5;
	_ =	sdelay $0x1  }
0xa7: {  	s23 =	simm.s32 $0x1B8B  }
0xa8: {  	_ =	swait.ge [sflag:s23], $0x1  }
0xa9: {  	[sflag:s23] =	ssyncset.done $0x0  }
0xaa: {  	s25 =	simm.s32 $0x1B8E;
	s24 =	sld [smem:$0x3FFE];
	[sflag:s23] =	ssyncadd.s32 $0xFFFFFFFF  }
0xab: {  	s26 =	simm.s32 $execute0_lowered;
	[smem:$0x3FD2] =	sst s25  }
0xac: {  	s6 =	sshll.u32 s26, $0x1;
	_ =	strace $0x80000061;
	[dreg:$0x1] =	wrdreg $0xFFFFFFFF  }
0xad: {  	s28 =	simm.s32 $_size_execute0_lowered;
	s4 =	sadd.s32 s4, s6;
	[dreg:$0x0] =	wrdreg $0x0  }
0xae: {  	s6 =	sshll.u32 s28, $0x1;
	[dreg:$0x2] =	wrdreg s4  }
0xaf: {  	[dreg:$0x3] =	wrdreg s6  }
0xb0: {  	[dreg:$0x4] =	wrdreg $0xC0  }
0xb1: {  	_ =	task [dreg:s8], $0x5FFFF  }
0xb2: {  	[dreg:$0x1] =	wrdreg $0xFFFFFFFF  }
0xb3: {  	[dreg:$0x0] =	wrdreg $0x60  }
0xb4: {  	[dreg:$0x2] =	wrdreg s24  }
0xb5: {  	[dreg:$0x3] =	wrdreg s15  }
0xb6: {  	[dreg:$0x4] =	wrdreg s16  }
0xb7: {  	[dreg:$0x5] =	wrdreg $0xC1000  }
0xb8: {  	[dreg:$0x6] =	wrdreg $0xD1000  }
0xb9: {  	[dreg:$0x7] =	wrdreg $0xE1000  }
0xba: {  	[dreg:$0x8] =	wrdreg $0xF1000  }
0xbb: {  	[dreg:$0x9] =	wrdreg $0x9  }
0xbc: {  	_ =	task.clear_ibuf [dreg:s8], $0xAFFFF;
	_ =	strace $0x90000061  }
0xbd: {  	s29 =	simm.s32 $0x9;
	_ =	strace $0x80000063  }
0xbe: {  	_ =	swait.ge [sflag:s29], $0x1  }
0xbf: {  	[sflag:s29] =	ssyncadd.s32 $0xFFFFFFFF  }
0xc0: {  	_ =	strace $0x90000063  }
0xc1: {  	_ =	sfence  }
0xc2: {  	s30 =	sld [smem:$0x0];
	_ =	sdelay $0x2  }
0xc3: {  	s31 =	sshll.u32 s1, $0xD;
	s1 =	sshrl.u32 s1, $0x2  }
0xc4: {  	s3 =	sand.u32 $0x4000, s31;
	s1 =	sadd.s32 s1, s30  }
0xc5: {  	s0 =	sor.u32 s3, s0;
	s1 =	sshll.u32 s1, $0x11  }
0xc6: {  	s0 =	sor.u32 s1, s0  }
0xc7: {  	s0 =	sadd.s32 $0x8F2B, s0  }
0xc8: {  	[sflag:s0] =	ssyncadd.remote.s32 $0x1  }
0xc9: {  	_ =	sfence.sel $0xFFFF  }
0xca: {  	[dreg:$0x0] =	wrdreg $0xFFFFFFFF;
	(pc) =	sbr.abs _section_cstart, $3  }
0xcb: {  	[dreg:$0x1] =	wrdreg $0xFFFFFFFF  }
0xcc: {  	_ =	task.clear_ibuf [dreg:s8], $0x2FFFF;
	_ =	strace $0x9FFFFFFF  }
0xcd: {  	(tm) =	ssettm $0x7FFFFFFF  }
tec
execute0_lowered:
.L_overlay_start_1:
0x0: {  	(tag) =	ssettag $0x1  }
0x1: {  	s0 =	rddreg [dreg:$0x0]  }
0x2: {  	s9 =	rddreg [dreg:$0x1]  }
0x3: {  	s14 =	rddreg [dreg:$0x2]  }
0x4: {  	s1 =	rddreg [dreg:$0x3]  }
0x5: {  	s2 =	rddreg [dreg:$0x4]  }
0x6: {  	s4 =	rddreg [dreg:$0x5]  }
0x7: {  	s5 =	rddreg [dreg:$0x6];
	s6 =	simm.s32 $0x0  }
0x8: {  	s3 =	stileid.u32;
	s7 =	srdreg.scid;
	s22 =	simm.s32 $0x1  }
0x9: {  	s29 =	simm.s32 $0x0;
	[smem:$0x7FF] =	sst s6;
	s8 =	smul.u32 $0x500, s3  }
0xa: {  	s10 =	sand.u32 $0x1, s7;
	s13 =	sshll.u32 s3, $0xC;
	s30 =	sshll.u32 s3, $0x6  }
0xb: {  	s18 =	smul.u32 $0xA, s3;
	p0 =	sgt.u32 s3, $0x7;
	_ =	strace $0x80000062  }
0xc: {  	s7 =	sshll.u32 s10, $0xF;
	s11 =	ssub.s32 $0x2, s10;
	s25 =	sshll.u32 s10, $0x8  }
0xd: {  	s28 =	sadd.s32 s13, s1;
	s10 =	sor.u32 $0x1C01, s30;
	s31 =	sadd.s32 s13, s2  }
0xe: {  	s24 =	sadd.s32 s13, s4;
	s15 =	sadd.s32 s8, s0;
	s26 =	sadd.s32 s7, s13  }
0xf: {  	s7 =	sadd.s32 $0x7EE00, s0;
	s12 =	sshrl.u32 s11, $0x1;
	[dreg:$0x8] =	wrdreg s28  }
0x10: {  	s8 =	sadd.s32 $0x7E800, s0;
	s13 =	sadd.s32 s13, s5;
	[dreg:$0x9] =	wrdreg s31  }
0x11: {  	s21 =	sshrl.u32 s28, $0x3;
	s23 =	sshrl.u32 s31, $0x3;
	[dreg:$0xa] =	wrdreg s24  }
.Ltmp0:
0x12: {  	s24 =	sshrl.u32 s24, $0x3;
	s16 =	sshrl.u32 s26, $0x3;
	(pc) =	sbr.rel .LBB2_1-.Ltmp0, $4  }
0x13: {  	s17 =	ssub.s32 s11, s12;
	s19 =	sadd.s32 $0x30400, s15;
	s20 =	sadd.s32 $0x57600, s15  }
0x14: {  	s26 =	simm.s32 $0xA100;
	s0 =	sadd.s32 s16, s0;
	s14 =	sadd.s32 s14, s16  }
0x15: {  	s16 =	smax.u32 s17, $0x1;
	[dreg:$0xb] =	wrdreg s14;
	s0 =	sadd.s32 $0x7F000, s0  }
0x16: {  	v0 =	vmov s25;
	s17 =	sadd.s32 s18, s9;
	s18 =	sadd.s32 $0x9200, s15;
	[dreg:$0xc] =	wrdreg s0  }
.LBB2_8:
0x17: {  	v9 =	vld [tilespmem:s25+$0xA170];
	[tilespmem:s25+$0xA100] =	vst v8;
	v5 =	vmul.f32 v5, v1  }
0x18: {  	v3 =	vmul.f32 v3, v1;
	v8 =	vld [tilespmem:s0+$0xA100];
	[tilespmem:s25+$0xA110] =	vst v7  }
0x19: {  	v4 =	vmul.f32 v4, v1;
	v7 =	vld [tilespmem:s0+$0xA110];
	[tilespmem:s25+$0xA120] =	vst v5  }
0x1a: {  	v2 =	vmul.f32 v2, v1;
	v5 =	vld [tilespmem:s0+$0xA120];
	[tilespmem:s25+$0xA130] =	vst v3  }
0x1b: {  	v6 =	vmul.f32 v6, v1;
	v3 =	vld [tilespmem:s0+$0xA130];
	[tilespmem:s25+$0xA140] =	vst v4  }
0x1c: {  	v61 =	vpop (erf);
	v4 =	vld [tilespmem:s0+$0xA140];
	[tilespmem:s25+$0xA150] =	vst v2;
	v1 =	vmul.f32 v9, v1  }
0x1d: {  	v2 =	vld [tilespmem:s0+$0xA150];
	[tilespmem:s25+$0xA160] =	vst v6;
	v8 =	vmul.f32 v8, v61  }
0x1e: {  	v62 =	vld [tilespmem:s0+$0xA160];
	[tilespmem:s25+$0xA170] =	vst v1;
	v1 =	vmul.f32 v7, v61  }
0x1f: {  	v63 =	vld [tilespmem:s0+$0xA170];
	v5 =	vmul.f32 v5, v61;
	[tilespmem:s0+$0xA100] =	vst v8  }
0x20: {  	v3 =	vmul.f32 v3, v61;
	[tilespmem:s0+$0xA110] =	vst v1  }
0x21: {  	v1 =	vmul.f32 v4, v61;
	[tilespmem:s0+$0xA120] =	vst v5  }
0x22: {  	v2 =	vmul.f32 v2, v61;
	[tilespmem:s0+$0xA130] =	vst v3  }
0x23: {  	v3 =	vmul.f32 v62, v61;
	[tilespmem:s0+$0xA140] =	vst v1  }
0x24: {  	v1 =	vmul.f32 v63, v61;
	[tilespmem:s0+$0xA150] =	vst v2  }
0x25: {  	[tilespmem:s0+$0xA160] =	vst v3  }
0x26: {  	s31 =	rddreg [dreg:$0xc];
	[tilespmem:s0+$0xA170] =	vst v1  }
0x27: {  	[hbm4b:s31+s6] =	stream.linear.scatter [tilespmem:s26], [sflag:$0x1], $0x1000, $0x38;
	[tilespmem:$0x10100] =	vst v63  }
0x28: {  	_ =	swait.ge [sflag:s22], $0x1000  }
0x29: {  	[sflag:s22] =	ssyncset.done $0x0  }
0x2a: {  	[sflag:s22] =	ssyncadd.s32 $0xFFFFF000  }
.LBB2_9:
0x2b: {  	s29 =	sadd.s32 $0x1, s29  }
0x2c: {  	p1 =	sne.s32 s29, s16  }
.Ltmp1:
0x2d: {  	_ = 	snop;
	(pc) =	sbr.rel @!p1 .LBB2_10-.Ltmp1, $1  }
0x2e: {  	_ =	sdelay $0x3  }
.LBB2_1:
0x2f: {  	[spmem:s21], [sflag:s10] =	dma.local [hbm:s7], $0x200  }
0x30: {  	_ =	swait.ge [sflag:s22], $0x200  }
0x31: {  	[sflag:s22] =	ssyncset.done $0x0  }
0x32: {  	[sflag:s22] =	ssyncadd.s32 $0xFFFFFE00  }
0x33: {  	[spmem:s23], [sflag:s10] =	dma.local [hbm:s7], $0x200  }
0x34: {  	_ =	swait.ge [sflag:s22], $0x200  }
0x35: {  	[sflag:s22] =	ssyncset.done $0x0  }
0x36: {  	[sflag:s22] =	ssyncadd.s32 $0xFFFFFE00  }
0x37: {  	[spmem:s24], [sflag:s10] =	dma.local [hbm:s7], $0x200  }
0x38: {  	_ =	swait.ge [sflag:s22], $0x200  }
0x39: {  	[sflag:s22] =	ssyncset.done $0x0  }
0x3a: {  	s0 =	sshrl.u32 s13, $0x3;
	[sflag:s22] =	ssyncadd.s32 $0xFFFFFE00  }
0x3b: {  	[spmem:s0], [sflag:s10] =	dma.local [hbm:s7], $0x200  }
0x3c: {  	_ =	swait.ge [sflag:s22], $0x200  }
0x3d: {  	[sflag:s22] =	ssyncset.done $0x0  }
0x3e: {  	s25 =	simm.s32 $0x7900;
	[sflag:s22] =	ssyncadd.s32 $0xFFFFFE00  }
0x3f: {  	[tilespmem:s25], [sflag:$0x1] =	stream.linear.gather [hbm4b:s8+s6], $0x2800, $0x38;
	[tilespmem:$0x10100] =	vst v63  }
0x40: {  	_ =	swait.ge [sflag:s22], $0x2800  }
0x41: {  	[sflag:s22] =	ssyncset.done $0x0  }
0x42: {  	p1 =	sgt.u32 s3, $0x7C;
	[sflag:s22] =	ssyncadd.s32 $0xFFFFD800  }
0x43: {  	s30 =	simm.s32 @!p1 $0x2;
	s0 =	simm.s32 @!p1 $0x0;
	[bflag:$0x0] =	sbarrier.arrive $0xFFFF  }
0x44: {  	[tilespmem:s0], [sflag:$0x2] =	stream.linear.gather @!p1 [hbm4b:s17+s0], $0x50, $0x38;
	[tilespmem:$0x10100] =	vst v63  }
0x45: {  	_ =	swait.ge @!p1 [sflag:s30], $0x50;
	p1 =	por p1, p1  }
0x46: {  	[sflag:s30] =	ssyncset.done @!p1 $0x0  }
0x47: {  	[sflag:s30] =	ssyncadd.s32 @!p1 $0xFFFFFFB0  }
0x48: {  	v1 =	vld @!p1 [tilespmem:$0x40]  }
0x49: {  	v2 =	vld @!p1 [tilespmem:$0x30]  }
0x4a: {  	v3 =	vld @!p1 [tilespmem:$0x20]  }
0x4b: {  	v4 =	vld @!p1 [tilespmem:$0x10]  }
0x4c: {  	v5 =	vld @!p1 [tilespmem:$0x0]  }
0x4d: {  	v1 =	vsub.s32 @!p1 v1, v0  }
0x4e: {  	v2 =	vsub.s32 @!p1 v2, v0;
	v1 =	vmin.u32 @!p1 v1, $0x100  }
0x4f: {  	v3 =	vsub.s32 @!p1 v3, v0;
	v2 =	vmin.u32 @!p1 v2, $0x100;
	[tilespmem:$0xC0] =	vst @!p1 v1  }
0x50: {  	v3 =	vmin.u32 @!p1 v3, $0x100;
	v1 =	vsub.s32 @!p1 v4, v0;
	[tilespmem:$0xB0] =	vst @!p1 v2  }
0x51: {  	v2 =	vsub.s32 @!p1 v5, v0;
	[tilespmem:$0xA0] =	vst @!p1 v3;
	v1 =	vmin.u32 @!p1 v1, $0x100  }
0x52: {  	v2 =	vmin.u32 @!p1 v2, $0x100;
	[tilespmem:$0x90] =	vst @!p1 v1  }
0x53: {  	s9 =	sadd.s32 @!p1 $0x0, s18;
	s14 =	simm.s32 @!p1 $0x100;
	[tilespmem:$0x80] =	vst @!p1 v2  }
0x54: {  	[tilespmem:s14], [sflag:$0x2] =	stream.linear.gather @!p1 [hbm4b:s9+s0], $0x2800, $0x38;
	[tilespmem:$0x10100] =	vst v63  }
0x55: {  	_ =	swait.ge @!p1 [sflag:s30], $0x2800  }
0x56: {  	[sflag:s30] =	ssyncset.done @!p1 $0x0  }
0x57: {  	s25 =	simm.s32 @!p1 $0x2900;
	s9 =	sadd.s32 @!p1 $0x0, s19;
	[sflag:s30] =	ssyncadd.s32 @!p1 $0xFFFFD800  }
0x58: {  	[tilespmem:s25], [sflag:$0x2] =	stream.linear.gather @!p1 [hbm4b:s9+s0], $0x2800, $0x38;
	[tilespmem:$0x10100] =	vst v63  }
0x59: {  	_ =	swait.ge @!p1 [sflag:s30], $0x2800  }
0x5a: {  	[sflag:s30] =	ssyncset.done @!p1 $0x0  }
0x5b: {  	s28 =	simm.s32 @!p1 $0x5100;
	s9 =	sadd.s32 @!p1 $0x0, s20;
	[sflag:s30] =	ssyncadd.s32 @!p1 $0xFFFFD800  }
0x5c: {  	[tilespmem:s28], [sflag:$0x2] =	stream.linear.gather @!p1 [hbm4b:s9+s0], $0x2800, $0x38;
	[tilespmem:$0x10100] =	vst v63  }
0x5d: {  	_ =	swait.ge @!p1 [sflag:s30], $0x2800  }
0x5e: {  	[sflag:s30] =	ssyncset.done @!p1 $0x0  }
0x5f: {  	s15 =	simm.s32 @!p1 $0x50;
	s9 =	simm.s32 @!p1 $0x80;
	[sflag:s30] =	ssyncadd.s32 @!p1 $0xFFFFD800  }
0x60: {  	[spmem:s1] =	stream.indirect.scatter.add.f32 @!p1 [tilespmem:s14], [sflag:$0x2], $0x80, s9, s15, $0xb8;
	[tilespmem:$0x10100] =	vst v63  }
0x61: {  	_ =	swait.ge @!p1 [sflag:s30], $0x2800  }
0x62: {  	[sflag:s30] =	ssyncset.done @!p1 $0x0  }
0x63: {  	[sflag:s30] =	ssyncadd.s32 @!p1 $0xFFFFD800  }
0x64: {  	[spmem:s2] =	stream.indirect.scatter.add.f32 @!p1 [tilespmem:s25], [sflag:$0x2], $0x80, s9, s15, $0xb8;
	[tilespmem:$0x10100] =	vst v63  }
0x65: {  	_ =	swait.ge @!p1 [sflag:s30], $0x2800  }
0x66: {  	[sflag:s30] =	ssyncset.done @!p1 $0x0  }
0x67: {  	s0 =	simm.s32 @!p1 $0x7900;
	[sflag:s30] =	ssyncadd.s32 @!p1 $0xFFFFD800  }
0x68: {  	[spmem:s4] =	stream.indirect.scatter.add.f32 @!p1 [tilespmem:s0], [sflag:$0x2], $0x80, s9, s15, $0xb8;
	[tilespmem:$0x10100] =	vst v63  }
0x69: {  	s31 =	simm.s32 $0x5000;
	_ =	swait.ge @!p1 [sflag:s30], $0x2800  }
0x6a: {  	s25 =	sadd.s32 $0x10, s3;
	s0 =	sadd.s32 $0xA0, s17;
	[sflag:s30] =	ssyncset.done @!p1 $0x0  }
.LBB2_2:
0x6b: {  	[sflag:s30] =	ssyncadd.s32 @!p1 $0xFFFFD800  }
0x6c: {  	s11 =	simm.s32 @!p1 $0x1;
	s14 =	smov.u32 s31;
	s31 =	sadd.s32 $0x5000, s31  }
0x6d: {  	[spmem:s5] =	stream.indirect.scatter.add.f32 @!p1 [tilespmem:s28], [sflag:$0x1], $0x80, s9, s15, $0xb8;
	[tilespmem:$0x10100] =	vst v63  }
0x6e: {  	p2 =	sne.s32 s31, $0x28000;
	_ =	swait.ge @!p1 [sflag:s11], $0x2800  }
0x6f: {  	p3 =	sgt.u32 s25, $0x7C;
	[sflag:s11] =	ssyncset.done @!p1 $0x0  }
0x70: {  	s15 =	simm.s32 @!p3 $0x0;
	s30 =	simm.s32 @!p3 $0x2;
	[sflag:s11] =	ssyncadd.s32 @!p1 $0xFFFFD800  }
0x71: {  	[tilespmem:s15], [sflag:$0x2] =	stream.linear.gather @!p3 [hbm4b:s0+s15], $0x50, $0x38;
	[tilespmem:$0x10100] =	vst v63  }
0x72: {  	p1 =	por p3, p3;
	_ =	swait.ge @!p3 [sflag:s30], $0x50  }
0x73: {  	[sflag:s30] =	ssyncset.done @!p1 $0x0  }
0x74: {  	[sflag:s30] =	ssyncadd.s32 @!p1 $0xFFFFFFB0  }
0x75: {  	v1 =	vld @!p1 [tilespmem:$0x40]  }
0x76: {  	v2 =	vld @!p1 [tilespmem:$0x30]  }
0x77: {  	v3 =	vld @!p1 [tilespmem:$0x20]  }
0x78: {  	v4 =	vld @!p1 [tilespmem:$0x10]  }
0x79: {  	v5 =	vld @!p1 [tilespmem:$0x0]  }
0x7a: {  	v1 =	vsub.s32 @!p1 v1, v0  }
0x7b: {  	v2 =	vsub.s32 @!p1 v2, v0;
	v1 =	vmin.u32 @!p1 v1, $0x100  }
0x7c: {  	v3 =	vsub.s32 @!p1 v3, v0;
	v2 =	vmin.u32 @!p1 v2, $0x100;
	[tilespmem:$0xC0] =	vst @!p1 v1  }
0x7d: {  	v1 =	vsub.s32 @!p1 v4, v0;
	v3 =	vmin.u32 @!p1 v3, $0x100;
	[tilespmem:$0xB0] =	vst @!p1 v2  }
0x7e: {  	v2 =	vsub.s32 @!p1 v5, v0;
	v1 =	vmin.u32 @!p1 v1, $0x100;
	[tilespmem:$0xA0] =	vst @!p1 v3  }
0x7f: {  	v2 =	vmin.u32 @!p1 v2, $0x100;
	[tilespmem:$0x90] =	vst @!p1 v1  }
0x80: {  	s9 =	sadd.s32 @!p1 s14, s18;
	s11 =	simm.s32 @!p1 $0x100;
	[tilespmem:$0x80] =	vst @!p1 v2  }
0x81: {  	[tilespmem:s11], [sflag:$0x2] =	stream.linear.gather @!p1 [hbm4b:s9+s15], $0x2800, $0x38;
	[tilespmem:$0x10100] =	vst v63  }
0x82: {  	_ =	swait.ge @!p1 [sflag:s30], $0x2800  }
0x83: {  	[sflag:s30] =	ssyncset.done @!p1 $0x0  }
0x84: {  	s12 =	simm.s32 @!p1 $0x2900;
	s9 =	sadd.s32 @!p1 s14, s19;
	[sflag:s30] =	ssyncadd.s32 @!p1 $0xFFFFD800  }
0x85: {  	[tilespmem:s12], [sflag:$0x2] =	stream.linear.gather @!p1 [hbm4b:s9+s15], $0x2800, $0x38;
	[tilespmem:$0x10100] =	vst v63  }
0x86: {  	_ =	swait.ge @!p1 [sflag:s30], $0x2800  }
0x87: {  	[sflag:s30] =	ssyncset.done @!p1 $0x0  }
0x88: {  	s28 =	simm.s32 @!p1 $0x5100;
	s9 =	sadd.s32 @!p1 s14, s20;
	[sflag:s30] =	ssyncadd.s32 @!p1 $0xFFFFD800  }
0x89: {  	[tilespmem:s28], [sflag:$0x2] =	stream.linear.gather @!p1 [hbm4b:s9+s15], $0x2800, $0x38;
	[tilespmem:$0x10100] =	vst v63  }
0x8a: {  	_ =	swait.ge @!p1 [sflag:s30], $0x2800  }
0x8b: {  	[sflag:s30] =	ssyncset.done @!p1 $0x0  }
0x8c: {  	s15 =	simm.s32 @!p1 $0x50;
	s9 =	simm.s32 @!p1 $0x80;
	[sflag:s30] =	ssyncadd.s32 @!p1 $0xFFFFD800  }
0x8d: {  	[spmem:s1] =	stream.indirect.scatter.add.f32 @!p1 [tilespmem:s11], [sflag:$0x2], $0x80, s9, s15, $0xb8;
	[tilespmem:$0x10100] =	vst v63  }
0x8e: {  	_ =	swait.ge @!p1 [sflag:s30], $0x2800  }
0x8f: {  	[sflag:s30] =	ssyncset.done @!p1 $0x0  }
0x90: {  	[sflag:s30] =	ssyncadd.s32 @!p1 $0xFFFFD800  }
0x91: {  	[spmem:s2] =	stream.indirect.scatter.add.f32 @!p1 [tilespmem:s12], [sflag:$0x2], $0x80, s9, s15, $0xb8;
	[tilespmem:$0x10100] =	vst v63  }
0x92: {  	_ =	swait.ge @!p1 [sflag:s30], $0x2800  }
.Ltmp2:
0x93: {  	[sflag:s30] =	ssyncset.done @!p1 $0x0;
	(pc) =	sbr.rel @p2 .LBB2_2-.Ltmp2, $4  }
0x94: {  	s11 =	simm.s32 @!p1 $0x7900;
	[sflag:s30] =	ssyncadd.s32 @!p1 $0xFFFFD800  }
0x95: {  	[spmem:s4] =	stream.indirect.scatter.add.f32 @!p1 [tilespmem:s11], [sflag:$0x2], $0x80, s9, s15, $0xb8;
	[tilespmem:$0x10100] =	vst v63  }
0x96: {  	_ =	swait.ge @!p1 [sflag:s30], $0x2800  }
0x97: {  	s25 =	sadd.s32 $0x10, s25;
	s0 =	sadd.s32 $0xA0, s0;
	[sflag:s30] =	ssyncset.done @!p1 $0x0  }
0x98: {  	[sflag:s30] =	ssyncadd.s32 @!p1 $0xFFFFD800;
	s0 =	simm.s32 @!p1 $0x1  }
0x99: {  	[spmem:s5] =	stream.indirect.scatter.add.f32 @!p1 [tilespmem:s28], [sflag:$0x1], $0x80, s9, s15, $0xb8;
	[tilespmem:$0x10100] =	vst v63  }
.Ltmp3:
0x9a: {  	_ =	swait.ge @!p1 [sflag:s0], $0x2800;
	(pc) =	sbr.rel @p0 .LBB2_9-.Ltmp3, $3  }
0x9b: {  	[sflag:s0] =	ssyncset.done @!p1 $0x0  }
0x9c: {  	[sflag:s0] =	ssyncadd.s32 @!p1 $0xFFFFD800  }
0x9d: {  	[bflag:$0x0] =	sbarrier.arrive $0xFFFF;
	_ =	sdelay $0x1  }
0x9e: {  	s0 =	rddreg [dreg:$0x8]  }
0x9f: {  	[tilespmem:s26], [sflag:$0x1] =	stream.linear.gather [spmem:s0], $0x1000, $0x38;
	[tilespmem:$0x10100] =	vst v63  }
0xa0: {  	_ =	swait.ge [sflag:s22], $0x1000  }
0xa1: {  	[sflag:s22] =	ssyncset.done $0x0  }
0xa2: {  	s9 =	simm.s32 $0xB100;
	s31 =	rddreg [dreg:$0xa];
	[sflag:s22] =	ssyncadd.s32 $0xFFFFF000  }
0xa3: {  	[tilespmem:s9], [sflag:$0x1] =	stream.linear.gather [spmem:s31], $0x1000, $0x38;
	[tilespmem:$0x10100] =	vst v63  }
0xa4: {  	_ =	swait.ge [sflag:s22], $0x1000  }
0xa5: {  	[sflag:s22] =	ssyncset.done $0x0  }
0xa6: {  	s25 =	simm.s32 $0x0;
	[sflag:s22] =	ssyncadd.s32 $0xFFFFF000  }
0xa7: {  	v1 =	vld [tilespmem:s25+$0xB100];
	_ =	sdelay $0x4  }
0xa8: {  	v1 =	vmax.f32 v1, $1.000000000e+00  }
0xa9: {  	s0 =	simm.s32 $0x80;
	(erf) = vrcp.f32 v1  }
0xaa: {  	v1 =	vld [tilespmem:s0+$0xB100];
	_ =	sdelay $0x2  }
0xab: {  	v6 =	vld [tilespmem:s25+$0xA100]  }
0xac: {  	v7 =	vld [tilespmem:s25+$0xA110]  }
0xad: {  	v5 =	vld [tilespmem:s25+$0xA120];
	v1 =	vmax.f32 v1, $1.000000000e+00  }
0xae: {  	v3 =	vld [tilespmem:s25+$0xA130]  }
0xaf: {  	v4 =	vld [tilespmem:s25+$0xA140]  }
0xb0: {  	v2 =	vld [tilespmem:s25+$0xA150];
	(erf) = vrcp.f32 v1;
	v1 =	vpop (erf)  }
0xb1: {  	s9 =	simm.s32 $0x400;
	v8 =	vmul.f32 v6, v1;
	v7 =	vmul.f32 v7, v1;
	v6 =	vld [tilespmem:s25+$0xA160]  }
.LBB2_5:
0xb2: {  	s11 =	sshra.s32 s9, $0x2;
	p1 =	sne.s32 s9, $0x3E00;
	s9 =	sadd.s32 $0x200, s9;
	v5 =	vmul.f32 v5, v1;
	v9 =	vld [tilespmem:s25+$0xA170]  }
0xb3: {  	v10 =	vld [tilespmem:s11+$0xB100];
	[tilespmem:s25+$0xA100] =	vst v8;
	v3 =	vmul.f32 v3, v1  }
0xb4: {  	v8 =	vld [tilespmem:s0+$0xA100];
	[tilespmem:s25+$0xA110] =	vst v7;
	v4 =	vmul.f32 v4, v1  }
0xb5: {  	v7 =	vld [tilespmem:s0+$0xA110];
	[tilespmem:s25+$0xA120] =	vst v5;
	v2 =	vmul.f32 v2, v1  }
.Ltmp4:
0xb6: {  	v5 =	vld [tilespmem:s0+$0xA120];
	[tilespmem:s25+$0xA130] =	vst v3;
	v6 =	vmul.f32 v6, v1;
	(pc) =	sbr.rel @p1 .LBB2_5-.Ltmp4, $4  }
0xb7: {  	v3 =	vld [tilespmem:s0+$0xA130];
	[tilespmem:s25+$0xA140] =	vst v4;
	v9 =	vmul.f32 v9, v1  }
0xb8: {  	v10 =	vmax.f32 v10, $1.000000000e+00;
	v4 =	vld [tilespmem:s0+$0xA140];
	[tilespmem:s25+$0xA150] =	vst v2  }
0xb9: {  	(erf) = vrcp.f32 v10;
	v2 =	vld [tilespmem:s0+$0xA150];
	v1 =	vpop (erf);
	[tilespmem:s25+$0xA160] =	vst v6  }
0xba: {  	v8 =	vmul.f32 v8, v1;
	v7 =	vmul.f32 v7, v1;
	v6 =	vld [tilespmem:s0+$0xA160];
	[tilespmem:s25+$0xA170] =	vst v9;
	s25 =	smov.u32 s0;
	s0 =	smov.u32 s11  }
0xbb: {  	_ =	sdelay $0x1  }
0xbc: {  	v9 =	vld [tilespmem:s25+$0xA170];
	v5 =	vmul.f32 v5, v1;
	[tilespmem:s25+$0xA100] =	vst v8  }
0xbd: {  	v3 =	vmul.f32 v3, v1;
	v8 =	vld [tilespmem:s0+$0xA100];
	[tilespmem:s25+$0xA110] =	vst v7  }
0xbe: {  	v4 =	vmul.f32 v4, v1;
	v7 =	vld [tilespmem:s0+$0xA110];
	[tilespmem:s25+$0xA120] =	vst v5;
	v6 =	vmul.f32 v6, v1  }
0xbf: {  	v2 =	vmul.f32 v2, v1;
	v5 =	vld [tilespmem:s0+$0xA120];
	[tilespmem:s25+$0xA130] =	vst v3  }
0xc0: {  	v3 =	vld [tilespmem:s0+$0xA130];
	[tilespmem:s25+$0xA140] =	vst v4  }
0xc1: {  	v4 =	vld [tilespmem:s0+$0xA140];
	[tilespmem:s25+$0xA150] =	vst v2  }
0xc2: {  	v1 =	vmul.f32 v9, v1;
	v2 =	vld [tilespmem:s0+$0xA150];
	[tilespmem:s25+$0xA160] =	vst v6;
	v6 =	vpop (erf)  }
0xc3: {  	v8 =	vmul.f32 v8, v6  }
0xc4: {  	v9 =	vld [tilespmem:s0+$0xA160];
	[tilespmem:s25+$0xA170] =	vst v1;
	v1 =	vmul.f32 v7, v6  }
0xc5: {  	v7 =	vld [tilespmem:s0+$0xA170];
	v5 =	vmul.f32 v5, v6;
	[tilespmem:s0+$0xA100] =	vst v8  }
0xc6: {  	v3 =	vmul.f32 v3, v6;
	[tilespmem:s0+$0xA110] =	vst v1  }
0xc7: {  	v1 =	vmul.f32 v4, v6;
	[tilespmem:s0+$0xA120] =	vst v5  }
0xc8: {  	v2 =	vmul.f32 v2, v6;
	[tilespmem:s0+$0xA130] =	vst v3  }
0xc9: {  	v3 =	vmul.f32 v9, v6;
	[tilespmem:s0+$0xA140] =	vst v1  }
0xca: {  	v1 =	vmul.f32 v7, v6;
	[tilespmem:s0+$0xA150] =	vst v2  }
0xcb: {  	[tilespmem:s0+$0xA160] =	vst v3  }
0xcc: {  	s28 =	simm.s32 $0x0;
	s9 =	rddreg [dreg:$0xb];
	[tilespmem:s0+$0xA170] =	vst v1  }
0xcd: {  	[hbm4b:s9+s28] =	stream.linear.scatter [tilespmem:s26], [sflag:$0x1], $0x1000, $0x38;
	[tilespmem:$0x10100] =	vst v63  }
0xce: {  	_ =	swait.ge [sflag:s22], $0x1000  }
0xcf: {  	[sflag:s22] =	ssyncset.done $0x0  }
0xd0: {  	s30 =	rddreg [dreg:$0x9];
	[sflag:s22] =	ssyncadd.s32 $0xFFFFF000  }
0xd1: {  	[tilespmem:s26], [sflag:$0x1] =	stream.linear.gather [spmem:s30], $0x1000, $0x38;
	[tilespmem:$0x10100] =	vst v63  }
0xd2: {  	_ =	swait.ge [sflag:s22], $0x1000  }
0xd3: {  	[sflag:s22] =	ssyncset.done $0x0  }
0xd4: {  	s31 =	simm.s32 $0xB100;
	[sflag:s22] =	ssyncadd.s32 $0xFFFFF000  }
0xd5: {  	[tilespmem:s31], [sflag:$0x1] =	stream.linear.gather [spmem:s13], $0x1000, $0x38;
	[tilespmem:$0x10100] =	vst v63  }
0xd6: {  	_ =	swait.ge [sflag:s22], $0x1000  }
0xd7: {  	[sflag:s22] =	ssyncset.done $0x0  }
0xd8: {  	s25 =	simm.s32 $0x0;
	[sflag:s22] =	ssyncadd.s32 $0xFFFFF000  }
0xd9: {  	v1 =	vld [tilespmem:s25+$0xB100];
	_ =	sdelay $0x4  }
0xda: {  	v1 =	vmax.f32 v1, $1.000000000e+00  }
0xdb: {  	s0 =	simm.s32 $0x80;
	(erf) = vrcp.f32 v1  }
0xdc: {  	v1 =	vld [tilespmem:s0+$0xB100];
	_ =	sdelay $0x2  }
0xdd: {  	v6 =	vld [tilespmem:s25+$0xA100]  }
0xde: {  	v7 =	vld [tilespmem:s25+$0xA110]  }
0xdf: {  	v5 =	vld [tilespmem:s25+$0xA120];
	v1 =	vmax.f32 v1, $1.000000000e+00  }
0xe0: {  	v3 =	vld [tilespmem:s25+$0xA130]  }
0xe1: {  	v4 =	vld [tilespmem:s25+$0xA140]  }
0xe2: {  	v2 =	vld [tilespmem:s25+$0xA150];
	(erf) = vrcp.f32 v1;
	v1 =	vpop (erf)  }
0xe3: {  	s9 =	simm.s32 $0x400;
	v8 =	vmul.f32 v6, v1;
	v7 =	vmul.f32 v7, v1;
	v6 =	vld [tilespmem:s25+$0xA160]  }
.LBB2_7:
0xe4: {  	s11 =	sshra.s32 s9, $0x2;
	p1 =	sne.s32 s9, $0x3E00;
	s9 =	sadd.s32 $0x200, s9;
	v5 =	vmul.f32 v5, v1;
	v9 =	vld [tilespmem:s25+$0xA170]  }
0xe5: {  	v3 =	vmul.f32 v3, v1;
	v10 =	vld [tilespmem:s11+$0xB100];
	[tilespmem:s25+$0xA100] =	vst v8  }
0xe6: {  	v4 =	vmul.f32 v4, v1;
	v8 =	vld [tilespmem:s0+$0xA100];
	[tilespmem:s25+$0xA110] =	vst v7  }
0xe7: {  	v2 =	vmul.f32 v2, v1;
	v7 =	vld [tilespmem:s0+$0xA110];
	[tilespmem:s25+$0xA120] =	vst v5  }
.Ltmp5:
0xe8: {  	v6 =	vmul.f32 v6, v1;
	v5 =	vld [tilespmem:s0+$0xA120];
	[tilespmem:s25+$0xA130] =	vst v3;
	(pc) =	sbr.rel @p1 .LBB2_7-.Ltmp5, $4  }
0xe9: {  	v3 =	vld [tilespmem:s0+$0xA130];
	[tilespmem:s25+$0xA140] =	vst v4;
	v9 =	vmul.f32 v9, v1  }
0xea: {  	v10 =	vmax.f32 v10, $1.000000000e+00;
	v4 =	vld [tilespmem:s0+$0xA140];
	[tilespmem:s25+$0xA150] =	vst v2  }
0xeb: {  	(erf) = vrcp.f32 v10;
	v2 =	vld [tilespmem:s0+$0xA150];
	v1 =	vpop (erf);
	[tilespmem:s25+$0xA160] =	vst v6  }
0xec: {  	v8 =	vmul.f32 v8, v1;
	v7 =	vmul.f32 v7, v1;
	v6 =	vld [tilespmem:s0+$0xA160];
	[tilespmem:s25+$0xA170] =	vst v9;
	s25 =	smov.u32 s0;
	s0 =	smov.u32 s11  }
.Ltmp6:
0xed: {  	_ = 	snop;
	(pc) =	sbr.rel .LBB2_8-.Ltmp6, $1  }
0xee: {  	_ =	sdelay $0x3  }
.LBB2_10:
0xef: {  	_ =	sfence.sel $0x180000  }
0xf0: {  	[bflag:$0x0] =	sbarrier.arrive $0xFFFF  }
0xf1: {  	_ =	strace $0x90000062  }
0xf2: {  	[bflag:$0x2] =	sbarrier.arrive $0xFFFF  }
0xf3: {  	p0 =	sne.s32 s3, $0x0;
	s0 =	rddreg [dreg:$0x7]  }
0xf4: {  	s0 =	sadd.s32 @!p0 $0x100000, s0  }
0xf5: {  	[sflag:s0] =	ssyncadd.tile.s32 @!p0 $0x1;
	_ =	shalt  }
.Lfunc_end2:
_tile_overlayer_lowered:
.L_overlay_start_2:
0xf6: {  	(tag) =	ssettag $0x2  }
0xf7: {  	s0 =	rddreg [dreg:$0x0];
	s2 =	stileid.u32  }
0xf8: {  	s1 =	rddreg [dreg:$0x1];
	p0 =	sne.s32 s2, $0x0  }
0xf9: {  	s3 =	rddreg [dreg:$0x2];
	[bflag:$0x3] =	sbarrier.arrive $0xFFFF;
	s2 =	simm.s32 @!p0 $0x1C01  }
0xfa: {  	[timem:s3], [sflag:s2] =	dma.local @!p0 [hbm:s0], s1  }
0xfb: {  	s0 =	simm.s32 @!p0 $0x1  }
0xfc: {  	_ =	swait.ge @!p0 [sflag:s0], s1  }
0xfd: {  	s1 =	ssub.s32 @!p0 $0x0, s1;
	[sflag:s0] =	ssyncset.done @!p0 $0x0  }
0xfe: {  	[sflag:s0] =	ssyncadd.s32 @!p0 s1  }
0xff: {  	[bflag:$0x3] =	sbarrier.arrive $0xFFFF  }
0x100: {  	_ =	shalt  }

</sc_bundles>
